<compile_context>
chip_gen: v7x
topology: tpu7x:2x2x1
jax: 0.10.2.dev20260603
libtpu: 0.0.44.dev20260713+nightly
codegen_flags: <defaults>
</compile_context>

<pallas_src>
import functools

import jax
import jax.numpy as jnp
from jax import lax
from jax.experimental import pallas as pl
from jax.experimental.pallas import tpu as pltpu
from jax.experimental.pallas import tpu_sc as plsc

_NUM_CORES = 2
_NUM_SUBCORES = 16
_NUM_WORKERS = _NUM_CORES * _NUM_SUBCORES


@functools.partial(jax.jit, static_argnums=(2, 3))
def _embedding_gather(idx, weight, B, D):
    b_per_w = B // _NUM_WORKERS
    C = 1280
    nchunks = b_per_w // C
    mesh = plsc.VectorSubcoreMesh(core_axis_name="c", subcore_axis_name="s")

    @functools.partial(
        pl.kernel,
        mesh=mesh,
        out_type=jax.ShapeDtypeStruct((B, D), jnp.float32),
        scratch_types=[
            pltpu.VMEM((2, C), jnp.int32),
            pltpu.VMEM((2, C, D), jnp.float32),
            pltpu.SemaphoreType.DMA((2,)),
            pltpu.SemaphoreType.DMA((2,)),
            pltpu.SemaphoreType.DMA((2,)),
        ],
        compiler_params=pltpu.CompilerParams(use_tc_tiling_on_sc=False),
    )
    def k(idx_hbm, table_hbm, out_hbm, idx_v, rows_v, sem_i, sem_g, sem_s):
        wid = lax.axis_index("s") * _NUM_CORES + lax.axis_index("c")
        base = wid * b_per_w

        idx_cp = [None] * nchunks
        gat_cp = [None] * nchunks
        st_cp = [None] * nchunks

        def start_idx(i):
            b = i % 2
            idx_cp[i] = pltpu.make_async_copy(
                idx_hbm.at[pl.ds(base + i * C, C)], idx_v.at[b], sem_i.at[b]
            )
            idx_cp[i].start()

        start_idx(0)
        for i in range(nchunks):
            b = i % 2
            if i + 1 < nchunks:
                start_idx(i + 1)
            idx_cp[i].wait()
            if i >= 2:
                st_cp[i - 2].wait()
            gat_cp[i] = pltpu.make_async_copy(
                table_hbm.at[idx_v.at[b]], rows_v.at[b], sem_g.at[b]
            )
            gat_cp[i].start()
            gat_cp[i].wait()
            st_cp[i] = pltpu.make_async_copy(
                rows_v.at[b], out_hbm.at[pl.ds(base + i * C, C)], sem_s.at[b]
            )
            st_cp[i].start()
        st_cp[nchunks - 2].wait()
        st_cp[nchunks - 1].wait()

    return k(idx, weight)


def kernel(input, weight):
    N, W = input.shape
    D = weight.shape[1]
    B = N * W
    idx = input.T.reshape(B).astype(jnp.int32)
    out = _embedding_gather(idx, weight, B, D)
    return out.reshape(W, N, D).transpose(1, 0, 2)

# --- scband reference (transcript-rebuilt; emitter-appended) ---
"""Pipeline reference for scband-embedding-40750649704630 (READ-ONLY COPY).

The authoritative reference and input builder live on the scoring server;
editing this copy changes nothing except your own understanding.
"""

import jax, jax.numpy as jnp
import numpy as np

NUM_EMBEDDINGS = 1000000
EMBEDDING_DIM = 32

def setup_inputs(seed: int = 0) -> dict:
    key = jax.random.key(seed)
    k_idx, k_w = jax.random.split(key)
    input = jax.random.randint(k_idx, (16384, 50), 0, NUM_EMBEDDINGS, dtype=jnp.int64 if jax.config.jax_enable_x64 else jnp.int32)
    scale = np.sqrt(3.0 / EMBEDDING_DIM)
    weight = jax.random.uniform(k_w, (NUM_EMBEDDINGS, EMBEDDING_DIM), dtype=jnp.float32, minval=-scale, maxval=scale)
    return {"input": input, "weight": weight}

def reference(input, weight):
    # Faithful embedding lookup: output shape (N, W, embedding_dim)
    # padding_idx is None, max_norm is None -> plain gather
    out = jnp.take(weight, input, axis=0)
    return out

if __name__ == "__main__":
    import jax
    _d = setup_inputs()
    print(jax.jit(kernel)(*tuple(_d.values())))

</pallas_src>

<mosaic_0001>
#map = affine_map<(d0, d1) -> (0)>
#map1 = affine_map<(d0, d1) -> (0, 0)>
module attributes {stable_mosaic.version = 14 : i64} {
  func.func @k(%arg0: i32, %arg1: i32, %arg2: memref<819200xi32, #tpu.memory_space<hbm>>, %arg3: memref<1000000x32xf32, #tpu.memory_space<hbm>>, %arg4: memref<819200x32xf32, #tpu.memory_space<hbm>>, %arg5: memref<2x1280xi32, #tpu.memory_space<vmem>>, %arg6: memref<2x1280x32xf32, #tpu.memory_space<vmem>>, %arg7: memref<2x!tpu.dma_semaphore, #tpu.memory_space<semaphore_mem>>, %arg8: memref<2x!tpu.dma_semaphore, #tpu.memory_space<semaphore_mem>>, %arg9: memref<2x!tpu.dma_semaphore, #tpu.memory_space<semaphore_mem>>) attributes {dimension_semantics = [#tpu.dimension_semantics<core_parallel>, #tpu.dimension_semantics<subcore_parallel>], iteration_bounds = array<i64: 2, 16>, scalar_prefetch = 0 : i64, scratch_operands = 5 : i64, tpu.core_type = #tpu.core_type<sc_vector_subcore>, window_params = [{transform_indices = #map}, {transform_indices = #map1}, {transform_indices = #map1}]} {
    %mul3A = arith.constant 2 : i32
    %mul3A_0 = arith.muli %arg1, %mul3A : i32
    %add3A = arith.addi %mul3A_0, %arg0 : i32
    %mul3A_1 = arith.constant 25600 : i32
    %mul3A_2 = arith.muli %add3A, %mul3A_1 : i32
    %add3A_3 = arith.constant 0 : i32
    %add3A_4 = arith.addi %mul3A_2, %add3A_3 : i32
    %dma_start3A = arith.constant 0 : i32
    %dma_start3A_5 = arith.constant 0 : i32
    %dma_start3A_6 = arith.constant 0 : i32
    %dma_start3A_7 = tpu.memref_slice %arg5[%dma_start3A, %dma_start3A_6] : memref<2x1280xi32, #tpu.memory_space<vmem>> -> memref<1x1280xi32, #tpu.memory_space<vmem>>
    %dma_start3A_8 = tpu.memref_squeeze %dma_start3A_7 : memref<1x1280xi32, #tpu.memory_space<vmem>> -> memref<1280xi32, #tpu.memory_space<vmem>>
    %dma_start3A_9 = tpu.memref_slice %arg2[%add3A_4] : memref<819200xi32, #tpu.memory_space<hbm>> -> memref<1280xi32, #tpu.memory_space<hbm>>
    %dma_start3A_10 = tpu.memref_slice %arg7[%dma_start3A_5] : memref<2x!tpu.dma_semaphore, #tpu.memory_space<semaphore_mem>> -> memref<1x!tpu.dma_semaphore, #tpu.memory_space<semaphore_mem>>
    %dma_start3A_11 = tpu.memref_squeeze %dma_start3A_10 : memref<1x!tpu.dma_semaphore, #tpu.memory_space<semaphore_mem>> -> memref<!tpu.dma_semaphore, #tpu.memory_space<semaphore_mem>>
    %dma_start3A_12 = arith.constant 0 : i32
    %dma_start3A_13 = tpu.memref_slice %arg5[%dma_start3A, %dma_start3A_12] : memref<2x1280xi32, #tpu.memory_space<vmem>> -> memref<1x1280xi32, #tpu.memory_space<vmem>>
    %dma_start3A_14 = tpu.memref_squeeze %dma_start3A_13 : memref<1x1280xi32, #tpu.memory_space<vmem>> -> memref<1280xi32, #tpu.memory_space<vmem>>
    %dma_start3A_15 = tpu.memref_slice %arg2[%add3A_4] : memref<819200xi32, #tpu.memory_space<hbm>> -> memref<1280xi32, #tpu.memory_space<hbm>>
    tpu.enqueue_dma source(%dma_start3A_15 : memref<1280xi32, #tpu.memory_space<hbm>>) target(%dma_start3A_14 : memref<1280xi32, #tpu.memory_space<vmem>>) target_semaphore(%dma_start3A_11 : memref<!tpu.dma_semaphore, #tpu.memory_space<semaphore_mem>>)
    %add3A_16 = arith.constant 1280 : i32
    %add3A_17 = arith.addi %mul3A_2, %add3A_16 : i32
    %dma_start3A_18 = arith.constant 1 : i32
    %dma_start3A_19 = arith.constant 1 : i32
    %dma_start3A_20 = arith.constant 0 : i32
    %dma_start3A_21 = tpu.memref_slice %arg5[%dma_start3A_18, %dma_start3A_20] : memref<2x1280xi32, #tpu.memory_space<vmem>> -> memref<1x1280xi32, #tpu.memory_space<vmem>>
    %dma_start3A_22 = tpu.memref_squeeze %dma_start3A_21 : memref<1x1280xi32, #tpu.memory_space<vmem>> -> memref<1280xi32, #tpu.memory_space<vmem>>
    %dma_start3A_23 = tpu.memref_slice %arg2[%add3A_17] : memref<819200xi32, #tpu.memory_space<hbm>> -> memref<1280xi32, #tpu.memory_space<hbm>>
    %dma_start3A_24 = tpu.memref_slice %arg7[%dma_start3A_19] : memref<2x!tpu.dma_semaphore, #tpu.memory_space<semaphore_mem>> -> memref<1x!tpu.dma_semaphore, #tpu.memory_space<semaphore_mem>>
    %dma_start3A_25 = tpu.memref_squeeze %dma_start3A_24 : memref<1x!tpu.dma_semaphore, #tpu.memory_space<semaphore_mem>> -> memref<!tpu.dma_semaphore, #tpu.memory_space<semaphore_mem>>
    %dma_start3A_26 = arith.constant 0 : i32
    %dma_start3A_27 = tpu.memref_slice %arg5[%dma_start3A_18, %dma_start3A_26] : memref<2x1280xi32, #tpu.memory_space<vmem>> -> memref<1x1280xi32, #tpu.memory_space<vmem>>
    %dma_start3A_28 = tpu.memref_squeeze %dma_start3A_27 : memref<1x1280xi32, #tpu.memory_space<vmem>> -> memref<1280xi32, #tpu.memory_space<vmem>>
    %dma_start3A_29 = tpu.memref_slice %arg2[%add3A_17] : memref<819200xi32, #tpu.memory_space<hbm>> -> memref<1280xi32, #tpu.memory_space<hbm>>
    tpu.enqueue_dma source(%dma_start3A_29 : memref<1280xi32, #tpu.memory_space<hbm>>) target(%dma_start3A_28 : memref<1280xi32, #tpu.memory_space<vmem>>) target_semaphore(%dma_start3A_25 : memref<!tpu.dma_semaphore, #tpu.memory_space<semaphore_mem>>)
    %dma_wait3A = arith.constant 0 : i32
    %dma_wait3A_30 = arith.constant 0 : i32
    %dma_wait3A_31 = arith.constant 0 : i32
    %dma_wait3A_32 = tpu.memref_slice %arg5[%dma_wait3A, %dma_wait3A_31] : memref<2x1280xi32, #tpu.memory_space<vmem>> -> memref<1x1280xi32, #tpu.memory_space<vmem>>
    %dma_wait3A_33 = tpu.memref_squeeze %dma_wait3A_32 : memref<1x1280xi32, #tpu.memory_space<vmem>> -> memref<1280xi32, #tpu.memory_space<vmem>>
    %dma_wait3A_34 = tpu.memref_slice %arg2[%add3A_4] : memref<819200xi32, #tpu.memory_space<hbm>> -> memref<1280xi32, #tpu.memory_space<hbm>>
    %dma_wait3A_35 = tpu.memref_slice %arg7[%dma_wait3A_30] : memref<2x!tpu.dma_semaphore, #tpu.memory_space<semaphore_mem>> -> memref<1x!tpu.dma_semaphore, #tpu.memory_space<semaphore_mem>>
    %dma_wait3A_36 = tpu.memref_squeeze %dma_wait3A_35 : memref<1x!tpu.dma_semaphore, #tpu.memory_space<semaphore_mem>> -> memref<!tpu.dma_semaphore, #tpu.memory_space<semaphore_mem>>
    %dma_wait3A_37 = arith.constant 0 : i32
    %dma_wait3A_38 = tpu.memref_slice %arg5[%dma_wait3A, %dma_wait3A_37] : memref<2x1280xi32, #tpu.memory_space<vmem>> -> memref<1x1280xi32, #tpu.memory_space<vmem>>
    %dma_wait3A_39 = tpu.memref_squeeze %dma_wait3A_38 : memref<1x1280xi32, #tpu.memory_space<vmem>> -> memref<1280xi32, #tpu.memory_space<vmem>>
    %dma_wait3A_40 = tpu.memref_slice %arg2[%add3A_4] : memref<819200xi32, #tpu.memory_space<hbm>> -> memref<1280xi32, #tpu.memory_space<hbm>>
    tpu.wait_dma2 semaphore(%dma_wait3A_36 : memref<!tpu.dma_semaphore, #tpu.memory_space<semaphore_mem>>) src(%dma_wait3A_40 : memref<1280xi32, #tpu.memory_space<hbm>>) dst(%dma_wait3A_39 : memref<1280xi32, #tpu.memory_space<vmem>>)
    %dma_start3A_41 = arith.constant 0 : i32
    %dma_start3A_42 = arith.constant 0 : i32
    %dma_start3A_43 = arith.constant 0 : i32
    %dma_start3A_44 = arith.constant 0 : i32
    %dma_start3A_45 = arith.constant 0 : i32
    %dma_start3A_46 = tpu.memref_slice %arg6[%dma_start3A_42, %dma_start3A_44, %dma_start3A_45] : memref<2x1280x32xf32, #tpu.memory_space<vmem>> -> memref<1x1280x32xf32, #tpu.memory_space<vmem>>
    %dma_start3A_47 = tpu.memref_squeeze %dma_start3A_46 : memref<1x1280x32xf32, #tpu.memory_space<vmem>> -> memref<1280x32xf32, #tpu.memory_space<vmem>>
    %dma_start3A_48 = arith.constant 0 : i32
    %dma_start3A_49 = tpu.memref_slice %arg5[%dma_start3A_41, %dma_start3A_48] : memref<2x1280xi32, #tpu.memory_space<vmem>> -> memref<1x1280xi32, #tpu.memory_space<vmem>>
    %dma_start3A_50 = tpu.memref_squeeze %dma_start3A_49 : memref<1x1280xi32, #tpu.memory_space<vmem>> -> memref<1280xi32, #tpu.memory_space<vmem>>
    %dma_start3A_51 = arith.constant 0 : i32
    %dma_start3A_52 = arith.constant 0 : i32
    %dma_start3A_53 = tpu.memref_slice %arg3[%dma_start3A_51, %dma_start3A_52] : memref<1000000x32xf32, #tpu.memory_space<hbm>> -> memref<1000000x32xf32, #tpu.memory_space<hbm>>
    %dma_start3A_54 = tpu.memref_slice %arg8[%dma_start3A_43] : memref<2x!tpu.dma_semaphore, #tpu.memory_space<semaphore_mem>> -> memref<1x!tpu.dma_semaphore, #tpu.memory_space<semaphore_mem>>
    %dma_start3A_55 = tpu.memref_squeeze %dma_start3A_54 : memref<1x!tpu.dma_semaphore, #tpu.memory_space<semaphore_mem>> -> memref<!tpu.dma_semaphore, #tpu.memory_space<semaphore_mem>>
    tpu.enqueue_indirect_dma source(%dma_start3A_53 : memref<1000000x32xf32, #tpu.memory_space<hbm>>) target(%dma_start3A_47 : memref<1280x32xf32, #tpu.memory_space<vmem>>) offsets(%dma_start3A_50 : memref<1280xi32, #tpu.memory_space<vmem>>) semaphore(%dma_start3A_55 : memref<!tpu.dma_semaphore, #tpu.memory_space<semaphore_mem>>)
    %dma_wait3A_56 = arith.constant 0 : i32
    %dma_wait3A_57 = arith.constant 0 : i32
    %dma_wait3A_58 = arith.constant 0 : i32
    %dma_wait3A_59 = arith.constant 0 : i32
    %dma_wait3A_60 = arith.constant 0 : i32
    %dma_wait3A_61 = tpu.memref_slice %arg6[%dma_wait3A_57, %dma_wait3A_59, %dma_wait3A_60] : memref<2x1280x32xf32, #tpu.memory_space<vmem>> -> memref<1x1280x32xf32, #tpu.memory_space<vmem>>
    %dma_wait3A_62 = tpu.memref_squeeze %dma_wait3A_61 : memref<1x1280x32xf32, #tpu.memory_space<vmem>> -> memref<1280x32xf32, #tpu.memory_space<vmem>>
    %dma_wait3A_63 = arith.constant 0 : i32
    %dma_wait3A_64 = tpu.memref_slice %arg5[%dma_wait3A_56, %dma_wait3A_63] : memref<2x1280xi32, #tpu.memory_space<vmem>> -> memref<1x1280xi32, #tpu.memory_space<vmem>>
    %dma_wait3A_65 = tpu.memref_squeeze %dma_wait3A_64 : memref<1x1280xi32, #tpu.memory_space<vmem>> -> memref<1280xi32, #tpu.memory_space<vmem>>
    %dma_wait3A_66 = arith.constant 0 : i32
    %dma_wait3A_67 = arith.constant 0 : i32
    %dma_wait3A_68 = tpu.memref_slice %arg3[%dma_wait3A_66, %dma_wait3A_67] : memref<1000000x32xf32, #tpu.memory_space<hbm>> -> memref<1000000x32xf32, #tpu.memory_space<hbm>>
    %dma_wait3A_69 = tpu.memref_slice %arg8[%dma_wait3A_58] : memref<2x!tpu.dma_semaphore, #tpu.memory_space<semaphore_mem>> -> memref<1x!tpu.dma_semaphore, #tpu.memory_space<semaphore_mem>>
    %dma_wait3A_70 = tpu.memref_squeeze %dma_wait3A_69 : memref<1x!tpu.dma_semaphore, #tpu.memory_space<semaphore_mem>> -> memref<!tpu.dma_semaphore, #tpu.memory_space<semaphore_mem>>
    tpu.wait_indirect_dma semaphore(%dma_wait3A_70 : memref<!tpu.dma_semaphore, #tpu.memory_space<semaphore_mem>>) src(%dma_wait3A_68 : memref<1000000x32xf32, #tpu.memory_space<hbm>>) dst(%dma_wait3A_62 : memref<1280x32xf32, #tpu.memory_space<vmem>>)
    %add3A_71 = arith.constant 0 : i32
    %add3A_72 = arith.addi %mul3A_2, %add3A_71 : i32
    %dma_start3A_73 = arith.constant 0 : i32
    %dma_start3A_74 = arith.constant 0 : i32
    %dma_start3A_75 = arith.constant 0 : i32
    %dma_start3A_76 = arith.constant 0 : i32
    %dma_start3A_77 = tpu.memref_slice %arg6[%dma_start3A_73, %dma_start3A_75, %dma_start3A_76] : memref<2x1280x32xf32, #tpu.memory_space<vmem>> -> memref<1x1280x32xf32, #tpu.memory_space<vmem>>
    %dma_start3A_78 = tpu.memref_squeeze %dma_start3A_77 : memref<1x1280x32xf32, #tpu.memory_space<vmem>> -> memref<1280x32xf32, #tpu.memory_space<vmem>>
    %dma_start3A_79 = arith.constant 0 : i32
    %dma_start3A_80 = tpu.memref_slice %arg4[%add3A_72, %dma_start3A_79] : memref<819200x32xf32, #tpu.memory_space<hbm>> -> memref<1280x32xf32, #tpu.memory_space<hbm>>
    %dma_start3A_81 = tpu.memref_slice %arg9[%dma_start3A_74] : memref<2x!tpu.dma_semaphore, #tpu.memory_space<semaphore_mem>> -> memref<1x!tpu.dma_semaphore, #tpu.memory_space<semaphore_mem>>
    %dma_start3A_82 = tpu.memref_squeeze %dma_start3A_81 : memref<1x!tpu.dma_semaphore, #tpu.memory_space<semaphore_mem>> -> memref<!tpu.dma_semaphore, #tpu.memory_space<semaphore_mem>>
    %dma_start3A_83 = arith.constant 0 : i32
    %dma_start3A_84 = tpu.memref_slice %arg4[%add3A_72, %dma_start3A_83] : memref<819200x32xf32, #tpu.memory_space<hbm>> -> memref<1280x32xf32, #tpu.memory_space<hbm>>
    %dma_start3A_85 = arith.constant 0 : i32
    %dma_start3A_86 = arith.constant 0 : i32
    %dma_start3A_87 = tpu.memref_slice %arg6[%dma_start3A_73, %dma_start3A_85, %dma_start3A_86] : memref<2x1280x32xf32, #tpu.memory_space<vmem>> -> memref<1x1280x32xf32, #tpu.memory_space<vmem>>
    %dma_start3A_88 = tpu.memref_squeeze %dma_start3A_87 : memref<1x1280x32xf32, #tpu.memory_space<vmem>> -> memref<1280x32xf32, #tpu.memory_space<vmem>>
    tpu.enqueue_dma source(%dma_start3A_88 : memref<1280x32xf32, #tpu.memory_space<vmem>>) target(%dma_start3A_84 : memref<1280x32xf32, #tpu.memory_space<hbm>>) target_semaphore(%dma_start3A_82 : memref<!tpu.dma_semaphore, #tpu.memory_space<semaphore_mem>>)
    %add3A_89 = arith.constant 2560 : i32
    %add3A_90 = arith.addi %mul3A_2, %add3A_89 : i32
    %dma_start3A_91 = arith.constant 0 : i32
    %dma_start3A_92 = arith.constant 0 : i32
    %dma_start3A_93 = arith.constant 0 : i32
    %dma_start3A_94 = tpu.memref_slice %arg5[%dma_start3A_91, %dma_start3A_93] : memref<2x1280xi32, #tpu.memory_space<vmem>> -> memref<1x1280xi32, #tpu.memory_space<vmem>>
    %dma_start3A_95 = tpu.memref_squeeze %dma_start3A_94 : memref<1x1280xi32, #tpu.memory_space<vmem>> -> memref<1280xi32, #tpu.memory_space<vmem>>
    %dma_start3A_96 = tpu.memref_slice %arg2[%add3A_90] : memref<819200xi32, #tpu.memory_space<hbm>> -> memref<1280xi32, #tpu.memory_space<hbm>>
    %dma_start3A_97 = tpu.memref_slice %arg7[%dma_start3A_92] : memref<2x!tpu.dma_semaphore, #tpu.memory_space<semaphore_mem>> -> memref<1x!tpu.dma_semaphore, #tpu.memory_space<semaphore_mem>>
    %dma_start3A_98 = tpu.memref_squeeze %dma_start3A_97 : memref<1x!tpu.dma_semaphore, #tpu.memory_space<semaphore_mem>> -> memref<!tpu.dma_semaphore, #tpu.memory_space<semaphore_mem>>
    %dma_start3A_99 = arith.constant 0 : i32
    %dma_start3A_100 = tpu.memref_slice %arg5[%dma_start3A_91, %dma_start3A_99] : memref<2x1280xi32, #tpu.memory_space<vmem>> -> memref<1x1280xi32, #tpu.memory_space<vmem>>
    %dma_start3A_101 = tpu.memref_squeeze %dma_start3A_100 : memref<1x1280xi32, #tpu.memory_space<vmem>> -> memref<1280xi32, #tpu.memory_space<vmem>>
    %dma_start3A_102 = tpu.memref_slice %arg2[%add3A_90] : memref<819200xi32, #tpu.memory_space<hbm>> -> memref<1280xi32, #tpu.memory_space<hbm>>
    tpu.enqueue_dma source(%dma_start3A_102 : memref<1280xi32, #tpu.memory_space<hbm>>) target(%dma_start3A_101 : memref<1280xi32, #tpu.memory_space<vmem>>) target_semaphore(%dma_start3A_98 : memref<!tpu.dma_semaphore, #tpu.memory_space<semaphore_mem>>)
    %dma_wait3A_103 = arith.constant 1 : i32
    %dma_wait3A_104 = arith.constant 1 : i32
    %dma_wait3A_105 = arith.constant 0 : i32
    %dma_wait3A_106 = tpu.memref_slice %arg5[%dma_wait3A_103, %dma_wait3A_105] : memref<2x1280xi32, #tpu.memory_space<vmem>> -> memref<1x1280xi32, #tpu.memory_space<vmem>>
    %dma_wait3A_107 = tpu.memref_squeeze %dma_wait3A_106 : memref<1x1280xi32, #tpu.memory_space<vmem>> -> memref<1280xi32, #tpu.memory_space<vmem>>
    %dma_wait3A_108 = tpu.memref_slice %arg2[%add3A_17] : memref<819200xi32, #tpu.memory_space<hbm>> -> memref<1280xi32, #tpu.memory_space<hbm>>
    %dma_wait3A_109 = tpu.memref_slice %arg7[%dma_wait3A_104] : memref<2x!tpu.dma_semaphore, #tpu.memory_space<semaphore_mem>> -> memref<1x!tpu.dma_semaphore, #tpu.memory_space<semaphore_mem>>
    %dma_wait3A_110 = tpu.memref_squeeze %dma_wait3A_109 : memref<1x!tpu.dma_semaphore, #tpu.memory_space<semaphore_mem>> -> memref<!tpu.dma_semaphore, #tpu.memory_space<semaphore_mem>>
    %dma_wait3A_111 = arith.constant 0 : i32
    %dma_wait3A_112 = tpu.memref_slice %arg5[%dma_wait3A_103, %dma_wait3A_111] : memref<2x1280xi32, #tpu.memory_space<vmem>> -> memref<1x1280xi32, #tpu.memory_space<vmem>>
    %dma_wait3A_113 = tpu.memref_squeeze %dma_wait3A_112 : memref<1x1280xi32, #tpu.memory_space<vmem>> -> memref<1280xi32, #tpu.memory_space<vmem>>
    %dma_wait3A_114 = tpu.memref_slice %arg2[%add3A_17] : memref<819200xi32, #tpu.memory_space<hbm>> -> memref<1280xi32, #tpu.memory_space<hbm>>
    tpu.wait_dma2 semaphore(%dma_wait3A_110 : memref<!tpu.dma_semaphore, #tpu.memory_space<semaphore_mem>>) src(%dma_wait3A_114 : memref<1280xi32, #tpu.memory_space<hbm>>) dst(%dma_wait3A_113 : memref<1280xi32, #tpu.memory_space<vmem>>)
    %dma_start3A_115 = arith.constant 1 : i32
    %dma_start3A_116 = arith.constant 1 : i32
    %dma_start3A_117 = arith.constant 1 : i32
    %dma_start3A_118 = arith.constant 0 : i32
    %dma_start3A_119 = arith.constant 0 : i32
    %dma_start3A_120 = tpu.memref_slice %arg6[%dma_start3A_116, %dma_start3A_118, %dma_start3A_119] : memref<2x1280x32xf32, #tpu.memory_space<vmem>> -> memref<1x1280x32xf32, #tpu.memory_space<vmem>>
    %dma_start3A_121 = tpu.memref_squeeze %dma_start3A_120 : memref<1x1280x32xf32, #tpu.memory_space<vmem>> -> memref<1280x32xf32, #tpu.memory_space<vmem>>
    %dma_start3A_122 = arith.constant 0 : i32
    %dma_start3A_123 = tpu.memref_slice %arg5[%dma_start3A_115, %dma_start3A_122] : memref<2x1280xi32, #tpu.memory_space<vmem>> -> memref<1x1280xi32, #tpu.memory_space<vmem>>
    %dma_start3A_124 = tpu.memref_squeeze %dma_start3A_123 : memref<1x1280xi32, #tpu.memory_space<vmem>> -> memref<1280xi32, #tpu.memory_space<vmem>>
    %dma_start3A_125 = arith.constant 0 : i32
    %dma_start3A_126 = arith.constant 0 : i32
    %dma_start3A_127 = tpu.memref_slice %arg3[%dma_start3A_125, %dma_start3A_126] : memref<1000000x32xf32, #tpu.memory_space<hbm>> -> memref<1000000x32xf32, #tpu.memory_space<hbm>>
    %dma_start3A_128 = tpu.memref_slice %arg8[%dma_start3A_117] : memref<2x!tpu.dma_semaphore, #tpu.memory_space<semaphore_mem>> -> memref<1x!tpu.dma_semaphore, #tpu.memory_space<semaphore_mem>>
    %dma_start3A_129 = tpu.memref_squeeze %dma_start3A_128 : memref<1x!tpu.dma_semaphore, #tpu.memory_space<semaphore_mem>> -> memref<!tpu.dma_semaphore, #tpu.memory_space<semaphore_mem>>
    tpu.enqueue_indirect_dma source(%dma_start3A_127 : memref<1000000x32xf32, #tpu.memory_space<hbm>>) target(%dma_start3A_121 : memref<1280x32xf32, #tpu.memory_space<vmem>>) offsets(%dma_start3A_124 : memref<1280xi32, #tpu.memory_space<vmem>>) semaphore(%dma_start3A_129 : memref<!tpu.dma_semaphore, #tpu.memory_space<semaphore_mem>>)
    %dma_wait3A_130 = arith.constant 1 : i32
    %dma_wait3A_131 = arith.constant 1 : i32
    %dma_wait3A_132 = arith.constant 1 : i32
    %dma_wait3A_133 = arith.constant 0 : i32
    %dma_wait3A_134 = arith.constant 0 : i32
    %dma_wait3A_135 = tpu.memref_slice %arg6[%dma_wait3A_131, %dma_wait3A_133, %dma_wait3A_134] : memref<2x1280x32xf32, #tpu.memory_space<vmem>> -> memref<1x1280x32xf32, #tpu.memory_space<vmem>>
    %dma_wait3A_136 = tpu.memref_squeeze %dma_wait3A_135 : memref<1x1280x32xf32, #tpu.memory_space<vmem>> -> memref<1280x32xf32, #tpu.memory_space<vmem>>
    %dma_wait3A_137 = arith.constant 0 : i32
    %dma_wait3A_138 = tpu.memref_slice %arg5[%dma_wait3A_130, %dma_wait3A_137] : memref<2x1280xi32, #tpu.memory_space<vmem>> -> memref<1x1280xi32, #tpu.memory_space<vmem>>
    %dma_wait3A_139 = tpu.memref_squeeze %dma_wait3A_138 : memref<1x1280xi32, #tpu.memory_space<vmem>> -> memref<1280xi32, #tpu.memory_space<vmem>>
    %dma_wait3A_140 = arith.constant 0 : i32
    %dma_wait3A_141 = arith.constant 0 : i32
    %dma_wait3A_142 = tpu.memref_slice %arg3[%dma_wait3A_140, %dma_wait3A_141] : memref<1000000x32xf32, #tpu.memory_space<hbm>> -> memref<1000000x32xf32, #tpu.memory_space<hbm>>
    %dma_wait3A_143 = tpu.memref_slice %arg8[%dma_wait3A_132] : memref<2x!tpu.dma_semaphore, #tpu.memory_space<semaphore_mem>> -> memref<1x!tpu.dma_semaphore, #tpu.memory_space<semaphore_mem>>
    %dma_wait3A_144 = tpu.memref_squeeze %dma_wait3A_143 : memref<1x!tpu.dma_semaphore, #tpu.memory_space<semaphore_mem>> -> memref<!tpu.dma_semaphore, #tpu.memory_space<semaphore_mem>>
    tpu.wait_indirect_dma semaphore(%dma_wait3A_144 : memref<!tpu.dma_semaphore, #tpu.memory_space<semaphore_mem>>) src(%dma_wait3A_142 : memref<1000000x32xf32, #tpu.memory_space<hbm>>) dst(%dma_wait3A_136 : memref<1280x32xf32, #tpu.memory_space<vmem>>)
    %add3A_145 = arith.constant 1280 : i32
    %add3A_146 = arith.addi %mul3A_2, %add3A_145 : i32
    %dma_start3A_147 = arith.constant 1 : i32
    %dma_start3A_148 = arith.constant 1 : i32
    %dma_start3A_149 = arith.constant 0 : i32
    %dma_start3A_150 = arith.constant 0 : i32
    %dma_start3A_151 = tpu.memref_slice %arg6[%dma_start3A_147, %dma_start3A_149, %dma_start3A_150] : memref<2x1280x32xf32, #tpu.memory_space<vmem>> -> memref<1x1280x32xf32, #tpu.memory_space<vmem>>
    %dma_start3A_152 = tpu.memref_squeeze %dma_start3A_151 : memref<1x1280x32xf32, #tpu.memory_space<vmem>> -> memref<1280x32xf32, #tpu.memory_space<vmem>>
    %dma_start3A_153 = arith.constant 0 : i32
    %dma_start3A_154 = tpu.memref_slice %arg4[%add3A_146, %dma_start3A_153] : memref<819200x32xf32, #tpu.memory_space<hbm>> -> memref<1280x32xf32, #tpu.memory_space<hbm>>
    %dma_start3A_155 = tpu.memref_slice %arg9[%dma_start3A_148] : memref<2x!tpu.dma_semaphore, #tpu.memory_space<semaphore_mem>> -> memref<1x!tpu.dma_semaphore, #tpu.memory_space<semaphore_mem>>
    %dma_start3A_156 = tpu.memref_squeeze %dma_start3A_155 : memref<1x!tpu.dma_semaphore, #tpu.memory_space<semaphore_mem>> -> memref<!tpu.dma_semaphore, #tpu.memory_space<semaphore_mem>>
    %dma_start3A_157 = arith.constant 0 : i32
    %dma_start3A_158 = tpu.memref_slice %arg4[%add3A_146, %dma_start3A_157] : memref<819200x32xf32, #tpu.memory_space<hbm>> -> memref<1280x32xf32, #tpu.memory_space<hbm>>
    %dma_start3A_159 = arith.constant 0 : i32
    %dma_start3A_160 = arith.constant 0 : i32
    %dma_start3A_161 = tpu.memref_slice %arg6[%dma_start3A_147, %dma_start3A_159, %dma_start3A_160] : memref<2x1280x32xf32, #tpu.memory_space<vmem>> -> memref<1x1280x32xf32, #tpu.memory_space<vmem>>
    %dma_start3A_162 = tpu.memref_squeeze %dma_start3A_161 : memref<1x1280x32xf32, #tpu.memory_space<vmem>> -> memref<1280x32xf32, #tpu.memory_space<vmem>>
    tpu.enqueue_dma source(%dma_start3A_162 : memref<1280x32xf32, #tpu.memory_space<vmem>>) target(%dma_start3A_158 : memref<1280x32xf32, #tpu.memory_space<hbm>>) target_semaphore(%dma_start3A_156 : memref<!tpu.dma_semaphore, #tpu.memory_space<semaphore_mem>>)
    %add3A_163 = arith.constant 3840 : i32
    %add3A_164 = arith.addi %mul3A_2, %add3A_163 : i32
    %dma_start3A_165 = arith.constant 1 : i32
    %dma_start3A_166 = arith.constant 1 : i32
    %dma_start3A_167 = arith.constant 0 : i32
    %dma_start3A_168 = tpu.memref_slice %arg5[%dma_start3A_165, %dma_start3A_167] : memref<2x1280xi32, #tpu.memory_space<vmem>> -> memref<1x1280xi32, #tpu.memory_space<vmem>>
    %dma_start3A_169 = tpu.memref_squeeze %dma_start3A_168 : memref<1x1280xi32, #tpu.memory_space<vmem>> -> memref<1280xi32, #tpu.memory_space<vmem>>
    %dma_start3A_170 = tpu.memref_slice %arg2[%add3A_164] : memref<819200xi32, #tpu.memory_space<hbm>> -> memref<1280xi32, #tpu.memory_space<hbm>>
    %dma_start3A_171 = tpu.memref_slice %arg7[%dma_start3A_166] : memref<2x!tpu.dma_semaphore, #tpu.memory_space<semaphore_mem>> -> memref<1x!tpu.dma_semaphore, #tpu.memory_space<semaphore_mem>>
    %dma_start3A_172 = tpu.memref_squeeze %dma_start3A_171 : memref<1x!tpu.dma_semaphore, #tpu.memory_space<semaphore_mem>> -> memref<!tpu.dma_semaphore, #tpu.memory_space<semaphore_mem>>
    %dma_start3A_173 = arith.constant 0 : i32
    %dma_start3A_174 = tpu.memref_slice %arg5[%dma_start3A_165, %dma_start3A_173] : memref<2x1280xi32, #tpu.memory_space<vmem>> -> memref<1x1280xi32, #tpu.memory_space<vmem>>
    %dma_start3A_175 = tpu.memref_squeeze %dma_start3A_174 : memref<1x1280xi32, #tpu.memory_space<vmem>> -> memref<1280xi32, #tpu.memory_space<vmem>>
    %dma_start3A_176 = tpu.memref_slice %arg2[%add3A_164] : memref<819200xi32, #tpu.memory_space<hbm>> -> memref<1280xi32, #tpu.memory_space<hbm>>
    tpu.enqueue_dma source(%dma_start3A_176 : memref<1280xi32, #tpu.memory_space<hbm>>) target(%dma_start3A_175 : memref<1280xi32, #tpu.memory_space<vmem>>) target_semaphore(%dma_start3A_172 : memref<!tpu.dma_semaphore, #tpu.memory_space<semaphore_mem>>)
    %dma_wait3A_177 = arith.constant 0 : i32
    %dma_wait3A_178 = arith.constant 0 : i32
    %dma_wait3A_179 = arith.constant 0 : i32
    %dma_wait3A_180 = tpu.memref_slice %arg5[%dma_wait3A_177, %dma_wait3A_179] : memref<2x1280xi32, #tpu.memory_space<vmem>> -> memref<1x1280xi32, #tpu.memory_space<vmem>>
    %dma_wait3A_181 = tpu.memref_squeeze %dma_wait3A_180 : memref<1x1280xi32, #tpu.memory_space<vmem>> -> memref<1280xi32, #tpu.memory_space<vmem>>
    %dma_wait3A_182 = tpu.memref_slice %arg2[%add3A_90] : memref<819200xi32, #tpu.memory_space<hbm>> -> memref<1280xi32, #tpu.memory_space<hbm>>
    %dma_wait3A_183 = tpu.memref_slice %arg7[%dma_wait3A_178] : memref<2x!tpu.dma_semaphore, #tpu.memory_space<semaphore_mem>> -> memref<1x!tpu.dma_semaphore, #tpu.memory_space<semaphore_mem>>
    %dma_wait3A_184 = tpu.memref_squeeze %dma_wait3A_183 : memref<1x!tpu.dma_semaphore, #tpu.memory_space<semaphore_mem>> -> memref<!tpu.dma_semaphore, #tpu.memory_space<semaphore_mem>>
    %dma_wait3A_185 = arith.constant 0 : i32
    %dma_wait3A_186 = tpu.memref_slice %arg5[%dma_wait3A_177, %dma_wait3A_185] : memref<2x1280xi32, #tpu.memory_space<vmem>> -> memref<1x1280xi32, #tpu.memory_space<vmem>>
    %dma_wait3A_187 = tpu.memref_squeeze %dma_wait3A_186 : memref<1x1280xi32, #tpu.memory_space<vmem>> -> memref<1280xi32, #tpu.memory_space<vmem>>
    %dma_wait3A_188 = tpu.memref_slice %arg2[%add3A_90] : memref<819200xi32, #tpu.memory_space<hbm>> -> memref<1280xi32, #tpu.memory_space<hbm>>
    tpu.wait_dma2 semaphore(%dma_wait3A_184 : memref<!tpu.dma_semaphore, #tpu.memory_space<semaphore_mem>>) src(%dma_wait3A_188 : memref<1280xi32, #tpu.memory_space<hbm>>) dst(%dma_wait3A_187 : memref<1280xi32, #tpu.memory_space<vmem>>)
    %dma_wait3A_189 = arith.constant 0 : i32
    %dma_wait3A_190 = arith.constant 0 : i32
    %dma_wait3A_191 = arith.constant 0 : i32
    %dma_wait3A_192 = arith.constant 0 : i32
    %dma_wait3A_193 = tpu.memref_slice %arg6[%dma_wait3A_189, %dma_wait3A_191, %dma_wait3A_192] : memref<2x1280x32xf32, #tpu.memory_space<vmem>> -> memref<1x1280x32xf32, #tpu.memory_space<vmem>>
    %dma_wait3A_194 = tpu.memref_squeeze %dma_wait3A_193 : memref<1x1280x32xf32, #tpu.memory_space<vmem>> -> memref<1280x32xf32, #tpu.memory_space<vmem>>
    %dma_wait3A_195 = arith.constant 0 : i32
    %dma_wait3A_196 = tpu.memref_slice %arg4[%add3A_72, %dma_wait3A_195] : memref<819200x32xf32, #tpu.memory_space<hbm>> -> memref<1280x32xf32, #tpu.memory_space<hbm>>
    %dma_wait3A_197 = tpu.memref_slice %arg9[%dma_wait3A_190] : memref<2x!tpu.dma_semaphore, #tpu.memory_space<semaphore_mem>> -> memref<1x!tpu.dma_semaphore, #tpu.memory_space<semaphore_mem>>
    %dma_wait3A_198 = tpu.memref_squeeze %dma_wait3A_197 : memref<1x!tpu.dma_semaphore, #tpu.memory_space<semaphore_mem>> -> memref<!tpu.dma_semaphore, #tpu.memory_space<semaphore_mem>>
    %dma_wait3A_199 = arith.constant 0 : i32
    %dma_wait3A_200 = tpu.memref_slice %arg4[%add3A_72, %dma_wait3A_199] : memref<819200x32xf32, #tpu.memory_space<hbm>> -> memref<1280x32xf32, #tpu.memory_space<hbm>>
    %dma_wait3A_201 = arith.constant 0 : i32
    %dma_wait3A_202 = arith.constant 0 : i32
    %dma_wait3A_203 = tpu.memref_slice %arg6[%dma_wait3A_189, %dma_wait3A_201, %dma_wait3A_202] : memref<2x1280x32xf32, #tpu.memory_space<vmem>> -> memref<1x1280x32xf32, #tpu.memory_space<vmem>>
    %dma_wait3A_204 = tpu.memref_squeeze %dma_wait3A_203 : memref<1x1280x32xf32, #tpu.memory_space<vmem>> -> memref<1280x32xf32, #tpu.memory_space<vmem>>
    tpu.wait_dma2 semaphore(%dma_wait3A_198 : memref<!tpu.dma_semaphore, #tpu.memory_space<semaphore_mem>>) src(%dma_wait3A_204 : memref<1280x32xf32, #tpu.memory_space<vmem>>) dst(%dma_wait3A_200 : memref<1280x32xf32, #tpu.memory_space<hbm>>)
    %dma_start3A_205 = arith.constant 0 : i32
    %dma_start3A_206 = arith.constant 0 : i32
    %dma_start3A_207 = arith.constant 0 : i32
    %dma_start3A_208 = arith.constant 0 : i32
    %dma_start3A_209 = arith.constant 0 : i32
    %dma_start3A_210 = tpu.memref_slice %arg6[%dma_start3A_206, %dma_start3A_208, %dma_start3A_209] : memref<2x1280x32xf32, #tpu.memory_space<vmem>> -> memref<1x1280x32xf32, #tpu.memory_space<vmem>>
    %dma_start3A_211 = tpu.memref_squeeze %dma_start3A_210 : memref<1x1280x32xf32, #tpu.memory_space<vmem>> -> memref<1280x32xf32, #tpu.memory_space<vmem>>
    %dma_start3A_212 = arith.constant 0 : i32
    %dma_start3A_213 = tpu.memref_slice %arg5[%dma_start3A_205, %dma_start3A_212] : memref<2x1280xi32, #tpu.memory_space<vmem>> -> memref<1x1280xi32, #tpu.memory_space<vmem>>
    %dma_start3A_214 = tpu.memref_squeeze %dma_start3A_213 : memref<1x1280xi32, #tpu.memory_space<vmem>> -> memref<1280xi32, #tpu.memory_space<vmem>>
    %dma_start3A_215 = arith.constant 0 : i32
    %dma_start3A_216 = arith.constant 0 : i32
    %dma_start3A_217 = tpu.memref_slice %arg3[%dma_start3A_215, %dma_start3A_216] : memref<1000000x32xf32, #tpu.memory_space<hbm>> -> memref<1000000x32xf32, #tpu.memory_space<hbm>>
    %dma_start3A_218 = tpu.memref_slice %arg8[%dma_start3A_207] : memref<2x!tpu.dma_semaphore, #tpu.memory_space<semaphore_mem>> -> memref<1x!tpu.dma_semaphore, #tpu.memory_space<semaphore_mem>>
    %dma_start3A_219 = tpu.memref_squeeze %dma_start3A_218 : memref<1x!tpu.dma_semaphore, #tpu.memory_space<semaphore_mem>> -> memref<!tpu.dma_semaphore, #tpu.memory_space<semaphore_mem>>
    tpu.enqueue_indirect_dma source(%dma_start3A_217 : memref<1000000x32xf32, #tpu.memory_space<hbm>>) target(%dma_start3A_211 : memref<1280x32xf32, #tpu.memory_space<vmem>>) offsets(%dma_start3A_214 : memref<1280xi32, #tpu.memory_space<vmem>>) semaphore(%dma_start3A_219 : memref<!tpu.dma_semaphore, #tpu.memory_space<semaphore_mem>>)
    %dma_wait3A_220 = arith.constant 0 : i32
    %dma_wait3A_221 = arith.constant 0 : i32
    %dma_wait3A_222 = arith.constant 0 : i32
    %dma_wait3A_223 = arith.constant 0 : i32
    %dma_wait3A_224 = arith.constant 0 : i32
    %dma_wait3A_225 = tpu.memref_slice %arg6[%dma_wait3A_221, %dma_wait3A_223, %dma_wait3A_224] : memref<2x1280x32xf32, #tpu.memory_space<vmem>> -> memref<1x1280x32xf32, #tpu.memory_space<vmem>>
    %dma_wait3A_226 = tpu.memref_squeeze %dma_wait3A_225 : memref<1x1280x32xf32, #tpu.memory_space<vmem>> -> memref<1280x32xf32, #tpu.memory_space<vmem>>
    %dma_wait3A_227 = arith.constant 0 : i32
    %dma_wait3A_228 = tpu.memref_slice %arg5[%dma_wait3A_220, %dma_wait3A_227] : memref<2x1280xi32, #tpu.memory_space<vmem>> -> memref<1x1280xi32, #tpu.memory_space<vmem>>
    %dma_wait3A_229 = tpu.memref_squeeze %dma_wait3A_228 : memref<1x1280xi32, #tpu.memory_space<vmem>> -> memref<1280xi32, #tpu.memory_space<vmem>>
    %dma_wait3A_230 = arith.constant 0 : i32
    %dma_wait3A_231 = arith.constant 0 : i32
    %dma_wait3A_232 = tpu.memref_slice %arg3[%dma_wait3A_230, %dma_wait3A_231] : memref<1000000x32xf32, #tpu.memory_space<hbm>> -> memref<1000000x32xf32, #tpu.memory_space<hbm>>
    %dma_wait3A_233 = tpu.memref_slice %arg8[%dma_wait3A_222] : memref<2x!tpu.dma_semaphore, #tpu.memory_space<semaphore_mem>> -> memref<1x!tpu.dma_semaphore, #tpu.memory_space<semaphore_mem>>
    %dma_wait3A_234 = tpu.memref_squeeze %dma_wait3A_233 : memref<1x!tpu.dma_semaphore, #tpu.memory_space<semaphore_mem>> -> memref<!tpu.dma_semaphore, #tpu.memory_space<semaphore_mem>>
    tpu.wait_indirect_dma semaphore(%dma_wait3A_234 : memref<!tpu.dma_semaphore, #tpu.memory_space<semaphore_mem>>) src(%dma_wait3A_232 : memref<1000000x32xf32, #tpu.memory_space<hbm>>) dst(%dma_wait3A_226 : memref<1280x32xf32, #tpu.memory_space<vmem>>)
    %add3A_235 = arith.constant 2560 : i32
    %add3A_236 = arith.addi %mul3A_2, %add3A_235 : i32
    %dma_start3A_237 = arith.constant 0 : i32
    %dma_start3A_238 = arith.constant 0 : i32
    %dma_start3A_239 = arith.constant 0 : i32
    %dma_start3A_240 = arith.constant 0 : i32
    %dma_start3A_241 = tpu.memref_slice %arg6[%dma_start3A_237, %dma_start3A_239, %dma_start3A_240] : memref<2x1280x32xf32, #tpu.memory_space<vmem>> -> memref<1x1280x32xf32, #tpu.memory_space<vmem>>
    %dma_start3A_242 = tpu.memref_squeeze %dma_start3A_241 : memref<1x1280x32xf32, #tpu.memory_space<vmem>> -> memref<1280x32xf32, #tpu.memory_space<vmem>>
    %dma_start3A_243 = arith.constant 0 : i32
    %dma_start3A_244 = tpu.memref_slice %arg4[%add3A_236, %dma_start3A_243] : memref<819200x32xf32, #tpu.memory_space<hbm>> -> memref<1280x32xf32, #tpu.memory_space<hbm>>
    %dma_start3A_245 = tpu.memref_slice %arg9[%dma_start3A_238] : memref<2x!tpu.dma_semaphore, #tpu.memory_space<semaphore_mem>> -> memref<1x!tpu.dma_semaphore, #tpu.memory_space<semaphore_mem>>
    %dma_start3A_246 = tpu.memref_squeeze %dma_start3A_245 : memref<1x!tpu.dma_semaphore, #tpu.memory_space<semaphore_mem>> -> memref<!tpu.dma_semaphore, #tpu.memory_space<semaphore_mem>>
    %dma_start3A_247 = arith.constant 0 : i32
    %dma_start3A_248 = tpu.memref_slice %arg4[%add3A_236, %dma_start3A_247] : memref<819200x32xf32, #tpu.memory_space<hbm>> -> memref<1280x32xf32, #tpu.memory_space<hbm>>
    %dma_start3A_249 = arith.constant 0 : i32
    %dma_start3A_250 = arith.constant 0 : i32
    %dma_start3A_251 = tpu.memref_slice %arg6[%dma_start3A_237, %dma_start3A_249, %dma_start3A_250] : memref<2x1280x32xf32, #tpu.memory_space<vmem>> -> memref<1x1280x32xf32, #tpu.memory_space<vmem>>
    %dma_start3A_252 = tpu.memref_squeeze %dma_start3A_251 : memref<1x1280x32xf32, #tpu.memory_space<vmem>> -> memref<1280x32xf32, #tpu.memory_space<vmem>>
    tpu.enqueue_dma source(%dma_start3A_252 : memref<1280x32xf32, #tpu.memory_space<vmem>>) target(%dma_start3A_248 : memref<1280x32xf32, #tpu.memory_space<hbm>>) target_semaphore(%dma_start3A_246 : memref<!tpu.dma_semaphore, #tpu.memory_space<semaphore_mem>>)
    %add3A_253 = arith.constant 5120 : i32
    %add3A_254 = arith.addi %mul3A_2, %add3A_253 : i32
    %dma_start3A_255 = arith.constant 0 : i32
    %dma_start3A_256 = arith.constant 0 : i32
    %dma_start3A_257 = arith.constant 0 : i32
    %dma_start3A_258 = tpu.memref_slice %arg5[%dma_start3A_255, %dma_start3A_257] : memref<2x1280xi32, #tpu.memory_space<vmem>> -> memref<1x1280xi32, #tpu.memory_space<vmem>>
    %dma_start3A_259 = tpu.memref_squeeze %dma_start3A_258 : memref<1x1280xi32, #tpu.memory_space<vmem>> -> memref<1280xi32, #tpu.memory_space<vmem>>
    %dma_start3A_260 = tpu.memref_slice %arg2[%add3A_254] : memref<819200xi32, #tpu.memory_space<hbm>> -> memref<1280xi32, #tpu.memory_space<hbm>>
    %dma_start3A_261 = tpu.memref_slice %arg7[%dma_start3A_256] : memref<2x!tpu.dma_semaphore, #tpu.memory_space<semaphore_mem>> -> memref<1x!tpu.dma_semaphore, #tpu.memory_space<semaphore_mem>>
    %dma_start3A_262 = tpu.memref_squeeze %dma_start3A_261 : memref<1x!tpu.dma_semaphore, #tpu.memory_space<semaphore_mem>> -> memref<!tpu.dma_semaphore, #tpu.memory_space<semaphore_mem>>
    %dma_start3A_263 = arith.constant 0 : i32
    %dma_start3A_264 = tpu.memref_slice %arg5[%dma_start3A_255, %dma_start3A_263] : memref<2x1280xi32, #tpu.memory_space<vmem>> -> memref<1x1280xi32, #tpu.memory_space<vmem>>
    %dma_start3A_265 = tpu.memref_squeeze %dma_start3A_264 : memref<1x1280xi32, #tpu.memory_space<vmem>> -> memref<1280xi32, #tpu.memory_space<vmem>>
    %dma_start3A_266 = tpu.memref_slice %arg2[%add3A_254] : memref<819200xi32, #tpu.memory_space<hbm>> -> memref<1280xi32, #tpu.memory_space<hbm>>
    tpu.enqueue_dma source(%dma_start3A_266 : memref<1280xi32, #tpu.memory_space<hbm>>) target(%dma_start3A_265 : memref<1280xi32, #tpu.memory_space<vmem>>) target_semaphore(%dma_start3A_262 : memref<!tpu.dma_semaphore, #tpu.memory_space<semaphore_mem>>)
    %dma_wait3A_267 = arith.constant 1 : i32
    %dma_wait3A_268 = arith.constant 1 : i32
    %dma_wait3A_269 = arith.constant 0 : i32
    %dma_wait3A_270 = tpu.memref_slice %arg5[%dma_wait3A_267, %dma_wait3A_269] : memref<2x1280xi32, #tpu.memory_space<vmem>> -> memref<1x1280xi32, #tpu.memory_space<vmem>>
    %dma_wait3A_271 = tpu.memref_squeeze %dma_wait3A_270 : memref<1x1280xi32, #tpu.memory_space<vmem>> -> memref<1280xi32, #tpu.memory_space<vmem>>
    %dma_wait3A_272 = tpu.memref_slice %arg2[%add3A_164] : memref<819200xi32, #tpu.memory_space<hbm>> -> memref<1280xi32, #tpu.memory_space<hbm>>
    %dma_wait3A_273 = tpu.memref_slice %arg7[%dma_wait3A_268] : memref<2x!tpu.dma_semaphore, #tpu.memory_space<semaphore_mem>> -> memref<1x!tpu.dma_semaphore, #tpu.memory_space<semaphore_mem>>
    %dma_wait3A_274 = tpu.memref_squeeze %dma_wait3A_273 : memref<1x!tpu.dma_semaphore, #tpu.memory_space<semaphore_mem>> -> memref<!tpu.dma_semaphore, #tpu.memory_space<semaphore_mem>>
    %dma_wait3A_275 = arith.constant 0 : i32
    %dma_wait3A_276 = tpu.memref_slice %arg5[%dma_wait3A_267, %dma_wait3A_275] : memref<2x1280xi32, #tpu.memory_space<vmem>> -> memref<1x1280xi32, #tpu.memory_space<vmem>>
    %dma_wait3A_277 = tpu.memref_squeeze %dma_wait3A_276 : memref<1x1280xi32, #tpu.memory_space<vmem>> -> memref<1280xi32, #tpu.memory_space<vmem>>
    %dma_wait3A_278 = tpu.memref_slice %arg2[%add3A_164] : memref<819200xi32, #tpu.memory_space<hbm>> -> memref<1280xi32, #tpu.memory_space<hbm>>
    tpu.wait_dma2 semaphore(%dma_wait3A_274 : memref<!tpu.dma_semaphore, #tpu.memory_space<semaphore_mem>>) src(%dma_wait3A_278 : memref<1280xi32, #tpu.memory_space<hbm>>) dst(%dma_wait3A_277 : memref<1280xi32, #tpu.memory_space<vmem>>)
    %dma_wait3A_279 = arith.constant 1 : i32
    %dma_wait3A_280 = arith.constant 1 : i32
    %dma_wait3A_281 = arith.constant 0 : i32
    %dma_wait3A_282 = arith.constant 0 : i32
    %dma_wait3A_283 = tpu.memref_slice %arg6[%dma_wait3A_279, %dma_wait3A_281, %dma_wait3A_282] : memref<2x1280x32xf32, #tpu.memory_space<vmem>> -> memref<1x1280x32xf32, #tpu.memory_space<vmem>>
    %dma_wait3A_284 = tpu.memref_squeeze %dma_wait3A_283 : memref<1x1280x32xf32, #tpu.memory_space<vmem>> -> memref<1280x32xf32, #tpu.memory_space<vmem>>
    %dma_wait3A_285 = arith.constant 0 : i32
    %dma_wait3A_286 = tpu.memref_slice %arg4[%add3A_146, %dma_wait3A_285] : memref<819200x32xf32, #tpu.memory_space<hbm>> -> memref<1280x32xf32, #tpu.memory_space<hbm>>
    %dma_wait3A_287 = tpu.memref_slice %arg9[%dma_wait3A_280] : memref<2x!tpu.dma_semaphore, #tpu.memory_space<semaphore_mem>> -> memref<1x!tpu.dma_semaphore, #tpu.memory_space<semaphore_mem>>
    %dma_wait3A_288 = tpu.memref_squeeze %dma_wait3A_287 : memref<1x!tpu.dma_semaphore, #tpu.memory_space<semaphore_mem>> -> memref<!tpu.dma_semaphore, #tpu.memory_space<semaphore_mem>>
    %dma_wait3A_289 = arith.constant 0 : i32
    %dma_wait3A_290 = tpu.memref_slice %arg4[%add3A_146, %dma_wait3A_289] : memref<819200x32xf32, #tpu.memory_space<hbm>> -> memref<1280x32xf32, #tpu.memory_space<hbm>>
    %dma_wait3A_291 = arith.constant 0 : i32
    %dma_wait3A_292 = arith.constant 0 : i32
    %dma_wait3A_293 = tpu.memref_slice %arg6[%dma_wait3A_279, %dma_wait3A_291, %dma_wait3A_292] : memref<2x1280x32xf32, #tpu.memory_space<vmem>> -> memref<1x1280x32xf32, #tpu.memory_space<vmem>>
    %dma_wait3A_294 = tpu.memref_squeeze %dma_wait3A_293 : memref<1x1280x32xf32, #tpu.memory_space<vmem>> -> memref<1280x32xf32, #tpu.memory_space<vmem>>
    tpu.wait_dma2 semaphore(%dma_wait3A_288 : memref<!tpu.dma_semaphore, #tpu.memory_space<semaphore_mem>>) src(%dma_wait3A_294 : memref<1280x32xf32, #tpu.memory_space<vmem>>) dst(%dma_wait3A_290 : memref<1280x32xf32, #tpu.memory_space<hbm>>)
    %dma_start3A_295 = arith.constant 1 : i32
    %dma_start3A_296 = arith.constant 1 : i32
    %dma_start3A_297 = arith.constant 1 : i32
    %dma_start3A_298 = arith.constant 0 : i32
    %dma_start3A_299 = arith.constant 0 : i32
    %dma_start3A_300 = tpu.memref_slice %arg6[%dma_start3A_296, %dma_start3A_298, %dma_start3A_299] : memref<2x1280x32xf32, #tpu.memory_space<vmem>> -> memref<1x1280x32xf32, #tpu.memory_space<vmem>>
    %dma_start3A_301 = tpu.memref_squeeze %dma_start3A_300 : memref<1x1280x32xf32, #tpu.memory_space<vmem>> -> memref<1280x32xf32, #tpu.memory_space<vmem>>
    %dma_start3A_302 = arith.constant 0 : i32
    %dma_start3A_303 = tpu.memref_slice %arg5[%dma_start3A_295, %dma_start3A_302] : memref<2x1280xi32, #tpu.memory_space<vmem>> -> memref<1x1280xi32, #tpu.memory_space<vmem>>
    %dma_start3A_304 = tpu.memref_squeeze %dma_start3A_303 : memref<1x1280xi32, #tpu.memory_space<vmem>> -> memref<1280xi32, #tpu.memory_space<vmem>>
    %dma_start3A_305 = arith.constant 0 : i32
    %dma_start3A_306 = arith.constant 0 : i32
    %dma_start3A_307 = tpu.memref_slice %arg3[%dma_start3A_305, %dma_start3A_306] : memref<1000000x32xf32, #tpu.memory_space<hbm>> -> memref<1000000x32xf32, #tpu.memory_space<hbm>>
    %dma_start3A_308 = tpu.memref_slice %arg8[%dma_start3A_297] : memref<2x!tpu.dma_semaphore, #tpu.memory_space<semaphore_mem>> -> memref<1x!tpu.dma_semaphore, #tpu.memory_space<semaphore_mem>>
    %dma_start3A_309 = tpu.memref_squeeze %dma_start3A_308 : memref<1x!tpu.dma_semaphore, #tpu.memory_space<semaphore_mem>> -> memref<!tpu.dma_semaphore, #tpu.memory_space<semaphore_mem>>
    tpu.enqueue_indirect_dma source(%dma_start3A_307 : memref<1000000x32xf32, #tpu.memory_space<hbm>>) target(%dma_start3A_301 : memref<1280x32xf32, #tpu.memory_space<vmem>>) offsets(%dma_start3A_304 : memref<1280xi32, #tpu.memory_space<vmem>>) semaphore(%dma_start3A_309 : memref<!tpu.dma_semaphore, #tpu.memory_space<semaphore_mem>>)
    %dma_wait3A_310 = arith.constant 1 : i32
    %dma_wait3A_311 = arith.constant 1 : i32
    %dma_wait3A_312 = arith.constant 1 : i32
    %dma_wait3A_313 = arith.constant 0 : i32
    %dma_wait3A_314 = arith.constant 0 : i32
    %dma_wait3A_315 = tpu.memref_slice %arg6[%dma_wait3A_311, %dma_wait3A_313, %dma_wait3A_314] : memref<2x1280x32xf32, #tpu.memory_space<vmem>> -> memref<1x1280x32xf32, #tpu.memory_space<vmem>>
    %dma_wait3A_316 = tpu.memref_squeeze %dma_wait3A_315 : memref<1x1280x32xf32, #tpu.memory_space<vmem>> -> memref<1280x32xf32, #tpu.memory_space<vmem>>
    %dma_wait3A_317 = arith.constant 0 : i32
    %dma_wait3A_318 = tpu.memref_slice %arg5[%dma_wait3A_310, %dma_wait3A_317] : memref<2x1280xi32, #tpu.memory_space<vmem>> -> memref<1x1280xi32, #tpu.memory_space<vmem>>
    %dma_wait3A_319 = tpu.memref_squeeze %dma_wait3A_318 : memref<1x1280xi32, #tpu.memory_space<vmem>> -> memref<1280xi32, #tpu.memory_space<vmem>>
    %dma_wait3A_320 = arith.constant 0 : i32
    %dma_wait3A_321 = arith.constant 0 : i32
    %dma_wait3A_322 = tpu.memref_slice %arg3[%dma_wait3A_320, %dma_wait3A_321] : memref<1000000x32xf32, #tpu.memory_space<hbm>> -> memref<1000000x32xf32, #tpu.memory_space<hbm>>
    %dma_wait3A_323 = tpu.memref_slice %arg8[%dma_wait3A_312] : memref<2x!tpu.dma_semaphore, #tpu.memory_space<semaphore_mem>> -> memref<1x!tpu.dma_semaphore, #tpu.memory_space<semaphore_mem>>
    %dma_wait3A_324 = tpu.memref_squeeze %dma_wait3A_323 : memref<1x!tpu.dma_semaphore, #tpu.memory_space<semaphore_mem>> -> memref<!tpu.dma_semaphore, #tpu.memory_space<semaphore_mem>>
    tpu.wait_indirect_dma semaphore(%dma_wait3A_324 : memref<!tpu.dma_semaphore, #tpu.memory_space<semaphore_mem>>) src(%dma_wait3A_322 : memref<1000000x32xf32, #tpu.memory_space<hbm>>) dst(%dma_wait3A_316 : memref<1280x32xf32, #tpu.memory_space<vmem>>)
    %add3A_325 = arith.constant 3840 : i32
    %add3A_326 = arith.addi %mul3A_2, %add3A_325 : i32
    %dma_start3A_327 = arith.constant 1 : i32
    %dma_start3A_328 = arith.constant 1 : i32
    %dma_start3A_329 = arith.constant 0 : i32
    %dma_start3A_330 = arith.constant 0 : i32
    %dma_start3A_331 = tpu.memref_slice %arg6[%dma_start3A_327, %dma_start3A_329, %dma_start3A_330] : memref<2x1280x32xf32, #tpu.memory_space<vmem>> -> memref<1x1280x32xf32, #tpu.memory_space<vmem>>
    %dma_start3A_332 = tpu.memref_squeeze %dma_start3A_331 : memref<1x1280x32xf32, #tpu.memory_space<vmem>> -> memref<1280x32xf32, #tpu.memory_space<vmem>>
    %dma_start3A_333 = arith.constant 0 : i32
    %dma_start3A_334 = tpu.memref_slice %arg4[%add3A_326, %dma_start3A_333] : memref<819200x32xf32, #tpu.memory_space<hbm>> -> memref<1280x32xf32, #tpu.memory_space<hbm>>
    %dma_start3A_335 = tpu.memref_slice %arg9[%dma_start3A_328] : memref<2x!tpu.dma_semaphore, #tpu.memory_space<semaphore_mem>> -> memref<1x!tpu.dma_semaphore, #tpu.memory_space<semaphore_mem>>
    %dma_start3A_336 = tpu.memref_squeeze %dma_start3A_335 : memref<1x!tpu.dma_semaphore, #tpu.memory_space<semaphore_mem>> -> memref<!tpu.dma_semaphore, #tpu.memory_space<semaphore_mem>>
    %dma_start3A_337 = arith.constant 0 : i32
    %dma_start3A_338 = tpu.memref_slice %arg4[%add3A_326, %dma_start3A_337] : memref<819200x32xf32, #tpu.memory_space<hbm>> -> memref<1280x32xf32, #tpu.memory_space<hbm>>
    %dma_start3A_339 = arith.constant 0 : i32
    %dma_start3A_340 = arith.constant 0 : i32
    %dma_start3A_341 = tpu.memref_slice %arg6[%dma_start3A_327, %dma_start3A_339, %dma_start3A_340] : memref<2x1280x32xf32, #tpu.memory_space<vmem>> -> memref<1x1280x32xf32, #tpu.memory_space<vmem>>
    %dma_start3A_342 = tpu.memref_squeeze %dma_start3A_341 : memref<1x1280x32xf32, #tpu.memory_space<vmem>> -> memref<1280x32xf32, #tpu.memory_space<vmem>>
    tpu.enqueue_dma source(%dma_start3A_342 : memref<1280x32xf32, #tpu.memory_space<vmem>>) target(%dma_start3A_338 : memref<1280x32xf32, #tpu.memory_space<hbm>>) target_semaphore(%dma_start3A_336 : memref<!tpu.dma_semaphore, #tpu.memory_space<semaphore_mem>>)
    %add3A_343 = arith.constant 6400 : i32
    %add3A_344 = arith.addi %mul3A_2, %add3A_343 : i32
    %dma_start3A_345 = arith.constant 1 : i32
    %dma_start3A_346 = arith.constant 1 : i32
    %dma_start3A_347 = arith.constant 0 : i32
    %dma_start3A_348 = tpu.memref_slice %arg5[%dma_start3A_345, %dma_start3A_347] : memref<2x1280xi32, #tpu.memory_space<vmem>> -> memref<1x1280xi32, #tpu.memory_space<vmem>>
    %dma_start3A_349 = tpu.memref_squeeze %dma_start3A_348 : memref<1x1280xi32, #tpu.memory_space<vmem>> -> memref<1280xi32, #tpu.memory_space<vmem>>
    %dma_start3A_350 = tpu.memref_slice %arg2[%add3A_344] : memref<819200xi32, #tpu.memory_space<hbm>> -> memref<1280xi32, #tpu.memory_space<hbm>>
    %dma_start3A_351 = tpu.memref_slice %arg7[%dma_start3A_346] : memref<2x!tpu.dma_semaphore, #tpu.memory_space<semaphore_mem>> -> memref<1x!tpu.dma_semaphore, #tpu.memory_space<semaphore_mem>>
    %dma_start3A_352 = tpu.memref_squeeze %dma_start3A_351 : memref<1x!tpu.dma_semaphore, #tpu.memory_space<semaphore_mem>> -> memref<!tpu.dma_semaphore, #tpu.memory_space<semaphore_mem>>
    %dma_start3A_353 = arith.constant 0 : i32
    %dma_start3A_354 = tpu.memref_slice %arg5[%dma_start3A_345, %dma_start3A_353] : memref<2x1280xi32, #tpu.memory_space<vmem>> -> memref<1x1280xi32, #tpu.memory_space<vmem>>
    %dma_start3A_355 = tpu.memref_squeeze %dma_start3A_354 : memref<1x1280xi32, #tpu.memory_space<vmem>> -> memref<1280xi32, #tpu.memory_space<vmem>>
    %dma_start3A_356 = tpu.memref_slice %arg2[%add3A_344] : memref<819200xi32, #tpu.memory_space<hbm>> -> memref<1280xi32, #tpu.memory_space<hbm>>
    tpu.enqueue_dma source(%dma_start3A_356 : memref<1280xi32, #tpu.memory_space<hbm>>) target(%dma_start3A_355 : memref<1280xi32, #tpu.memory_space<vmem>>) target_semaphore(%dma_start3A_352 : memref<!tpu.dma_semaphore, #tpu.memory_space<semaphore_mem>>)
    %dma_wait3A_357 = arith.constant 0 : i32
    %dma_wait3A_358 = arith.constant 0 : i32
    %dma_wait3A_359 = arith.constant 0 : i32
    %dma_wait3A_360 = tpu.memref_slice %arg5[%dma_wait3A_357, %dma_wait3A_359] : memref<2x1280xi32, #tpu.memory_space<vmem>> -> memref<1x1280xi32, #tpu.memory_space<vmem>>
    %dma_wait3A_361 = tpu.memref_squeeze %dma_wait3A_360 : memref<1x1280xi32, #tpu.memory_space<vmem>> -> memref<1280xi32, #tpu.memory_space<vmem>>
    %dma_wait3A_362 = tpu.memref_slice %arg2[%add3A_254] : memref<819200xi32, #tpu.memory_space<hbm>> -> memref<1280xi32, #tpu.memory_space<hbm>>
    %dma_wait3A_363 = tpu.memref_slice %arg7[%dma_wait3A_358] : memref<2x!tpu.dma_semaphore, #tpu.memory_space<semaphore_mem>> -> memref<1x!tpu.dma_semaphore, #tpu.memory_space<semaphore_mem>>
    %dma_wait3A_364 = tpu.memref_squeeze %dma_wait3A_363 : memref<1x!tpu.dma_semaphore, #tpu.memory_space<semaphore_mem>> -> memref<!tpu.dma_semaphore, #tpu.memory_space<semaphore_mem>>
    %dma_wait3A_365 = arith.constant 0 : i32
    %dma_wait3A_366 = tpu.memref_slice %arg5[%dma_wait3A_357, %dma_wait3A_365] : memref<2x1280xi32, #tpu.memory_space<vmem>> -> memref<1x1280xi32, #tpu.memory_space<vmem>>
    %dma_wait3A_367 = tpu.memref_squeeze %dma_wait3A_366 : memref<1x1280xi32, #tpu.memory_space<vmem>> -> memref<1280xi32, #tpu.memory_space<vmem>>
    %dma_wait3A_368 = tpu.memref_slice %arg2[%add3A_254] : memref<819200xi32, #tpu.memory_space<hbm>> -> memref<1280xi32, #tpu.memory_space<hbm>>
    tpu.wait_dma2 semaphore(%dma_wait3A_364 : memref<!tpu.dma_semaphore, #tpu.memory_space<semaphore_mem>>) src(%dma_wait3A_368 : memref<1280xi32, #tpu.memory_space<hbm>>) dst(%dma_wait3A_367 : memref<1280xi32, #tpu.memory_space<vmem>>)
    %dma_wait3A_369 = arith.constant 0 : i32
    %dma_wait3A_370 = arith.constant 0 : i32
    %dma_wait3A_371 = arith.constant 0 : i32
    %dma_wait3A_372 = arith.constant 0 : i32
    %dma_wait3A_373 = tpu.memref_slice %arg6[%dma_wait3A_369, %dma_wait3A_371, %dma_wait3A_372] : memref<2x1280x32xf32, #tpu.memory_space<vmem>> -> memref<1x1280x32xf32, #tpu.memory_space<vmem>>
    %dma_wait3A_374 = tpu.memref_squeeze %dma_wait3A_373 : memref<1x1280x32xf32, #tpu.memory_space<vmem>> -> memref<1280x32xf32, #tpu.memory_space<vmem>>
    %dma_wait3A_375 = arith.constant 0 : i32
    %dma_wait3A_376 = tpu.memref_slice %arg4[%add3A_236, %dma_wait3A_375] : memref<819200x32xf32, #tpu.memory_space<hbm>> -> memref<1280x32xf32, #tpu.memory_space<hbm>>
    %dma_wait3A_377 = tpu.memref_slice %arg9[%dma_wait3A_370] : memref<2x!tpu.dma_semaphore, #tpu.memory_space<semaphore_mem>> -> memref<1x!tpu.dma_semaphore, #tpu.memory_space<semaphore_mem>>
    %dma_wait3A_378 = tpu.memref_squeeze %dma_wait3A_377 : memref<1x!tpu.dma_semaphore, #tpu.memory_space<semaphore_mem>> -> memref<!tpu.dma_semaphore, #tpu.memory_space<semaphore_mem>>
    %dma_wait3A_379 = arith.constant 0 : i32
    %dma_wait3A_380 = tpu.memref_slice %arg4[%add3A_236, %dma_wait3A_379] : memref<819200x32xf32, #tpu.memory_space<hbm>> -> memref<1280x32xf32, #tpu.memory_space<hbm>>
    %dma_wait3A_381 = arith.constant 0 : i32
    %dma_wait3A_382 = arith.constant 0 : i32
    %dma_wait3A_383 = tpu.memref_slice %arg6[%dma_wait3A_369, %dma_wait3A_381, %dma_wait3A_382] : memref<2x1280x32xf32, #tpu.memory_space<vmem>> -> memref<1x1280x32xf32, #tpu.memory_space<vmem>>
    %dma_wait3A_384 = tpu.memref_squeeze %dma_wait3A_383 : memref<1x1280x32xf32, #tpu.memory_space<vmem>> -> memref<1280x32xf32, #tpu.memory_space<vmem>>
    tpu.wait_dma2 semaphore(%dma_wait3A_378 : memref<!tpu.dma_semaphore, #tpu.memory_space<semaphore_mem>>) src(%dma_wait3A_384 : memref<1280x32xf32, #tpu.memory_space<vmem>>) dst(%dma_wait3A_380 : memref<1280x32xf32, #tpu.memory_space<hbm>>)
    %dma_start3A_385 = arith.constant 0 : i32
    %dma_start3A_386 = arith.constant 0 : i32
    %dma_start3A_387 = arith.constant 0 : i32
    %dma_start3A_388 = arith.constant 0 : i32
    %dma_start3A_389 = arith.constant 0 : i32
    %dma_start3A_390 = tpu.memref_slice %arg6[%dma_start3A_386, %dma_start3A_388, %dma_start3A_389] : memref<2x1280x32xf32, #tpu.memory_space<vmem>> -> memref<1x1280x32xf32, #tpu.memory_space<vmem>>
    %dma_start3A_391 = tpu.memref_squeeze %dma_start3A_390 : memref<1x1280x32xf32, #tpu.memory_space<vmem>> -> memref<1280x32xf32, #tpu.memory_space<vmem>>
    %dma_start3A_392 = arith.constant 0 : i32
    %dma_start3A_393 = tpu.memref_slice %arg5[%dma_start3A_385, %dma_start3A_392] : memref<2x1280xi32, #tpu.memory_space<vmem>> -> memref<1x1280xi32, #tpu.memory_space<vmem>>
    %dma_start3A_394 = tpu.memref_squeeze %dma_start3A_393 : memref<1x1280xi32, #tpu.memory_space<vmem>> -> memref<1280xi32, #tpu.memory_space<vmem>>
    %dma_start3A_395 = arith.constant 0 : i32
    %dma_start3A_396 = arith.constant 0 : i32
    %dma_start3A_397 = tpu.memref_slice %arg3[%dma_start3A_395, %dma_start3A_396] : memref<1000000x32xf32, #tpu.memory_space<hbm>> -> memref<1000000x32xf32, #tpu.memory_space<hbm>>
    %dma_start3A_398 = tpu.memref_slice %arg8[%dma_start3A_387] : memref<2x!tpu.dma_semaphore, #tpu.memory_space<semaphore_mem>> -> memref<1x!tpu.dma_semaphore, #tpu.memory_space<semaphore_mem>>
    %dma_start3A_399 = tpu.memref_squeeze %dma_start3A_398 : memref<1x!tpu.dma_semaphore, #tpu.memory_space<semaphore_mem>> -> memref<!tpu.dma_semaphore, #tpu.memory_space<semaphore_mem>>
    tpu.enqueue_indirect_dma source(%dma_start3A_397 : memref<1000000x32xf32, #tpu.memory_space<hbm>>) target(%dma_start3A_391 : memref<1280x32xf32, #tpu.memory_space<vmem>>) offsets(%dma_start3A_394 : memref<1280xi32, #tpu.memory_space<vmem>>) semaphore(%dma_start3A_399 : memref<!tpu.dma_semaphore, #tpu.memory_space<semaphore_mem>>)
    %dma_wait3A_400 = arith.constant 0 : i32
    %dma_wait3A_401 = arith.constant 0 : i32
    %dma_wait3A_402 = arith.constant 0 : i32
    %dma_wait3A_403 = arith.constant 0 : i32
    %dma_wait3A_404 = arith.constant 0 : i32
    %dma_wait3A_405 = tpu.memref_slice %arg6[%dma_wait3A_401, %dma_wait3A_403, %dma_wait3A_404] : memref<2x1280x32xf32, #tpu.memory_space<vmem>> -> memref<1x1280x32xf32, #tpu.memory_space<vmem>>
    %dma_wait3A_406 = tpu.memref_squeeze %dma_wait3A_405 : memref<1x1280x32xf32, #tpu.memory_space<vmem>> -> memref<1280x32xf32, #tpu.memory_space<vmem>>
    %dma_wait3A_407 = arith.constant 0 : i32
    %dma_wait3A_408 = tpu.memref_slice %arg5[%dma_wait3A_400, %dma_wait3A_407] : memref<2x1280xi32, #tpu.memory_space<vmem>> -> memref<1x1280xi32, #tpu.memory_space<vmem>>
    %dma_wait3A_409 = tpu.memref_squeeze %dma_wait3A_408 : memref<1x1280xi32, #tpu.memory_space<vmem>> -> memref<1280xi32, #tpu.memory_space<vmem>>
    %dma_wait3A_410 = arith.constant 0 : i32
    %dma_wait3A_411 = arith.constant 0 : i32
    %dma_wait3A_412 = tpu.memref_slice %arg3[%dma_wait3A_410, %dma_wait3A_411] : memref<1000000x32xf32, #tpu.memory_space<hbm>> -> memref<1000000x32xf32, #tpu.memory_space<hbm>>
    %dma_wait3A_413 = tpu.memref_slice %arg8[%dma_wait3A_402] : memref<2x!tpu.dma_semaphore, #tpu.memory_space<semaphore_mem>> -> memref<1x!tpu.dma_semaphore, #tpu.memory_space<semaphore_mem>>
    %dma_wait3A_414 = tpu.memref_squeeze %dma_wait3A_413 : memref<1x!tpu.dma_semaphore, #tpu.memory_space<semaphore_mem>> -> memref<!tpu.dma_semaphore, #tpu.memory_space<semaphore_mem>>
    tpu.wait_indirect_dma semaphore(%dma_wait3A_414 : memref<!tpu.dma_semaphore, #tpu.memory_space<semaphore_mem>>) src(%dma_wait3A_412 : memref<1000000x32xf32, #tpu.memory_space<hbm>>) dst(%dma_wait3A_406 : memref<1280x32xf32, #tpu.memory_space<vmem>>)
    %add3A_415 = arith.constant 5120 : i32
    %add3A_416 = arith.addi %mul3A_2, %add3A_415 : i32
    %dma_start3A_417 = arith.constant 0 : i32
    %dma_start3A_418 = arith.constant 0 : i32
    %dma_start3A_419 = arith.constant 0 : i32
    %dma_start3A_420 = arith.constant 0 : i32
    %dma_start3A_421 = tpu.memref_slice %arg6[%dma_start3A_417, %dma_start3A_419, %dma_start3A_420] : memref<2x1280x32xf32, #tpu.memory_space<vmem>> -> memref<1x1280x32xf32, #tpu.memory_space<vmem>>
    %dma_start3A_422 = tpu.memref_squeeze %dma_start3A_421 : memref<1x1280x32xf32, #tpu.memory_space<vmem>> -> memref<1280x32xf32, #tpu.memory_space<vmem>>
    %dma_start3A_423 = arith.constant 0 : i32
    %dma_start3A_424 = tpu.memref_slice %arg4[%add3A_416, %dma_start3A_423] : memref<819200x32xf32, #tpu.memory_space<hbm>> -> memref<1280x32xf32, #tpu.memory_space<hbm>>
    %dma_start3A_425 = tpu.memref_slice %arg9[%dma_start3A_418] : memref<2x!tpu.dma_semaphore, #tpu.memory_space<semaphore_mem>> -> memref<1x!tpu.dma_semaphore, #tpu.memory_space<semaphore_mem>>
    %dma_start3A_426 = tpu.memref_squeeze %dma_start3A_425 : memref<1x!tpu.dma_semaphore, #tpu.memory_space<semaphore_mem>> -> memref<!tpu.dma_semaphore, #tpu.memory_space<semaphore_mem>>
    %dma_start3A_427 = arith.constant 0 : i32
    %dma_start3A_428 = tpu.memref_slice %arg4[%add3A_416, %dma_start3A_427] : memref<819200x32xf32, #tpu.memory_space<hbm>> -> memref<1280x32xf32, #tpu.memory_space<hbm>>
    %dma_start3A_429 = arith.constant 0 : i32
    %dma_start3A_430 = arith.constant 0 : i32
    %dma_start3A_431 = tpu.memref_slice %arg6[%dma_start3A_417, %dma_start3A_429, %dma_start3A_430] : memref<2x1280x32xf32, #tpu.memory_space<vmem>> -> memref<1x1280x32xf32, #tpu.memory_space<vmem>>
    %dma_start3A_432 = tpu.memref_squeeze %dma_start3A_431 : memref<1x1280x32xf32, #tpu.memory_space<vmem>> -> memref<1280x32xf32, #tpu.memory_space<vmem>>
    tpu.enqueue_dma source(%dma_start3A_432 : memref<1280x32xf32, #tpu.memory_space<vmem>>) target(%dma_start3A_428 : memref<1280x32xf32, #tpu.memory_space<hbm>>) target_semaphore(%dma_start3A_426 : memref<!tpu.dma_semaphore, #tpu.memory_space<semaphore_mem>>)
    %add3A_433 = arith.constant 7680 : i32
    %add3A_434 = arith.addi %mul3A_2, %add3A_433 : i32
    %dma_start3A_435 = arith.constant 0 : i32
    %dma_start3A_436 = arith.constant 0 : i32
    %dma_start3A_437 = arith.constant 0 : i32
    %dma_start3A_438 = tpu.memref_slice %arg5[%dma_start3A_435, %dma_start3A_437] : memref<2x1280xi32, #tpu.memory_space<vmem>> -> memref<1x1280xi32, #tpu.memory_space<vmem>>
    %dma_start3A_439 = tpu.memref_squeeze %dma_start3A_438 : memref<1x1280xi32, #tpu.memory_space<vmem>> -> memref<1280xi32, #tpu.memory_space<vmem>>
    %dma_start3A_440 = tpu.memref_slice %arg2[%add3A_434] : memref<819200xi32, #tpu.memory_space<hbm>> -> memref<1280xi32, #tpu.memory_space<hbm>>
    %dma_start3A_441 = tpu.memref_slice %arg7[%dma_start3A_436] : memref<2x!tpu.dma_semaphore, #tpu.memory_space<semaphore_mem>> -> memref<1x!tpu.dma_semaphore, #tpu.memory_space<semaphore_mem>>
    %dma_start3A_442 = tpu.memref_squeeze %dma_start3A_441 : memref<1x!tpu.dma_semaphore, #tpu.memory_space<semaphore_mem>> -> memref<!tpu.dma_semaphore, #tpu.memory_space<semaphore_mem>>
    %dma_start3A_443 = arith.constant 0 : i32
    %dma_start3A_444 = tpu.memref_slice %arg5[%dma_start3A_435, %dma_start3A_443] : memref<2x1280xi32, #tpu.memory_space<vmem>> -> memref<1x1280xi32, #tpu.memory_space<vmem>>
    %dma_start3A_445 = tpu.memref_squeeze %dma_start3A_444 : memref<1x1280xi32, #tpu.memory_space<vmem>> -> memref<1280xi32, #tpu.memory_space<vmem>>
    %dma_start3A_446 = tpu.memref_slice %arg2[%add3A_434] : memref<819200xi32, #tpu.memory_space<hbm>> -> memref<1280xi32, #tpu.memory_space<hbm>>
    tpu.enqueue_dma source(%dma_start3A_446 : memref<1280xi32, #tpu.memory_space<hbm>>) target(%dma_start3A_445 : memref<1280xi32, #tpu.memory_space<vmem>>) target_semaphore(%dma_start3A_442 : memref<!tpu.dma_semaphore, #tpu.memory_space<semaphore_mem>>)
    %dma_wait3A_447 = arith.constant 1 : i32
    %dma_wait3A_448 = arith.constant 1 : i32
    %dma_wait3A_449 = arith.constant 0 : i32
    %dma_wait3A_450 = tpu.memref_slice %arg5[%dma_wait3A_447, %dma_wait3A_449] : memref<2x1280xi32, #tpu.memory_space<vmem>> -> memref<1x1280xi32, #tpu.memory_space<vmem>>
    %dma_wait3A_451 = tpu.memref_squeeze %dma_wait3A_450 : memref<1x1280xi32, #tpu.memory_space<vmem>> -> memref<1280xi32, #tpu.memory_space<vmem>>
    %dma_wait3A_452 = tpu.memref_slice %arg2[%add3A_344] : memref<819200xi32, #tpu.memory_space<hbm>> -> memref<1280xi32, #tpu.memory_space<hbm>>
    %dma_wait3A_453 = tpu.memref_slice %arg7[%dma_wait3A_448] : memref<2x!tpu.dma_semaphore, #tpu.memory_space<semaphore_mem>> -> memref<1x!tpu.dma_semaphore, #tpu.memory_space<semaphore_mem>>
    %dma_wait3A_454 = tpu.memref_squeeze %dma_wait3A_453 : memref<1x!tpu.dma_semaphore, #tpu.memory_space<semaphore_mem>> -> memref<!tpu.dma_semaphore, #tpu.memory_space<semaphore_mem>>
    %dma_wait3A_455 = arith.constant 0 : i32
    %dma_wait3A_456 = tpu.memref_slice %arg5[%dma_wait3A_447, %dma_wait3A_455] : memref<2x1280xi32, #tpu.memory_space<vmem>> -> memref<1x1280xi32, #tpu.memory_space<vmem>>
    %dma_wait3A_457 = tpu.memref_squeeze %dma_wait3A_456 : memref<1x1280xi32, #tpu.memory_space<vmem>> -> memref<1280xi32, #tpu.memory_space<vmem>>
    %dma_wait3A_458 = tpu.memref_slice %arg2[%add3A_344] : memref<819200xi32, #tpu.memory_space<hbm>> -> memref<1280xi32, #tpu.memory_space<hbm>>
    tpu.wait_dma2 semaphore(%dma_wait3A_454 : memref<!tpu.dma_semaphore, #tpu.memory_space<semaphore_mem>>) src(%dma_wait3A_458 : memref<1280xi32, #tpu.memory_space<hbm>>) dst(%dma_wait3A_457 : memref<1280xi32, #tpu.memory_space<vmem>>)
    %dma_wait3A_459 = arith.constant 1 : i32
    %dma_wait3A_460 = arith.constant 1 : i32
    %dma_wait3A_461 = arith.constant 0 : i32
    %dma_wait3A_462 = arith.constant 0 : i32
    %dma_wait3A_463 = tpu.memref_slice %arg6[%dma_wait3A_459, %dma_wait3A_461, %dma_wait3A_462] : memref<2x1280x32xf32, #tpu.memory_space<vmem>> -> memref<1x1280x32xf32, #tpu.memory_space<vmem>>
    %dma_wait3A_464 = tpu.memref_squeeze %dma_wait3A_463 : memref<1x1280x32xf32, #tpu.memory_space<vmem>> -> memref<1280x32xf32, #tpu.memory_space<vmem>>
    %dma_wait3A_465 = arith.constant 0 : i32
    %dma_wait3A_466 = tpu.memref_slice %arg4[%add3A_326, %dma_wait3A_465] : memref<819200x32xf32, #tpu.memory_space<hbm>> -> memref<1280x32xf32, #tpu.memory_space<hbm>>
    %dma_wait3A_467 = tpu.memref_slice %arg9[%dma_wait3A_460] : memref<2x!tpu.dma_semaphore, #tpu.memory_space<semaphore_mem>> -> memref<1x!tpu.dma_semaphore, #tpu.memory_space<semaphore_mem>>
    %dma_wait3A_468 = tpu.memref_squeeze %dma_wait3A_467 : memref<1x!tpu.dma_semaphore, #tpu.memory_space<semaphore_mem>> -> memref<!tpu.dma_semaphore, #tpu.memory_space<semaphore_mem>>
    %dma_wait3A_469 = arith.constant 0 : i32
    %dma_wait3A_470 = tpu.memref_slice %arg4[%add3A_326, %dma_wait3A_469] : memref<819200x32xf32, #tpu.memory_space<hbm>> -> memref<1280x32xf32, #tpu.memory_space<hbm>>
    %dma_wait3A_471 = arith.constant 0 : i32
    %dma_wait3A_472 = arith.constant 0 : i32
    %dma_wait3A_473 = tpu.memref_slice %arg6[%dma_wait3A_459, %dma_wait3A_471, %dma_wait3A_472] : memref<2x1280x32xf32, #tpu.memory_space<vmem>> -> memref<1x1280x32xf32, #tpu.memory_space<vmem>>
    %dma_wait3A_474 = tpu.memref_squeeze %dma_wait3A_473 : memref<1x1280x32xf32, #tpu.memory_space<vmem>> -> memref<1280x32xf32, #tpu.memory_space<vmem>>
    tpu.wait_dma2 semaphore(%dma_wait3A_468 : memref<!tpu.dma_semaphore, #tpu.memory_space<semaphore_mem>>) src(%dma_wait3A_474 : memref<1280x32xf32, #tpu.memory_space<vmem>>) dst(%dma_wait3A_470 : memref<1280x32xf32, #tpu.memory_space<hbm>>)
    %dma_start3A_475 = arith.constant 1 : i32
    %dma_start3A_476 = arith.constant 1 : i32
    %dma_start3A_477 = arith.constant 1 : i32
    %dma_start3A_478 = arith.constant 0 : i32
    %dma_start3A_479 = arith.constant 0 : i32
    %dma_start3A_480 = tpu.memref_slice %arg6[%dma_start3A_476, %dma_start3A_478, %dma_start3A_479] : memref<2x1280x32xf32, #tpu.memory_space<vmem>> -> memref<1x1280x32xf32, #tpu.memory_space<vmem>>
    %dma_start3A_481 = tpu.memref_squeeze %dma_start3A_480 : memref<1x1280x32xf32, #tpu.memory_space<vmem>> -> memref<1280x32xf32, #tpu.memory_space<vmem>>
    %dma_start3A_482 = arith.constant 0 : i32
    %dma_start3A_483 = tpu.memref_slice %arg5[%dma_start3A_475, %dma_start3A_482] : memref<2x1280xi32, #tpu.memory_space<vmem>> -> memref<1x1280xi32, #tpu.memory_space<vmem>>
    %dma_start3A_484 = tpu.memref_squeeze %dma_start3A_483 : memref<1x1280xi32, #tpu.memory_space<vmem>> -> memref<1280xi32, #tpu.memory_space<vmem>>
    %dma_start3A_485 = arith.constant 0 : i32
    %dma_start3A_486 = arith.constant 0 : i32
    %dma_start3A_487 = tpu.memref_slice %arg3[%dma_start3A_485, %dma_start3A_486] : memref<1000000x32xf32, #tpu.memory_space<hbm>> -> memref<1000000x32xf32, #tpu.memory_space<hbm>>
    %dma_start3A_488 = tpu.memref_slice %arg8[%dma_start3A_477] : memref<2x!tpu.dma_semaphore, #tpu.memory_space<semaphore_mem>> -> memref<1x!tpu.dma_semaphore, #tpu.memory_space<semaphore_mem>>
    %dma_start3A_489 = tpu.memref_squeeze %dma_start3A_488 : memref<1x!tpu.dma_semaphore, #tpu.memory_space<semaphore_mem>> -> memref<!tpu.dma_semaphore, #tpu.memory_space<semaphore_mem>>
    tpu.enqueue_indirect_dma source(%dma_start3A_487 : memref<1000000x32xf32, #tpu.memory_space<hbm>>) target(%dma_start3A_481 : memref<1280x32xf32, #tpu.memory_space<vmem>>) offsets(%dma_start3A_484 : memref<1280xi32, #tpu.memory_space<vmem>>) semaphore(%dma_start3A_489 : memref<!tpu.dma_semaphore, #tpu.memory_space<semaphore_mem>>)
    %dma_wait3A_490 = arith.constant 1 : i32
    %dma_wait3A_491 = arith.constant 1 : i32
    %dma_wait3A_492 = arith.constant 1 : i32
    %dma_wait3A_493 = arith.constant 0 : i32
    %dma_wait3A_494 = arith.constant 0 : i32
    %dma_wait3A_495 = tpu.memref_slice %arg6[%dma_wait3A_491, %dma_wait3A_493, %dma_wait3A_494] : memref<2x1280x32xf32, #tpu.memory_space<vmem>> -> memref<1x1280x32xf32, #tpu.memory_space<vmem>>
    %dma_wait3A_496 = tpu.memref_squeeze %dma_wait3A_495 : memref<1x1280x32xf32, #tpu.memory_space<vmem>> -> memref<1280x32xf32, #tpu.memory_space<vmem>>
    %dma_wait3A_497 = arith.constant 0 : i32
    %dma_wait3A_498 = tpu.memref_slice %arg5[%dma_wait3A_490, %dma_wait3A_497] : memref<2x1280xi32, #tpu.memory_space<vmem>> -> memref<1x1280xi32, #tpu.memory_space<vmem>>
    %dma_wait3A_499 = tpu.memref_squeeze %dma_wait3A_498 : memref<1x1280xi32, #tpu.memory_space<vmem>> -> memref<1280xi32, #tpu.memory_space<vmem>>
    %dma_wait3A_500 = arith.constant 0 : i32
    %dma_wait3A_501 = arith.constant 0 : i32
    %dma_wait3A_502 = tpu.memref_slice %arg3[%dma_wait3A_500, %dma_wait3A_501] : memref<1000000x32xf32, #tpu.memory_space<hbm>> -> memref<1000000x32xf32, #tpu.memory_space<hbm>>
    %dma_wait3A_503 = tpu.memref_slice %arg8[%dma_wait3A_492] : memref<2x!tpu.dma_semaphore, #tpu.memory_space<semaphore_mem>> -> memref<1x!tpu.dma_semaphore, #tpu.memory_space<semaphore_mem>>
    %dma_wait3A_504 = tpu.memref_squeeze %dma_wait3A_503 : memref<1x!tpu.dma_semaphore, #tpu.memory_space<semaphore_mem>> -> memref<!tpu.dma_semaphore, #tpu.memory_space<semaphore_mem>>
    tpu.wait_indirect_dma semaphore(%dma_wait3A_504 : memref<!tpu.dma_semaphore, #tpu.memory_space<semaphore_mem>>) src(%dma_wait3A_502 : memref<1000000x32xf32, #tpu.memory_space<hbm>>) dst(%dma_wait3A_496 : memref<1280x32xf32, #tpu.memory_space<vmem>>)
    %add3A_505 = arith.constant 6400 : i32
    %add3A_506 = arith.addi %mul3A_2, %add3A_505 : i32
    %dma_start3A_507 = arith.constant 1 : i32
    %dma_start3A_508 = arith.constant 1 : i32
    %dma_start3A_509 = arith.constant 0 : i32
    %dma_start3A_510 = arith.constant 0 : i32
    %dma_start3A_511 = tpu.memref_slice %arg6[%dma_start3A_507, %dma_start3A_509, %dma_start3A_510] : memref<2x1280x32xf32, #tpu.memory_space<vmem>> -> memref<1x1280x32xf32, #tpu.memory_space<vmem>>
    %dma_start3A_512 = tpu.memref_squeeze %dma_start3A_511 : memref<1x1280x32xf32, #tpu.memory_space<vmem>> -> memref<1280x32xf32, #tpu.memory_space<vmem>>
    %dma_start3A_513 = arith.constant 0 : i32
    %dma_start3A_514 = tpu.memref_slice %arg4[%add3A_506, %dma_start3A_513] : memref<819200x32xf32, #tpu.memory_space<hbm>> -> memref<1280x32xf32, #tpu.memory_space<hbm>>
    %dma_start3A_515 = tpu.memref_slice %arg9[%dma_start3A_508] : memref<2x!tpu.dma_semaphore, #tpu.memory_space<semaphore_mem>> -> memref<1x!tpu.dma_semaphore, #tpu.memory_space<semaphore_mem>>
    %dma_start3A_516 = tpu.memref_squeeze %dma_start3A_515 : memref<1x!tpu.dma_semaphore, #tpu.memory_space<semaphore_mem>> -> memref<!tpu.dma_semaphore, #tpu.memory_space<semaphore_mem>>
    %dma_start3A_517 = arith.constant 0 : i32
    %dma_start3A_518 = tpu.memref_slice %arg4[%add3A_506, %dma_start3A_517] : memref<819200x32xf32, #tpu.memory_space<hbm>> -> memref<1280x32xf32, #tpu.memory_space<hbm>>
    %dma_start3A_519 = arith.constant 0 : i32
    %dma_start3A_520 = arith.constant 0 : i32
    %dma_start3A_521 = tpu.memref_slice %arg6[%dma_start3A_507, %dma_start3A_519, %dma_start3A_520] : memref<2x1280x32xf32, #tpu.memory_space<vmem>> -> memref<1x1280x32xf32, #tpu.memory_space<vmem>>
    %dma_start3A_522 = tpu.memref_squeeze %dma_start3A_521 : memref<1x1280x32xf32, #tpu.memory_space<vmem>> -> memref<1280x32xf32, #tpu.memory_space<vmem>>
    tpu.enqueue_dma source(%dma_start3A_522 : memref<1280x32xf32, #tpu.memory_space<vmem>>) target(%dma_start3A_518 : memref<1280x32xf32, #tpu.memory_space<hbm>>) target_semaphore(%dma_start3A_516 : memref<!tpu.dma_semaphore, #tpu.memory_space<semaphore_mem>>)
    %add3A_523 = arith.constant 8960 : i32
    %add3A_524 = arith.addi %mul3A_2, %add3A_523 : i32
    %dma_start3A_525 = arith.constant 1 : i32
    %dma_start3A_526 = arith.constant 1 : i32
    %dma_start3A_527 = arith.constant 0 : i32
    %dma_start3A_528 = tpu.memref_slice %arg5[%dma_start3A_525, %dma_start3A_527] : memref<2x1280xi32, #tpu.memory_space<vmem>> -> memref<1x1280xi32, #tpu.memory_space<vmem>>
    %dma_start3A_529 = tpu.memref_squeeze %dma_start3A_528 : memref<1x1280xi32, #tpu.memory_space<vmem>> -> memref<1280xi32, #tpu.memory_space<vmem>>
    %dma_start3A_530 = tpu.memref_slice %arg2[%add3A_524] : memref<819200xi32, #tpu.memory_space<hbm>> -> memref<1280xi32, #tpu.memory_space<hbm>>
    %dma_start3A_531 = tpu.memref_slice %arg7[%dma_start3A_526] : memref<2x!tpu.dma_semaphore, #tpu.memory_space<semaphore_mem>> -> memref<1x!tpu.dma_semaphore, #tpu.memory_space<semaphore_mem>>
    %dma_start3A_532 = tpu.memref_squeeze %dma_start3A_531 : memref<1x!tpu.dma_semaphore, #tpu.memory_space<semaphore_mem>> -> memref<!tpu.dma_semaphore, #tpu.memory_space<semaphore_mem>>
    %dma_start3A_533 = arith.constant 0 : i32
    %dma_start3A_534 = tpu.memref_slice %arg5[%dma_start3A_525, %dma_start3A_533] : memref<2x1280xi32, #tpu.memory_space<vmem>> -> memref<1x1280xi32, #tpu.memory_space<vmem>>
    %dma_start3A_535 = tpu.memref_squeeze %dma_start3A_534 : memref<1x1280xi32, #tpu.memory_space<vmem>> -> memref<1280xi32, #tpu.memory_space<vmem>>
    %dma_start3A_536 = tpu.memref_slice %arg2[%add3A_524] : memref<819200xi32, #tpu.memory_space<hbm>> -> memref<1280xi32, #tpu.memory_space<hbm>>
    tpu.enqueue_dma source(%dma_start3A_536 : memref<1280xi32, #tpu.memory_space<hbm>>) target(%dma_start3A_535 : memref<1280xi32, #tpu.memory_space<vmem>>) target_semaphore(%dma_start3A_532 : memref<!tpu.dma_semaphore, #tpu.memory_space<semaphore_mem>>)
    %dma_wait3A_537 = arith.constant 0 : i32
    %dma_wait3A_538 = arith.constant 0 : i32
    %dma_wait3A_539 = arith.constant 0 : i32
    %dma_wait3A_540 = tpu.memref_slice %arg5[%dma_wait3A_537, %dma_wait3A_539] : memref<2x1280xi32, #tpu.memory_space<vmem>> -> memref<1x1280xi32, #tpu.memory_space<vmem>>
    %dma_wait3A_541 = tpu.memref_squeeze %dma_wait3A_540 : memref<1x1280xi32, #tpu.memory_space<vmem>> -> memref<1280xi32, #tpu.memory_space<vmem>>
    %dma_wait3A_542 = tpu.memref_slice %arg2[%add3A_434] : memref<819200xi32, #tpu.memory_space<hbm>> -> memref<1280xi32, #tpu.memory_space<hbm>>
    %dma_wait3A_543 = tpu.memref_slice %arg7[%dma_wait3A_538] : memref<2x!tpu.dma_semaphore, #tpu.memory_space<semaphore_mem>> -> memref<1x!tpu.dma_semaphore, #tpu.memory_space<semaphore_mem>>
    %dma_wait3A_544 = tpu.memref_squeeze %dma_wait3A_543 : memref<1x!tpu.dma_semaphore, #tpu.memory_space<semaphore_mem>> -> memref<!tpu.dma_semaphore, #tpu.memory_space<semaphore_mem>>
    %dma_wait3A_545 = arith.constant 0 : i32
    %dma_wait3A_546 = tpu.memref_slice %arg5[%dma_wait3A_537, %dma_wait3A_545] : memref<2x1280xi32, #tpu.memory_space<vmem>> -> memref<1x1280xi32, #tpu.memory_space<vmem>>
    %dma_wait3A_547 = tpu.memref_squeeze %dma_wait3A_546 : memref<1x1280xi32, #tpu.memory_space<vmem>> -> memref<1280xi32, #tpu.memory_space<vmem>>
    %dma_wait3A_548 = tpu.memref_slice %arg2[%add3A_434] : memref<819200xi32, #tpu.memory_space<hbm>> -> memref<1280xi32, #tpu.memory_space<hbm>>
    tpu.wait_dma2 semaphore(%dma_wait3A_544 : memref<!tpu.dma_semaphore, #tpu.memory_space<semaphore_mem>>) src(%dma_wait3A_548 : memref<1280xi32, #tpu.memory_space<hbm>>) dst(%dma_wait3A_547 : memref<1280xi32, #tpu.memory_space<vmem>>)
    %dma_wait3A_549 = arith.constant 0 : i32
    %dma_wait3A_550 = arith.constant 0 : i32
    %dma_wait3A_551 = arith.constant 0 : i32
    %dma_wait3A_552 = arith.constant 0 : i32
    %dma_wait3A_553 = tpu.memref_slice %arg6[%dma_wait3A_549, %dma_wait3A_551, %dma_wait3A_552] : memref<2x1280x32xf32, #tpu.memory_space<vmem>> -> memref<1x1280x32xf32, #tpu.memory_space<vmem>>
    %dma_wait3A_554 = tpu.memref_squeeze %dma_wait3A_553 : memref<1x1280x32xf32, #tpu.memory_space<vmem>> -> memref<1280x32xf32, #tpu.memory_space<vmem>>
    %dma_wait3A_555 = arith.constant 0 : i32
    %dma_wait3A_556 = tpu.memref_slice %arg4[%add3A_416, %dma_wait3A_555] : memref<819200x32xf32, #tpu.memory_space<hbm>> -> memref<1280x32xf32, #tpu.memory_space<hbm>>
    %dma_wait3A_557 = tpu.memref_slice %arg9[%dma_wait3A_550] : memref<2x!tpu.dma_semaphore, #tpu.memory_space<semaphore_mem>> -> memref<1x!tpu.dma_semaphore, #tpu.memory_space<semaphore_mem>>
    %dma_wait3A_558 = tpu.memref_squeeze %dma_wait3A_557 : memref<1x!tpu.dma_semaphore, #tpu.memory_space<semaphore_mem>> -> memref<!tpu.dma_semaphore, #tpu.memory_space<semaphore_mem>>
    %dma_wait3A_559 = arith.constant 0 : i32
    %dma_wait3A_560 = tpu.memref_slice %arg4[%add3A_416, %dma_wait3A_559] : memref<819200x32xf32, #tpu.memory_space<hbm>> -> memref<1280x32xf32, #tpu.memory_space<hbm>>
    %dma_wait3A_561 = arith.constant 0 : i32
    %dma_wait3A_562 = arith.constant 0 : i32
    %dma_wait3A_563 = tpu.memref_slice %arg6[%dma_wait3A_549, %dma_wait3A_561, %dma_wait3A_562] : memref<2x1280x32xf32, #tpu.memory_space<vmem>> -> memref<1x1280x32xf32, #tpu.memory_space<vmem>>
    %dma_wait3A_564 = tpu.memref_squeeze %dma_wait3A_563 : memref<1x1280x32xf32, #tpu.memory_space<vmem>> -> memref<1280x32xf32, #tpu.memory_space<vmem>>
    tpu.wait_dma2 semaphore(%dma_wait3A_558 : memref<!tpu.dma_semaphore, #tpu.memory_space<semaphore_mem>>) src(%dma_wait3A_564 : memref<1280x32xf32, #tpu.memory_space<vmem>>) dst(%dma_wait3A_560 : memref<1280x32xf32, #tpu.memory_space<hbm>>)
    %dma_start3A_565 = arith.constant 0 : i32
    %dma_start3A_566 = arith.constant 0 : i32
    %dma_start3A_567 = arith.constant 0 : i32
    %dma_start3A_568 = arith.constant 0 : i32
    %dma_start3A_569 = arith.constant 0 : i32
    %dma_start3A_570 = tpu.memref_slice %arg6[%dma_start3A_566, %dma_start3A_568, %dma_start3A_569] : memref<2x1280x32xf32, #tpu.memory_space<vmem>> -> memref<1x1280x32xf32, #tpu.memory_space<vmem>>
    %dma_start3A_571 = tpu.memref_squeeze %dma_start3A_570 : memref<1x1280x32xf32, #tpu.memory_space<vmem>> -> memref<1280x32xf32, #tpu.memory_space<vmem>>
    %dma_start3A_572 = arith.constant 0 : i32
    %dma_start3A_573 = tpu.memref_slice %arg5[%dma_start3A_565, %dma_start3A_572] : memref<2x1280xi32, #tpu.memory_space<vmem>> -> memref<1x1280xi32, #tpu.memory_space<vmem>>
    %dma_start3A_574 = tpu.memref_squeeze %dma_start3A_573 : memref<1x1280xi32, #tpu.memory_space<vmem>> -> memref<1280xi32, #tpu.memory_space<vmem>>
    %dma_start3A_575 = arith.constant 0 : i32
    %dma_start3A_576 = arith.constant 0 : i32
    %dma_start3A_577 = tpu.memref_slice %arg3[%dma_start3A_575, %dma_start3A_576] : memref<1000000x32xf32, #tpu.memory_space<hbm>> -> memref<1000000x32xf32, #tpu.memory_space<hbm>>
    %dma_start3A_578 = tpu.memref_slice %arg8[%dma_start3A_567] : memref<2x!tpu.dma_semaphore, #tpu.memory_space<semaphore_mem>> -> memref<1x!tpu.dma_semaphore, #tpu.memory_space<semaphore_mem>>
    %dma_start3A_579 = tpu.memref_squeeze %dma_start3A_578 : memref<1x!tpu.dma_semaphore, #tpu.memory_space<semaphore_mem>> -> memref<!tpu.dma_semaphore, #tpu.memory_space<semaphore_mem>>
    tpu.enqueue_indirect_dma source(%dma_start3A_577 : memref<1000000x32xf32, #tpu.memory_space<hbm>>) target(%dma_start3A_571 : memref<1280x32xf32, #tpu.memory_space<vmem>>) offsets(%dma_start3A_574 : memref<1280xi32, #tpu.memory_space<vmem>>) semaphore(%dma_start3A_579 : memref<!tpu.dma_semaphore, #tpu.memory_space<semaphore_mem>>)
    %dma_wait3A_580 = arith.constant 0 : i32
    %dma_wait3A_581 = arith.constant 0 : i32
    %dma_wait3A_582 = arith.constant 0 : i32
    %dma_wait3A_583 = arith.constant 0 : i32
    %dma_wait3A_584 = arith.constant 0 : i32
    %dma_wait3A_585 = tpu.memref_slice %arg6[%dma_wait3A_581, %dma_wait3A_583, %dma_wait3A_584] : memref<2x1280x32xf32, #tpu.memory_space<vmem>> -> memref<1x1280x32xf32, #tpu.memory_space<vmem>>
    %dma_wait3A_586 = tpu.memref_squeeze %dma_wait3A_585 : memref<1x1280x32xf32, #tpu.memory_space<vmem>> -> memref<1280x32xf32, #tpu.memory_space<vmem>>
    %dma_wait3A_587 = arith.constant 0 : i32
    %dma_wait3A_588 = tpu.memref_slice %arg5[%dma_wait3A_580, %dma_wait3A_587] : memref<2x1280xi32, #tpu.memory_space<vmem>> -> memref<1x1280xi32, #tpu.memory_space<vmem>>
    %dma_wait3A_589 = tpu.memref_squeeze %dma_wait3A_588 : memref<1x1280xi32, #tpu.memory_space<vmem>> -> memref<1280xi32, #tpu.memory_space<vmem>>
    %dma_wait3A_590 = arith.constant 0 : i32
    %dma_wait3A_591 = arith.constant 0 : i32
    %dma_wait3A_592 = tpu.memref_slice %arg3[%dma_wait3A_590, %dma_wait3A_591] : memref<1000000x32xf32, #tpu.memory_space<hbm>> -> memref<1000000x32xf32, #tpu.memory_space<hbm>>
    %dma_wait3A_593 = tpu.memref_slice %arg8[%dma_wait3A_582] : memref<2x!tpu.dma_semaphore, #tpu.memory_space<semaphore_mem>> -> memref<1x!tpu.dma_semaphore, #tpu.memory_space<semaphore_mem>>
    %dma_wait3A_594 = tpu.memref_squeeze %dma_wait3A_593 : memref<1x!tpu.dma_semaphore, #tpu.memory_space<semaphore_mem>> -> memref<!tpu.dma_semaphore, #tpu.memory_space<semaphore_mem>>
    tpu.wait_indirect_dma semaphore(%dma_wait3A_594 : memref<!tpu.dma_semaphore, #tpu.memory_space<semaphore_mem>>) src(%dma_wait3A_592 : memref<1000000x32xf32, #tpu.memory_space<hbm>>) dst(%dma_wait3A_586 : memref<1280x32xf32, #tpu.memory_space<vmem>>)
    %add3A_595 = arith.constant 7680 : i32
    %add3A_596 = arith.addi %mul3A_2, %add3A_595 : i32
    %dma_start3A_597 = arith.constant 0 : i32
    %dma_start3A_598 = arith.constant 0 : i32
    %dma_start3A_599 = arith.constant 0 : i32
    %dma_start3A_600 = arith.constant 0 : i32
    %dma_start3A_601 = tpu.memref_slice %arg6[%dma_start3A_597, %dma_start3A_599, %dma_start3A_600] : memref<2x1280x32xf32, #tpu.memory_space<vmem>> -> memref<1x1280x32xf32, #tpu.memory_space<vmem>>
    %dma_start3A_602 = tpu.memref_squeeze %dma_start3A_601 : memref<1x1280x32xf32, #tpu.memory_space<vmem>> -> memref<1280x32xf32, #tpu.memory_space<vmem>>
    %dma_start3A_603 = arith.constant 0 : i32
    %dma_start3A_604 = tpu.memref_slice %arg4[%add3A_596, %dma_start3A_603] : memref<819200x32xf32, #tpu.memory_space<hbm>> -> memref<1280x32xf32, #tpu.memory_space<hbm>>
    %dma_start3A_605 = tpu.memref_slice %arg9[%dma_start3A_598] : memref<2x!tpu.dma_semaphore, #tpu.memory_space<semaphore_mem>> -> memref<1x!tpu.dma_semaphore, #tpu.memory_space<semaphore_mem>>
    %dma_start3A_606 = tpu.memref_squeeze %dma_start3A_605 : memref<1x!tpu.dma_semaphore, #tpu.memory_space<semaphore_mem>> -> memref<!tpu.dma_semaphore, #tpu.memory_space<semaphore_mem>>
    %dma_start3A_607 = arith.constant 0 : i32
    %dma_start3A_608 = tpu.memref_slice %arg4[%add3A_596, %dma_start3A_607] : memref<819200x32xf32, #tpu.memory_space<hbm>> -> memref<1280x32xf32, #tpu.memory_space<hbm>>
    %dma_start3A_609 = arith.constant 0 : i32
    %dma_start3A_610 = arith.constant 0 : i32
    %dma_start3A_611 = tpu.memref_slice %arg6[%dma_start3A_597, %dma_start3A_609, %dma_start3A_610] : memref<2x1280x32xf32, #tpu.memory_space<vmem>> -> memref<1x1280x32xf32, #tpu.memory_space<vmem>>
    %dma_start3A_612 = tpu.memref_squeeze %dma_start3A_611 : memref<1x1280x32xf32, #tpu.memory_space<vmem>> -> memref<1280x32xf32, #tpu.memory_space<vmem>>
    tpu.enqueue_dma source(%dma_start3A_612 : memref<1280x32xf32, #tpu.memory_space<vmem>>) target(%dma_start3A_608 : memref<1280x32xf32, #tpu.memory_space<hbm>>) target_semaphore(%dma_start3A_606 : memref<!tpu.dma_semaphore, #tpu.memory_space<semaphore_mem>>)
    %add3A_613 = arith.constant 10240 : i32
    %add3A_614 = arith.addi %mul3A_2, %add3A_613 : i32
    %dma_start3A_615 = arith.constant 0 : i32
    %dma_start3A_616 = arith.constant 0 : i32
    %dma_start3A_617 = arith.constant 0 : i32
    %dma_start3A_618 = tpu.memref_slice %arg5[%dma_start3A_615, %dma_start3A_617] : memref<2x1280xi32, #tpu.memory_space<vmem>> -> memref<1x1280xi32, #tpu.memory_space<vmem>>
    %dma_start3A_619 = tpu.memref_squeeze %dma_start3A_618 : memref<1x1280xi32, #tpu.memory_space<vmem>> -> memref<1280xi32, #tpu.memory_space<vmem>>
    %dma_start3A_620 = tpu.memref_slice %arg2[%add3A_614] : memref<819200xi32, #tpu.memory_space<hbm>> -> memref<1280xi32, #tpu.memory_space<hbm>>
    %dma_start3A_621 = tpu.memref_slice %arg7[%dma_start3A_616] : memref<2x!tpu.dma_semaphore, #tpu.memory_space<semaphore_mem>> -> memref<1x!tpu.dma_semaphore, #tpu.memory_space<semaphore_mem>>
    %dma_start3A_622 = tpu.memref_squeeze %dma_start3A_621 : memref<1x!tpu.dma_semaphore, #tpu.memory_space<semaphore_mem>> -> memref<!tpu.dma_semaphore, #tpu.memory_space<semaphore_mem>>
    %dma_start3A_623 = arith.constant 0 : i32
    %dma_start3A_624 = tpu.memref_slice %arg5[%dma_start3A_615, %dma_start3A_623] : memref<2x1280xi32, #tpu.memory_space<vmem>> -> memref<1x1280xi32, #tpu.memory_space<vmem>>
    %dma_start3A_625 = tpu.memref_squeeze %dma_start3A_624 : memref<1x1280xi32, #tpu.memory_space<vmem>> -> memref<1280xi32, #tpu.memory_space<vmem>>
    %dma_start3A_626 = tpu.memref_slice %arg2[%add3A_614] : memref<819200xi32, #tpu.memory_space<hbm>> -> memref<1280xi32, #tpu.memory_space<hbm>>
    tpu.enqueue_dma source(%dma_start3A_626 : memref<1280xi32, #tpu.memory_space<hbm>>) target(%dma_start3A_625 : memref<1280xi32, #tpu.memory_space<vmem>>) target_semaphore(%dma_start3A_622 : memref<!tpu.dma_semaphore, #tpu.memory_space<semaphore_mem>>)
    %dma_wait3A_627 = arith.constant 1 : i32
    %dma_wait3A_628 = arith.constant 1 : i32
    %dma_wait3A_629 = arith.constant 0 : i32
    %dma_wait3A_630 = tpu.memref_slice %arg5[%dma_wait3A_627, %dma_wait3A_629] : memref<2x1280xi32, #tpu.memory_space<vmem>> -> memref<1x1280xi32, #tpu.memory_space<vmem>>
    %dma_wait3A_631 = tpu.memref_squeeze %dma_wait3A_630 : memref<1x1280xi32, #tpu.memory_space<vmem>> -> memref<1280xi32, #tpu.memory_space<vmem>>
    %dma_wait3A_632 = tpu.memref_slice %arg2[%add3A_524] : memref<819200xi32, #tpu.memory_space<hbm>> -> memref<1280xi32, #tpu.memory_space<hbm>>
    %dma_wait3A_633 = tpu.memref_slice %arg7[%dma_wait3A_628] : memref<2x!tpu.dma_semaphore, #tpu.memory_space<semaphore_mem>> -> memref<1x!tpu.dma_semaphore, #tpu.memory_space<semaphore_mem>>
    %dma_wait3A_634 = tpu.memref_squeeze %dma_wait3A_633 : memref<1x!tpu.dma_semaphore, #tpu.memory_space<semaphore_mem>> -> memref<!tpu.dma_semaphore, #tpu.memory_space<semaphore_mem>>
    %dma_wait3A_635 = arith.constant 0 : i32
    %dma_wait3A_636 = tpu.memref_slice %arg5[%dma_wait3A_627, %dma_wait3A_635] : memref<2x1280xi32, #tpu.memory_space<vmem>> -> memref<1x1280xi32, #tpu.memory_space<vmem>>
    %dma_wait3A_637 = tpu.memref_squeeze %dma_wait3A_636 : memref<1x1280xi32, #tpu.memory_space<vmem>> -> memref<1280xi32, #tpu.memory_space<vmem>>
    %dma_wait3A_638 = tpu.memref_slice %arg2[%add3A_524] : memref<819200xi32, #tpu.memory_space<hbm>> -> memref<1280xi32, #tpu.memory_space<hbm>>
    tpu.wait_dma2 semaphore(%dma_wait3A_634 : memref<!tpu.dma_semaphore, #tpu.memory_space<semaphore_mem>>) src(%dma_wait3A_638 : memref<1280xi32, #tpu.memory_space<hbm>>) dst(%dma_wait3A_637 : memref<1280xi32, #tpu.memory_space<vmem>>)
    %dma_wait3A_639 = arith.constant 1 : i32
    %dma_wait3A_640 = arith.constant 1 : i32
    %dma_wait3A_641 = arith.constant 0 : i32
    %dma_wait3A_642 = arith.constant 0 : i32
    %dma_wait3A_643 = tpu.memref_slice %arg6[%dma_wait3A_639, %dma_wait3A_641, %dma_wait3A_642] : memref<2x1280x32xf32, #tpu.memory_space<vmem>> -> memref<1x1280x32xf32, #tpu.memory_space<vmem>>
    %dma_wait3A_644 = tpu.memref_squeeze %dma_wait3A_643 : memref<1x1280x32xf32, #tpu.memory_space<vmem>> -> memref<1280x32xf32, #tpu.memory_space<vmem>>
    %dma_wait3A_645 = arith.constant 0 : i32
    %dma_wait3A_646 = tpu.memref_slice %arg4[%add3A_506, %dma_wait3A_645] : memref<819200x32xf32, #tpu.memory_space<hbm>> -> memref<1280x32xf32, #tpu.memory_space<hbm>>
    %dma_wait3A_647 = tpu.memref_slice %arg9[%dma_wait3A_640] : memref<2x!tpu.dma_semaphore, #tpu.memory_space<semaphore_mem>> -> memref<1x!tpu.dma_semaphore, #tpu.memory_space<semaphore_mem>>
    %dma_wait3A_648 = tpu.memref_squeeze %dma_wait3A_647 : memref<1x!tpu.dma_semaphore, #tpu.memory_space<semaphore_mem>> -> memref<!tpu.dma_semaphore, #tpu.memory_space<semaphore_mem>>
    %dma_wait3A_649 = arith.constant 0 : i32
    %dma_wait3A_650 = tpu.memref_slice %arg4[%add3A_506, %dma_wait3A_649] : memref<819200x32xf32, #tpu.memory_space<hbm>> -> memref<1280x32xf32, #tpu.memory_space<hbm>>
    %dma_wait3A_651 = arith.constant 0 : i32
    %dma_wait3A_652 = arith.constant 0 : i32
    %dma_wait3A_653 = tpu.memref_slice %arg6[%dma_wait3A_639, %dma_wait3A_651, %dma_wait3A_652] : memref<2x1280x32xf32, #tpu.memory_space<vmem>> -> memref<1x1280x32xf32, #tpu.memory_space<vmem>>
    %dma_wait3A_654 = tpu.memref_squeeze %dma_wait3A_653 : memref<1x1280x32xf32, #tpu.memory_space<vmem>> -> memref<1280x32xf32, #tpu.memory_space<vmem>>
    tpu.wait_dma2 semaphore(%dma_wait3A_648 : memref<!tpu.dma_semaphore, #tpu.memory_space<semaphore_mem>>) src(%dma_wait3A_654 : memref<1280x32xf32, #tpu.memory_space<vmem>>) dst(%dma_wait3A_650 : memref<1280x32xf32, #tpu.memory_space<hbm>>)
    %dma_start3A_655 = arith.constant 1 : i32
    %dma_start3A_656 = arith.constant 1 : i32
    %dma_start3A_657 = arith.constant 1 : i32
    %dma_start3A_658 = arith.constant 0 : i32
    %dma_start3A_659 = arith.constant 0 : i32
    %dma_start3A_660 = tpu.memref_slice %arg6[%dma_start3A_656, %dma_start3A_658, %dma_start3A_659] : memref<2x1280x32xf32, #tpu.memory_space<vmem>> -> memref<1x1280x32xf32, #tpu.memory_space<vmem>>
    %dma_start3A_661 = tpu.memref_squeeze %dma_start3A_660 : memref<1x1280x32xf32, #tpu.memory_space<vmem>> -> memref<1280x32xf32, #tpu.memory_space<vmem>>
    %dma_start3A_662 = arith.constant 0 : i32
    %dma_start3A_663 = tpu.memref_slice %arg5[%dma_start3A_655, %dma_start3A_662] : memref<2x1280xi32, #tpu.memory_space<vmem>> -> memref<1x1280xi32, #tpu.memory_space<vmem>>
    %dma_start3A_664 = tpu.memref_squeeze %dma_start3A_663 : memref<1x1280xi32, #tpu.memory_space<vmem>> -> memref<1280xi32, #tpu.memory_space<vmem>>
    %dma_start3A_665 = arith.constant 0 : i32
    %dma_start3A_666 = arith.constant 0 : i32
    %dma_start3A_667 = tpu.memref_slice %arg3[%dma_start3A_665, %dma_start3A_666] : memref<1000000x32xf32, #tpu.memory_space<hbm>> -> memref<1000000x32xf32, #tpu.memory_space<hbm>>
    %dma_start3A_668 = tpu.memref_slice %arg8[%dma_start3A_657] : memref<2x!tpu.dma_semaphore, #tpu.memory_space<semaphore_mem>> -> memref<1x!tpu.dma_semaphore, #tpu.memory_space<semaphore_mem>>
    %dma_start3A_669 = tpu.memref_squeeze %dma_start3A_668 : memref<1x!tpu.dma_semaphore, #tpu.memory_space<semaphore_mem>> -> memref<!tpu.dma_semaphore, #tpu.memory_space<semaphore_mem>>
    tpu.enqueue_indirect_dma source(%dma_start3A_667 : memref<1000000x32xf32, #tpu.memory_space<hbm>>) target(%dma_start3A_661 : memref<1280x32xf32, #tpu.memory_space<vmem>>) offsets(%dma_start3A_664 : memref<1280xi32, #tpu.memory_space<vmem>>) semaphore(%dma_start3A_669 : memref<!tpu.dma_semaphore, #tpu.memory_space<semaphore_mem>>)
    %dma_wait3A_670 = arith.constant 1 : i32
    %dma_wait3A_671 = arith.constant 1 : i32
    %dma_wait3A_672 = arith.constant 1 : i32
    %dma_wait3A_673 = arith.constant 0 : i32
    %dma_wait3A_674 = arith.constant 0 : i32
    %dma_wait3A_675 = tpu.memref_slice %arg6[%dma_wait3A_671, %dma_wait3A_673, %dma_wait3A_674] : memref<2x1280x32xf32, #tpu.memory_space<vmem>> -> memref<1x1280x32xf32, #tpu.memory_space<vmem>>
    %dma_wait3A_676 = tpu.memref_squeeze %dma_wait3A_675 : memref<1x1280x32xf32, #tpu.memory_space<vmem>> -> memref<1280x32xf32, #tpu.memory_space<vmem>>
    %dma_wait3A_677 = arith.constant 0 : i32
    %dma_wait3A_678 = tpu.memref_slice %arg5[%dma_wait3A_670, %dma_wait3A_677] : memref<2x1280xi32, #tpu.memory_space<vmem>> -> memref<1x1280xi32, #tpu.memory_space<vmem>>
    %dma_wait3A_679 = tpu.memref_squeeze %dma_wait3A_678 : memref<1x1280xi32, #tpu.memory_space<vmem>> -> memref<1280xi32, #tpu.memory_space<vmem>>
    %dma_wait3A_680 = arith.constant 0 : i32
    %dma_wait3A_681 = arith.constant 0 : i32
    %dma_wait3A_682 = tpu.memref_slice %arg3[%dma_wait3A_680, %dma_wait3A_681] : memref<1000000x32xf32, #tpu.memory_space<hbm>> -> memref<1000000x32xf32, #tpu.memory_space<hbm>>
    %dma_wait3A_683 = tpu.memref_slice %arg8[%dma_wait3A_672] : memref<2x!tpu.dma_semaphore, #tpu.memory_space<semaphore_mem>> -> memref<1x!tpu.dma_semaphore, #tpu.memory_space<semaphore_mem>>
    %dma_wait3A_684 = tpu.memref_squeeze %dma_wait3A_683 : memref<1x!tpu.dma_semaphore, #tpu.memory_space<semaphore_mem>> -> memref<!tpu.dma_semaphore, #tpu.memory_space<semaphore_mem>>
    tpu.wait_indirect_dma semaphore(%dma_wait3A_684 : memref<!tpu.dma_semaphore, #tpu.memory_space<semaphore_mem>>) src(%dma_wait3A_682 : memref<1000000x32xf32, #tpu.memory_space<hbm>>) dst(%dma_wait3A_676 : memref<1280x32xf32, #tpu.memory_space<vmem>>)
    %add3A_685 = arith.constant 8960 : i32
    %add3A_686 = arith.addi %mul3A_2, %add3A_685 : i32
    %dma_start3A_687 = arith.constant 1 : i32
    %dma_start3A_688 = arith.constant 1 : i32
    %dma_start3A_689 = arith.constant 0 : i32
    %dma_start3A_690 = arith.constant 0 : i32
    %dma_start3A_691 = tpu.memref_slice %arg6[%dma_start3A_687, %dma_start3A_689, %dma_start3A_690] : memref<2x1280x32xf32, #tpu.memory_space<vmem>> -> memref<1x1280x32xf32, #tpu.memory_space<vmem>>
    %dma_start3A_692 = tpu.memref_squeeze %dma_start3A_691 : memref<1x1280x32xf32, #tpu.memory_space<vmem>> -> memref<1280x32xf32, #tpu.memory_space<vmem>>
    %dma_start3A_693 = arith.constant 0 : i32
    %dma_start3A_694 = tpu.memref_slice %arg4[%add3A_686, %dma_start3A_693] : memref<819200x32xf32, #tpu.memory_space<hbm>> -> memref<1280x32xf32, #tpu.memory_space<hbm>>
    %dma_start3A_695 = tpu.memref_slice %arg9[%dma_start3A_688] : memref<2x!tpu.dma_semaphore, #tpu.memory_space<semaphore_mem>> -> memref<1x!tpu.dma_semaphore, #tpu.memory_space<semaphore_mem>>
    %dma_start3A_696 = tpu.memref_squeeze %dma_start3A_695 : memref<1x!tpu.dma_semaphore, #tpu.memory_space<semaphore_mem>> -> memref<!tpu.dma_semaphore, #tpu.memory_space<semaphore_mem>>
    %dma_start3A_697 = arith.constant 0 : i32
    %dma_start3A_698 = tpu.memref_slice %arg4[%add3A_686, %dma_start3A_697] : memref<819200x32xf32, #tpu.memory_space<hbm>> -> memref<1280x32xf32, #tpu.memory_space<hbm>>
    %dma_start3A_699 = arith.constant 0 : i32
    %dma_start3A_700 = arith.constant 0 : i32
    %dma_start3A_701 = tpu.memref_slice %arg6[%dma_start3A_687, %dma_start3A_699, %dma_start3A_700] : memref<2x1280x32xf32, #tpu.memory_space<vmem>> -> memref<1x1280x32xf32, #tpu.memory_space<vmem>>
    %dma_start3A_702 = tpu.memref_squeeze %dma_start3A_701 : memref<1x1280x32xf32, #tpu.memory_space<vmem>> -> memref<1280x32xf32, #tpu.memory_space<vmem>>
    tpu.enqueue_dma source(%dma_start3A_702 : memref<1280x32xf32, #tpu.memory_space<vmem>>) target(%dma_start3A_698 : memref<1280x32xf32, #tpu.memory_space<hbm>>) target_semaphore(%dma_start3A_696 : memref<!tpu.dma_semaphore, #tpu.memory_space<semaphore_mem>>)
    %add3A_703 = arith.constant 11520 : i32
    %add3A_704 = arith.addi %mul3A_2, %add3A_703 : i32
    %dma_start3A_705 = arith.constant 1 : i32
    %dma_start3A_706 = arith.constant 1 : i32
    %dma_start3A_707 = arith.constant 0 : i32
    %dma_start3A_708 = tpu.memref_slice %arg5[%dma_start3A_705, %dma_start3A_707] : memref<2x1280xi32, #tpu.memory_space<vmem>> -> memref<1x1280xi32, #tpu.memory_space<vmem>>
    %dma_start3A_709 = tpu.memref_squeeze %dma_start3A_708 : memref<1x1280xi32, #tpu.memory_space<vmem>> -> memref<1280xi32, #tpu.memory_space<vmem>>
    %dma_start3A_710 = tpu.memref_slice %arg2[%add3A_704] : memref<819200xi32, #tpu.memory_space<hbm>> -> memref<1280xi32, #tpu.memory_space<hbm>>
    %dma_start3A_711 = tpu.memref_slice %arg7[%dma_start3A_706] : memref<2x!tpu.dma_semaphore, #tpu.memory_space<semaphore_mem>> -> memref<1x!tpu.dma_semaphore, #tpu.memory_space<semaphore_mem>>
    %dma_start3A_712 = tpu.memref_squeeze %dma_start3A_711 : memref<1x!tpu.dma_semaphore, #tpu.memory_space<semaphore_mem>> -> memref<!tpu.dma_semaphore, #tpu.memory_space<semaphore_mem>>
    %dma_start3A_713 = arith.constant 0 : i32
    %dma_start3A_714 = tpu.memref_slice %arg5[%dma_start3A_705, %dma_start3A_713] : memref<2x1280xi32, #tpu.memory_space<vmem>> -> memref<1x1280xi32, #tpu.memory_space<vmem>>
    %dma_start3A_715 = tpu.memref_squeeze %dma_start3A_714 : memref<1x1280xi32, #tpu.memory_space<vmem>> -> memref<1280xi32, #tpu.memory_space<vmem>>
    %dma_start3A_716 = tpu.memref_slice %arg2[%add3A_704] : memref<819200xi32, #tpu.memory_space<hbm>> -> memref<1280xi32, #tpu.memory_space<hbm>>
    tpu.enqueue_dma source(%dma_start3A_716 : memref<1280xi32, #tpu.memory_space<hbm>>) target(%dma_start3A_715 : memref<1280xi32, #tpu.memory_space<vmem>>) target_semaphore(%dma_start3A_712 : memref<!tpu.dma_semaphore, #tpu.memory_space<semaphore_mem>>)
    %dma_wait3A_717 = arith.constant 0 : i32
    %dma_wait3A_718 = arith.constant 0 : i32
    %dma_wait3A_719 = arith.constant 0 : i32
    %dma_wait3A_720 = tpu.memref_slice %arg5[%dma_wait3A_717, %dma_wait3A_719] : memref<2x1280xi32, #tpu.memory_space<vmem>> -> memref<1x1280xi32, #tpu.memory_space<vmem>>
    %dma_wait3A_721 = tpu.memref_squeeze %dma_wait3A_720 : memref<1x1280xi32, #tpu.memory_space<vmem>> -> memref<1280xi32, #tpu.memory_space<vmem>>
    %dma_wait3A_722 = tpu.memref_slice %arg2[%add3A_614] : memref<819200xi32, #tpu.memory_space<hbm>> -> memref<1280xi32, #tpu.memory_space<hbm>>
    %dma_wait3A_723 = tpu.memref_slice %arg7[%dma_wait3A_718] : memref<2x!tpu.dma_semaphore, #tpu.memory_space<semaphore_mem>> -> memref<1x!tpu.dma_semaphore, #tpu.memory_space<semaphore_mem>>
    %dma_wait3A_724 = tpu.memref_squeeze %dma_wait3A_723 : memref<1x!tpu.dma_semaphore, #tpu.memory_space<semaphore_mem>> -> memref<!tpu.dma_semaphore, #tpu.memory_space<semaphore_mem>>
    %dma_wait3A_725 = arith.constant 0 : i32
    %dma_wait3A_726 = tpu.memref_slice %arg5[%dma_wait3A_717, %dma_wait3A_725] : memref<2x1280xi32, #tpu.memory_space<vmem>> -> memref<1x1280xi32, #tpu.memory_space<vmem>>
    %dma_wait3A_727 = tpu.memref_squeeze %dma_wait3A_726 : memref<1x1280xi32, #tpu.memory_space<vmem>> -> memref<1280xi32, #tpu.memory_space<vmem>>
    %dma_wait3A_728 = tpu.memref_slice %arg2[%add3A_614] : memref<819200xi32, #tpu.memory_space<hbm>> -> memref<1280xi32, #tpu.memory_space<hbm>>
    tpu.wait_dma2 semaphore(%dma_wait3A_724 : memref<!tpu.dma_semaphore, #tpu.memory_space<semaphore_mem>>) src(%dma_wait3A_728 : memref<1280xi32, #tpu.memory_space<hbm>>) dst(%dma_wait3A_727 : memref<1280xi32, #tpu.memory_space<vmem>>)
    %dma_wait3A_729 = arith.constant 0 : i32
    %dma_wait3A_730 = arith.constant 0 : i32
    %dma_wait3A_731 = arith.constant 0 : i32
    %dma_wait3A_732 = arith.constant 0 : i32
    %dma_wait3A_733 = tpu.memref_slice %arg6[%dma_wait3A_729, %dma_wait3A_731, %dma_wait3A_732] : memref<2x1280x32xf32, #tpu.memory_space<vmem>> -> memref<1x1280x32xf32, #tpu.memory_space<vmem>>
    %dma_wait3A_734 = tpu.memref_squeeze %dma_wait3A_733 : memref<1x1280x32xf32, #tpu.memory_space<vmem>> -> memref<1280x32xf32, #tpu.memory_space<vmem>>
    %dma_wait3A_735 = arith.constant 0 : i32
    %dma_wait3A_736 = tpu.memref_slice %arg4[%add3A_596, %dma_wait3A_735] : memref<819200x32xf32, #tpu.memory_space<hbm>> -> memref<1280x32xf32, #tpu.memory_space<hbm>>
    %dma_wait3A_737 = tpu.memref_slice %arg9[%dma_wait3A_730] : memref<2x!tpu.dma_semaphore, #tpu.memory_space<semaphore_mem>> -> memref<1x!tpu.dma_semaphore, #tpu.memory_space<semaphore_mem>>
    %dma_wait3A_738 = tpu.memref_squeeze %dma_wait3A_737 : memref<1x!tpu.dma_semaphore, #tpu.memory_space<semaphore_mem>> -> memref<!tpu.dma_semaphore, #tpu.memory_space<semaphore_mem>>
    %dma_wait3A_739 = arith.constant 0 : i32
    %dma_wait3A_740 = tpu.memref_slice %arg4[%add3A_596, %dma_wait3A_739] : memref<819200x32xf32, #tpu.memory_space<hbm>> -> memref<1280x32xf32, #tpu.memory_space<hbm>>
    %dma_wait3A_741 = arith.constant 0 : i32
    %dma_wait3A_742 = arith.constant 0 : i32
    %dma_wait3A_743 = tpu.memref_slice %arg6[%dma_wait3A_729, %dma_wait3A_741, %dma_wait3A_742] : memref<2x1280x32xf32, #tpu.memory_space<vmem>> -> memref<1x1280x32xf32, #tpu.memory_space<vmem>>
    %dma_wait3A_744 = tpu.memref_squeeze %dma_wait3A_743 : memref<1x1280x32xf32, #tpu.memory_space<vmem>> -> memref<1280x32xf32, #tpu.memory_space<vmem>>
    tpu.wait_dma2 semaphore(%dma_wait3A_738 : memref<!tpu.dma_semaphore, #tpu.memory_space<semaphore_mem>>) src(%dma_wait3A_744 : memref<1280x32xf32, #tpu.memory_space<vmem>>) dst(%dma_wait3A_740 : memref<1280x32xf32, #tpu.memory_space<hbm>>)
    %dma_start3A_745 = arith.constant 0 : i32
    %dma_start3A_746 = arith.constant 0 : i32
    %dma_start3A_747 = arith.constant 0 : i32
    %dma_start3A_748 = arith.constant 0 : i32
    %dma_start3A_749 = arith.constant 0 : i32
    %dma_start3A_750 = tpu.memref_slice %arg6[%dma_start3A_746, %dma_start3A_748, %dma_start3A_749] : memref<2x1280x32xf32, #tpu.memory_space<vmem>> -> memref<1x1280x32xf32, #tpu.memory_space<vmem>>
    %dma_start3A_751 = tpu.memref_squeeze %dma_start3A_750 : memref<1x1280x32xf32, #tpu.memory_space<vmem>> -> memref<1280x32xf32, #tpu.memory_space<vmem>>
    %dma_start3A_752 = arith.constant 0 : i32
    %dma_start3A_753 = tpu.memref_slice %arg5[%dma_start3A_745, %dma_start3A_752] : memref<2x1280xi32, #tpu.memory_space<vmem>> -> memref<1x1280xi32, #tpu.memory_space<vmem>>
    %dma_start3A_754 = tpu.memref_squeeze %dma_start3A_753 : memref<1x1280xi32, #tpu.memory_space<vmem>> -> memref<1280xi32, #tpu.memory_space<vmem>>
    %dma_start3A_755 = arith.constant 0 : i32
    %dma_start3A_756 = arith.constant 0 : i32
    %dma_start3A_757 = tpu.memref_slice %arg3[%dma_start3A_755, %dma_start3A_756] : memref<1000000x32xf32, #tpu.memory_space<hbm>> -> memref<1000000x32xf32, #tpu.memory_space<hbm>>
    %dma_start3A_758 = tpu.memref_slice %arg8[%dma_start3A_747] : memref<2x!tpu.dma_semaphore, #tpu.memory_space<semaphore_mem>> -> memref<1x!tpu.dma_semaphore, #tpu.memory_space<semaphore_mem>>
    %dma_start3A_759 = tpu.memref_squeeze %dma_start3A_758 : memref<1x!tpu.dma_semaphore, #tpu.memory_space<semaphore_mem>> -> memref<!tpu.dma_semaphore, #tpu.memory_space<semaphore_mem>>
    tpu.enqueue_indirect_dma source(%dma_start3A_757 : memref<1000000x32xf32, #tpu.memory_space<hbm>>) target(%dma_start3A_751 : memref<1280x32xf32, #tpu.memory_space<vmem>>) offsets(%dma_start3A_754 : memref<1280xi32, #tpu.memory_space<vmem>>) semaphore(%dma_start3A_759 : memref<!tpu.dma_semaphore, #tpu.memory_space<semaphore_mem>>)
    %dma_wait3A_760 = arith.constant 0 : i32
    %dma_wait3A_761 = arith.constant 0 : i32
    %dma_wait3A_762 = arith.constant 0 : i32
    %dma_wait3A_763 = arith.constant 0 : i32
    %dma_wait3A_764 = arith.constant 0 : i32
    %dma_wait3A_765 = tpu.memref_slice %arg6[%dma_wait3A_761, %dma_wait3A_763, %dma_wait3A_764] : memref<2x1280x32xf32, #tpu.memory_space<vmem>> -> memref<1x1280x32xf32, #tpu.memory_space<vmem>>
    %dma_wait3A_766 = tpu.memref_squeeze %dma_wait3A_765 : memref<1x1280x32xf32, #tpu.memory_space<vmem>> -> memref<1280x32xf32, #tpu.memory_space<vmem>>
    %dma_wait3A_767 = arith.constant 0 : i32
    %dma_wait3A_768 = tpu.memref_slice %arg5[%dma_wait3A_760, %dma_wait3A_767] : memref<2x1280xi32, #tpu.memory_space<vmem>> -> memref<1x1280xi32, #tpu.memory_space<vmem>>
    %dma_wait3A_769 = tpu.memref_squeeze %dma_wait3A_768 : memref<1x1280xi32, #tpu.memory_space<vmem>> -> memref<1280xi32, #tpu.memory_space<vmem>>
    %dma_wait3A_770 = arith.constant 0 : i32
    %dma_wait3A_771 = arith.constant 0 : i32
    %dma_wait3A_772 = tpu.memref_slice %arg3[%dma_wait3A_770, %dma_wait3A_771] : memref<1000000x32xf32, #tpu.memory_space<hbm>> -> memref<1000000x32xf32, #tpu.memory_space<hbm>>
    %dma_wait3A_773 = tpu.memref_slice %arg8[%dma_wait3A_762] : memref<2x!tpu.dma_semaphore, #tpu.memory_space<semaphore_mem>> -> memref<1x!tpu.dma_semaphore, #tpu.memory_space<semaphore_mem>>
    %dma_wait3A_774 = tpu.memref_squeeze %dma_wait3A_773 : memref<1x!tpu.dma_semaphore, #tpu.memory_space<semaphore_mem>> -> memref<!tpu.dma_semaphore, #tpu.memory_space<semaphore_mem>>
    tpu.wait_indirect_dma semaphore(%dma_wait3A_774 : memref<!tpu.dma_semaphore, #tpu.memory_space<semaphore_mem>>) src(%dma_wait3A_772 : memref<1000000x32xf32, #tpu.memory_space<hbm>>) dst(%dma_wait3A_766 : memref<1280x32xf32, #tpu.memory_space<vmem>>)
    %add3A_775 = arith.constant 10240 : i32
    %add3A_776 = arith.addi %mul3A_2, %add3A_775 : i32
    %dma_start3A_777 = arith.constant 0 : i32
    %dma_start3A_778 = arith.constant 0 : i32
    %dma_start3A_779 = arith.constant 0 : i32
    %dma_start3A_780 = arith.constant 0 : i32
    %dma_start3A_781 = tpu.memref_slice %arg6[%dma_start3A_777, %dma_start3A_779, %dma_start3A_780] : memref<2x1280x32xf32, #tpu.memory_space<vmem>> -> memref<1x1280x32xf32, #tpu.memory_space<vmem>>
    %dma_start3A_782 = tpu.memref_squeeze %dma_start3A_781 : memref<1x1280x32xf32, #tpu.memory_space<vmem>> -> memref<1280x32xf32, #tpu.memory_space<vmem>>
    %dma_start3A_783 = arith.constant 0 : i32
    %dma_start3A_784 = tpu.memref_slice %arg4[%add3A_776, %dma_start3A_783] : memref<819200x32xf32, #tpu.memory_space<hbm>> -> memref<1280x32xf32, #tpu.memory_space<hbm>>
    %dma_start3A_785 = tpu.memref_slice %arg9[%dma_start3A_778] : memref<2x!tpu.dma_semaphore, #tpu.memory_space<semaphore_mem>> -> memref<1x!tpu.dma_semaphore, #tpu.memory_space<semaphore_mem>>
    %dma_start3A_786 = tpu.memref_squeeze %dma_start3A_785 : memref<1x!tpu.dma_semaphore, #tpu.memory_space<semaphore_mem>> -> memref<!tpu.dma_semaphore, #tpu.memory_space<semaphore_mem>>
    %dma_start3A_787 = arith.constant 0 : i32
    %dma_start3A_788 = tpu.memref_slice %arg4[%add3A_776, %dma_start3A_787] : memref<819200x32xf32, #tpu.memory_space<hbm>> -> memref<1280x32xf32, #tpu.memory_space<hbm>>
    %dma_start3A_789 = arith.constant 0 : i32
    %dma_start3A_790 = arith.constant 0 : i32
    %dma_start3A_791 = tpu.memref_slice %arg6[%dma_start3A_777, %dma_start3A_789, %dma_start3A_790] : memref<2x1280x32xf32, #tpu.memory_space<vmem>> -> memref<1x1280x32xf32, #tpu.memory_space<vmem>>
    %dma_start3A_792 = tpu.memref_squeeze %dma_start3A_791 : memref<1x1280x32xf32, #tpu.memory_space<vmem>> -> memref<1280x32xf32, #tpu.memory_space<vmem>>
    tpu.enqueue_dma source(%dma_start3A_792 : memref<1280x32xf32, #tpu.memory_space<vmem>>) target(%dma_start3A_788 : memref<1280x32xf32, #tpu.memory_space<hbm>>) target_semaphore(%dma_start3A_786 : memref<!tpu.dma_semaphore, #tpu.memory_space<semaphore_mem>>)
    %add3A_793 = arith.constant 12800 : i32
    %add3A_794 = arith.addi %mul3A_2, %add3A_793 : i32
    %dma_start3A_795 = arith.constant 0 : i32
    %dma_start3A_796 = arith.constant 0 : i32
    %dma_start3A_797 = arith.constant 0 : i32
    %dma_start3A_798 = tpu.memref_slice %arg5[%dma_start3A_795, %dma_start3A_797] : memref<2x1280xi32, #tpu.memory_space<vmem>> -> memref<1x1280xi32, #tpu.memory_space<vmem>>
    %dma_start3A_799 = tpu.memref_squeeze %dma_start3A_798 : memref<1x1280xi32, #tpu.memory_space<vmem>> -> memref<1280xi32, #tpu.memory_space<vmem>>
    %dma_start3A_800 = tpu.memref_slice %arg2[%add3A_794] : memref<819200xi32, #tpu.memory_space<hbm>> -> memref<1280xi32, #tpu.memory_space<hbm>>
    %dma_start3A_801 = tpu.memref_slice %arg7[%dma_start3A_796] : memref<2x!tpu.dma_semaphore, #tpu.memory_space<semaphore_mem>> -> memref<1x!tpu.dma_semaphore, #tpu.memory_space<semaphore_mem>>
    %dma_start3A_802 = tpu.memref_squeeze %dma_start3A_801 : memref<1x!tpu.dma_semaphore, #tpu.memory_space<semaphore_mem>> -> memref<!tpu.dma_semaphore, #tpu.memory_space<semaphore_mem>>
    %dma_start3A_803 = arith.constant 0 : i32
    %dma_start3A_804 = tpu.memref_slice %arg5[%dma_start3A_795, %dma_start3A_803] : memref<2x1280xi32, #tpu.memory_space<vmem>> -> memref<1x1280xi32, #tpu.memory_space<vmem>>
    %dma_start3A_805 = tpu.memref_squeeze %dma_start3A_804 : memref<1x1280xi32, #tpu.memory_space<vmem>> -> memref<1280xi32, #tpu.memory_space<vmem>>
    %dma_start3A_806 = tpu.memref_slice %arg2[%add3A_794] : memref<819200xi32, #tpu.memory_space<hbm>> -> memref<1280xi32, #tpu.memory_space<hbm>>
    tpu.enqueue_dma source(%dma_start3A_806 : memref<1280xi32, #tpu.memory_space<hbm>>) target(%dma_start3A_805 : memref<1280xi32, #tpu.memory_space<vmem>>) target_semaphore(%dma_start3A_802 : memref<!tpu.dma_semaphore, #tpu.memory_space<semaphore_mem>>)
    %dma_wait3A_807 = arith.constant 1 : i32
    %dma_wait3A_808 = arith.constant 1 : i32
    %dma_wait3A_809 = arith.constant 0 : i32
    %dma_wait3A_810 = tpu.memref_slice %arg5[%dma_wait3A_807, %dma_wait3A_809] : memref<2x1280xi32, #tpu.memory_space<vmem>> -> memref<1x1280xi32, #tpu.memory_space<vmem>>
    %dma_wait3A_811 = tpu.memref_squeeze %dma_wait3A_810 : memref<1x1280xi32, #tpu.memory_space<vmem>> -> memref<1280xi32, #tpu.memory_space<vmem>>
    %dma_wait3A_812 = tpu.memref_slice %arg2[%add3A_704] : memref<819200xi32, #tpu.memory_space<hbm>> -> memref<1280xi32, #tpu.memory_space<hbm>>
    %dma_wait3A_813 = tpu.memref_slice %arg7[%dma_wait3A_808] : memref<2x!tpu.dma_semaphore, #tpu.memory_space<semaphore_mem>> -> memref<1x!tpu.dma_semaphore, #tpu.memory_space<semaphore_mem>>
    %dma_wait3A_814 = tpu.memref_squeeze %dma_wait3A_813 : memref<1x!tpu.dma_semaphore, #tpu.memory_space<semaphore_mem>> -> memref<!tpu.dma_semaphore, #tpu.memory_space<semaphore_mem>>
    %dma_wait3A_815 = arith.constant 0 : i32
    %dma_wait3A_816 = tpu.memref_slice %arg5[%dma_wait3A_807, %dma_wait3A_815] : memref<2x1280xi32, #tpu.memory_space<vmem>> -> memref<1x1280xi32, #tpu.memory_space<vmem>>
    %dma_wait3A_817 = tpu.memref_squeeze %dma_wait3A_816 : memref<1x1280xi32, #tpu.memory_space<vmem>> -> memref<1280xi32, #tpu.memory_space<vmem>>
    %dma_wait3A_818 = tpu.memref_slice %arg2[%add3A_704] : memref<819200xi32, #tpu.memory_space<hbm>> -> memref<1280xi32, #tpu.memory_space<hbm>>
    tpu.wait_dma2 semaphore(%dma_wait3A_814 : memref<!tpu.dma_semaphore, #tpu.memory_space<semaphore_mem>>) src(%dma_wait3A_818 : memref<1280xi32, #tpu.memory_space<hbm>>) dst(%dma_wait3A_817 : memref<1280xi32, #tpu.memory_space<vmem>>)
    %dma_wait3A_819 = arith.constant 1 : i32
    %dma_wait3A_820 = arith.constant 1 : i32
    %dma_wait3A_821 = arith.constant 0 : i32
    %dma_wait3A_822 = arith.constant 0 : i32
    %dma_wait3A_823 = tpu.memref_slice %arg6[%dma_wait3A_819, %dma_wait3A_821, %dma_wait3A_822] : memref<2x1280x32xf32, #tpu.memory_space<vmem>> -> memref<1x1280x32xf32, #tpu.memory_space<vmem>>
    %dma_wait3A_824 = tpu.memref_squeeze %dma_wait3A_823 : memref<1x1280x32xf32, #tpu.memory_space<vmem>> -> memref<1280x32xf32, #tpu.memory_space<vmem>>
    %dma_wait3A_825 = arith.constant 0 : i32
    %dma_wait3A_826 = tpu.memref_slice %arg4[%add3A_686, %dma_wait3A_825] : memref<819200x32xf32, #tpu.memory_space<hbm>> -> memref<1280x32xf32, #tpu.memory_space<hbm>>
    %dma_wait3A_827 = tpu.memref_slice %arg9[%dma_wait3A_820] : memref<2x!tpu.dma_semaphore, #tpu.memory_space<semaphore_mem>> -> memref<1x!tpu.dma_semaphore, #tpu.memory_space<semaphore_mem>>
    %dma_wait3A_828 = tpu.memref_squeeze %dma_wait3A_827 : memref<1x!tpu.dma_semaphore, #tpu.memory_space<semaphore_mem>> -> memref<!tpu.dma_semaphore, #tpu.memory_space<semaphore_mem>>
    %dma_wait3A_829 = arith.constant 0 : i32
    %dma_wait3A_830 = tpu.memref_slice %arg4[%add3A_686, %dma_wait3A_829] : memref<819200x32xf32, #tpu.memory_space<hbm>> -> memref<1280x32xf32, #tpu.memory_space<hbm>>
    %dma_wait3A_831 = arith.constant 0 : i32
    %dma_wait3A_832 = arith.constant 0 : i32
    %dma_wait3A_833 = tpu.memref_slice %arg6[%dma_wait3A_819, %dma_wait3A_831, %dma_wait3A_832] : memref<2x1280x32xf32, #tpu.memory_space<vmem>> -> memref<1x1280x32xf32, #tpu.memory_space<vmem>>
    %dma_wait3A_834 = tpu.memref_squeeze %dma_wait3A_833 : memref<1x1280x32xf32, #tpu.memory_space<vmem>> -> memref<1280x32xf32, #tpu.memory_space<vmem>>
    tpu.wait_dma2 semaphore(%dma_wait3A_828 : memref<!tpu.dma_semaphore, #tpu.memory_space<semaphore_mem>>) src(%dma_wait3A_834 : memref<1280x32xf32, #tpu.memory_space<vmem>>) dst(%dma_wait3A_830 : memref<1280x32xf32, #tpu.memory_space<hbm>>)
    %dma_start3A_835 = arith.constant 1 : i32
    %dma_start3A_836 = arith.constant 1 : i32
    %dma_start3A_837 = arith.constant 1 : i32
    %dma_start3A_838 = arith.constant 0 : i32
    %dma_start3A_839 = arith.constant 0 : i32
    %dma_start3A_840 = tpu.memref_slice %arg6[%dma_start3A_836, %dma_start3A_838, %dma_start3A_839] : memref<2x1280x32xf32, #tpu.memory_space<vmem>> -> memref<1x1280x32xf32, #tpu.memory_space<vmem>>
    %dma_start3A_841 = tpu.memref_squeeze %dma_start3A_840 : memref<1x1280x32xf32, #tpu.memory_space<vmem>> -> memref<1280x32xf32, #tpu.memory_space<vmem>>
    %dma_start3A_842 = arith.constant 0 : i32
    %dma_start3A_843 = tpu.memref_slice %arg5[%dma_start3A_835, %dma_start3A_842] : memref<2x1280xi32, #tpu.memory_space<vmem>> -> memref<1x1280xi32, #tpu.memory_space<vmem>>
    %dma_start3A_844 = tpu.memref_squeeze %dma_start3A_843 : memref<1x1280xi32, #tpu.memory_space<vmem>> -> memref<1280xi32, #tpu.memory_space<vmem>>
    %dma_start3A_845 = arith.constant 0 : i32
    %dma_start3A_846 = arith.constant 0 : i32
    %dma_start3A_847 = tpu.memref_slice %arg3[%dma_start3A_845, %dma_start3A_846] : memref<1000000x32xf32, #tpu.memory_space<hbm>> -> memref<1000000x32xf32, #tpu.memory_space<hbm>>
    %dma_start3A_848 = tpu.memref_slice %arg8[%dma_start3A_837] : memref<2x!tpu.dma_semaphore, #tpu.memory_space<semaphore_mem>> -> memref<1x!tpu.dma_semaphore, #tpu.memory_space<semaphore_mem>>
    %dma_start3A_849 = tpu.memref_squeeze %dma_start3A_848 : memref<1x!tpu.dma_semaphore, #tpu.memory_space<semaphore_mem>> -> memref<!tpu.dma_semaphore, #tpu.memory_space<semaphore_mem>>
    tpu.enqueue_indirect_dma source(%dma_start3A_847 : memref<1000000x32xf32, #tpu.memory_space<hbm>>) target(%dma_start3A_841 : memref<1280x32xf32, #tpu.memory_space<vmem>>) offsets(%dma_start3A_844 : memref<1280xi32, #tpu.memory_space<vmem>>) semaphore(%dma_start3A_849 : memref<!tpu.dma_semaphore, #tpu.memory_space<semaphore_mem>>)
    %dma_wait3A_850 = arith.constant 1 : i32
    %dma_wait3A_851 = arith.constant 1 : i32
    %dma_wait3A_852 = arith.constant 1 : i32
    %dma_wait3A_853 = arith.constant 0 : i32
    %dma_wait3A_854 = arith.constant 0 : i32
    %dma_wait3A_855 = tpu.memref_slice %arg6[%dma_wait3A_851, %dma_wait3A_853, %dma_wait3A_854] : memref<2x1280x32xf32, #tpu.memory_space<vmem>> -> memref<1x1280x32xf32, #tpu.memory_space<vmem>>
    %dma_wait3A_856 = tpu.memref_squeeze %dma_wait3A_855 : memref<1x1280x32xf32, #tpu.memory_space<vmem>> -> memref<1280x32xf32, #tpu.memory_space<vmem>>
    %dma_wait3A_857 = arith.constant 0 : i32
    %dma_wait3A_858 = tpu.memref_slice %arg5[%dma_wait3A_850, %dma_wait3A_857] : memref<2x1280xi32, #tpu.memory_space<vmem>> -> memref<1x1280xi32, #tpu.memory_space<vmem>>
    %dma_wait3A_859 = tpu.memref_squeeze %dma_wait3A_858 : memref<1x1280xi32, #tpu.memory_space<vmem>> -> memref<1280xi32, #tpu.memory_space<vmem>>
    %dma_wait3A_860 = arith.constant 0 : i32
    %dma_wait3A_861 = arith.constant 0 : i32
    %dma_wait3A_862 = tpu.memref_slice %arg3[%dma_wait3A_860, %dma_wait3A_861] : memref<1000000x32xf32, #tpu.memory_space<hbm>> -> memref<1000000x32xf32, #tpu.memory_space<hbm>>
    %dma_wait3A_863 = tpu.memref_slice %arg8[%dma_wait3A_852] : memref<2x!tpu.dma_semaphore, #tpu.memory_space<semaphore_mem>> -> memref<1x!tpu.dma_semaphore, #tpu.memory_space<semaphore_mem>>
    %dma_wait3A_864 = tpu.memref_squeeze %dma_wait3A_863 : memref<1x!tpu.dma_semaphore, #tpu.memory_space<semaphore_mem>> -> memref<!tpu.dma_semaphore, #tpu.memory_space<semaphore_mem>>
    tpu.wait_indirect_dma semaphore(%dma_wait3A_864 : memref<!tpu.dma_semaphore, #tpu.memory_space<semaphore_mem>>) src(%dma_wait3A_862 : memref<1000000x32xf32, #tpu.memory_space<hbm>>) dst(%dma_wait3A_856 : memref<1280x32xf32, #tpu.memory_space<vmem>>)
    %add3A_865 = arith.constant 11520 : i32
    %add3A_866 = arith.addi %mul3A_2, %add3A_865 : i32
    %dma_start3A_867 = arith.constant 1 : i32
    %dma_start3A_868 = arith.constant 1 : i32
    %dma_start3A_869 = arith.constant 0 : i32
    %dma_start3A_870 = arith.constant 0 : i32
    %dma_start3A_871 = tpu.memref_slice %arg6[%dma_start3A_867, %dma_start3A_869, %dma_start3A_870] : memref<2x1280x32xf32, #tpu.memory_space<vmem>> -> memref<1x1280x32xf32, #tpu.memory_space<vmem>>
    %dma_start3A_872 = tpu.memref_squeeze %dma_start3A_871 : memref<1x1280x32xf32, #tpu.memory_space<vmem>> -> memref<1280x32xf32, #tpu.memory_space<vmem>>
    %dma_start3A_873 = arith.constant 0 : i32
    %dma_start3A_874 = tpu.memref_slice %arg4[%add3A_866, %dma_start3A_873] : memref<819200x32xf32, #tpu.memory_space<hbm>> -> memref<1280x32xf32, #tpu.memory_space<hbm>>
    %dma_start3A_875 = tpu.memref_slice %arg9[%dma_start3A_868] : memref<2x!tpu.dma_semaphore, #tpu.memory_space<semaphore_mem>> -> memref<1x!tpu.dma_semaphore, #tpu.memory_space<semaphore_mem>>
    %dma_start3A_876 = tpu.memref_squeeze %dma_start3A_875 : memref<1x!tpu.dma_semaphore, #tpu.memory_space<semaphore_mem>> -> memref<!tpu.dma_semaphore, #tpu.memory_space<semaphore_mem>>
    %dma_start3A_877 = arith.constant 0 : i32
    %dma_start3A_878 = tpu.memref_slice %arg4[%add3A_866, %dma_start3A_877] : memref<819200x32xf32, #tpu.memory_space<hbm>> -> memref<1280x32xf32, #tpu.memory_space<hbm>>
    %dma_start3A_879 = arith.constant 0 : i32
    %dma_start3A_880 = arith.constant 0 : i32
    %dma_start3A_881 = tpu.memref_slice %arg6[%dma_start3A_867, %dma_start3A_879, %dma_start3A_880] : memref<2x1280x32xf32, #tpu.memory_space<vmem>> -> memref<1x1280x32xf32, #tpu.memory_space<vmem>>
    %dma_start3A_882 = tpu.memref_squeeze %dma_start3A_881 : memref<1x1280x32xf32, #tpu.memory_space<vmem>> -> memref<1280x32xf32, #tpu.memory_space<vmem>>
    tpu.enqueue_dma source(%dma_start3A_882 : memref<1280x32xf32, #tpu.memory_space<vmem>>) target(%dma_start3A_878 : memref<1280x32xf32, #tpu.memory_space<hbm>>) target_semaphore(%dma_start3A_876 : memref<!tpu.dma_semaphore, #tpu.memory_space<semaphore_mem>>)
    %add3A_883 = arith.constant 14080 : i32
    %add3A_884 = arith.addi %mul3A_2, %add3A_883 : i32
    %dma_start3A_885 = arith.constant 1 : i32
    %dma_start3A_886 = arith.constant 1 : i32
    %dma_start3A_887 = arith.constant 0 : i32
    %dma_start3A_888 = tpu.memref_slice %arg5[%dma_start3A_885, %dma_start3A_887] : memref<2x1280xi32, #tpu.memory_space<vmem>> -> memref<1x1280xi32, #tpu.memory_space<vmem>>
    %dma_start3A_889 = tpu.memref_squeeze %dma_start3A_888 : memref<1x1280xi32, #tpu.memory_space<vmem>> -> memref<1280xi32, #tpu.memory_space<vmem>>
    %dma_start3A_890 = tpu.memref_slice %arg2[%add3A_884] : memref<819200xi32, #tpu.memory_space<hbm>> -> memref<1280xi32, #tpu.memory_space<hbm>>
    %dma_start3A_891 = tpu.memref_slice %arg7[%dma_start3A_886] : memref<2x!tpu.dma_semaphore, #tpu.memory_space<semaphore_mem>> -> memref<1x!tpu.dma_semaphore, #tpu.memory_space<semaphore_mem>>
    %dma_start3A_892 = tpu.memref_squeeze %dma_start3A_891 : memref<1x!tpu.dma_semaphore, #tpu.memory_space<semaphore_mem>> -> memref<!tpu.dma_semaphore, #tpu.memory_space<semaphore_mem>>
    %dma_start3A_893 = arith.constant 0 : i32
    %dma_start3A_894 = tpu.memref_slice %arg5[%dma_start3A_885, %dma_start3A_893] : memref<2x1280xi32, #tpu.memory_space<vmem>> -> memref<1x1280xi32, #tpu.memory_space<vmem>>
    %dma_start3A_895 = tpu.memref_squeeze %dma_start3A_894 : memref<1x1280xi32, #tpu.memory_space<vmem>> -> memref<1280xi32, #tpu.memory_space<vmem>>
    %dma_start3A_896 = tpu.memref_slice %arg2[%add3A_884] : memref<819200xi32, #tpu.memory_space<hbm>> -> memref<1280xi32, #tpu.memory_space<hbm>>
    tpu.enqueue_dma source(%dma_start3A_896 : memref<1280xi32, #tpu.memory_space<hbm>>) target(%dma_start3A_895 : memref<1280xi32, #tpu.memory_space<vmem>>) target_semaphore(%dma_start3A_892 : memref<!tpu.dma_semaphore, #tpu.memory_space<semaphore_mem>>)
    %dma_wait3A_897 = arith.constant 0 : i32
    %dma_wait3A_898 = arith.constant 0 : i32
    %dma_wait3A_899 = arith.constant 0 : i32
    %dma_wait3A_900 = tpu.memref_slice %arg5[%dma_wait3A_897, %dma_wait3A_899] : memref<2x1280xi32, #tpu.memory_space<vmem>> -> memref<1x1280xi32, #tpu.memory_space<vmem>>
    %dma_wait3A_901 = tpu.memref_squeeze %dma_wait3A_900 : memref<1x1280xi32, #tpu.memory_space<vmem>> -> memref<1280xi32, #tpu.memory_space<vmem>>
    %dma_wait3A_902 = tpu.memref_slice %arg2[%add3A_794] : memref<819200xi32, #tpu.memory_space<hbm>> -> memref<1280xi32, #tpu.memory_space<hbm>>
    %dma_wait3A_903 = tpu.memref_slice %arg7[%dma_wait3A_898] : memref<2x!tpu.dma_semaphore, #tpu.memory_space<semaphore_mem>> -> memref<1x!tpu.dma_semaphore, #tpu.memory_space<semaphore_mem>>
    %dma_wait3A_904 = tpu.memref_squeeze %dma_wait3A_903 : memref<1x!tpu.dma_semaphore, #tpu.memory_space<semaphore_mem>> -> memref<!tpu.dma_semaphore, #tpu.memory_space<semaphore_mem>>
    %dma_wait3A_905 = arith.constant 0 : i32
    %dma_wait3A_906 = tpu.memref_slice %arg5[%dma_wait3A_897, %dma_wait3A_905] : memref<2x1280xi32, #tpu.memory_space<vmem>> -> memref<1x1280xi32, #tpu.memory_space<vmem>>
    %dma_wait3A_907 = tpu.memref_squeeze %dma_wait3A_906 : memref<1x1280xi32, #tpu.memory_space<vmem>> -> memref<1280xi32, #tpu.memory_space<vmem>>
    %dma_wait3A_908 = tpu.memref_slice %arg2[%add3A_794] : memref<819200xi32, #tpu.memory_space<hbm>> -> memref<1280xi32, #tpu.memory_space<hbm>>
    tpu.wait_dma2 semaphore(%dma_wait3A_904 : memref<!tpu.dma_semaphore, #tpu.memory_space<semaphore_mem>>) src(%dma_wait3A_908 : memref<1280xi32, #tpu.memory_space<hbm>>) dst(%dma_wait3A_907 : memref<1280xi32, #tpu.memory_space<vmem>>)
    %dma_wait3A_909 = arith.constant 0 : i32
    %dma_wait3A_910 = arith.constant 0 : i32
    %dma_wait3A_911 = arith.constant 0 : i32
    %dma_wait3A_912 = arith.constant 0 : i32
    %dma_wait3A_913 = tpu.memref_slice %arg6[%dma_wait3A_909, %dma_wait3A_911, %dma_wait3A_912] : memref<2x1280x32xf32, #tpu.memory_space<vmem>> -> memref<1x1280x32xf32, #tpu.memory_space<vmem>>
    %dma_wait3A_914 = tpu.memref_squeeze %dma_wait3A_913 : memref<1x1280x32xf32, #tpu.memory_space<vmem>> -> memref<1280x32xf32, #tpu.memory_space<vmem>>
    %dma_wait3A_915 = arith.constant 0 : i32
    %dma_wait3A_916 = tpu.memref_slice %arg4[%add3A_776, %dma_wait3A_915] : memref<819200x32xf32, #tpu.memory_space<hbm>> -> memref<1280x32xf32, #tpu.memory_space<hbm>>
    %dma_wait3A_917 = tpu.memref_slice %arg9[%dma_wait3A_910] : memref<2x!tpu.dma_semaphore, #tpu.memory_space<semaphore_mem>> -> memref<1x!tpu.dma_semaphore, #tpu.memory_space<semaphore_mem>>
    %dma_wait3A_918 = tpu.memref_squeeze %dma_wait3A_917 : memref<1x!tpu.dma_semaphore, #tpu.memory_space<semaphore_mem>> -> memref<!tpu.dma_semaphore, #tpu.memory_space<semaphore_mem>>
    %dma_wait3A_919 = arith.constant 0 : i32
    %dma_wait3A_920 = tpu.memref_slice %arg4[%add3A_776, %dma_wait3A_919] : memref<819200x32xf32, #tpu.memory_space<hbm>> -> memref<1280x32xf32, #tpu.memory_space<hbm>>
    %dma_wait3A_921 = arith.constant 0 : i32
    %dma_wait3A_922 = arith.constant 0 : i32
    %dma_wait3A_923 = tpu.memref_slice %arg6[%dma_wait3A_909, %dma_wait3A_921, %dma_wait3A_922] : memref<2x1280x32xf32, #tpu.memory_space<vmem>> -> memref<1x1280x32xf32, #tpu.memory_space<vmem>>
    %dma_wait3A_924 = tpu.memref_squeeze %dma_wait3A_923 : memref<1x1280x32xf32, #tpu.memory_space<vmem>> -> memref<1280x32xf32, #tpu.memory_space<vmem>>
    tpu.wait_dma2 semaphore(%dma_wait3A_918 : memref<!tpu.dma_semaphore, #tpu.memory_space<semaphore_mem>>) src(%dma_wait3A_924 : memref<1280x32xf32, #tpu.memory_space<vmem>>) dst(%dma_wait3A_920 : memref<1280x32xf32, #tpu.memory_space<hbm>>)
    %dma_start3A_925 = arith.constant 0 : i32
    %dma_start3A_926 = arith.constant 0 : i32
    %dma_start3A_927 = arith.constant 0 : i32
    %dma_start3A_928 = arith.constant 0 : i32
    %dma_start3A_929 = arith.constant 0 : i32
    %dma_start3A_930 = tpu.memref_slice %arg6[%dma_start3A_926, %dma_start3A_928, %dma_start3A_929] : memref<2x1280x32xf32, #tpu.memory_space<vmem>> -> memref<1x1280x32xf32, #tpu.memory_space<vmem>>
    %dma_start3A_931 = tpu.memref_squeeze %dma_start3A_930 : memref<1x1280x32xf32, #tpu.memory_space<vmem>> -> memref<1280x32xf32, #tpu.memory_space<vmem>>
    %dma_start3A_932 = arith.constant 0 : i32
    %dma_start3A_933 = tpu.memref_slice %arg5[%dma_start3A_925, %dma_start3A_932] : memref<2x1280xi32, #tpu.memory_space<vmem>> -> memref<1x1280xi32, #tpu.memory_space<vmem>>
    %dma_start3A_934 = tpu.memref_squeeze %dma_start3A_933 : memref<1x1280xi32, #tpu.memory_space<vmem>> -> memref<1280xi32, #tpu.memory_space<vmem>>
    %dma_start3A_935 = arith.constant 0 : i32
    %dma_start3A_936 = arith.constant 0 : i32
    %dma_start3A_937 = tpu.memref_slice %arg3[%dma_start3A_935, %dma_start3A_936] : memref<1000000x32xf32, #tpu.memory_space<hbm>> -> memref<1000000x32xf32, #tpu.memory_space<hbm>>
    %dma_start3A_938 = tpu.memref_slice %arg8[%dma_start3A_927] : memref<2x!tpu.dma_semaphore, #tpu.memory_space<semaphore_mem>> -> memref<1x!tpu.dma_semaphore, #tpu.memory_space<semaphore_mem>>
    %dma_start3A_939 = tpu.memref_squeeze %dma_start3A_938 : memref<1x!tpu.dma_semaphore, #tpu.memory_space<semaphore_mem>> -> memref<!tpu.dma_semaphore, #tpu.memory_space<semaphore_mem>>
    tpu.enqueue_indirect_dma source(%dma_start3A_937 : memref<1000000x32xf32, #tpu.memory_space<hbm>>) target(%dma_start3A_931 : memref<1280x32xf32, #tpu.memory_space<vmem>>) offsets(%dma_start3A_934 : memref<1280xi32, #tpu.memory_space<vmem>>) semaphore(%dma_start3A_939 : memref<!tpu.dma_semaphore, #tpu.memory_space<semaphore_mem>>)
    %dma_wait3A_940 = arith.constant 0 : i32
    %dma_wait3A_941 = arith.constant 0 : i32
    %dma_wait3A_942 = arith.constant 0 : i32
    %dma_wait3A_943 = arith.constant 0 : i32
    %dma_wait3A_944 = arith.constant 0 : i32
    %dma_wait3A_945 = tpu.memref_slice %arg6[%dma_wait3A_941, %dma_wait3A_943, %dma_wait3A_944] : memref<2x1280x32xf32, #tpu.memory_space<vmem>> -> memref<1x1280x32xf32, #tpu.memory_space<vmem>>
    %dma_wait3A_946 = tpu.memref_squeeze %dma_wait3A_945 : memref<1x1280x32xf32, #tpu.memory_space<vmem>> -> memref<1280x32xf32, #tpu.memory_space<vmem>>
    %dma_wait3A_947 = arith.constant 0 : i32
    %dma_wait3A_948 = tpu.memref_slice %arg5[%dma_wait3A_940, %dma_wait3A_947] : memref<2x1280xi32, #tpu.memory_space<vmem>> -> memref<1x1280xi32, #tpu.memory_space<vmem>>
    %dma_wait3A_949 = tpu.memref_squeeze %dma_wait3A_948 : memref<1x1280xi32, #tpu.memory_space<vmem>> -> memref<1280xi32, #tpu.memory_space<vmem>>
    %dma_wait3A_950 = arith.constant 0 : i32
    %dma_wait3A_951 = arith.constant 0 : i32
    %dma_wait3A_952 = tpu.memref_slice %arg3[%dma_wait3A_950, %dma_wait3A_951] : memref<1000000x32xf32, #tpu.memory_space<hbm>> -> memref<1000000x32xf32, #tpu.memory_space<hbm>>
    %dma_wait3A_953 = tpu.memref_slice %arg8[%dma_wait3A_942] : memref<2x!tpu.dma_semaphore, #tpu.memory_space<semaphore_mem>> -> memref<1x!tpu.dma_semaphore, #tpu.memory_space<semaphore_mem>>
    %dma_wait3A_954 = tpu.memref_squeeze %dma_wait3A_953 : memref<1x!tpu.dma_semaphore, #tpu.memory_space<semaphore_mem>> -> memref<!tpu.dma_semaphore, #tpu.memory_space<semaphore_mem>>
    tpu.wait_indirect_dma semaphore(%dma_wait3A_954 : memref<!tpu.dma_semaphore, #tpu.memory_space<semaphore_mem>>) src(%dma_wait3A_952 : memref<1000000x32xf32, #tpu.memory_space<hbm>>) dst(%dma_wait3A_946 : memref<1280x32xf32, #tpu.memory_space<vmem>>)
    %add3A_955 = arith.constant 12800 : i32
    %add3A_956 = arith.addi %mul3A_2, %add3A_955 : i32
    %dma_start3A_957 = arith.constant 0 : i32
    %dma_start3A_958 = arith.constant 0 : i32
    %dma_start3A_959 = arith.constant 0 : i32
    %dma_start3A_960 = arith.constant 0 : i32
    %dma_start3A_961 = tpu.memref_slice %arg6[%dma_start3A_957, %dma_start3A_959, %dma_start3A_960] : memref<2x1280x32xf32, #tpu.memory_space<vmem>> -> memref<1x1280x32xf32, #tpu.memory_space<vmem>>
    %dma_start3A_962 = tpu.memref_squeeze %dma_start3A_961 : memref<1x1280x32xf32, #tpu.memory_space<vmem>> -> memref<1280x32xf32, #tpu.memory_space<vmem>>
    %dma_start3A_963 = arith.constant 0 : i32
    %dma_start3A_964 = tpu.memref_slice %arg4[%add3A_956, %dma_start3A_963] : memref<819200x32xf32, #tpu.memory_space<hbm>> -> memref<1280x32xf32, #tpu.memory_space<hbm>>
    %dma_start3A_965 = tpu.memref_slice %arg9[%dma_start3A_958] : memref<2x!tpu.dma_semaphore, #tpu.memory_space<semaphore_mem>> -> memref<1x!tpu.dma_semaphore, #tpu.memory_space<semaphore_mem>>
    %dma_start3A_966 = tpu.memref_squeeze %dma_start3A_965 : memref<1x!tpu.dma_semaphore, #tpu.memory_space<semaphore_mem>> -> memref<!tpu.dma_semaphore, #tpu.memory_space<semaphore_mem>>
    %dma_start3A_967 = arith.constant 0 : i32
    %dma_start3A_968 = tpu.memref_slice %arg4[%add3A_956, %dma_start3A_967] : memref<819200x32xf32, #tpu.memory_space<hbm>> -> memref<1280x32xf32, #tpu.memory_space<hbm>>
    %dma_start3A_969 = arith.constant 0 : i32
    %dma_start3A_970 = arith.constant 0 : i32
    %dma_start3A_971 = tpu.memref_slice %arg6[%dma_start3A_957, %dma_start3A_969, %dma_start3A_970] : memref<2x1280x32xf32, #tpu.memory_space<vmem>> -> memref<1x1280x32xf32, #tpu.memory_space<vmem>>
    %dma_start3A_972 = tpu.memref_squeeze %dma_start3A_971 : memref<1x1280x32xf32, #tpu.memory_space<vmem>> -> memref<1280x32xf32, #tpu.memory_space<vmem>>
    tpu.enqueue_dma source(%dma_start3A_972 : memref<1280x32xf32, #tpu.memory_space<vmem>>) target(%dma_start3A_968 : memref<1280x32xf32, #tpu.memory_space<hbm>>) target_semaphore(%dma_start3A_966 : memref<!tpu.dma_semaphore, #tpu.memory_space<semaphore_mem>>)
    %add3A_973 = arith.constant 15360 : i32
    %add3A_974 = arith.addi %mul3A_2, %add3A_973 : i32
    %dma_start3A_975 = arith.constant 0 : i32
    %dma_start3A_976 = arith.constant 0 : i32
    %dma_start3A_977 = arith.constant 0 : i32
    %dma_start3A_978 = tpu.memref_slice %arg5[%dma_start3A_975, %dma_start3A_977] : memref<2x1280xi32, #tpu.memory_space<vmem>> -> memref<1x1280xi32, #tpu.memory_space<vmem>>
    %dma_start3A_979 = tpu.memref_squeeze %dma_start3A_978 : memref<1x1280xi32, #tpu.memory_space<vmem>> -> memref<1280xi32, #tpu.memory_space<vmem>>
    %dma_start3A_980 = tpu.memref_slice %arg2[%add3A_974] : memref<819200xi32, #tpu.memory_space<hbm>> -> memref<1280xi32, #tpu.memory_space<hbm>>
    %dma_start3A_981 = tpu.memref_slice %arg7[%dma_start3A_976] : memref<2x!tpu.dma_semaphore, #tpu.memory_space<semaphore_mem>> -> memref<1x!tpu.dma_semaphore, #tpu.memory_space<semaphore_mem>>
    %dma_start3A_982 = tpu.memref_squeeze %dma_start3A_981 : memref<1x!tpu.dma_semaphore, #tpu.memory_space<semaphore_mem>> -> memref<!tpu.dma_semaphore, #tpu.memory_space<semaphore_mem>>
    %dma_start3A_983 = arith.constant 0 : i32
    %dma_start3A_984 = tpu.memref_slice %arg5[%dma_start3A_975, %dma_start3A_983] : memref<2x1280xi32, #tpu.memory_space<vmem>> -> memref<1x1280xi32, #tpu.memory_space<vmem>>
    %dma_start3A_985 = tpu.memref_squeeze %dma_start3A_984 : memref<1x1280xi32, #tpu.memory_space<vmem>> -> memref<1280xi32, #tpu.memory_space<vmem>>
    %dma_start3A_986 = tpu.memref_slice %arg2[%add3A_974] : memref<819200xi32, #tpu.memory_space<hbm>> -> memref<1280xi32, #tpu.memory_space<hbm>>
    tpu.enqueue_dma source(%dma_start3A_986 : memref<1280xi32, #tpu.memory_space<hbm>>) target(%dma_start3A_985 : memref<1280xi32, #tpu.memory_space<vmem>>) target_semaphore(%dma_start3A_982 : memref<!tpu.dma_semaphore, #tpu.memory_space<semaphore_mem>>)
    %dma_wait3A_987 = arith.constant 1 : i32
    %dma_wait3A_988 = arith.constant 1 : i32
    %dma_wait3A_989 = arith.constant 0 : i32
    %dma_wait3A_990 = tpu.memref_slice %arg5[%dma_wait3A_987, %dma_wait3A_989] : memref<2x1280xi32, #tpu.memory_space<vmem>> -> memref<1x1280xi32, #tpu.memory_space<vmem>>
    %dma_wait3A_991 = tpu.memref_squeeze %dma_wait3A_990 : memref<1x1280xi32, #tpu.memory_space<vmem>> -> memref<1280xi32, #tpu.memory_space<vmem>>
    %dma_wait3A_992 = tpu.memref_slice %arg2[%add3A_884] : memref<819200xi32, #tpu.memory_space<hbm>> -> memref<1280xi32, #tpu.memory_space<hbm>>
    %dma_wait3A_993 = tpu.memref_slice %arg7[%dma_wait3A_988] : memref<2x!tpu.dma_semaphore, #tpu.memory_space<semaphore_mem>> -> memref<1x!tpu.dma_semaphore, #tpu.memory_space<semaphore_mem>>
    %dma_wait3A_994 = tpu.memref_squeeze %dma_wait3A_993 : memref<1x!tpu.dma_semaphore, #tpu.memory_space<semaphore_mem>> -> memref<!tpu.dma_semaphore, #tpu.memory_space<semaphore_mem>>
    %dma_wait3A_995 = arith.constant 0 : i32
    %dma_wait3A_996 = tpu.memref_slice %arg5[%dma_wait3A_987, %dma_wait3A_995] : memref<2x1280xi32, #tpu.memory_space<vmem>> -> memref<1x1280xi32, #tpu.memory_space<vmem>>
    %dma_wait3A_997 = tpu.memref_squeeze %dma_wait3A_996 : memref<1x1280xi32, #tpu.memory_space<vmem>> -> memref<1280xi32, #tpu.memory_space<vmem>>
    %dma_wait3A_998 = tpu.memref_slice %arg2[%add3A_884] : memref<819200xi32, #tpu.memory_space<hbm>> -> memref<1280xi32, #tpu.memory_space<hbm>>
    tpu.wait_dma2 semaphore(%dma_wait3A_994 : memref<!tpu.dma_semaphore, #tpu.memory_space<semaphore_mem>>) src(%dma_wait3A_998 : memref<1280xi32, #tpu.memory_space<hbm>>) dst(%dma_wait3A_997 : memref<1280xi32, #tpu.memory_space<vmem>>)
    %dma_wait3A_999 = arith.constant 1 : i32
    %dma_wait3A_1000 = arith.constant 1 : i32
    %dma_wait3A_1001 = arith.constant 0 : i32
    %dma_wait3A_1002 = arith.constant 0 : i32
    %dma_wait3A_1003 = tpu.memref_slice %arg6[%dma_wait3A_999, %dma_wait3A_1001, %dma_wait3A_1002] : memref<2x1280x32xf32, #tpu.memory_space<vmem>> -> memref<1x1280x32xf32, #tpu.memory_space<vmem>>
    %dma_wait3A_1004 = tpu.memref_squeeze %dma_wait3A_1003 : memref<1x1280x32xf32, #tpu.memory_space<vmem>> -> memref<1280x32xf32, #tpu.memory_space<vmem>>
    %dma_wait3A_1005 = arith.constant 0 : i32
    %dma_wait3A_1006 = tpu.memref_slice %arg4[%add3A_866, %dma_wait3A_1005] : memref<819200x32xf32, #tpu.memory_space<hbm>> -> memref<1280x32xf32, #tpu.memory_space<hbm>>
    %dma_wait3A_1007 = tpu.memref_slice %arg9[%dma_wait3A_1000] : memref<2x!tpu.dma_semaphore, #tpu.memory_space<semaphore_mem>> -> memref<1x!tpu.dma_semaphore, #tpu.memory_space<semaphore_mem>>
    %dma_wait3A_1008 = tpu.memref_squeeze %dma_wait3A_1007 : memref<1x!tpu.dma_semaphore, #tpu.memory_space<semaphore_mem>> -> memref<!tpu.dma_semaphore, #tpu.memory_space<semaphore_mem>>
    %dma_wait3A_1009 = arith.constant 0 : i32
    %dma_wait3A_1010 = tpu.memref_slice %arg4[%add3A_866, %dma_wait3A_1009] : memref<819200x32xf32, #tpu.memory_space<hbm>> -> memref<1280x32xf32, #tpu.memory_space<hbm>>
    %dma_wait3A_1011 = arith.constant 0 : i32
    %dma_wait3A_1012 = arith.constant 0 : i32
    %dma_wait3A_1013 = tpu.memref_slice %arg6[%dma_wait3A_999, %dma_wait3A_1011, %dma_wait3A_1012] : memref<2x1280x32xf32, #tpu.memory_space<vmem>> -> memref<1x1280x32xf32, #tpu.memory_space<vmem>>
    %dma_wait3A_1014 = tpu.memref_squeeze %dma_wait3A_1013 : memref<1x1280x32xf32, #tpu.memory_space<vmem>> -> memref<1280x32xf32, #tpu.memory_space<vmem>>
    tpu.wait_dma2 semaphore(%dma_wait3A_1008 : memref<!tpu.dma_semaphore, #tpu.memory_space<semaphore_mem>>) src(%dma_wait3A_1014 : memref<1280x32xf32, #tpu.memory_space<vmem>>) dst(%dma_wait3A_1010 : memref<1280x32xf32, #tpu.memory_space<hbm>>)
    %dma_start3A_1015 = arith.constant 1 : i32
    %dma_start3A_1016 = arith.constant 1 : i32
    %dma_start3A_1017 = arith.constant 1 : i32
    %dma_start3A_1018 = arith.constant 0 : i32
    %dma_start3A_1019 = arith.constant 0 : i32
    %dma_start3A_1020 = tpu.memref_slice %arg6[%dma_start3A_1016, %dma_start3A_1018, %dma_start3A_1019] : memref<2x1280x32xf32, #tpu.memory_space<vmem>> -> memref<1x1280x32xf32, #tpu.memory_space<vmem>>
    %dma_start3A_1021 = tpu.memref_squeeze %dma_start3A_1020 : memref<1x1280x32xf32, #tpu.memory_space<vmem>> -> memref<1280x32xf32, #tpu.memory_space<vmem>>
    %dma_start3A_1022 = arith.constant 0 : i32
    %dma_start3A_1023 = tpu.memref_slice %arg5[%dma_start3A_1015, %dma_start3A_1022] : memref<2x1280xi32, #tpu.memory_space<vmem>> -> memref<1x1280xi32, #tpu.memory_space<vmem>>
    %dma_start3A_1024 = tpu.memref_squeeze %dma_start3A_1023 : memref<1x1280xi32, #tpu.memory_space<vmem>> -> memref<1280xi32, #tpu.memory_space<vmem>>
    %dma_start3A_1025 = arith.constant 0 : i32
    %dma_start3A_1026 = arith.constant 0 : i32
    %dma_start3A_1027 = tpu.memref_slice %arg3[%dma_start3A_1025, %dma_start3A_1026] : memref<1000000x32xf32, #tpu.memory_space<hbm>> -> memref<1000000x32xf32, #tpu.memory_space<hbm>>
    %dma_start3A_1028 = tpu.memref_slice %arg8[%dma_start3A_1017] : memref<2x!tpu.dma_semaphore, #tpu.memory_space<semaphore_mem>> -> memref<1x!tpu.dma_semaphore, #tpu.memory_space<semaphore_mem>>
    %dma_start3A_1029 = tpu.memref_squeeze %dma_start3A_1028 : memref<1x!tpu.dma_semaphore, #tpu.memory_space<semaphore_mem>> -> memref<!tpu.dma_semaphore, #tpu.memory_space<semaphore_mem>>
    tpu.enqueue_indirect_dma source(%dma_start3A_1027 : memref<1000000x32xf32, #tpu.memory_space<hbm>>) target(%dma_start3A_1021 : memref<1280x32xf32, #tpu.memory_space<vmem>>) offsets(%dma_start3A_1024 : memref<1280xi32, #tpu.memory_space<vmem>>) semaphore(%dma_start3A_1029 : memref<!tpu.dma_semaphore, #tpu.memory_space<semaphore_mem>>)
    %dma_wait3A_1030 = arith.constant 1 : i32
    %dma_wait3A_1031 = arith.constant 1 : i32
    %dma_wait3A_1032 = arith.constant 1 : i32
    %dma_wait3A_1033 = arith.constant 0 : i32
    %dma_wait3A_1034 = arith.constant 0 : i32
    %dma_wait3A_1035 = tpu.memref_slice %arg6[%dma_wait3A_1031, %dma_wait3A_1033, %dma_wait3A_1034] : memref<2x1280x32xf32, #tpu.memory_space<vmem>> -> memref<1x1280x32xf32, #tpu.memory_space<vmem>>
    %dma_wait3A_1036 = tpu.memref_squeeze %dma_wait3A_1035 : memref<1x1280x32xf32, #tpu.memory_space<vmem>> -> memref<1280x32xf32, #tpu.memory_space<vmem>>
    %dma_wait3A_1037 = arith.constant 0 : i32
    %dma_wait3A_1038 = tpu.memref_slice %arg5[%dma_wait3A_1030, %dma_wait3A_1037] : memref<2x1280xi32, #tpu.memory_space<vmem>> -> memref<1x1280xi32, #tpu.memory_space<vmem>>
    %dma_wait3A_1039 = tpu.memref_squeeze %dma_wait3A_1038 : memref<1x1280xi32, #tpu.memory_space<vmem>> -> memref<1280xi32, #tpu.memory_space<vmem>>
    %dma_wait3A_1040 = arith.constant 0 : i32
    %dma_wait3A_1041 = arith.constant 0 : i32
    %dma_wait3A_1042 = tpu.memref_slice %arg3[%dma_wait3A_1040, %dma_wait3A_1041] : memref<1000000x32xf32, #tpu.memory_space<hbm>> -> memref<1000000x32xf32, #tpu.memory_space<hbm>>
    %dma_wait3A_1043 = tpu.memref_slice %arg8[%dma_wait3A_1032] : memref<2x!tpu.dma_semaphore, #tpu.memory_space<semaphore_mem>> -> memref<1x!tpu.dma_semaphore, #tpu.memory_space<semaphore_mem>>
    %dma_wait3A_1044 = tpu.memref_squeeze %dma_wait3A_1043 : memref<1x!tpu.dma_semaphore, #tpu.memory_space<semaphore_mem>> -> memref<!tpu.dma_semaphore, #tpu.memory_space<semaphore_mem>>
    tpu.wait_indirect_dma semaphore(%dma_wait3A_1044 : memref<!tpu.dma_semaphore, #tpu.memory_space<semaphore_mem>>) src(%dma_wait3A_1042 : memref<1000000x32xf32, #tpu.memory_space<hbm>>) dst(%dma_wait3A_1036 : memref<1280x32xf32, #tpu.memory_space<vmem>>)
    %add3A_1045 = arith.constant 14080 : i32
    %add3A_1046 = arith.addi %mul3A_2, %add3A_1045 : i32
    %dma_start3A_1047 = arith.constant 1 : i32
    %dma_start3A_1048 = arith.constant 1 : i32
    %dma_start3A_1049 = arith.constant 0 : i32
    %dma_start3A_1050 = arith.constant 0 : i32
    %dma_start3A_1051 = tpu.memref_slice %arg6[%dma_start3A_1047, %dma_start3A_1049, %dma_start3A_1050] : memref<2x1280x32xf32, #tpu.memory_space<vmem>> -> memref<1x1280x32xf32, #tpu.memory_space<vmem>>
    %dma_start3A_1052 = tpu.memref_squeeze %dma_start3A_1051 : memref<1x1280x32xf32, #tpu.memory_space<vmem>> -> memref<1280x32xf32, #tpu.memory_space<vmem>>
    %dma_start3A_1053 = arith.constant 0 : i32
    %dma_start3A_1054 = tpu.memref_slice %arg4[%add3A_1046, %dma_start3A_1053] : memref<819200x32xf32, #tpu.memory_space<hbm>> -> memref<1280x32xf32, #tpu.memory_space<hbm>>
    %dma_start3A_1055 = tpu.memref_slice %arg9[%dma_start3A_1048] : memref<2x!tpu.dma_semaphore, #tpu.memory_space<semaphore_mem>> -> memref<1x!tpu.dma_semaphore, #tpu.memory_space<semaphore_mem>>
    %dma_start3A_1056 = tpu.memref_squeeze %dma_start3A_1055 : memref<1x!tpu.dma_semaphore, #tpu.memory_space<semaphore_mem>> -> memref<!tpu.dma_semaphore, #tpu.memory_space<semaphore_mem>>
    %dma_start3A_1057 = arith.constant 0 : i32
    %dma_start3A_1058 = tpu.memref_slice %arg4[%add3A_1046, %dma_start3A_1057] : memref<819200x32xf32, #tpu.memory_space<hbm>> -> memref<1280x32xf32, #tpu.memory_space<hbm>>
    %dma_start3A_1059 = arith.constant 0 : i32
    %dma_start3A_1060 = arith.constant 0 : i32
    %dma_start3A_1061 = tpu.memref_slice %arg6[%dma_start3A_1047, %dma_start3A_1059, %dma_start3A_1060] : memref<2x1280x32xf32, #tpu.memory_space<vmem>> -> memref<1x1280x32xf32, #tpu.memory_space<vmem>>
    %dma_start3A_1062 = tpu.memref_squeeze %dma_start3A_1061 : memref<1x1280x32xf32, #tpu.memory_space<vmem>> -> memref<1280x32xf32, #tpu.memory_space<vmem>>
    tpu.enqueue_dma source(%dma_start3A_1062 : memref<1280x32xf32, #tpu.memory_space<vmem>>) target(%dma_start3A_1058 : memref<1280x32xf32, #tpu.memory_space<hbm>>) target_semaphore(%dma_start3A_1056 : memref<!tpu.dma_semaphore, #tpu.memory_space<semaphore_mem>>)
    %add3A_1063 = arith.constant 16640 : i32
    %add3A_1064 = arith.addi %mul3A_2, %add3A_1063 : i32
    %dma_start3A_1065 = arith.constant 1 : i32
    %dma_start3A_1066 = arith.constant 1 : i32
    %dma_start3A_1067 = arith.constant 0 : i32
    %dma_start3A_1068 = tpu.memref_slice %arg5[%dma_start3A_1065, %dma_start3A_1067] : memref<2x1280xi32, #tpu.memory_space<vmem>> -> memref<1x1280xi32, #tpu.memory_space<vmem>>
    %dma_start3A_1069 = tpu.memref_squeeze %dma_start3A_1068 : memref<1x1280xi32, #tpu.memory_space<vmem>> -> memref<1280xi32, #tpu.memory_space<vmem>>
    %dma_start3A_1070 = tpu.memref_slice %arg2[%add3A_1064] : memref<819200xi32, #tpu.memory_space<hbm>> -> memref<1280xi32, #tpu.memory_space<hbm>>
    %dma_start3A_1071 = tpu.memref_slice %arg7[%dma_start3A_1066] : memref<2x!tpu.dma_semaphore, #tpu.memory_space<semaphore_mem>> -> memref<1x!tpu.dma_semaphore, #tpu.memory_space<semaphore_mem>>
    %dma_start3A_1072 = tpu.memref_squeeze %dma_start3A_1071 : memref<1x!tpu.dma_semaphore, #tpu.memory_space<semaphore_mem>> -> memref<!tpu.dma_semaphore, #tpu.memory_space<semaphore_mem>>
    %dma_start3A_1073 = arith.constant 0 : i32
    %dma_start3A_1074 = tpu.memref_slice %arg5[%dma_start3A_1065, %dma_start3A_1073] : memref<2x1280xi32, #tpu.memory_space<vmem>> -> memref<1x1280xi32, #tpu.memory_space<vmem>>
    %dma_start3A_1075 = tpu.memref_squeeze %dma_start3A_1074 : memref<1x1280xi32, #tpu.memory_space<vmem>> -> memref<1280xi32, #tpu.memory_space<vmem>>
    %dma_start3A_1076 = tpu.memref_slice %arg2[%add3A_1064] : memref<819200xi32, #tpu.memory_space<hbm>> -> memref<1280xi32, #tpu.memory_space<hbm>>
    tpu.enqueue_dma source(%dma_start3A_1076 : memref<1280xi32, #tpu.memory_space<hbm>>) target(%dma_start3A_1075 : memref<1280xi32, #tpu.memory_space<vmem>>) target_semaphore(%dma_start3A_1072 : memref<!tpu.dma_semaphore, #tpu.memory_space<semaphore_mem>>)
    %dma_wait3A_1077 = arith.constant 0 : i32
    %dma_wait3A_1078 = arith.constant 0 : i32
    %dma_wait3A_1079 = arith.constant 0 : i32
    %dma_wait3A_1080 = tpu.memref_slice %arg5[%dma_wait3A_1077, %dma_wait3A_1079] : memref<2x1280xi32, #tpu.memory_space<vmem>> -> memref<1x1280xi32, #tpu.memory_space<vmem>>
    %dma_wait3A_1081 = tpu.memref_squeeze %dma_wait3A_1080 : memref<1x1280xi32, #tpu.memory_space<vmem>> -> memref<1280xi32, #tpu.memory_space<vmem>>
    %dma_wait3A_1082 = tpu.memref_slice %arg2[%add3A_974] : memref<819200xi32, #tpu.memory_space<hbm>> -> memref<1280xi32, #tpu.memory_space<hbm>>
    %dma_wait3A_1083 = tpu.memref_slice %arg7[%dma_wait3A_1078] : memref<2x!tpu.dma_semaphore, #tpu.memory_space<semaphore_mem>> -> memref<1x!tpu.dma_semaphore, #tpu.memory_space<semaphore_mem>>
    %dma_wait3A_1084 = tpu.memref_squeeze %dma_wait3A_1083 : memref<1x!tpu.dma_semaphore, #tpu.memory_space<semaphore_mem>> -> memref<!tpu.dma_semaphore, #tpu.memory_space<semaphore_mem>>
    %dma_wait3A_1085 = arith.constant 0 : i32
    %dma_wait3A_1086 = tpu.memref_slice %arg5[%dma_wait3A_1077, %dma_wait3A_1085] : memref<2x1280xi32, #tpu.memory_space<vmem>> -> memref<1x1280xi32, #tpu.memory_space<vmem>>
    %dma_wait3A_1087 = tpu.memref_squeeze %dma_wait3A_1086 : memref<1x1280xi32, #tpu.memory_space<vmem>> -> memref<1280xi32, #tpu.memory_space<vmem>>
    %dma_wait3A_1088 = tpu.memref_slice %arg2[%add3A_974] : memref<819200xi32, #tpu.memory_space<hbm>> -> memref<1280xi32, #tpu.memory_space<hbm>>
    tpu.wait_dma2 semaphore(%dma_wait3A_1084 : memref<!tpu.dma_semaphore, #tpu.memory_space<semaphore_mem>>) src(%dma_wait3A_1088 : memref<1280xi32, #tpu.memory_space<hbm>>) dst(%dma_wait3A_1087 : memref<1280xi32, #tpu.memory_space<vmem>>)
    %dma_wait3A_1089 = arith.constant 0 : i32
    %dma_wait3A_1090 = arith.constant 0 : i32
    %dma_wait3A_1091 = arith.constant 0 : i32
    %dma_wait3A_1092 = arith.constant 0 : i32
    %dma_wait3A_1093 = tpu.memref_slice %arg6[%dma_wait3A_1089, %dma_wait3A_1091, %dma_wait3A_1092] : memref<2x1280x32xf32, #tpu.memory_space<vmem>> -> memref<1x1280x32xf32, #tpu.memory_space<vmem>>
    %dma_wait3A_1094 = tpu.memref_squeeze %dma_wait3A_1093 : memref<1x1280x32xf32, #tpu.memory_space<vmem>> -> memref<1280x32xf32, #tpu.memory_space<vmem>>
    %dma_wait3A_1095 = arith.constant 0 : i32
    %dma_wait3A_1096 = tpu.memref_slice %arg4[%add3A_956, %dma_wait3A_1095] : memref<819200x32xf32, #tpu.memory_space<hbm>> -> memref<1280x32xf32, #tpu.memory_space<hbm>>
    %dma_wait3A_1097 = tpu.memref_slice %arg9[%dma_wait3A_1090] : memref<2x!tpu.dma_semaphore, #tpu.memory_space<semaphore_mem>> -> memref<1x!tpu.dma_semaphore, #tpu.memory_space<semaphore_mem>>
    %dma_wait3A_1098 = tpu.memref_squeeze %dma_wait3A_1097 : memref<1x!tpu.dma_semaphore, #tpu.memory_space<semaphore_mem>> -> memref<!tpu.dma_semaphore, #tpu.memory_space<semaphore_mem>>
    %dma_wait3A_1099 = arith.constant 0 : i32
    %dma_wait3A_1100 = tpu.memref_slice %arg4[%add3A_956, %dma_wait3A_1099] : memref<819200x32xf32, #tpu.memory_space<hbm>> -> memref<1280x32xf32, #tpu.memory_space<hbm>>
    %dma_wait3A_1101 = arith.constant 0 : i32
    %dma_wait3A_1102 = arith.constant 0 : i32
    %dma_wait3A_1103 = tpu.memref_slice %arg6[%dma_wait3A_1089, %dma_wait3A_1101, %dma_wait3A_1102] : memref<2x1280x32xf32, #tpu.memory_space<vmem>> -> memref<1x1280x32xf32, #tpu.memory_space<vmem>>
    %dma_wait3A_1104 = tpu.memref_squeeze %dma_wait3A_1103 : memref<1x1280x32xf32, #tpu.memory_space<vmem>> -> memref<1280x32xf32, #tpu.memory_space<vmem>>
    tpu.wait_dma2 semaphore(%dma_wait3A_1098 : memref<!tpu.dma_semaphore, #tpu.memory_space<semaphore_mem>>) src(%dma_wait3A_1104 : memref<1280x32xf32, #tpu.memory_space<vmem>>) dst(%dma_wait3A_1100 : memref<1280x32xf32, #tpu.memory_space<hbm>>)
    %dma_start3A_1105 = arith.constant 0 : i32
    %dma_start3A_1106 = arith.constant 0 : i32
    %dma_start3A_1107 = arith.constant 0 : i32
    %dma_start3A_1108 = arith.constant 0 : i32
    %dma_start3A_1109 = arith.constant 0 : i32
    %dma_start3A_1110 = tpu.memref_slice %arg6[%dma_start3A_1106, %dma_start3A_1108, %dma_start3A_1109] : memref<2x1280x32xf32, #tpu.memory_space<vmem>> -> memref<1x1280x32xf32, #tpu.memory_space<vmem>>
    %dma_start3A_1111 = tpu.memref_squeeze %dma_start3A_1110 : memref<1x1280x32xf32, #tpu.memory_space<vmem>> -> memref<1280x32xf32, #tpu.memory_space<vmem>>
    %dma_start3A_1112 = arith.constant 0 : i32
    %dma_start3A_1113 = tpu.memref_slice %arg5[%dma_start3A_1105, %dma_start3A_1112] : memref<2x1280xi32, #tpu.memory_space<vmem>> -> memref<1x1280xi32, #tpu.memory_space<vmem>>
    %dma_start3A_1114 = tpu.memref_squeeze %dma_start3A_1113 : memref<1x1280xi32, #tpu.memory_space<vmem>> -> memref<1280xi32, #tpu.memory_space<vmem>>
    %dma_start3A_1115 = arith.constant 0 : i32
    %dma_start3A_1116 = arith.constant 0 : i32
    %dma_start3A_1117 = tpu.memref_slice %arg3[%dma_start3A_1115, %dma_start3A_1116] : memref<1000000x32xf32, #tpu.memory_space<hbm>> -> memref<1000000x32xf32, #tpu.memory_space<hbm>>
    %dma_start3A_1118 = tpu.memref_slice %arg8[%dma_start3A_1107] : memref<2x!tpu.dma_semaphore, #tpu.memory_space<semaphore_mem>> -> memref<1x!tpu.dma_semaphore, #tpu.memory_space<semaphore_mem>>
    %dma_start3A_1119 = tpu.memref_squeeze %dma_start3A_1118 : memref<1x!tpu.dma_semaphore, #tpu.memory_space<semaphore_mem>> -> memref<!tpu.dma_semaphore, #tpu.memory_space<semaphore_mem>>
    tpu.enqueue_indirect_dma source(%dma_start3A_1117 : memref<1000000x32xf32, #tpu.memory_space<hbm>>) target(%dma_start3A_1111 : memref<1280x32xf32, #tpu.memory_space<vmem>>) offsets(%dma_start3A_1114 : memref<1280xi32, #tpu.memory_space<vmem>>) semaphore(%dma_start3A_1119 : memref<!tpu.dma_semaphore, #tpu.memory_space<semaphore_mem>>)
    %dma_wait3A_1120 = arith.constant 0 : i32
    %dma_wait3A_1121 = arith.constant 0 : i32
    %dma_wait3A_1122 = arith.constant 0 : i32
    %dma_wait3A_1123 = arith.constant 0 : i32
    %dma_wait3A_1124 = arith.constant 0 : i32
    %dma_wait3A_1125 = tpu.memref_slice %arg6[%dma_wait3A_1121, %dma_wait3A_1123, %dma_wait3A_1124] : memref<2x1280x32xf32, #tpu.memory_space<vmem>> -> memref<1x1280x32xf32, #tpu.memory_space<vmem>>
    %dma_wait3A_1126 = tpu.memref_squeeze %dma_wait3A_1125 : memref<1x1280x32xf32, #tpu.memory_space<vmem>> -> memref<1280x32xf32, #tpu.memory_space<vmem>>
    %dma_wait3A_1127 = arith.constant 0 : i32
    %dma_wait3A_1128 = tpu.memref_slice %arg5[%dma_wait3A_1120, %dma_wait3A_1127] : memref<2x1280xi32, #tpu.memory_space<vmem>> -> memref<1x1280xi32, #tpu.memory_space<vmem>>
    %dma_wait3A_1129 = tpu.memref_squeeze %dma_wait3A_1128 : memref<1x1280xi32, #tpu.memory_space<vmem>> -> memref<1280xi32, #tpu.memory_space<vmem>>
    %dma_wait3A_1130 = arith.constant 0 : i32
    %dma_wait3A_1131 = arith.constant 0 : i32
    %dma_wait3A_1132 = tpu.memref_slice %arg3[%dma_wait3A_1130, %dma_wait3A_1131] : memref<1000000x32xf32, #tpu.memory_space<hbm>> -> memref<1000000x32xf32, #tpu.memory_space<hbm>>
    %dma_wait3A_1133 = tpu.memref_slice %arg8[%dma_wait3A_1122] : memref<2x!tpu.dma_semaphore, #tpu.memory_space<semaphore_mem>> -> memref<1x!tpu.dma_semaphore, #tpu.memory_space<semaphore_mem>>
    %dma_wait3A_1134 = tpu.memref_squeeze %dma_wait3A_1133 : memref<1x!tpu.dma_semaphore, #tpu.memory_space<semaphore_mem>> -> memref<!tpu.dma_semaphore, #tpu.memory_space<semaphore_mem>>
    tpu.wait_indirect_dma semaphore(%dma_wait3A_1134 : memref<!tpu.dma_semaphore, #tpu.memory_space<semaphore_mem>>) src(%dma_wait3A_1132 : memref<1000000x32xf32, #tpu.memory_space<hbm>>) dst(%dma_wait3A_1126 : memref<1280x32xf32, #tpu.memory_space<vmem>>)
    %add3A_1135 = arith.constant 15360 : i32
    %add3A_1136 = arith.addi %mul3A_2, %add3A_1135 : i32
    %dma_start3A_1137 = arith.constant 0 : i32
    %dma_start3A_1138 = arith.constant 0 : i32
    %dma_start3A_1139 = arith.constant 0 : i32
    %dma_start3A_1140 = arith.constant 0 : i32
    %dma_start3A_1141 = tpu.memref_slice %arg6[%dma_start3A_1137, %dma_start3A_1139, %dma_start3A_1140] : memref<2x1280x32xf32, #tpu.memory_space<vmem>> -> memref<1x1280x32xf32, #tpu.memory_space<vmem>>
    %dma_start3A_1142 = tpu.memref_squeeze %dma_start3A_1141 : memref<1x1280x32xf32, #tpu.memory_space<vmem>> -> memref<1280x32xf32, #tpu.memory_space<vmem>>
    %dma_start3A_1143 = arith.constant 0 : i32
    %dma_start3A_1144 = tpu.memref_slice %arg4[%add3A_1136, %dma_start3A_1143] : memref<819200x32xf32, #tpu.memory_space<hbm>> -> memref<1280x32xf32, #tpu.memory_space<hbm>>
    %dma_start3A_1145 = tpu.memref_slice %arg9[%dma_start3A_1138] : memref<2x!tpu.dma_semaphore, #tpu.memory_space<semaphore_mem>> -> memref<1x!tpu.dma_semaphore, #tpu.memory_space<semaphore_mem>>
    %dma_start3A_1146 = tpu.memref_squeeze %dma_start3A_1145 : memref<1x!tpu.dma_semaphore, #tpu.memory_space<semaphore_mem>> -> memref<!tpu.dma_semaphore, #tpu.memory_space<semaphore_mem>>
    %dma_start3A_1147 = arith.constant 0 : i32
    %dma_start3A_1148 = tpu.memref_slice %arg4[%add3A_1136, %dma_start3A_1147] : memref<819200x32xf32, #tpu.memory_space<hbm>> -> memref<1280x32xf32, #tpu.memory_space<hbm>>
    %dma_start3A_1149 = arith.constant 0 : i32
    %dma_start3A_1150 = arith.constant 0 : i32
    %dma_start3A_1151 = tpu.memref_slice %arg6[%dma_start3A_1137, %dma_start3A_1149, %dma_start3A_1150] : memref<2x1280x32xf32, #tpu.memory_space<vmem>> -> memref<1x1280x32xf32, #tpu.memory_space<vmem>>
    %dma_start3A_1152 = tpu.memref_squeeze %dma_start3A_1151 : memref<1x1280x32xf32, #tpu.memory_space<vmem>> -> memref<1280x32xf32, #tpu.memory_space<vmem>>
    tpu.enqueue_dma source(%dma_start3A_1152 : memref<1280x32xf32, #tpu.memory_space<vmem>>) target(%dma_start3A_1148 : memref<1280x32xf32, #tpu.memory_space<hbm>>) target_semaphore(%dma_start3A_1146 : memref<!tpu.dma_semaphore, #tpu.memory_space<semaphore_mem>>)
    %add3A_1153 = arith.constant 17920 : i32
    %add3A_1154 = arith.addi %mul3A_2, %add3A_1153 : i32
    %dma_start3A_1155 = arith.constant 0 : i32
    %dma_start3A_1156 = arith.constant 0 : i32
    %dma_start3A_1157 = arith.constant 0 : i32
    %dma_start3A_1158 = tpu.memref_slice %arg5[%dma_start3A_1155, %dma_start3A_1157] : memref<2x1280xi32, #tpu.memory_space<vmem>> -> memref<1x1280xi32, #tpu.memory_space<vmem>>
    %dma_start3A_1159 = tpu.memref_squeeze %dma_start3A_1158 : memref<1x1280xi32, #tpu.memory_space<vmem>> -> memref<1280xi32, #tpu.memory_space<vmem>>
    %dma_start3A_1160 = tpu.memref_slice %arg2[%add3A_1154] : memref<819200xi32, #tpu.memory_space<hbm>> -> memref<1280xi32, #tpu.memory_space<hbm>>
    %dma_start3A_1161 = tpu.memref_slice %arg7[%dma_start3A_1156] : memref<2x!tpu.dma_semaphore, #tpu.memory_space<semaphore_mem>> -> memref<1x!tpu.dma_semaphore, #tpu.memory_space<semaphore_mem>>
    %dma_start3A_1162 = tpu.memref_squeeze %dma_start3A_1161 : memref<1x!tpu.dma_semaphore, #tpu.memory_space<semaphore_mem>> -> memref<!tpu.dma_semaphore, #tpu.memory_space<semaphore_mem>>
    %dma_start3A_1163 = arith.constant 0 : i32
    %dma_start3A_1164 = tpu.memref_slice %arg5[%dma_start3A_1155, %dma_start3A_1163] : memref<2x1280xi32, #tpu.memory_space<vmem>> -> memref<1x1280xi32, #tpu.memory_space<vmem>>
    %dma_start3A_1165 = tpu.memref_squeeze %dma_start3A_1164 : memref<1x1280xi32, #tpu.memory_space<vmem>> -> memref<1280xi32, #tpu.memory_space<vmem>>
    %dma_start3A_1166 = tpu.memref_slice %arg2[%add3A_1154] : memref<819200xi32, #tpu.memory_space<hbm>> -> memref<1280xi32, #tpu.memory_space<hbm>>
    tpu.enqueue_dma source(%dma_start3A_1166 : memref<1280xi32, #tpu.memory_space<hbm>>) target(%dma_start3A_1165 : memref<1280xi32, #tpu.memory_space<vmem>>) target_semaphore(%dma_start3A_1162 : memref<!tpu.dma_semaphore, #tpu.memory_space<semaphore_mem>>)
    %dma_wait3A_1167 = arith.constant 1 : i32
    %dma_wait3A_1168 = arith.constant 1 : i32
    %dma_wait3A_1169 = arith.constant 0 : i32
    %dma_wait3A_1170 = tpu.memref_slice %arg5[%dma_wait3A_1167, %dma_wait3A_1169] : memref<2x1280xi32, #tpu.memory_space<vmem>> -> memref<1x1280xi32, #tpu.memory_space<vmem>>
    %dma_wait3A_1171 = tpu.memref_squeeze %dma_wait3A_1170 : memref<1x1280xi32, #tpu.memory_space<vmem>> -> memref<1280xi32, #tpu.memory_space<vmem>>
    %dma_wait3A_1172 = tpu.memref_slice %arg2[%add3A_1064] : memref<819200xi32, #tpu.memory_space<hbm>> -> memref<1280xi32, #tpu.memory_space<hbm>>
    %dma_wait3A_1173 = tpu.memref_slice %arg7[%dma_wait3A_1168] : memref<2x!tpu.dma_semaphore, #tpu.memory_space<semaphore_mem>> -> memref<1x!tpu.dma_semaphore, #tpu.memory_space<semaphore_mem>>
    %dma_wait3A_1174 = tpu.memref_squeeze %dma_wait3A_1173 : memref<1x!tpu.dma_semaphore, #tpu.memory_space<semaphore_mem>> -> memref<!tpu.dma_semaphore, #tpu.memory_space<semaphore_mem>>
    %dma_wait3A_1175 = arith.constant 0 : i32
    %dma_wait3A_1176 = tpu.memref_slice %arg5[%dma_wait3A_1167, %dma_wait3A_1175] : memref<2x1280xi32, #tpu.memory_space<vmem>> -> memref<1x1280xi32, #tpu.memory_space<vmem>>
    %dma_wait3A_1177 = tpu.memref_squeeze %dma_wait3A_1176 : memref<1x1280xi32, #tpu.memory_space<vmem>> -> memref<1280xi32, #tpu.memory_space<vmem>>
    %dma_wait3A_1178 = tpu.memref_slice %arg2[%add3A_1064] : memref<819200xi32, #tpu.memory_space<hbm>> -> memref<1280xi32, #tpu.memory_space<hbm>>
    tpu.wait_dma2 semaphore(%dma_wait3A_1174 : memref<!tpu.dma_semaphore, #tpu.memory_space<semaphore_mem>>) src(%dma_wait3A_1178 : memref<1280xi32, #tpu.memory_space<hbm>>) dst(%dma_wait3A_1177 : memref<1280xi32, #tpu.memory_space<vmem>>)
    %dma_wait3A_1179 = arith.constant 1 : i32
    %dma_wait3A_1180 = arith.constant 1 : i32
    %dma_wait3A_1181 = arith.constant 0 : i32
    %dma_wait3A_1182 = arith.constant 0 : i32
    %dma_wait3A_1183 = tpu.memref_slice %arg6[%dma_wait3A_1179, %dma_wait3A_1181, %dma_wait3A_1182] : memref<2x1280x32xf32, #tpu.memory_space<vmem>> -> memref<1x1280x32xf32, #tpu.memory_space<vmem>>
    %dma_wait3A_1184 = tpu.memref_squeeze %dma_wait3A_1183 : memref<1x1280x32xf32, #tpu.memory_space<vmem>> -> memref<1280x32xf32, #tpu.memory_space<vmem>>
    %dma_wait3A_1185 = arith.constant 0 : i32
    %dma_wait3A_1186 = tpu.memref_slice %arg4[%add3A_1046, %dma_wait3A_1185] : memref<819200x32xf32, #tpu.memory_space<hbm>> -> memref<1280x32xf32, #tpu.memory_space<hbm>>
    %dma_wait3A_1187 = tpu.memref_slice %arg9[%dma_wait3A_1180] : memref<2x!tpu.dma_semaphore, #tpu.memory_space<semaphore_mem>> -> memref<1x!tpu.dma_semaphore, #tpu.memory_space<semaphore_mem>>
    %dma_wait3A_1188 = tpu.memref_squeeze %dma_wait3A_1187 : memref<1x!tpu.dma_semaphore, #tpu.memory_space<semaphore_mem>> -> memref<!tpu.dma_semaphore, #tpu.memory_space<semaphore_mem>>
    %dma_wait3A_1189 = arith.constant 0 : i32
    %dma_wait3A_1190 = tpu.memref_slice %arg4[%add3A_1046, %dma_wait3A_1189] : memref<819200x32xf32, #tpu.memory_space<hbm>> -> memref<1280x32xf32, #tpu.memory_space<hbm>>
    %dma_wait3A_1191 = arith.constant 0 : i32
    %dma_wait3A_1192 = arith.constant 0 : i32
    %dma_wait3A_1193 = tpu.memref_slice %arg6[%dma_wait3A_1179, %dma_wait3A_1191, %dma_wait3A_1192] : memref<2x1280x32xf32, #tpu.memory_space<vmem>> -> memref<1x1280x32xf32, #tpu.memory_space<vmem>>
    %dma_wait3A_1194 = tpu.memref_squeeze %dma_wait3A_1193 : memref<1x1280x32xf32, #tpu.memory_space<vmem>> -> memref<1280x32xf32, #tpu.memory_space<vmem>>
    tpu.wait_dma2 semaphore(%dma_wait3A_1188 : memref<!tpu.dma_semaphore, #tpu.memory_space<semaphore_mem>>) src(%dma_wait3A_1194 : memref<1280x32xf32, #tpu.memory_space<vmem>>) dst(%dma_wait3A_1190 : memref<1280x32xf32, #tpu.memory_space<hbm>>)
    %dma_start3A_1195 = arith.constant 1 : i32
    %dma_start3A_1196 = arith.constant 1 : i32
    %dma_start3A_1197 = arith.constant 1 : i32
    %dma_start3A_1198 = arith.constant 0 : i32
    %dma_start3A_1199 = arith.constant 0 : i32
    %dma_start3A_1200 = tpu.memref_slice %arg6[%dma_start3A_1196, %dma_start3A_1198, %dma_start3A_1199] : memref<2x1280x32xf32, #tpu.memory_space<vmem>> -> memref<1x1280x32xf32, #tpu.memory_space<vmem>>
    %dma_start3A_1201 = tpu.memref_squeeze %dma_start3A_1200 : memref<1x1280x32xf32, #tpu.memory_space<vmem>> -> memref<1280x32xf32, #tpu.memory_space<vmem>>
    %dma_start3A_1202 = arith.constant 0 : i32
    %dma_start3A_1203 = tpu.memref_slice %arg5[%dma_start3A_1195, %dma_start3A_1202] : memref<2x1280xi32, #tpu.memory_space<vmem>> -> memref<1x1280xi32, #tpu.memory_space<vmem>>
    %dma_start3A_1204 = tpu.memref_squeeze %dma_start3A_1203 : memref<1x1280xi32, #tpu.memory_space<vmem>> -> memref<1280xi32, #tpu.memory_space<vmem>>
    %dma_start3A_1205 = arith.constant 0 : i32
    %dma_start3A_1206 = arith.constant 0 : i32
    %dma_start3A_1207 = tpu.memref_slice %arg3[%dma_start3A_1205, %dma_start3A_1206] : memref<1000000x32xf32, #tpu.memory_space<hbm>> -> memref<1000000x32xf32, #tpu.memory_space<hbm>>
    %dma_start3A_1208 = tpu.memref_slice %arg8[%dma_start3A_1197] : memref<2x!tpu.dma_semaphore, #tpu.memory_space<semaphore_mem>> -> memref<1x!tpu.dma_semaphore, #tpu.memory_space<semaphore_mem>>
    %dma_start3A_1209 = tpu.memref_squeeze %dma_start3A_1208 : memref<1x!tpu.dma_semaphore, #tpu.memory_space<semaphore_mem>> -> memref<!tpu.dma_semaphore, #tpu.memory_space<semaphore_mem>>
    tpu.enqueue_indirect_dma source(%dma_start3A_1207 : memref<1000000x32xf32, #tpu.memory_space<hbm>>) target(%dma_start3A_1201 : memref<1280x32xf32, #tpu.memory_space<vmem>>) offsets(%dma_start3A_1204 : memref<1280xi32, #tpu.memory_space<vmem>>) semaphore(%dma_start3A_1209 : memref<!tpu.dma_semaphore, #tpu.memory_space<semaphore_mem>>)
    %dma_wait3A_1210 = arith.constant 1 : i32
    %dma_wait3A_1211 = arith.constant 1 : i32
    %dma_wait3A_1212 = arith.constant 1 : i32
    %dma_wait3A_1213 = arith.constant 0 : i32
    %dma_wait3A_1214 = arith.constant 0 : i32
    %dma_wait3A_1215 = tpu.memref_slice %arg6[%dma_wait3A_1211, %dma_wait3A_1213, %dma_wait3A_1214] : memref<2x1280x32xf32, #tpu.memory_space<vmem>> -> memref<1x1280x32xf32, #tpu.memory_space<vmem>>
    %dma_wait3A_1216 = tpu.memref_squeeze %dma_wait3A_1215 : memref<1x1280x32xf32, #tpu.memory_space<vmem>> -> memref<1280x32xf32, #tpu.memory_space<vmem>>
    %dma_wait3A_1217 = arith.constant 0 : i32
    %dma_wait3A_1218 = tpu.memref_slice %arg5[%dma_wait3A_1210, %dma_wait3A_1217] : memref<2x1280xi32, #tpu.memory_space<vmem>> -> memref<1x1280xi32, #tpu.memory_space<vmem>>
    %dma_wait3A_1219 = tpu.memref_squeeze %dma_wait3A_1218 : memref<1x1280xi32, #tpu.memory_space<vmem>> -> memref<1280xi32, #tpu.memory_space<vmem>>
    %dma_wait3A_1220 = arith.constant 0 : i32
    %dma_wait3A_1221 = arith.constant 0 : i32
    %dma_wait3A_1222 = tpu.memref_slice %arg3[%dma_wait3A_1220, %dma_wait3A_1221] : memref<1000000x32xf32, #tpu.memory_space<hbm>> -> memref<1000000x32xf32, #tpu.memory_space<hbm>>
    %dma_wait3A_1223 = tpu.memref_slice %arg8[%dma_wait3A_1212] : memref<2x!tpu.dma_semaphore, #tpu.memory_space<semaphore_mem>> -> memref<1x!tpu.dma_semaphore, #tpu.memory_space<semaphore_mem>>
    %dma_wait3A_1224 = tpu.memref_squeeze %dma_wait3A_1223 : memref<1x!tpu.dma_semaphore, #tpu.memory_space<semaphore_mem>> -> memref<!tpu.dma_semaphore, #tpu.memory_space<semaphore_mem>>
    tpu.wait_indirect_dma semaphore(%dma_wait3A_1224 : memref<!tpu.dma_semaphore, #tpu.memory_space<semaphore_mem>>) src(%dma_wait3A_1222 : memref<1000000x32xf32, #tpu.memory_space<hbm>>) dst(%dma_wait3A_1216 : memref<1280x32xf32, #tpu.memory_space<vmem>>)
    %add3A_1225 = arith.constant 16640 : i32
    %add3A_1226 = arith.addi %mul3A_2, %add3A_1225 : i32
    %dma_start3A_1227 = arith.constant 1 : i32
    %dma_start3A_1228 = arith.constant 1 : i32
    %dma_start3A_1229 = arith.constant 0 : i32
    %dma_start3A_1230 = arith.constant 0 : i32
    %dma_start3A_1231 = tpu.memref_slice %arg6[%dma_start3A_1227, %dma_start3A_1229, %dma_start3A_1230] : memref<2x1280x32xf32, #tpu.memory_space<vmem>> -> memref<1x1280x32xf32, #tpu.memory_space<vmem>>
    %dma_start3A_1232 = tpu.memref_squeeze %dma_start3A_1231 : memref<1x1280x32xf32, #tpu.memory_space<vmem>> -> memref<1280x32xf32, #tpu.memory_space<vmem>>
    %dma_start3A_1233 = arith.constant 0 : i32
    %dma_start3A_1234 = tpu.memref_slice %arg4[%add3A_1226, %dma_start3A_1233] : memref<819200x32xf32, #tpu.memory_space<hbm>> -> memref<1280x32xf32, #tpu.memory_space<hbm>>
    %dma_start3A_1235 = tpu.memref_slice %arg9[%dma_start3A_1228] : memref<2x!tpu.dma_semaphore, #tpu.memory_space<semaphore_mem>> -> memref<1x!tpu.dma_semaphore, #tpu.memory_space<semaphore_mem>>
    %dma_start3A_1236 = tpu.memref_squeeze %dma_start3A_1235 : memref<1x!tpu.dma_semaphore, #tpu.memory_space<semaphore_mem>> -> memref<!tpu.dma_semaphore, #tpu.memory_space<semaphore_mem>>
    %dma_start3A_1237 = arith.constant 0 : i32
    %dma_start3A_1238 = tpu.memref_slice %arg4[%add3A_1226, %dma_start3A_1237] : memref<819200x32xf32, #tpu.memory_space<hbm>> -> memref<1280x32xf32, #tpu.memory_space<hbm>>
    %dma_start3A_1239 = arith.constant 0 : i32
    %dma_start3A_1240 = arith.constant 0 : i32
    %dma_start3A_1241 = tpu.memref_slice %arg6[%dma_start3A_1227, %dma_start3A_1239, %dma_start3A_1240] : memref<2x1280x32xf32, #tpu.memory_space<vmem>> -> memref<1x1280x32xf32, #tpu.memory_space<vmem>>
    %dma_start3A_1242 = tpu.memref_squeeze %dma_start3A_1241 : memref<1x1280x32xf32, #tpu.memory_space<vmem>> -> memref<1280x32xf32, #tpu.memory_space<vmem>>
    tpu.enqueue_dma source(%dma_start3A_1242 : memref<1280x32xf32, #tpu.memory_space<vmem>>) target(%dma_start3A_1238 : memref<1280x32xf32, #tpu.memory_space<hbm>>) target_semaphore(%dma_start3A_1236 : memref<!tpu.dma_semaphore, #tpu.memory_space<semaphore_mem>>)
    %add3A_1243 = arith.constant 19200 : i32
    %add3A_1244 = arith.addi %mul3A_2, %add3A_1243 : i32
    %dma_start3A_1245 = arith.constant 1 : i32
    %dma_start3A_1246 = arith.constant 1 : i32
    %dma_start3A_1247 = arith.constant 0 : i32
    %dma_start3A_1248 = tpu.memref_slice %arg5[%dma_start3A_1245, %dma_start3A_1247] : memref<2x1280xi32, #tpu.memory_space<vmem>> -> memref<1x1280xi32, #tpu.memory_space<vmem>>
    %dma_start3A_1249 = tpu.memref_squeeze %dma_start3A_1248 : memref<1x1280xi32, #tpu.memory_space<vmem>> -> memref<1280xi32, #tpu.memory_space<vmem>>
    %dma_start3A_1250 = tpu.memref_slice %arg2[%add3A_1244] : memref<819200xi32, #tpu.memory_space<hbm>> -> memref<1280xi32, #tpu.memory_space<hbm>>
    %dma_start3A_1251 = tpu.memref_slice %arg7[%dma_start3A_1246] : memref<2x!tpu.dma_semaphore, #tpu.memory_space<semaphore_mem>> -> memref<1x!tpu.dma_semaphore, #tpu.memory_space<semaphore_mem>>
    %dma_start3A_1252 = tpu.memref_squeeze %dma_start3A_1251 : memref<1x!tpu.dma_semaphore, #tpu.memory_space<semaphore_mem>> -> memref<!tpu.dma_semaphore, #tpu.memory_space<semaphore_mem>>
    %dma_start3A_1253 = arith.constant 0 : i32
    %dma_start3A_1254 = tpu.memref_slice %arg5[%dma_start3A_1245, %dma_start3A_1253] : memref<2x1280xi32, #tpu.memory_space<vmem>> -> memref<1x1280xi32, #tpu.memory_space<vmem>>
    %dma_start3A_1255 = tpu.memref_squeeze %dma_start3A_1254 : memref<1x1280xi32, #tpu.memory_space<vmem>> -> memref<1280xi32, #tpu.memory_space<vmem>>
    %dma_start3A_1256 = tpu.memref_slice %arg2[%add3A_1244] : memref<819200xi32, #tpu.memory_space<hbm>> -> memref<1280xi32, #tpu.memory_space<hbm>>
    tpu.enqueue_dma source(%dma_start3A_1256 : memref<1280xi32, #tpu.memory_space<hbm>>) target(%dma_start3A_1255 : memref<1280xi32, #tpu.memory_space<vmem>>) target_semaphore(%dma_start3A_1252 : memref<!tpu.dma_semaphore, #tpu.memory_space<semaphore_mem>>)
    %dma_wait3A_1257 = arith.constant 0 : i32
    %dma_wait3A_1258 = arith.constant 0 : i32
    %dma_wait3A_1259 = arith.constant 0 : i32
    %dma_wait3A_1260 = tpu.memref_slice %arg5[%dma_wait3A_1257, %dma_wait3A_1259] : memref<2x1280xi32, #tpu.memory_space<vmem>> -> memref<1x1280xi32, #tpu.memory_space<vmem>>
    %dma_wait3A_1261 = tpu.memref_squeeze %dma_wait3A_1260 : memref<1x1280xi32, #tpu.memory_space<vmem>> -> memref<1280xi32, #tpu.memory_space<vmem>>
    %dma_wait3A_1262 = tpu.memref_slice %arg2[%add3A_1154] : memref<819200xi32, #tpu.memory_space<hbm>> -> memref<1280xi32, #tpu.memory_space<hbm>>
    %dma_wait3A_1263 = tpu.memref_slice %arg7[%dma_wait3A_1258] : memref<2x!tpu.dma_semaphore, #tpu.memory_space<semaphore_mem>> -> memref<1x!tpu.dma_semaphore, #tpu.memory_space<semaphore_mem>>
    %dma_wait3A_1264 = tpu.memref_squeeze %dma_wait3A_1263 : memref<1x!tpu.dma_semaphore, #tpu.memory_space<semaphore_mem>> -> memref<!tpu.dma_semaphore, #tpu.memory_space<semaphore_mem>>
    %dma_wait3A_1265 = arith.constant 0 : i32
    %dma_wait3A_1266 = tpu.memref_slice %arg5[%dma_wait3A_1257, %dma_wait3A_1265] : memref<2x1280xi32, #tpu.memory_space<vmem>> -> memref<1x1280xi32, #tpu.memory_space<vmem>>
    %dma_wait3A_1267 = tpu.memref_squeeze %dma_wait3A_1266 : memref<1x1280xi32, #tpu.memory_space<vmem>> -> memref<1280xi32, #tpu.memory_space<vmem>>
    %dma_wait3A_1268 = tpu.memref_slice %arg2[%add3A_1154] : memref<819200xi32, #tpu.memory_space<hbm>> -> memref<1280xi32, #tpu.memory_space<hbm>>
    tpu.wait_dma2 semaphore(%dma_wait3A_1264 : memref<!tpu.dma_semaphore, #tpu.memory_space<semaphore_mem>>) src(%dma_wait3A_1268 : memref<1280xi32, #tpu.memory_space<hbm>>) dst(%dma_wait3A_1267 : memref<1280xi32, #tpu.memory_space<vmem>>)
    %dma_wait3A_1269 = arith.constant 0 : i32
    %dma_wait3A_1270 = arith.constant 0 : i32
    %dma_wait3A_1271 = arith.constant 0 : i32
    %dma_wait3A_1272 = arith.constant 0 : i32
    %dma_wait3A_1273 = tpu.memref_slice %arg6[%dma_wait3A_1269, %dma_wait3A_1271, %dma_wait3A_1272] : memref<2x1280x32xf32, #tpu.memory_space<vmem>> -> memref<1x1280x32xf32, #tpu.memory_space<vmem>>
    %dma_wait3A_1274 = tpu.memref_squeeze %dma_wait3A_1273 : memref<1x1280x32xf32, #tpu.memory_space<vmem>> -> memref<1280x32xf32, #tpu.memory_space<vmem>>
    %dma_wait3A_1275 = arith.constant 0 : i32
    %dma_wait3A_1276 = tpu.memref_slice %arg4[%add3A_1136, %dma_wait3A_1275] : memref<819200x32xf32, #tpu.memory_space<hbm>> -> memref<1280x32xf32, #tpu.memory_space<hbm>>
    %dma_wait3A_1277 = tpu.memref_slice %arg9[%dma_wait3A_1270] : memref<2x!tpu.dma_semaphore, #tpu.memory_space<semaphore_mem>> -> memref<1x!tpu.dma_semaphore, #tpu.memory_space<semaphore_mem>>
    %dma_wait3A_1278 = tpu.memref_squeeze %dma_wait3A_1277 : memref<1x!tpu.dma_semaphore, #tpu.memory_space<semaphore_mem>> -> memref<!tpu.dma_semaphore, #tpu.memory_space<semaphore_mem>>
    %dma_wait3A_1279 = arith.constant 0 : i32
    %dma_wait3A_1280 = tpu.memref_slice %arg4[%add3A_1136, %dma_wait3A_1279] : memref<819200x32xf32, #tpu.memory_space<hbm>> -> memref<1280x32xf32, #tpu.memory_space<hbm>>
    %dma_wait3A_1281 = arith.constant 0 : i32
    %dma_wait3A_1282 = arith.constant 0 : i32
    %dma_wait3A_1283 = tpu.memref_slice %arg6[%dma_wait3A_1269, %dma_wait3A_1281, %dma_wait3A_1282] : memref<2x1280x32xf32, #tpu.memory_space<vmem>> -> memref<1x1280x32xf32, #tpu.memory_space<vmem>>
    %dma_wait3A_1284 = tpu.memref_squeeze %dma_wait3A_1283 : memref<1x1280x32xf32, #tpu.memory_space<vmem>> -> memref<1280x32xf32, #tpu.memory_space<vmem>>
    tpu.wait_dma2 semaphore(%dma_wait3A_1278 : memref<!tpu.dma_semaphore, #tpu.memory_space<semaphore_mem>>) src(%dma_wait3A_1284 : memref<1280x32xf32, #tpu.memory_space<vmem>>) dst(%dma_wait3A_1280 : memref<1280x32xf32, #tpu.memory_space<hbm>>)
    %dma_start3A_1285 = arith.constant 0 : i32
    %dma_start3A_1286 = arith.constant 0 : i32
    %dma_start3A_1287 = arith.constant 0 : i32
    %dma_start3A_1288 = arith.constant 0 : i32
    %dma_start3A_1289 = arith.constant 0 : i32
    %dma_start3A_1290 = tpu.memref_slice %arg6[%dma_start3A_1286, %dma_start3A_1288, %dma_start3A_1289] : memref<2x1280x32xf32, #tpu.memory_space<vmem>> -> memref<1x1280x32xf32, #tpu.memory_space<vmem>>
    %dma_start3A_1291 = tpu.memref_squeeze %dma_start3A_1290 : memref<1x1280x32xf32, #tpu.memory_space<vmem>> -> memref<1280x32xf32, #tpu.memory_space<vmem>>
    %dma_start3A_1292 = arith.constant 0 : i32
    %dma_start3A_1293 = tpu.memref_slice %arg5[%dma_start3A_1285, %dma_start3A_1292] : memref<2x1280xi32, #tpu.memory_space<vmem>> -> memref<1x1280xi32, #tpu.memory_space<vmem>>
    %dma_start3A_1294 = tpu.memref_squeeze %dma_start3A_1293 : memref<1x1280xi32, #tpu.memory_space<vmem>> -> memref<1280xi32, #tpu.memory_space<vmem>>
    %dma_start3A_1295 = arith.constant 0 : i32
    %dma_start3A_1296 = arith.constant 0 : i32
    %dma_start3A_1297 = tpu.memref_slice %arg3[%dma_start3A_1295, %dma_start3A_1296] : memref<1000000x32xf32, #tpu.memory_space<hbm>> -> memref<1000000x32xf32, #tpu.memory_space<hbm>>
    %dma_start3A_1298 = tpu.memref_slice %arg8[%dma_start3A_1287] : memref<2x!tpu.dma_semaphore, #tpu.memory_space<semaphore_mem>> -> memref<1x!tpu.dma_semaphore, #tpu.memory_space<semaphore_mem>>
    %dma_start3A_1299 = tpu.memref_squeeze %dma_start3A_1298 : memref<1x!tpu.dma_semaphore, #tpu.memory_space<semaphore_mem>> -> memref<!tpu.dma_semaphore, #tpu.memory_space<semaphore_mem>>
    tpu.enqueue_indirect_dma source(%dma_start3A_1297 : memref<1000000x32xf32, #tpu.memory_space<hbm>>) target(%dma_start3A_1291 : memref<1280x32xf32, #tpu.memory_space<vmem>>) offsets(%dma_start3A_1294 : memref<1280xi32, #tpu.memory_space<vmem>>) semaphore(%dma_start3A_1299 : memref<!tpu.dma_semaphore, #tpu.memory_space<semaphore_mem>>)
    %dma_wait3A_1300 = arith.constant 0 : i32
    %dma_wait3A_1301 = arith.constant 0 : i32
    %dma_wait3A_1302 = arith.constant 0 : i32
    %dma_wait3A_1303 = arith.constant 0 : i32
    %dma_wait3A_1304 = arith.constant 0 : i32
    %dma_wait3A_1305 = tpu.memref_slice %arg6[%dma_wait3A_1301, %dma_wait3A_1303, %dma_wait3A_1304] : memref<2x1280x32xf32, #tpu.memory_space<vmem>> -> memref<1x1280x32xf32, #tpu.memory_space<vmem>>
    %dma_wait3A_1306 = tpu.memref_squeeze %dma_wait3A_1305 : memref<1x1280x32xf32, #tpu.memory_space<vmem>> -> memref<1280x32xf32, #tpu.memory_space<vmem>>
    %dma_wait3A_1307 = arith.constant 0 : i32
    %dma_wait3A_1308 = tpu.memref_slice %arg5[%dma_wait3A_1300, %dma_wait3A_1307] : memref<2x1280xi32, #tpu.memory_space<vmem>> -> memref<1x1280xi32, #tpu.memory_space<vmem>>
    %dma_wait3A_1309 = tpu.memref_squeeze %dma_wait3A_1308 : memref<1x1280xi32, #tpu.memory_space<vmem>> -> memref<1280xi32, #tpu.memory_space<vmem>>
    %dma_wait3A_1310 = arith.constant 0 : i32
    %dma_wait3A_1311 = arith.constant 0 : i32
    %dma_wait3A_1312 = tpu.memref_slice %arg3[%dma_wait3A_1310, %dma_wait3A_1311] : memref<1000000x32xf32, #tpu.memory_space<hbm>> -> memref<1000000x32xf32, #tpu.memory_space<hbm>>
    %dma_wait3A_1313 = tpu.memref_slice %arg8[%dma_wait3A_1302] : memref<2x!tpu.dma_semaphore, #tpu.memory_space<semaphore_mem>> -> memref<1x!tpu.dma_semaphore, #tpu.memory_space<semaphore_mem>>
    %dma_wait3A_1314 = tpu.memref_squeeze %dma_wait3A_1313 : memref<1x!tpu.dma_semaphore, #tpu.memory_space<semaphore_mem>> -> memref<!tpu.dma_semaphore, #tpu.memory_space<semaphore_mem>>
    tpu.wait_indirect_dma semaphore(%dma_wait3A_1314 : memref<!tpu.dma_semaphore, #tpu.memory_space<semaphore_mem>>) src(%dma_wait3A_1312 : memref<1000000x32xf32, #tpu.memory_space<hbm>>) dst(%dma_wait3A_1306 : memref<1280x32xf32, #tpu.memory_space<vmem>>)
    %add3A_1315 = arith.constant 17920 : i32
    %add3A_1316 = arith.addi %mul3A_2, %add3A_1315 : i32
    %dma_start3A_1317 = arith.constant 0 : i32
    %dma_start3A_1318 = arith.constant 0 : i32
    %dma_start3A_1319 = arith.constant 0 : i32
    %dma_start3A_1320 = arith.constant 0 : i32
    %dma_start3A_1321 = tpu.memref_slice %arg6[%dma_start3A_1317, %dma_start3A_1319, %dma_start3A_1320] : memref<2x1280x32xf32, #tpu.memory_space<vmem>> -> memref<1x1280x32xf32, #tpu.memory_space<vmem>>
    %dma_start3A_1322 = tpu.memref_squeeze %dma_start3A_1321 : memref<1x1280x32xf32, #tpu.memory_space<vmem>> -> memref<1280x32xf32, #tpu.memory_space<vmem>>
    %dma_start3A_1323 = arith.constant 0 : i32
    %dma_start3A_1324 = tpu.memref_slice %arg4[%add3A_1316, %dma_start3A_1323] : memref<819200x32xf32, #tpu.memory_space<hbm>> -> memref<1280x32xf32, #tpu.memory_space<hbm>>
    %dma_start3A_1325 = tpu.memref_slice %arg9[%dma_start3A_1318] : memref<2x!tpu.dma_semaphore, #tpu.memory_space<semaphore_mem>> -> memref<1x!tpu.dma_semaphore, #tpu.memory_space<semaphore_mem>>
    %dma_start3A_1326 = tpu.memref_squeeze %dma_start3A_1325 : memref<1x!tpu.dma_semaphore, #tpu.memory_space<semaphore_mem>> -> memref<!tpu.dma_semaphore, #tpu.memory_space<semaphore_mem>>
    %dma_start3A_1327 = arith.constant 0 : i32
    %dma_start3A_1328 = tpu.memref_slice %arg4[%add3A_1316, %dma_start3A_1327] : memref<819200x32xf32, #tpu.memory_space<hbm>> -> memref<1280x32xf32, #tpu.memory_space<hbm>>
    %dma_start3A_1329 = arith.constant 0 : i32
    %dma_start3A_1330 = arith.constant 0 : i32
    %dma_start3A_1331 = tpu.memref_slice %arg6[%dma_start3A_1317, %dma_start3A_1329, %dma_start3A_1330] : memref<2x1280x32xf32, #tpu.memory_space<vmem>> -> memref<1x1280x32xf32, #tpu.memory_space<vmem>>
    %dma_start3A_1332 = tpu.memref_squeeze %dma_start3A_1331 : memref<1x1280x32xf32, #tpu.memory_space<vmem>> -> memref<1280x32xf32, #tpu.memory_space<vmem>>
    tpu.enqueue_dma source(%dma_start3A_1332 : memref<1280x32xf32, #tpu.memory_space<vmem>>) target(%dma_start3A_1328 : memref<1280x32xf32, #tpu.memory_space<hbm>>) target_semaphore(%dma_start3A_1326 : memref<!tpu.dma_semaphore, #tpu.memory_space<semaphore_mem>>)
    %add3A_1333 = arith.constant 20480 : i32
    %add3A_1334 = arith.addi %mul3A_2, %add3A_1333 : i32
    %dma_start3A_1335 = arith.constant 0 : i32
    %dma_start3A_1336 = arith.constant 0 : i32
    %dma_start3A_1337 = arith.constant 0 : i32
    %dma_start3A_1338 = tpu.memref_slice %arg5[%dma_start3A_1335, %dma_start3A_1337] : memref<2x1280xi32, #tpu.memory_space<vmem>> -> memref<1x1280xi32, #tpu.memory_space<vmem>>
    %dma_start3A_1339 = tpu.memref_squeeze %dma_start3A_1338 : memref<1x1280xi32, #tpu.memory_space<vmem>> -> memref<1280xi32, #tpu.memory_space<vmem>>
    %dma_start3A_1340 = tpu.memref_slice %arg2[%add3A_1334] : memref<819200xi32, #tpu.memory_space<hbm>> -> memref<1280xi32, #tpu.memory_space<hbm>>
    %dma_start3A_1341 = tpu.memref_slice %arg7[%dma_start3A_1336] : memref<2x!tpu.dma_semaphore, #tpu.memory_space<semaphore_mem>> -> memref<1x!tpu.dma_semaphore, #tpu.memory_space<semaphore_mem>>
    %dma_start3A_1342 = tpu.memref_squeeze %dma_start3A_1341 : memref<1x!tpu.dma_semaphore, #tpu.memory_space<semaphore_mem>> -> memref<!tpu.dma_semaphore, #tpu.memory_space<semaphore_mem>>
    %dma_start3A_1343 = arith.constant 0 : i32
    %dma_start3A_1344 = tpu.memref_slice %arg5[%dma_start3A_1335, %dma_start3A_1343] : memref<2x1280xi32, #tpu.memory_space<vmem>> -> memref<1x1280xi32, #tpu.memory_space<vmem>>
    %dma_start3A_1345 = tpu.memref_squeeze %dma_start3A_1344 : memref<1x1280xi32, #tpu.memory_space<vmem>> -> memref<1280xi32, #tpu.memory_space<vmem>>
    %dma_start3A_1346 = tpu.memref_slice %arg2[%add3A_1334] : memref<819200xi32, #tpu.memory_space<hbm>> -> memref<1280xi32, #tpu.memory_space<hbm>>
    tpu.enqueue_dma source(%dma_start3A_1346 : memref<1280xi32, #tpu.memory_space<hbm>>) target(%dma_start3A_1345 : memref<1280xi32, #tpu.memory_space<vmem>>) target_semaphore(%dma_start3A_1342 : memref<!tpu.dma_semaphore, #tpu.memory_space<semaphore_mem>>)
    %dma_wait3A_1347 = arith.constant 1 : i32
    %dma_wait3A_1348 = arith.constant 1 : i32
    %dma_wait3A_1349 = arith.constant 0 : i32
    %dma_wait3A_1350 = tpu.memref_slice %arg5[%dma_wait3A_1347, %dma_wait3A_1349] : memref<2x1280xi32, #tpu.memory_space<vmem>> -> memref<1x1280xi32, #tpu.memory_space<vmem>>
    %dma_wait3A_1351 = tpu.memref_squeeze %dma_wait3A_1350 : memref<1x1280xi32, #tpu.memory_space<vmem>> -> memref<1280xi32, #tpu.memory_space<vmem>>
    %dma_wait3A_1352 = tpu.memref_slice %arg2[%add3A_1244] : memref<819200xi32, #tpu.memory_space<hbm>> -> memref<1280xi32, #tpu.memory_space<hbm>>
    %dma_wait3A_1353 = tpu.memref_slice %arg7[%dma_wait3A_1348] : memref<2x!tpu.dma_semaphore, #tpu.memory_space<semaphore_mem>> -> memref<1x!tpu.dma_semaphore, #tpu.memory_space<semaphore_mem>>
    %dma_wait3A_1354 = tpu.memref_squeeze %dma_wait3A_1353 : memref<1x!tpu.dma_semaphore, #tpu.memory_space<semaphore_mem>> -> memref<!tpu.dma_semaphore, #tpu.memory_space<semaphore_mem>>
    %dma_wait3A_1355 = arith.constant 0 : i32
    %dma_wait3A_1356 = tpu.memref_slice %arg5[%dma_wait3A_1347, %dma_wait3A_1355] : memref<2x1280xi32, #tpu.memory_space<vmem>> -> memref<1x1280xi32, #tpu.memory_space<vmem>>
    %dma_wait3A_1357 = tpu.memref_squeeze %dma_wait3A_1356 : memref<1x1280xi32, #tpu.memory_space<vmem>> -> memref<1280xi32, #tpu.memory_space<vmem>>
    %dma_wait3A_1358 = tpu.memref_slice %arg2[%add3A_1244] : memref<819200xi32, #tpu.memory_space<hbm>> -> memref<1280xi32, #tpu.memory_space<hbm>>
    tpu.wait_dma2 semaphore(%dma_wait3A_1354 : memref<!tpu.dma_semaphore, #tpu.memory_space<semaphore_mem>>) src(%dma_wait3A_1358 : memref<1280xi32, #tpu.memory_space<hbm>>) dst(%dma_wait3A_1357 : memref<1280xi32, #tpu.memory_space<vmem>>)
    %dma_wait3A_1359 = arith.constant 1 : i32
    %dma_wait3A_1360 = arith.constant 1 : i32
    %dma_wait3A_1361 = arith.constant 0 : i32
    %dma_wait3A_1362 = arith.constant 0 : i32
    %dma_wait3A_1363 = tpu.memref_slice %arg6[%dma_wait3A_1359, %dma_wait3A_1361, %dma_wait3A_1362] : memref<2x1280x32xf32, #tpu.memory_space<vmem>> -> memref<1x1280x32xf32, #tpu.memory_space<vmem>>
    %dma_wait3A_1364 = tpu.memref_squeeze %dma_wait3A_1363 : memref<1x1280x32xf32, #tpu.memory_space<vmem>> -> memref<1280x32xf32, #tpu.memory_space<vmem>>
    %dma_wait3A_1365 = arith.constant 0 : i32
    %dma_wait3A_1366 = tpu.memref_slice %arg4[%add3A_1226, %dma_wait3A_1365] : memref<819200x32xf32, #tpu.memory_space<hbm>> -> memref<1280x32xf32, #tpu.memory_space<hbm>>
    %dma_wait3A_1367 = tpu.memref_slice %arg9[%dma_wait3A_1360] : memref<2x!tpu.dma_semaphore, #tpu.memory_space<semaphore_mem>> -> memref<1x!tpu.dma_semaphore, #tpu.memory_space<semaphore_mem>>
    %dma_wait3A_1368 = tpu.memref_squeeze %dma_wait3A_1367 : memref<1x!tpu.dma_semaphore, #tpu.memory_space<semaphore_mem>> -> memref<!tpu.dma_semaphore, #tpu.memory_space<semaphore_mem>>
    %dma_wait3A_1369 = arith.constant 0 : i32
    %dma_wait3A_1370 = tpu.memref_slice %arg4[%add3A_1226, %dma_wait3A_1369] : memref<819200x32xf32, #tpu.memory_space<hbm>> -> memref<1280x32xf32, #tpu.memory_space<hbm>>
    %dma_wait3A_1371 = arith.constant 0 : i32
    %dma_wait3A_1372 = arith.constant 0 : i32
    %dma_wait3A_1373 = tpu.memref_slice %arg6[%dma_wait3A_1359, %dma_wait3A_1371, %dma_wait3A_1372] : memref<2x1280x32xf32, #tpu.memory_space<vmem>> -> memref<1x1280x32xf32, #tpu.memory_space<vmem>>
    %dma_wait3A_1374 = tpu.memref_squeeze %dma_wait3A_1373 : memref<1x1280x32xf32, #tpu.memory_space<vmem>> -> memref<1280x32xf32, #tpu.memory_space<vmem>>
    tpu.wait_dma2 semaphore(%dma_wait3A_1368 : memref<!tpu.dma_semaphore, #tpu.memory_space<semaphore_mem>>) src(%dma_wait3A_1374 : memref<1280x32xf32, #tpu.memory_space<vmem>>) dst(%dma_wait3A_1370 : memref<1280x32xf32, #tpu.memory_space<hbm>>)
    %dma_start3A_1375 = arith.constant 1 : i32
    %dma_start3A_1376 = arith.constant 1 : i32
    %dma_start3A_1377 = arith.constant 1 : i32
    %dma_start3A_1378 = arith.constant 0 : i32
    %dma_start3A_1379 = arith.constant 0 : i32
    %dma_start3A_1380 = tpu.memref_slice %arg6[%dma_start3A_1376, %dma_start3A_1378, %dma_start3A_1379] : memref<2x1280x32xf32, #tpu.memory_space<vmem>> -> memref<1x1280x32xf32, #tpu.memory_space<vmem>>
    %dma_start3A_1381 = tpu.memref_squeeze %dma_start3A_1380 : memref<1x1280x32xf32, #tpu.memory_space<vmem>> -> memref<1280x32xf32, #tpu.memory_space<vmem>>
    %dma_start3A_1382 = arith.constant 0 : i32
    %dma_start3A_1383 = tpu.memref_slice %arg5[%dma_start3A_1375, %dma_start3A_1382] : memref<2x1280xi32, #tpu.memory_space<vmem>> -> memref<1x1280xi32, #tpu.memory_space<vmem>>
    %dma_start3A_1384 = tpu.memref_squeeze %dma_start3A_1383 : memref<1x1280xi32, #tpu.memory_space<vmem>> -> memref<1280xi32, #tpu.memory_space<vmem>>
    %dma_start3A_1385 = arith.constant 0 : i32
    %dma_start3A_1386 = arith.constant 0 : i32
    %dma_start3A_1387 = tpu.memref_slice %arg3[%dma_start3A_1385, %dma_start3A_1386] : memref<1000000x32xf32, #tpu.memory_space<hbm>> -> memref<1000000x32xf32, #tpu.memory_space<hbm>>
    %dma_start3A_1388 = tpu.memref_slice %arg8[%dma_start3A_1377] : memref<2x!tpu.dma_semaphore, #tpu.memory_space<semaphore_mem>> -> memref<1x!tpu.dma_semaphore, #tpu.memory_space<semaphore_mem>>
    %dma_start3A_1389 = tpu.memref_squeeze %dma_start3A_1388 : memref<1x!tpu.dma_semaphore, #tpu.memory_space<semaphore_mem>> -> memref<!tpu.dma_semaphore, #tpu.memory_space<semaphore_mem>>
    tpu.enqueue_indirect_dma source(%dma_start3A_1387 : memref<1000000x32xf32, #tpu.memory_space<hbm>>) target(%dma_start3A_1381 : memref<1280x32xf32, #tpu.memory_space<vmem>>) offsets(%dma_start3A_1384 : memref<1280xi32, #tpu.memory_space<vmem>>) semaphore(%dma_start3A_1389 : memref<!tpu.dma_semaphore, #tpu.memory_space<semaphore_mem>>)
    %dma_wait3A_1390 = arith.constant 1 : i32
    %dma_wait3A_1391 = arith.constant 1 : i32
    %dma_wait3A_1392 = arith.constant 1 : i32
    %dma_wait3A_1393 = arith.constant 0 : i32
    %dma_wait3A_1394 = arith.constant 0 : i32
    %dma_wait3A_1395 = tpu.memref_slice %arg6[%dma_wait3A_1391, %dma_wait3A_1393, %dma_wait3A_1394] : memref<2x1280x32xf32, #tpu.memory_space<vmem>> -> memref<1x1280x32xf32, #tpu.memory_space<vmem>>
    %dma_wait3A_1396 = tpu.memref_squeeze %dma_wait3A_1395 : memref<1x1280x32xf32, #tpu.memory_space<vmem>> -> memref<1280x32xf32, #tpu.memory_space<vmem>>
    %dma_wait3A_1397 = arith.constant 0 : i32
    %dma_wait3A_1398 = tpu.memref_slice %arg5[%dma_wait3A_1390, %dma_wait3A_1397] : memref<2x1280xi32, #tpu.memory_space<vmem>> -> memref<1x1280xi32, #tpu.memory_space<vmem>>
    %dma_wait3A_1399 = tpu.memref_squeeze %dma_wait3A_1398 : memref<1x1280xi32, #tpu.memory_space<vmem>> -> memref<1280xi32, #tpu.memory_space<vmem>>
    %dma_wait3A_1400 = arith.constant 0 : i32
    %dma_wait3A_1401 = arith.constant 0 : i32
    %dma_wait3A_1402 = tpu.memref_slice %arg3[%dma_wait3A_1400, %dma_wait3A_1401] : memref<1000000x32xf32, #tpu.memory_space<hbm>> -> memref<1000000x32xf32, #tpu.memory_space<hbm>>
    %dma_wait3A_1403 = tpu.memref_slice %arg8[%dma_wait3A_1392] : memref<2x!tpu.dma_semaphore, #tpu.memory_space<semaphore_mem>> -> memref<1x!tpu.dma_semaphore, #tpu.memory_space<semaphore_mem>>
    %dma_wait3A_1404 = tpu.memref_squeeze %dma_wait3A_1403 : memref<1x!tpu.dma_semaphore, #tpu.memory_space<semaphore_mem>> -> memref<!tpu.dma_semaphore, #tpu.memory_space<semaphore_mem>>
    tpu.wait_indirect_dma semaphore(%dma_wait3A_1404 : memref<!tpu.dma_semaphore, #tpu.memory_space<semaphore_mem>>) src(%dma_wait3A_1402 : memref<1000000x32xf32, #tpu.memory_space<hbm>>) dst(%dma_wait3A_1396 : memref<1280x32xf32, #tpu.memory_space<vmem>>)
    %add3A_1405 = arith.constant 19200 : i32
    %add3A_1406 = arith.addi %mul3A_2, %add3A_1405 : i32
    %dma_start3A_1407 = arith.constant 1 : i32
    %dma_start3A_1408 = arith.constant 1 : i32
    %dma_start3A_1409 = arith.constant 0 : i32
    %dma_start3A_1410 = arith.constant 0 : i32
    %dma_start3A_1411 = tpu.memref_slice %arg6[%dma_start3A_1407, %dma_start3A_1409, %dma_start3A_1410] : memref<2x1280x32xf32, #tpu.memory_space<vmem>> -> memref<1x1280x32xf32, #tpu.memory_space<vmem>>
    %dma_start3A_1412 = tpu.memref_squeeze %dma_start3A_1411 : memref<1x1280x32xf32, #tpu.memory_space<vmem>> -> memref<1280x32xf32, #tpu.memory_space<vmem>>
    %dma_start3A_1413 = arith.constant 0 : i32
    %dma_start3A_1414 = tpu.memref_slice %arg4[%add3A_1406, %dma_start3A_1413] : memref<819200x32xf32, #tpu.memory_space<hbm>> -> memref<1280x32xf32, #tpu.memory_space<hbm>>
    %dma_start3A_1415 = tpu.memref_slice %arg9[%dma_start3A_1408] : memref<2x!tpu.dma_semaphore, #tpu.memory_space<semaphore_mem>> -> memref<1x!tpu.dma_semaphore, #tpu.memory_space<semaphore_mem>>
    %dma_start3A_1416 = tpu.memref_squeeze %dma_start3A_1415 : memref<1x!tpu.dma_semaphore, #tpu.memory_space<semaphore_mem>> -> memref<!tpu.dma_semaphore, #tpu.memory_space<semaphore_mem>>
    %dma_start3A_1417 = arith.constant 0 : i32
    %dma_start3A_1418 = tpu.memref_slice %arg4[%add3A_1406, %dma_start3A_1417] : memref<819200x32xf32, #tpu.memory_space<hbm>> -> memref<1280x32xf32, #tpu.memory_space<hbm>>
    %dma_start3A_1419 = arith.constant 0 : i32
    %dma_start3A_1420 = arith.constant 0 : i32
    %dma_start3A_1421 = tpu.memref_slice %arg6[%dma_start3A_1407, %dma_start3A_1419, %dma_start3A_1420] : memref<2x1280x32xf32, #tpu.memory_space<vmem>> -> memref<1x1280x32xf32, #tpu.memory_space<vmem>>
    %dma_start3A_1422 = tpu.memref_squeeze %dma_start3A_1421 : memref<1x1280x32xf32, #tpu.memory_space<vmem>> -> memref<1280x32xf32, #tpu.memory_space<vmem>>
    tpu.enqueue_dma source(%dma_start3A_1422 : memref<1280x32xf32, #tpu.memory_space<vmem>>) target(%dma_start3A_1418 : memref<1280x32xf32, #tpu.memory_space<hbm>>) target_semaphore(%dma_start3A_1416 : memref<!tpu.dma_semaphore, #tpu.memory_space<semaphore_mem>>)
    %add3A_1423 = arith.constant 21760 : i32
    %add3A_1424 = arith.addi %mul3A_2, %add3A_1423 : i32
    %dma_start3A_1425 = arith.constant 1 : i32
    %dma_start3A_1426 = arith.constant 1 : i32
    %dma_start3A_1427 = arith.constant 0 : i32
    %dma_start3A_1428 = tpu.memref_slice %arg5[%dma_start3A_1425, %dma_start3A_1427] : memref<2x1280xi32, #tpu.memory_space<vmem>> -> memref<1x1280xi32, #tpu.memory_space<vmem>>
    %dma_start3A_1429 = tpu.memref_squeeze %dma_start3A_1428 : memref<1x1280xi32, #tpu.memory_space<vmem>> -> memref<1280xi32, #tpu.memory_space<vmem>>
    %dma_start3A_1430 = tpu.memref_slice %arg2[%add3A_1424] : memref<819200xi32, #tpu.memory_space<hbm>> -> memref<1280xi32, #tpu.memory_space<hbm>>
    %dma_start3A_1431 = tpu.memref_slice %arg7[%dma_start3A_1426] : memref<2x!tpu.dma_semaphore, #tpu.memory_space<semaphore_mem>> -> memref<1x!tpu.dma_semaphore, #tpu.memory_space<semaphore_mem>>
    %dma_start3A_1432 = tpu.memref_squeeze %dma_start3A_1431 : memref<1x!tpu.dma_semaphore, #tpu.memory_space<semaphore_mem>> -> memref<!tpu.dma_semaphore, #tpu.memory_space<semaphore_mem>>
    %dma_start3A_1433 = arith.constant 0 : i32
    %dma_start3A_1434 = tpu.memref_slice %arg5[%dma_start3A_1425, %dma_start3A_1433] : memref<2x1280xi32, #tpu.memory_space<vmem>> -> memref<1x1280xi32, #tpu.memory_space<vmem>>
    %dma_start3A_1435 = tpu.memref_squeeze %dma_start3A_1434 : memref<1x1280xi32, #tpu.memory_space<vmem>> -> memref<1280xi32, #tpu.memory_space<vmem>>
    %dma_start3A_1436 = tpu.memref_slice %arg2[%add3A_1424] : memref<819200xi32, #tpu.memory_space<hbm>> -> memref<1280xi32, #tpu.memory_space<hbm>>
    tpu.enqueue_dma source(%dma_start3A_1436 : memref<1280xi32, #tpu.memory_space<hbm>>) target(%dma_start3A_1435 : memref<1280xi32, #tpu.memory_space<vmem>>) target_semaphore(%dma_start3A_1432 : memref<!tpu.dma_semaphore, #tpu.memory_space<semaphore_mem>>)
    %dma_wait3A_1437 = arith.constant 0 : i32
    %dma_wait3A_1438 = arith.constant 0 : i32
    %dma_wait3A_1439 = arith.constant 0 : i32
    %dma_wait3A_1440 = tpu.memref_slice %arg5[%dma_wait3A_1437, %dma_wait3A_1439] : memref<2x1280xi32, #tpu.memory_space<vmem>> -> memref<1x1280xi32, #tpu.memory_space<vmem>>
    %dma_wait3A_1441 = tpu.memref_squeeze %dma_wait3A_1440 : memref<1x1280xi32, #tpu.memory_space<vmem>> -> memref<1280xi32, #tpu.memory_space<vmem>>
    %dma_wait3A_1442 = tpu.memref_slice %arg2[%add3A_1334] : memref<819200xi32, #tpu.memory_space<hbm>> -> memref<1280xi32, #tpu.memory_space<hbm>>
    %dma_wait3A_1443 = tpu.memref_slice %arg7[%dma_wait3A_1438] : memref<2x!tpu.dma_semaphore, #tpu.memory_space<semaphore_mem>> -> memref<1x!tpu.dma_semaphore, #tpu.memory_space<semaphore_mem>>
    %dma_wait3A_1444 = tpu.memref_squeeze %dma_wait3A_1443 : memref<1x!tpu.dma_semaphore, #tpu.memory_space<semaphore_mem>> -> memref<!tpu.dma_semaphore, #tpu.memory_space<semaphore_mem>>
    %dma_wait3A_1445 = arith.constant 0 : i32
    %dma_wait3A_1446 = tpu.memref_slice %arg5[%dma_wait3A_1437, %dma_wait3A_1445] : memref<2x1280xi32, #tpu.memory_space<vmem>> -> memref<1x1280xi32, #tpu.memory_space<vmem>>
    %dma_wait3A_1447 = tpu.memref_squeeze %dma_wait3A_1446 : memref<1x1280xi32, #tpu.memory_space<vmem>> -> memref<1280xi32, #tpu.memory_space<vmem>>
    %dma_wait3A_1448 = tpu.memref_slice %arg2[%add3A_1334] : memref<819200xi32, #tpu.memory_space<hbm>> -> memref<1280xi32, #tpu.memory_space<hbm>>
    tpu.wait_dma2 semaphore(%dma_wait3A_1444 : memref<!tpu.dma_semaphore, #tpu.memory_space<semaphore_mem>>) src(%dma_wait3A_1448 : memref<1280xi32, #tpu.memory_space<hbm>>) dst(%dma_wait3A_1447 : memref<1280xi32, #tpu.memory_space<vmem>>)
    %dma_wait3A_1449 = arith.constant 0 : i32
    %dma_wait3A_1450 = arith.constant 0 : i32
    %dma_wait3A_1451 = arith.constant 0 : i32
    %dma_wait3A_1452 = arith.constant 0 : i32
    %dma_wait3A_1453 = tpu.memref_slice %arg6[%dma_wait3A_1449, %dma_wait3A_1451, %dma_wait3A_1452] : memref<2x1280x32xf32, #tpu.memory_space<vmem>> -> memref<1x1280x32xf32, #tpu.memory_space<vmem>>
    %dma_wait3A_1454 = tpu.memref_squeeze %dma_wait3A_1453 : memref<1x1280x32xf32, #tpu.memory_space<vmem>> -> memref<1280x32xf32, #tpu.memory_space<vmem>>
    %dma_wait3A_1455 = arith.constant 0 : i32
    %dma_wait3A_1456 = tpu.memref_slice %arg4[%add3A_1316, %dma_wait3A_1455] : memref<819200x32xf32, #tpu.memory_space<hbm>> -> memref<1280x32xf32, #tpu.memory_space<hbm>>
    %dma_wait3A_1457 = tpu.memref_slice %arg9[%dma_wait3A_1450] : memref<2x!tpu.dma_semaphore, #tpu.memory_space<semaphore_mem>> -> memref<1x!tpu.dma_semaphore, #tpu.memory_space<semaphore_mem>>
    %dma_wait3A_1458 = tpu.memref_squeeze %dma_wait3A_1457 : memref<1x!tpu.dma_semaphore, #tpu.memory_space<semaphore_mem>> -> memref<!tpu.dma_semaphore, #tpu.memory_space<semaphore_mem>>
    %dma_wait3A_1459 = arith.constant 0 : i32
    %dma_wait3A_1460 = tpu.memref_slice %arg4[%add3A_1316, %dma_wait3A_1459] : memref<819200x32xf32, #tpu.memory_space<hbm>> -> memref<1280x32xf32, #tpu.memory_space<hbm>>
    %dma_wait3A_1461 = arith.constant 0 : i32
    %dma_wait3A_1462 = arith.constant 0 : i32
    %dma_wait3A_1463 = tpu.memref_slice %arg6[%dma_wait3A_1449, %dma_wait3A_1461, %dma_wait3A_1462] : memref<2x1280x32xf32, #tpu.memory_space<vmem>> -> memref<1x1280x32xf32, #tpu.memory_space<vmem>>
    %dma_wait3A_1464 = tpu.memref_squeeze %dma_wait3A_1463 : memref<1x1280x32xf32, #tpu.memory_space<vmem>> -> memref<1280x32xf32, #tpu.memory_space<vmem>>
    tpu.wait_dma2 semaphore(%dma_wait3A_1458 : memref<!tpu.dma_semaphore, #tpu.memory_space<semaphore_mem>>) src(%dma_wait3A_1464 : memref<1280x32xf32, #tpu.memory_space<vmem>>) dst(%dma_wait3A_1460 : memref<1280x32xf32, #tpu.memory_space<hbm>>)
    %dma_start3A_1465 = arith.constant 0 : i32
    %dma_start3A_1466 = arith.constant 0 : i32
    %dma_start3A_1467 = arith.constant 0 : i32
    %dma_start3A_1468 = arith.constant 0 : i32
    %dma_start3A_1469 = arith.constant 0 : i32
    %dma_start3A_1470 = tpu.memref_slice %arg6[%dma_start3A_1466, %dma_start3A_1468, %dma_start3A_1469] : memref<2x1280x32xf32, #tpu.memory_space<vmem>> -> memref<1x1280x32xf32, #tpu.memory_space<vmem>>
    %dma_start3A_1471 = tpu.memref_squeeze %dma_start3A_1470 : memref<1x1280x32xf32, #tpu.memory_space<vmem>> -> memref<1280x32xf32, #tpu.memory_space<vmem>>
    %dma_start3A_1472 = arith.constant 0 : i32
    %dma_start3A_1473 = tpu.memref_slice %arg5[%dma_start3A_1465, %dma_start3A_1472] : memref<2x1280xi32, #tpu.memory_space<vmem>> -> memref<1x1280xi32, #tpu.memory_space<vmem>>
    %dma_start3A_1474 = tpu.memref_squeeze %dma_start3A_1473 : memref<1x1280xi32, #tpu.memory_space<vmem>> -> memref<1280xi32, #tpu.memory_space<vmem>>
    %dma_start3A_1475 = arith.constant 0 : i32
    %dma_start3A_1476 = arith.constant 0 : i32
    %dma_start3A_1477 = tpu.memref_slice %arg3[%dma_start3A_1475, %dma_start3A_1476] : memref<1000000x32xf32, #tpu.memory_space<hbm>> -> memref<1000000x32xf32, #tpu.memory_space<hbm>>
    %dma_start3A_1478 = tpu.memref_slice %arg8[%dma_start3A_1467] : memref<2x!tpu.dma_semaphore, #tpu.memory_space<semaphore_mem>> -> memref<1x!tpu.dma_semaphore, #tpu.memory_space<semaphore_mem>>
    %dma_start3A_1479 = tpu.memref_squeeze %dma_start3A_1478 : memref<1x!tpu.dma_semaphore, #tpu.memory_space<semaphore_mem>> -> memref<!tpu.dma_semaphore, #tpu.memory_space<semaphore_mem>>
    tpu.enqueue_indirect_dma source(%dma_start3A_1477 : memref<1000000x32xf32, #tpu.memory_space<hbm>>) target(%dma_start3A_1471 : memref<1280x32xf32, #tpu.memory_space<vmem>>) offsets(%dma_start3A_1474 : memref<1280xi32, #tpu.memory_space<vmem>>) semaphore(%dma_start3A_1479 : memref<!tpu.dma_semaphore, #tpu.memory_space<semaphore_mem>>)
    %dma_wait3A_1480 = arith.constant 0 : i32
    %dma_wait3A_1481 = arith.constant 0 : i32
    %dma_wait3A_1482 = arith.constant 0 : i32
    %dma_wait3A_1483 = arith.constant 0 : i32
    %dma_wait3A_1484 = arith.constant 0 : i32
    %dma_wait3A_1485 = tpu.memref_slice %arg6[%dma_wait3A_1481, %dma_wait3A_1483, %dma_wait3A_1484] : memref<2x1280x32xf32, #tpu.memory_space<vmem>> -> memref<1x1280x32xf32, #tpu.memory_space<vmem>>
    %dma_wait3A_1486 = tpu.memref_squeeze %dma_wait3A_1485 : memref<1x1280x32xf32, #tpu.memory_space<vmem>> -> memref<1280x32xf32, #tpu.memory_space<vmem>>
    %dma_wait3A_1487 = arith.constant 0 : i32
    %dma_wait3A_1488 = tpu.memref_slice %arg5[%dma_wait3A_1480, %dma_wait3A_1487] : memref<2x1280xi32, #tpu.memory_space<vmem>> -> memref<1x1280xi32, #tpu.memory_space<vmem>>
    %dma_wait3A_1489 = tpu.memref_squeeze %dma_wait3A_1488 : memref<1x1280xi32, #tpu.memory_space<vmem>> -> memref<1280xi32, #tpu.memory_space<vmem>>
    %dma_wait3A_1490 = arith.constant 0 : i32
    %dma_wait3A_1491 = arith.constant 0 : i32
    %dma_wait3A_1492 = tpu.memref_slice %arg3[%dma_wait3A_1490, %dma_wait3A_1491] : memref<1000000x32xf32, #tpu.memory_space<hbm>> -> memref<1000000x32xf32, #tpu.memory_space<hbm>>
    %dma_wait3A_1493 = tpu.memref_slice %arg8[%dma_wait3A_1482] : memref<2x!tpu.dma_semaphore, #tpu.memory_space<semaphore_mem>> -> memref<1x!tpu.dma_semaphore, #tpu.memory_space<semaphore_mem>>
    %dma_wait3A_1494 = tpu.memref_squeeze %dma_wait3A_1493 : memref<1x!tpu.dma_semaphore, #tpu.memory_space<semaphore_mem>> -> memref<!tpu.dma_semaphore, #tpu.memory_space<semaphore_mem>>
    tpu.wait_indirect_dma semaphore(%dma_wait3A_1494 : memref<!tpu.dma_semaphore, #tpu.memory_space<semaphore_mem>>) src(%dma_wait3A_1492 : memref<1000000x32xf32, #tpu.memory_space<hbm>>) dst(%dma_wait3A_1486 : memref<1280x32xf32, #tpu.memory_space<vmem>>)
    %add3A_1495 = arith.constant 20480 : i32
    %add3A_1496 = arith.addi %mul3A_2, %add3A_1495 : i32
    %dma_start3A_1497 = arith.constant 0 : i32
    %dma_start3A_1498 = arith.constant 0 : i32
    %dma_start3A_1499 = arith.constant 0 : i32
    %dma_start3A_1500 = arith.constant 0 : i32
    %dma_start3A_1501 = tpu.memref_slice %arg6[%dma_start3A_1497, %dma_start3A_1499, %dma_start3A_1500] : memref<2x1280x32xf32, #tpu.memory_space<vmem>> -> memref<1x1280x32xf32, #tpu.memory_space<vmem>>
    %dma_start3A_1502 = tpu.memref_squeeze %dma_start3A_1501 : memref<1x1280x32xf32, #tpu.memory_space<vmem>> -> memref<1280x32xf32, #tpu.memory_space<vmem>>
    %dma_start3A_1503 = arith.constant 0 : i32
    %dma_start3A_1504 = tpu.memref_slice %arg4[%add3A_1496, %dma_start3A_1503] : memref<819200x32xf32, #tpu.memory_space<hbm>> -> memref<1280x32xf32, #tpu.memory_space<hbm>>
    %dma_start3A_1505 = tpu.memref_slice %arg9[%dma_start3A_1498] : memref<2x!tpu.dma_semaphore, #tpu.memory_space<semaphore_mem>> -> memref<1x!tpu.dma_semaphore, #tpu.memory_space<semaphore_mem>>
    %dma_start3A_1506 = tpu.memref_squeeze %dma_start3A_1505 : memref<1x!tpu.dma_semaphore, #tpu.memory_space<semaphore_mem>> -> memref<!tpu.dma_semaphore, #tpu.memory_space<semaphore_mem>>
    %dma_start3A_1507 = arith.constant 0 : i32
    %dma_start3A_1508 = tpu.memref_slice %arg4[%add3A_1496, %dma_start3A_1507] : memref<819200x32xf32, #tpu.memory_space<hbm>> -> memref<1280x32xf32, #tpu.memory_space<hbm>>
    %dma_start3A_1509 = arith.constant 0 : i32
    %dma_start3A_1510 = arith.constant 0 : i32
    %dma_start3A_1511 = tpu.memref_slice %arg6[%dma_start3A_1497, %dma_start3A_1509, %dma_start3A_1510] : memref<2x1280x32xf32, #tpu.memory_space<vmem>> -> memref<1x1280x32xf32, #tpu.memory_space<vmem>>
    %dma_start3A_1512 = tpu.memref_squeeze %dma_start3A_1511 : memref<1x1280x32xf32, #tpu.memory_space<vmem>> -> memref<1280x32xf32, #tpu.memory_space<vmem>>
    tpu.enqueue_dma source(%dma_start3A_1512 : memref<1280x32xf32, #tpu.memory_space<vmem>>) target(%dma_start3A_1508 : memref<1280x32xf32, #tpu.memory_space<hbm>>) target_semaphore(%dma_start3A_1506 : memref<!tpu.dma_semaphore, #tpu.memory_space<semaphore_mem>>)
    %add3A_1513 = arith.constant 23040 : i32
    %add3A_1514 = arith.addi %mul3A_2, %add3A_1513 : i32
    %dma_start3A_1515 = arith.constant 0 : i32
    %dma_start3A_1516 = arith.constant 0 : i32
    %dma_start3A_1517 = arith.constant 0 : i32
    %dma_start3A_1518 = tpu.memref_slice %arg5[%dma_start3A_1515, %dma_start3A_1517] : memref<2x1280xi32, #tpu.memory_space<vmem>> -> memref<1x1280xi32, #tpu.memory_space<vmem>>
    %dma_start3A_1519 = tpu.memref_squeeze %dma_start3A_1518 : memref<1x1280xi32, #tpu.memory_space<vmem>> -> memref<1280xi32, #tpu.memory_space<vmem>>
    %dma_start3A_1520 = tpu.memref_slice %arg2[%add3A_1514] : memref<819200xi32, #tpu.memory_space<hbm>> -> memref<1280xi32, #tpu.memory_space<hbm>>
    %dma_start3A_1521 = tpu.memref_slice %arg7[%dma_start3A_1516] : memref<2x!tpu.dma_semaphore, #tpu.memory_space<semaphore_mem>> -> memref<1x!tpu.dma_semaphore, #tpu.memory_space<semaphore_mem>>
    %dma_start3A_1522 = tpu.memref_squeeze %dma_start3A_1521 : memref<1x!tpu.dma_semaphore, #tpu.memory_space<semaphore_mem>> -> memref<!tpu.dma_semaphore, #tpu.memory_space<semaphore_mem>>
    %dma_start3A_1523 = arith.constant 0 : i32
    %dma_start3A_1524 = tpu.memref_slice %arg5[%dma_start3A_1515, %dma_start3A_1523] : memref<2x1280xi32, #tpu.memory_space<vmem>> -> memref<1x1280xi32, #tpu.memory_space<vmem>>
    %dma_start3A_1525 = tpu.memref_squeeze %dma_start3A_1524 : memref<1x1280xi32, #tpu.memory_space<vmem>> -> memref<1280xi32, #tpu.memory_space<vmem>>
    %dma_start3A_1526 = tpu.memref_slice %arg2[%add3A_1514] : memref<819200xi32, #tpu.memory_space<hbm>> -> memref<1280xi32, #tpu.memory_space<hbm>>
    tpu.enqueue_dma source(%dma_start3A_1526 : memref<1280xi32, #tpu.memory_space<hbm>>) target(%dma_start3A_1525 : memref<1280xi32, #tpu.memory_space<vmem>>) target_semaphore(%dma_start3A_1522 : memref<!tpu.dma_semaphore, #tpu.memory_space<semaphore_mem>>)
    %dma_wait3A_1527 = arith.constant 1 : i32
    %dma_wait3A_1528 = arith.constant 1 : i32
    %dma_wait3A_1529 = arith.constant 0 : i32
    %dma_wait3A_1530 = tpu.memref_slice %arg5[%dma_wait3A_1527, %dma_wait3A_1529] : memref<2x1280xi32, #tpu.memory_space<vmem>> -> memref<1x1280xi32, #tpu.memory_space<vmem>>
    %dma_wait3A_1531 = tpu.memref_squeeze %dma_wait3A_1530 : memref<1x1280xi32, #tpu.memory_space<vmem>> -> memref<1280xi32, #tpu.memory_space<vmem>>
    %dma_wait3A_1532 = tpu.memref_slice %arg2[%add3A_1424] : memref<819200xi32, #tpu.memory_space<hbm>> -> memref<1280xi32, #tpu.memory_space<hbm>>
    %dma_wait3A_1533 = tpu.memref_slice %arg7[%dma_wait3A_1528] : memref<2x!tpu.dma_semaphore, #tpu.memory_space<semaphore_mem>> -> memref<1x!tpu.dma_semaphore, #tpu.memory_space<semaphore_mem>>
    %dma_wait3A_1534 = tpu.memref_squeeze %dma_wait3A_1533 : memref<1x!tpu.dma_semaphore, #tpu.memory_space<semaphore_mem>> -> memref<!tpu.dma_semaphore, #tpu.memory_space<semaphore_mem>>
    %dma_wait3A_1535 = arith.constant 0 : i32
    %dma_wait3A_1536 = tpu.memref_slice %arg5[%dma_wait3A_1527, %dma_wait3A_1535] : memref<2x1280xi32, #tpu.memory_space<vmem>> -> memref<1x1280xi32, #tpu.memory_space<vmem>>
    %dma_wait3A_1537 = tpu.memref_squeeze %dma_wait3A_1536 : memref<1x1280xi32, #tpu.memory_space<vmem>> -> memref<1280xi32, #tpu.memory_space<vmem>>
    %dma_wait3A_1538 = tpu.memref_slice %arg2[%add3A_1424] : memref<819200xi32, #tpu.memory_space<hbm>> -> memref<1280xi32, #tpu.memory_space<hbm>>
    tpu.wait_dma2 semaphore(%dma_wait3A_1534 : memref<!tpu.dma_semaphore, #tpu.memory_space<semaphore_mem>>) src(%dma_wait3A_1538 : memref<1280xi32, #tpu.memory_space<hbm>>) dst(%dma_wait3A_1537 : memref<1280xi32, #tpu.memory_space<vmem>>)
    %dma_wait3A_1539 = arith.constant 1 : i32
    %dma_wait3A_1540 = arith.constant 1 : i32
    %dma_wait3A_1541 = arith.constant 0 : i32
    %dma_wait3A_1542 = arith.constant 0 : i32
    %dma_wait3A_1543 = tpu.memref_slice %arg6[%dma_wait3A_1539, %dma_wait3A_1541, %dma_wait3A_1542] : memref<2x1280x32xf32, #tpu.memory_space<vmem>> -> memref<1x1280x32xf32, #tpu.memory_space<vmem>>
    %dma_wait3A_1544 = tpu.memref_squeeze %dma_wait3A_1543 : memref<1x1280x32xf32, #tpu.memory_space<vmem>> -> memref<1280x32xf32, #tpu.memory_space<vmem>>
    %dma_wait3A_1545 = arith.constant 0 : i32
    %dma_wait3A_1546 = tpu.memref_slice %arg4[%add3A_1406, %dma_wait3A_1545] : memref<819200x32xf32, #tpu.memory_space<hbm>> -> memref<1280x32xf32, #tpu.memory_space<hbm>>
    %dma_wait3A_1547 = tpu.memref_slice %arg9[%dma_wait3A_1540] : memref<2x!tpu.dma_semaphore, #tpu.memory_space<semaphore_mem>> -> memref<1x!tpu.dma_semaphore, #tpu.memory_space<semaphore_mem>>
    %dma_wait3A_1548 = tpu.memref_squeeze %dma_wait3A_1547 : memref<1x!tpu.dma_semaphore, #tpu.memory_space<semaphore_mem>> -> memref<!tpu.dma_semaphore, #tpu.memory_space<semaphore_mem>>
    %dma_wait3A_1549 = arith.constant 0 : i32
    %dma_wait3A_1550 = tpu.memref_slice %arg4[%add3A_1406, %dma_wait3A_1549] : memref<819200x32xf32, #tpu.memory_space<hbm>> -> memref<1280x32xf32, #tpu.memory_space<hbm>>
    %dma_wait3A_1551 = arith.constant 0 : i32
    %dma_wait3A_1552 = arith.constant 0 : i32
    %dma_wait3A_1553 = tpu.memref_slice %arg6[%dma_wait3A_1539, %dma_wait3A_1551, %dma_wait3A_1552] : memref<2x1280x32xf32, #tpu.memory_space<vmem>> -> memref<1x1280x32xf32, #tpu.memory_space<vmem>>
    %dma_wait3A_1554 = tpu.memref_squeeze %dma_wait3A_1553 : memref<1x1280x32xf32, #tpu.memory_space<vmem>> -> memref<1280x32xf32, #tpu.memory_space<vmem>>
    tpu.wait_dma2 semaphore(%dma_wait3A_1548 : memref<!tpu.dma_semaphore, #tpu.memory_space<semaphore_mem>>) src(%dma_wait3A_1554 : memref<1280x32xf32, #tpu.memory_space<vmem>>) dst(%dma_wait3A_1550 : memref<1280x32xf32, #tpu.memory_space<hbm>>)
    %dma_start3A_1555 = arith.constant 1 : i32
    %dma_start3A_1556 = arith.constant 1 : i32
    %dma_start3A_1557 = arith.constant 1 : i32
    %dma_start3A_1558 = arith.constant 0 : i32
    %dma_start3A_1559 = arith.constant 0 : i32
    %dma_start3A_1560 = tpu.memref_slice %arg6[%dma_start3A_1556, %dma_start3A_1558, %dma_start3A_1559] : memref<2x1280x32xf32, #tpu.memory_space<vmem>> -> memref<1x1280x32xf32, #tpu.memory_space<vmem>>
    %dma_start3A_1561 = tpu.memref_squeeze %dma_start3A_1560 : memref<1x1280x32xf32, #tpu.memory_space<vmem>> -> memref<1280x32xf32, #tpu.memory_space<vmem>>
    %dma_start3A_1562 = arith.constant 0 : i32
    %dma_start3A_1563 = tpu.memref_slice %arg5[%dma_start3A_1555, %dma_start3A_1562] : memref<2x1280xi32, #tpu.memory_space<vmem>> -> memref<1x1280xi32, #tpu.memory_space<vmem>>
    %dma_start3A_1564 = tpu.memref_squeeze %dma_start3A_1563 : memref<1x1280xi32, #tpu.memory_space<vmem>> -> memref<1280xi32, #tpu.memory_space<vmem>>
    %dma_start3A_1565 = arith.constant 0 : i32
    %dma_start3A_1566 = arith.constant 0 : i32
    %dma_start3A_1567 = tpu.memref_slice %arg3[%dma_start3A_1565, %dma_start3A_1566] : memref<1000000x32xf32, #tpu.memory_space<hbm>> -> memref<1000000x32xf32, #tpu.memory_space<hbm>>
    %dma_start3A_1568 = tpu.memref_slice %arg8[%dma_start3A_1557] : memref<2x!tpu.dma_semaphore, #tpu.memory_space<semaphore_mem>> -> memref<1x!tpu.dma_semaphore, #tpu.memory_space<semaphore_mem>>
    %dma_start3A_1569 = tpu.memref_squeeze %dma_start3A_1568 : memref<1x!tpu.dma_semaphore, #tpu.memory_space<semaphore_mem>> -> memref<!tpu.dma_semaphore, #tpu.memory_space<semaphore_mem>>
    tpu.enqueue_indirect_dma source(%dma_start3A_1567 : memref<1000000x32xf32, #tpu.memory_space<hbm>>) target(%dma_start3A_1561 : memref<1280x32xf32, #tpu.memory_space<vmem>>) offsets(%dma_start3A_1564 : memref<1280xi32, #tpu.memory_space<vmem>>) semaphore(%dma_start3A_1569 : memref<!tpu.dma_semaphore, #tpu.memory_space<semaphore_mem>>)
    %dma_wait3A_1570 = arith.constant 1 : i32
    %dma_wait3A_1571 = arith.constant 1 : i32
    %dma_wait3A_1572 = arith.constant 1 : i32
    %dma_wait3A_1573 = arith.constant 0 : i32
    %dma_wait3A_1574 = arith.constant 0 : i32
    %dma_wait3A_1575 = tpu.memref_slice %arg6[%dma_wait3A_1571, %dma_wait3A_1573, %dma_wait3A_1574] : memref<2x1280x32xf32, #tpu.memory_space<vmem>> -> memref<1x1280x32xf32, #tpu.memory_space<vmem>>
    %dma_wait3A_1576 = tpu.memref_squeeze %dma_wait3A_1575 : memref<1x1280x32xf32, #tpu.memory_space<vmem>> -> memref<1280x32xf32, #tpu.memory_space<vmem>>
    %dma_wait3A_1577 = arith.constant 0 : i32
    %dma_wait3A_1578 = tpu.memref_slice %arg5[%dma_wait3A_1570, %dma_wait3A_1577] : memref<2x1280xi32, #tpu.memory_space<vmem>> -> memref<1x1280xi32, #tpu.memory_space<vmem>>
    %dma_wait3A_1579 = tpu.memref_squeeze %dma_wait3A_1578 : memref<1x1280xi32, #tpu.memory_space<vmem>> -> memref<1280xi32, #tpu.memory_space<vmem>>
    %dma_wait3A_1580 = arith.constant 0 : i32
    %dma_wait3A_1581 = arith.constant 0 : i32
    %dma_wait3A_1582 = tpu.memref_slice %arg3[%dma_wait3A_1580, %dma_wait3A_1581] : memref<1000000x32xf32, #tpu.memory_space<hbm>> -> memref<1000000x32xf32, #tpu.memory_space<hbm>>
    %dma_wait3A_1583 = tpu.memref_slice %arg8[%dma_wait3A_1572] : memref<2x!tpu.dma_semaphore, #tpu.memory_space<semaphore_mem>> -> memref<1x!tpu.dma_semaphore, #tpu.memory_space<semaphore_mem>>
    %dma_wait3A_1584 = tpu.memref_squeeze %dma_wait3A_1583 : memref<1x!tpu.dma_semaphore, #tpu.memory_space<semaphore_mem>> -> memref<!tpu.dma_semaphore, #tpu.memory_space<semaphore_mem>>
    tpu.wait_indirect_dma semaphore(%dma_wait3A_1584 : memref<!tpu.dma_semaphore, #tpu.memory_space<semaphore_mem>>) src(%dma_wait3A_1582 : memref<1000000x32xf32, #tpu.memory_space<hbm>>) dst(%dma_wait3A_1576 : memref<1280x32xf32, #tpu.memory_space<vmem>>)
    %add3A_1585 = arith.constant 21760 : i32
    %add3A_1586 = arith.addi %mul3A_2, %add3A_1585 : i32
    %dma_start3A_1587 = arith.constant 1 : i32
    %dma_start3A_1588 = arith.constant 1 : i32
    %dma_start3A_1589 = arith.constant 0 : i32
    %dma_start3A_1590 = arith.constant 0 : i32
    %dma_start3A_1591 = tpu.memref_slice %arg6[%dma_start3A_1587, %dma_start3A_1589, %dma_start3A_1590] : memref<2x1280x32xf32, #tpu.memory_space<vmem>> -> memref<1x1280x32xf32, #tpu.memory_space<vmem>>
    %dma_start3A_1592 = tpu.memref_squeeze %dma_start3A_1591 : memref<1x1280x32xf32, #tpu.memory_space<vmem>> -> memref<1280x32xf32, #tpu.memory_space<vmem>>
    %dma_start3A_1593 = arith.constant 0 : i32
    %dma_start3A_1594 = tpu.memref_slice %arg4[%add3A_1586, %dma_start3A_1593] : memref<819200x32xf32, #tpu.memory_space<hbm>> -> memref<1280x32xf32, #tpu.memory_space<hbm>>
    %dma_start3A_1595 = tpu.memref_slice %arg9[%dma_start3A_1588] : memref<2x!tpu.dma_semaphore, #tpu.memory_space<semaphore_mem>> -> memref<1x!tpu.dma_semaphore, #tpu.memory_space<semaphore_mem>>
    %dma_start3A_1596 = tpu.memref_squeeze %dma_start3A_1595 : memref<1x!tpu.dma_semaphore, #tpu.memory_space<semaphore_mem>> -> memref<!tpu.dma_semaphore, #tpu.memory_space<semaphore_mem>>
    %dma_start3A_1597 = arith.constant 0 : i32
    %dma_start3A_1598 = tpu.memref_slice %arg4[%add3A_1586, %dma_start3A_1597] : memref<819200x32xf32, #tpu.memory_space<hbm>> -> memref<1280x32xf32, #tpu.memory_space<hbm>>
    %dma_start3A_1599 = arith.constant 0 : i32
    %dma_start3A_1600 = arith.constant 0 : i32
    %dma_start3A_1601 = tpu.memref_slice %arg6[%dma_start3A_1587, %dma_start3A_1599, %dma_start3A_1600] : memref<2x1280x32xf32, #tpu.memory_space<vmem>> -> memref<1x1280x32xf32, #tpu.memory_space<vmem>>
    %dma_start3A_1602 = tpu.memref_squeeze %dma_start3A_1601 : memref<1x1280x32xf32, #tpu.memory_space<vmem>> -> memref<1280x32xf32, #tpu.memory_space<vmem>>
    tpu.enqueue_dma source(%dma_start3A_1602 : memref<1280x32xf32, #tpu.memory_space<vmem>>) target(%dma_start3A_1598 : memref<1280x32xf32, #tpu.memory_space<hbm>>) target_semaphore(%dma_start3A_1596 : memref<!tpu.dma_semaphore, #tpu.memory_space<semaphore_mem>>)
    %add3A_1603 = arith.constant 24320 : i32
    %add3A_1604 = arith.addi %mul3A_2, %add3A_1603 : i32
    %dma_start3A_1605 = arith.constant 1 : i32
    %dma_start3A_1606 = arith.constant 1 : i32
    %dma_start3A_1607 = arith.constant 0 : i32
    %dma_start3A_1608 = tpu.memref_slice %arg5[%dma_start3A_1605, %dma_start3A_1607] : memref<2x1280xi32, #tpu.memory_space<vmem>> -> memref<1x1280xi32, #tpu.memory_space<vmem>>
    %dma_start3A_1609 = tpu.memref_squeeze %dma_start3A_1608 : memref<1x1280xi32, #tpu.memory_space<vmem>> -> memref<1280xi32, #tpu.memory_space<vmem>>
    %dma_start3A_1610 = tpu.memref_slice %arg2[%add3A_1604] : memref<819200xi32, #tpu.memory_space<hbm>> -> memref<1280xi32, #tpu.memory_space<hbm>>
    %dma_start3A_1611 = tpu.memref_slice %arg7[%dma_start3A_1606] : memref<2x!tpu.dma_semaphore, #tpu.memory_space<semaphore_mem>> -> memref<1x!tpu.dma_semaphore, #tpu.memory_space<semaphore_mem>>
    %dma_start3A_1612 = tpu.memref_squeeze %dma_start3A_1611 : memref<1x!tpu.dma_semaphore, #tpu.memory_space<semaphore_mem>> -> memref<!tpu.dma_semaphore, #tpu.memory_space<semaphore_mem>>
    %dma_start3A_1613 = arith.constant 0 : i32
    %dma_start3A_1614 = tpu.memref_slice %arg5[%dma_start3A_1605, %dma_start3A_1613] : memref<2x1280xi32, #tpu.memory_space<vmem>> -> memref<1x1280xi32, #tpu.memory_space<vmem>>
    %dma_start3A_1615 = tpu.memref_squeeze %dma_start3A_1614 : memref<1x1280xi32, #tpu.memory_space<vmem>> -> memref<1280xi32, #tpu.memory_space<vmem>>
    %dma_start3A_1616 = tpu.memref_slice %arg2[%add3A_1604] : memref<819200xi32, #tpu.memory_space<hbm>> -> memref<1280xi32, #tpu.memory_space<hbm>>
    tpu.enqueue_dma source(%dma_start3A_1616 : memref<1280xi32, #tpu.memory_space<hbm>>) target(%dma_start3A_1615 : memref<1280xi32, #tpu.memory_space<vmem>>) target_semaphore(%dma_start3A_1612 : memref<!tpu.dma_semaphore, #tpu.memory_space<semaphore_mem>>)
    %dma_wait3A_1617 = arith.constant 0 : i32
    %dma_wait3A_1618 = arith.constant 0 : i32
    %dma_wait3A_1619 = arith.constant 0 : i32
    %dma_wait3A_1620 = tpu.memref_slice %arg5[%dma_wait3A_1617, %dma_wait3A_1619] : memref<2x1280xi32, #tpu.memory_space<vmem>> -> memref<1x1280xi32, #tpu.memory_space<vmem>>
    %dma_wait3A_1621 = tpu.memref_squeeze %dma_wait3A_1620 : memref<1x1280xi32, #tpu.memory_space<vmem>> -> memref<1280xi32, #tpu.memory_space<vmem>>
    %dma_wait3A_1622 = tpu.memref_slice %arg2[%add3A_1514] : memref<819200xi32, #tpu.memory_space<hbm>> -> memref<1280xi32, #tpu.memory_space<hbm>>
    %dma_wait3A_1623 = tpu.memref_slice %arg7[%dma_wait3A_1618] : memref<2x!tpu.dma_semaphore, #tpu.memory_space<semaphore_mem>> -> memref<1x!tpu.dma_semaphore, #tpu.memory_space<semaphore_mem>>
    %dma_wait3A_1624 = tpu.memref_squeeze %dma_wait3A_1623 : memref<1x!tpu.dma_semaphore, #tpu.memory_space<semaphore_mem>> -> memref<!tpu.dma_semaphore, #tpu.memory_space<semaphore_mem>>
    %dma_wait3A_1625 = arith.constant 0 : i32
    %dma_wait3A_1626 = tpu.memref_slice %arg5[%dma_wait3A_1617, %dma_wait3A_1625] : memref<2x1280xi32, #tpu.memory_space<vmem>> -> memref<1x1280xi32, #tpu.memory_space<vmem>>
    %dma_wait3A_1627 = tpu.memref_squeeze %dma_wait3A_1626 : memref<1x1280xi32, #tpu.memory_space<vmem>> -> memref<1280xi32, #tpu.memory_space<vmem>>
    %dma_wait3A_1628 = tpu.memref_slice %arg2[%add3A_1514] : memref<819200xi32, #tpu.memory_space<hbm>> -> memref<1280xi32, #tpu.memory_space<hbm>>
    tpu.wait_dma2 semaphore(%dma_wait3A_1624 : memref<!tpu.dma_semaphore, #tpu.memory_space<semaphore_mem>>) src(%dma_wait3A_1628 : memref<1280xi32, #tpu.memory_space<hbm>>) dst(%dma_wait3A_1627 : memref<1280xi32, #tpu.memory_space<vmem>>)
    %dma_wait3A_1629 = arith.constant 0 : i32
    %dma_wait3A_1630 = arith.constant 0 : i32
    %dma_wait3A_1631 = arith.constant 0 : i32
    %dma_wait3A_1632 = arith.constant 0 : i32
    %dma_wait3A_1633 = tpu.memref_slice %arg6[%dma_wait3A_1629, %dma_wait3A_1631, %dma_wait3A_1632] : memref<2x1280x32xf32, #tpu.memory_space<vmem>> -> memref<1x1280x32xf32, #tpu.memory_space<vmem>>
    %dma_wait3A_1634 = tpu.memref_squeeze %dma_wait3A_1633 : memref<1x1280x32xf32, #tpu.memory_space<vmem>> -> memref<1280x32xf32, #tpu.memory_space<vmem>>
    %dma_wait3A_1635 = arith.constant 0 : i32
    %dma_wait3A_1636 = tpu.memref_slice %arg4[%add3A_1496, %dma_wait3A_1635] : memref<819200x32xf32, #tpu.memory_space<hbm>> -> memref<1280x32xf32, #tpu.memory_space<hbm>>
    %dma_wait3A_1637 = tpu.memref_slice %arg9[%dma_wait3A_1630] : memref<2x!tpu.dma_semaphore, #tpu.memory_space<semaphore_mem>> -> memref<1x!tpu.dma_semaphore, #tpu.memory_space<semaphore_mem>>
    %dma_wait3A_1638 = tpu.memref_squeeze %dma_wait3A_1637 : memref<1x!tpu.dma_semaphore, #tpu.memory_space<semaphore_mem>> -> memref<!tpu.dma_semaphore, #tpu.memory_space<semaphore_mem>>
    %dma_wait3A_1639 = arith.constant 0 : i32
    %dma_wait3A_1640 = tpu.memref_slice %arg4[%add3A_1496, %dma_wait3A_1639] : memref<819200x32xf32, #tpu.memory_space<hbm>> -> memref<1280x32xf32, #tpu.memory_space<hbm>>
    %dma_wait3A_1641 = arith.constant 0 : i32
    %dma_wait3A_1642 = arith.constant 0 : i32
    %dma_wait3A_1643 = tpu.memref_slice %arg6[%dma_wait3A_1629, %dma_wait3A_1641, %dma_wait3A_1642] : memref<2x1280x32xf32, #tpu.memory_space<vmem>> -> memref<1x1280x32xf32, #tpu.memory_space<vmem>>
    %dma_wait3A_1644 = tpu.memref_squeeze %dma_wait3A_1643 : memref<1x1280x32xf32, #tpu.memory_space<vmem>> -> memref<1280x32xf32, #tpu.memory_space<vmem>>
    tpu.wait_dma2 semaphore(%dma_wait3A_1638 : memref<!tpu.dma_semaphore, #tpu.memory_space<semaphore_mem>>) src(%dma_wait3A_1644 : memref<1280x32xf32, #tpu.memory_space<vmem>>) dst(%dma_wait3A_1640 : memref<1280x32xf32, #tpu.memory_space<hbm>>)
    %dma_start3A_1645 = arith.constant 0 : i32
    %dma_start3A_1646 = arith.constant 0 : i32
    %dma_start3A_1647 = arith.constant 0 : i32
    %dma_start3A_1648 = arith.constant 0 : i32
    %dma_start3A_1649 = arith.constant 0 : i32
    %dma_start3A_1650 = tpu.memref_slice %arg6[%dma_start3A_1646, %dma_start3A_1648, %dma_start3A_1649] : memref<2x1280x32xf32, #tpu.memory_space<vmem>> -> memref<1x1280x32xf32, #tpu.memory_space<vmem>>
    %dma_start3A_1651 = tpu.memref_squeeze %dma_start3A_1650 : memref<1x1280x32xf32, #tpu.memory_space<vmem>> -> memref<1280x32xf32, #tpu.memory_space<vmem>>
    %dma_start3A_1652 = arith.constant 0 : i32
    %dma_start3A_1653 = tpu.memref_slice %arg5[%dma_start3A_1645, %dma_start3A_1652] : memref<2x1280xi32, #tpu.memory_space<vmem>> -> memref<1x1280xi32, #tpu.memory_space<vmem>>
    %dma_start3A_1654 = tpu.memref_squeeze %dma_start3A_1653 : memref<1x1280xi32, #tpu.memory_space<vmem>> -> memref<1280xi32, #tpu.memory_space<vmem>>
    %dma_start3A_1655 = arith.constant 0 : i32
    %dma_start3A_1656 = arith.constant 0 : i32
    %dma_start3A_1657 = tpu.memref_slice %arg3[%dma_start3A_1655, %dma_start3A_1656] : memref<1000000x32xf32, #tpu.memory_space<hbm>> -> memref<1000000x32xf32, #tpu.memory_space<hbm>>
    %dma_start3A_1658 = tpu.memref_slice %arg8[%dma_start3A_1647] : memref<2x!tpu.dma_semaphore, #tpu.memory_space<semaphore_mem>> -> memref<1x!tpu.dma_semaphore, #tpu.memory_space<semaphore_mem>>
    %dma_start3A_1659 = tpu.memref_squeeze %dma_start3A_1658 : memref<1x!tpu.dma_semaphore, #tpu.memory_space<semaphore_mem>> -> memref<!tpu.dma_semaphore, #tpu.memory_space<semaphore_mem>>
    tpu.enqueue_indirect_dma source(%dma_start3A_1657 : memref<1000000x32xf32, #tpu.memory_space<hbm>>) target(%dma_start3A_1651 : memref<1280x32xf32, #tpu.memory_space<vmem>>) offsets(%dma_start3A_1654 : memref<1280xi32, #tpu.memory_space<vmem>>) semaphore(%dma_start3A_1659 : memref<!tpu.dma_semaphore, #tpu.memory_space<semaphore_mem>>)
    %dma_wait3A_1660 = arith.constant 0 : i32
    %dma_wait3A_1661 = arith.constant 0 : i32
    %dma_wait3A_1662 = arith.constant 0 : i32
    %dma_wait3A_1663 = arith.constant 0 : i32
    %dma_wait3A_1664 = arith.constant 0 : i32
    %dma_wait3A_1665 = tpu.memref_slice %arg6[%dma_wait3A_1661, %dma_wait3A_1663, %dma_wait3A_1664] : memref<2x1280x32xf32, #tpu.memory_space<vmem>> -> memref<1x1280x32xf32, #tpu.memory_space<vmem>>
    %dma_wait3A_1666 = tpu.memref_squeeze %dma_wait3A_1665 : memref<1x1280x32xf32, #tpu.memory_space<vmem>> -> memref<1280x32xf32, #tpu.memory_space<vmem>>
    %dma_wait3A_1667 = arith.constant 0 : i32
    %dma_wait3A_1668 = tpu.memref_slice %arg5[%dma_wait3A_1660, %dma_wait3A_1667] : memref<2x1280xi32, #tpu.memory_space<vmem>> -> memref<1x1280xi32, #tpu.memory_space<vmem>>
    %dma_wait3A_1669 = tpu.memref_squeeze %dma_wait3A_1668 : memref<1x1280xi32, #tpu.memory_space<vmem>> -> memref<1280xi32, #tpu.memory_space<vmem>>
    %dma_wait3A_1670 = arith.constant 0 : i32
    %dma_wait3A_1671 = arith.constant 0 : i32
    %dma_wait3A_1672 = tpu.memref_slice %arg3[%dma_wait3A_1670, %dma_wait3A_1671] : memref<1000000x32xf32, #tpu.memory_space<hbm>> -> memref<1000000x32xf32, #tpu.memory_space<hbm>>
    %dma_wait3A_1673 = tpu.memref_slice %arg8[%dma_wait3A_1662] : memref<2x!tpu.dma_semaphore, #tpu.memory_space<semaphore_mem>> -> memref<1x!tpu.dma_semaphore, #tpu.memory_space<semaphore_mem>>
    %dma_wait3A_1674 = tpu.memref_squeeze %dma_wait3A_1673 : memref<1x!tpu.dma_semaphore, #tpu.memory_space<semaphore_mem>> -> memref<!tpu.dma_semaphore, #tpu.memory_space<semaphore_mem>>
    tpu.wait_indirect_dma semaphore(%dma_wait3A_1674 : memref<!tpu.dma_semaphore, #tpu.memory_space<semaphore_mem>>) src(%dma_wait3A_1672 : memref<1000000x32xf32, #tpu.memory_space<hbm>>) dst(%dma_wait3A_1666 : memref<1280x32xf32, #tpu.memory_space<vmem>>)
    %add3A_1675 = arith.constant 23040 : i32
    %add3A_1676 = arith.addi %mul3A_2, %add3A_1675 : i32
    %dma_start3A_1677 = arith.constant 0 : i32
    %dma_start3A_1678 = arith.constant 0 : i32
    %dma_start3A_1679 = arith.constant 0 : i32
    %dma_start3A_1680 = arith.constant 0 : i32
    %dma_start3A_1681 = tpu.memref_slice %arg6[%dma_start3A_1677, %dma_start3A_1679, %dma_start3A_1680] : memref<2x1280x32xf32, #tpu.memory_space<vmem>> -> memref<1x1280x32xf32, #tpu.memory_space<vmem>>
    %dma_start3A_1682 = tpu.memref_squeeze %dma_start3A_1681 : memref<1x1280x32xf32, #tpu.memory_space<vmem>> -> memref<1280x32xf32, #tpu.memory_space<vmem>>
    %dma_start3A_1683 = arith.constant 0 : i32
    %dma_start3A_1684 = tpu.memref_slice %arg4[%add3A_1676, %dma_start3A_1683] : memref<819200x32xf32, #tpu.memory_space<hbm>> -> memref<1280x32xf32, #tpu.memory_space<hbm>>
    %dma_start3A_1685 = tpu.memref_slice %arg9[%dma_start3A_1678] : memref<2x!tpu.dma_semaphore, #tpu.memory_space<semaphore_mem>> -> memref<1x!tpu.dma_semaphore, #tpu.memory_space<semaphore_mem>>
    %dma_start3A_1686 = tpu.memref_squeeze %dma_start3A_1685 : memref<1x!tpu.dma_semaphore, #tpu.memory_space<semaphore_mem>> -> memref<!tpu.dma_semaphore, #tpu.memory_space<semaphore_mem>>
    %dma_start3A_1687 = arith.constant 0 : i32
    %dma_start3A_1688 = tpu.memref_slice %arg4[%add3A_1676, %dma_start3A_1687] : memref<819200x32xf32, #tpu.memory_space<hbm>> -> memref<1280x32xf32, #tpu.memory_space<hbm>>
    %dma_start3A_1689 = arith.constant 0 : i32
    %dma_start3A_1690 = arith.constant 0 : i32
    %dma_start3A_1691 = tpu.memref_slice %arg6[%dma_start3A_1677, %dma_start3A_1689, %dma_start3A_1690] : memref<2x1280x32xf32, #tpu.memory_space<vmem>> -> memref<1x1280x32xf32, #tpu.memory_space<vmem>>
    %dma_start3A_1692 = tpu.memref_squeeze %dma_start3A_1691 : memref<1x1280x32xf32, #tpu.memory_space<vmem>> -> memref<1280x32xf32, #tpu.memory_space<vmem>>
    tpu.enqueue_dma source(%dma_start3A_1692 : memref<1280x32xf32, #tpu.memory_space<vmem>>) target(%dma_start3A_1688 : memref<1280x32xf32, #tpu.memory_space<hbm>>) target_semaphore(%dma_start3A_1686 : memref<!tpu.dma_semaphore, #tpu.memory_space<semaphore_mem>>)
    %dma_wait3A_1693 = arith.constant 1 : i32
    %dma_wait3A_1694 = arith.constant 1 : i32
    %dma_wait3A_1695 = arith.constant 0 : i32
    %dma_wait3A_1696 = tpu.memref_slice %arg5[%dma_wait3A_1693, %dma_wait3A_1695] : memref<2x1280xi32, #tpu.memory_space<vmem>> -> memref<1x1280xi32, #tpu.memory_space<vmem>>
    %dma_wait3A_1697 = tpu.memref_squeeze %dma_wait3A_1696 : memref<1x1280xi32, #tpu.memory_space<vmem>> -> memref<1280xi32, #tpu.memory_space<vmem>>
    %dma_wait3A_1698 = tpu.memref_slice %arg2[%add3A_1604] : memref<819200xi32, #tpu.memory_space<hbm>> -> memref<1280xi32, #tpu.memory_space<hbm>>
    %dma_wait3A_1699 = tpu.memref_slice %arg7[%dma_wait3A_1694] : memref<2x!tpu.dma_semaphore, #tpu.memory_space<semaphore_mem>> -> memref<1x!tpu.dma_semaphore, #tpu.memory_space<semaphore_mem>>
    %dma_wait3A_1700 = tpu.memref_squeeze %dma_wait3A_1699 : memref<1x!tpu.dma_semaphore, #tpu.memory_space<semaphore_mem>> -> memref<!tpu.dma_semaphore, #tpu.memory_space<semaphore_mem>>
    %dma_wait3A_1701 = arith.constant 0 : i32
    %dma_wait3A_1702 = tpu.memref_slice %arg5[%dma_wait3A_1693, %dma_wait3A_1701] : memref<2x1280xi32, #tpu.memory_space<vmem>> -> memref<1x1280xi32, #tpu.memory_space<vmem>>
    %dma_wait3A_1703 = tpu.memref_squeeze %dma_wait3A_1702 : memref<1x1280xi32, #tpu.memory_space<vmem>> -> memref<1280xi32, #tpu.memory_space<vmem>>
    %dma_wait3A_1704 = tpu.memref_slice %arg2[%add3A_1604] : memref<819200xi32, #tpu.memory_space<hbm>> -> memref<1280xi32, #tpu.memory_space<hbm>>
    tpu.wait_dma2 semaphore(%dma_wait3A_1700 : memref<!tpu.dma_semaphore, #tpu.memory_space<semaphore_mem>>) src(%dma_wait3A_1704 : memref<1280xi32, #tpu.memory_space<hbm>>) dst(%dma_wait3A_1703 : memref<1280xi32, #tpu.memory_space<vmem>>)
    %dma_wait3A_1705 = arith.constant 1 : i32
    %dma_wait3A_1706 = arith.constant 1 : i32
    %dma_wait3A_1707 = arith.constant 0 : i32
    %dma_wait3A_1708 = arith.constant 0 : i32
    %dma_wait3A_1709 = tpu.memref_slice %arg6[%dma_wait3A_1705, %dma_wait3A_1707, %dma_wait3A_1708] : memref<2x1280x32xf32, #tpu.memory_space<vmem>> -> memref<1x1280x32xf32, #tpu.memory_space<vmem>>
    %dma_wait3A_1710 = tpu.memref_squeeze %dma_wait3A_1709 : memref<1x1280x32xf32, #tpu.memory_space<vmem>> -> memref<1280x32xf32, #tpu.memory_space<vmem>>
    %dma_wait3A_1711 = arith.constant 0 : i32
    %dma_wait3A_1712 = tpu.memref_slice %arg4[%add3A_1586, %dma_wait3A_1711] : memref<819200x32xf32, #tpu.memory_space<hbm>> -> memref<1280x32xf32, #tpu.memory_space<hbm>>
    %dma_wait3A_1713 = tpu.memref_slice %arg9[%dma_wait3A_1706] : memref<2x!tpu.dma_semaphore, #tpu.memory_space<semaphore_mem>> -> memref<1x!tpu.dma_semaphore, #tpu.memory_space<semaphore_mem>>
    %dma_wait3A_1714 = tpu.memref_squeeze %dma_wait3A_1713 : memref<1x!tpu.dma_semaphore, #tpu.memory_space<semaphore_mem>> -> memref<!tpu.dma_semaphore, #tpu.memory_space<semaphore_mem>>
    %dma_wait3A_1715 = arith.constant 0 : i32
    %dma_wait3A_1716 = tpu.memref_slice %arg4[%add3A_1586, %dma_wait3A_1715] : memref<819200x32xf32, #tpu.memory_space<hbm>> -> memref<1280x32xf32, #tpu.memory_space<hbm>>
    %dma_wait3A_1717 = arith.constant 0 : i32
    %dma_wait3A_1718 = arith.constant 0 : i32
    %dma_wait3A_1719 = tpu.memref_slice %arg6[%dma_wait3A_1705, %dma_wait3A_1717, %dma_wait3A_1718] : memref<2x1280x32xf32, #tpu.memory_space<vmem>> -> memref<1x1280x32xf32, #tpu.memory_space<vmem>>
    %dma_wait3A_1720 = tpu.memref_squeeze %dma_wait3A_1719 : memref<1x1280x32xf32, #tpu.memory_space<vmem>> -> memref<1280x32xf32, #tpu.memory_space<vmem>>
    tpu.wait_dma2 semaphore(%dma_wait3A_1714 : memref<!tpu.dma_semaphore, #tpu.memory_space<semaphore_mem>>) src(%dma_wait3A_1720 : memref<1280x32xf32, #tpu.memory_space<vmem>>) dst(%dma_wait3A_1716 : memref<1280x32xf32, #tpu.memory_space<hbm>>)
    %dma_start3A_1721 = arith.constant 1 : i32
    %dma_start3A_1722 = arith.constant 1 : i32
    %dma_start3A_1723 = arith.constant 1 : i32
    %dma_start3A_1724 = arith.constant 0 : i32
    %dma_start3A_1725 = arith.constant 0 : i32
    %dma_start3A_1726 = tpu.memref_slice %arg6[%dma_start3A_1722, %dma_start3A_1724, %dma_start3A_1725] : memref<2x1280x32xf32, #tpu.memory_space<vmem>> -> memref<1x1280x32xf32, #tpu.memory_space<vmem>>
    %dma_start3A_1727 = tpu.memref_squeeze %dma_start3A_1726 : memref<1x1280x32xf32, #tpu.memory_space<vmem>> -> memref<1280x32xf32, #tpu.memory_space<vmem>>
    %dma_start3A_1728 = arith.constant 0 : i32
    %dma_start3A_1729 = tpu.memref_slice %arg5[%dma_start3A_1721, %dma_start3A_1728] : memref<2x1280xi32, #tpu.memory_space<vmem>> -> memref<1x1280xi32, #tpu.memory_space<vmem>>
    %dma_start3A_1730 = tpu.memref_squeeze %dma_start3A_1729 : memref<1x1280xi32, #tpu.memory_space<vmem>> -> memref<1280xi32, #tpu.memory_space<vmem>>
    %dma_start3A_1731 = arith.constant 0 : i32
    %dma_start3A_1732 = arith.constant 0 : i32
    %dma_start3A_1733 = tpu.memref_slice %arg3[%dma_start3A_1731, %dma_start3A_1732] : memref<1000000x32xf32, #tpu.memory_space<hbm>> -> memref<1000000x32xf32, #tpu.memory_space<hbm>>
    %dma_start3A_1734 = tpu.memref_slice %arg8[%dma_start3A_1723] : memref<2x!tpu.dma_semaphore, #tpu.memory_space<semaphore_mem>> -> memref<1x!tpu.dma_semaphore, #tpu.memory_space<semaphore_mem>>
    %dma_start3A_1735 = tpu.memref_squeeze %dma_start3A_1734 : memref<1x!tpu.dma_semaphore, #tpu.memory_space<semaphore_mem>> -> memref<!tpu.dma_semaphore, #tpu.memory_space<semaphore_mem>>
    tpu.enqueue_indirect_dma source(%dma_start3A_1733 : memref<1000000x32xf32, #tpu.memory_space<hbm>>) target(%dma_start3A_1727 : memref<1280x32xf32, #tpu.memory_space<vmem>>) offsets(%dma_start3A_1730 : memref<1280xi32, #tpu.memory_space<vmem>>) semaphore(%dma_start3A_1735 : memref<!tpu.dma_semaphore, #tpu.memory_space<semaphore_mem>>)
    %dma_wait3A_1736 = arith.constant 1 : i32
    %dma_wait3A_1737 = arith.constant 1 : i32
    %dma_wait3A_1738 = arith.constant 1 : i32
    %dma_wait3A_1739 = arith.constant 0 : i32
    %dma_wait3A_1740 = arith.constant 0 : i32
    %dma_wait3A_1741 = tpu.memref_slice %arg6[%dma_wait3A_1737, %dma_wait3A_1739, %dma_wait3A_1740] : memref<2x1280x32xf32, #tpu.memory_space<vmem>> -> memref<1x1280x32xf32, #tpu.memory_space<vmem>>
    %dma_wait3A_1742 = tpu.memref_squeeze %dma_wait3A_1741 : memref<1x1280x32xf32, #tpu.memory_space<vmem>> -> memref<1280x32xf32, #tpu.memory_space<vmem>>
    %dma_wait3A_1743 = arith.constant 0 : i32
    %dma_wait3A_1744 = tpu.memref_slice %arg5[%dma_wait3A_1736, %dma_wait3A_1743] : memref<2x1280xi32, #tpu.memory_space<vmem>> -> memref<1x1280xi32, #tpu.memory_space<vmem>>
    %dma_wait3A_1745 = tpu.memref_squeeze %dma_wait3A_1744 : memref<1x1280xi32, #tpu.memory_space<vmem>> -> memref<1280xi32, #tpu.memory_space<vmem>>
    %dma_wait3A_1746 = arith.constant 0 : i32
    %dma_wait3A_1747 = arith.constant 0 : i32
    %dma_wait3A_1748 = tpu.memref_slice %arg3[%dma_wait3A_1746, %dma_wait3A_1747] : memref<1000000x32xf32, #tpu.memory_space<hbm>> -> memref<1000000x32xf32, #tpu.memory_space<hbm>>
    %dma_wait3A_1749 = tpu.memref_slice %arg8[%dma_wait3A_1738] : memref<2x!tpu.dma_semaphore, #tpu.memory_space<semaphore_mem>> -> memref<1x!tpu.dma_semaphore, #tpu.memory_space<semaphore_mem>>
    %dma_wait3A_1750 = tpu.memref_squeeze %dma_wait3A_1749 : memref<1x!tpu.dma_semaphore, #tpu.memory_space<semaphore_mem>> -> memref<!tpu.dma_semaphore, #tpu.memory_space<semaphore_mem>>
    tpu.wait_indirect_dma semaphore(%dma_wait3A_1750 : memref<!tpu.dma_semaphore, #tpu.memory_space<semaphore_mem>>) src(%dma_wait3A_1748 : memref<1000000x32xf32, #tpu.memory_space<hbm>>) dst(%dma_wait3A_1742 : memref<1280x32xf32, #tpu.memory_space<vmem>>)
    %add3A_1751 = arith.constant 24320 : i32
    %add3A_1752 = arith.addi %mul3A_2, %add3A_1751 : i32
    %dma_start3A_1753 = arith.constant 1 : i32
    %dma_start3A_1754 = arith.constant 1 : i32
    %dma_start3A_1755 = arith.constant 0 : i32
    %dma_start3A_1756 = arith.constant 0 : i32
    %dma_start3A_1757 = tpu.memref_slice %arg6[%dma_start3A_1753, %dma_start3A_1755, %dma_start3A_1756] : memref<2x1280x32xf32, #tpu.memory_space<vmem>> -> memref<1x1280x32xf32, #tpu.memory_space<vmem>>
    %dma_start3A_1758 = tpu.memref_squeeze %dma_start3A_1757 : memref<1x1280x32xf32, #tpu.memory_space<vmem>> -> memref<1280x32xf32, #tpu.memory_space<vmem>>
    %dma_start3A_1759 = arith.constant 0 : i32
    %dma_start3A_1760 = tpu.memref_slice %arg4[%add3A_1752, %dma_start3A_1759] : memref<819200x32xf32, #tpu.memory_space<hbm>> -> memref<1280x32xf32, #tpu.memory_space<hbm>>
    %dma_start3A_1761 = tpu.memref_slice %arg9[%dma_start3A_1754] : memref<2x!tpu.dma_semaphore, #tpu.memory_space<semaphore_mem>> -> memref<1x!tpu.dma_semaphore, #tpu.memory_space<semaphore_mem>>
    %dma_start3A_1762 = tpu.memref_squeeze %dma_start3A_1761 : memref<1x!tpu.dma_semaphore, #tpu.memory_space<semaphore_mem>> -> memref<!tpu.dma_semaphore, #tpu.memory_space<semaphore_mem>>
    %dma_start3A_1763 = arith.constant 0 : i32
    %dma_start3A_1764 = tpu.memref_slice %arg4[%add3A_1752, %dma_start3A_1763] : memref<819200x32xf32, #tpu.memory_space<hbm>> -> memref<1280x32xf32, #tpu.memory_space<hbm>>
    %dma_start3A_1765 = arith.constant 0 : i32
    %dma_start3A_1766 = arith.constant 0 : i32
    %dma_start3A_1767 = tpu.memref_slice %arg6[%dma_start3A_1753, %dma_start3A_1765, %dma_start3A_1766] : memref<2x1280x32xf32, #tpu.memory_space<vmem>> -> memref<1x1280x32xf32, #tpu.memory_space<vmem>>
    %dma_start3A_1768 = tpu.memref_squeeze %dma_start3A_1767 : memref<1x1280x32xf32, #tpu.memory_space<vmem>> -> memref<1280x32xf32, #tpu.memory_space<vmem>>
    tpu.enqueue_dma source(%dma_start3A_1768 : memref<1280x32xf32, #tpu.memory_space<vmem>>) target(%dma_start3A_1764 : memref<1280x32xf32, #tpu.memory_space<hbm>>) target_semaphore(%dma_start3A_1762 : memref<!tpu.dma_semaphore, #tpu.memory_space<semaphore_mem>>)
    %dma_wait3A_1769 = arith.constant 0 : i32
    %dma_wait3A_1770 = arith.constant 0 : i32
    %dma_wait3A_1771 = arith.constant 0 : i32
    %dma_wait3A_1772 = arith.constant 0 : i32
    %dma_wait3A_1773 = tpu.memref_slice %arg6[%dma_wait3A_1769, %dma_wait3A_1771, %dma_wait3A_1772] : memref<2x1280x32xf32, #tpu.memory_space<vmem>> -> memref<1x1280x32xf32, #tpu.memory_space<vmem>>
    %dma_wait3A_1774 = tpu.memref_squeeze %dma_wait3A_1773 : memref<1x1280x32xf32, #tpu.memory_space<vmem>> -> memref<1280x32xf32, #tpu.memory_space<vmem>>
    %dma_wait3A_1775 = arith.constant 0 : i32
    %dma_wait3A_1776 = tpu.memref_slice %arg4[%add3A_1676, %dma_wait3A_1775] : memref<819200x32xf32, #tpu.memory_space<hbm>> -> memref<1280x32xf32, #tpu.memory_space<hbm>>
    %dma_wait3A_1777 = tpu.memref_slice %arg9[%dma_wait3A_1770] : memref<2x!tpu.dma_semaphore, #tpu.memory_space<semaphore_mem>> -> memref<1x!tpu.dma_semaphore, #tpu.memory_space<semaphore_mem>>
    %dma_wait3A_1778 = tpu.memref_squeeze %dma_wait3A_1777 : memref<1x!tpu.dma_semaphore, #tpu.memory_space<semaphore_mem>> -> memref<!tpu.dma_semaphore, #tpu.memory_space<semaphore_mem>>
    %dma_wait3A_1779 = arith.constant 0 : i32
    %dma_wait3A_1780 = tpu.memref_slice %arg4[%add3A_1676, %dma_wait3A_1779] : memref<819200x32xf32, #tpu.memory_space<hbm>> -> memref<1280x32xf32, #tpu.memory_space<hbm>>
    %dma_wait3A_1781 = arith.constant 0 : i32
    %dma_wait3A_1782 = arith.constant 0 : i32
    %dma_wait3A_1783 = tpu.memref_slice %arg6[%dma_wait3A_1769, %dma_wait3A_1781, %dma_wait3A_1782] : memref<2x1280x32xf32, #tpu.memory_space<vmem>> -> memref<1x1280x32xf32, #tpu.memory_space<vmem>>
    %dma_wait3A_1784 = tpu.memref_squeeze %dma_wait3A_1783 : memref<1x1280x32xf32, #tpu.memory_space<vmem>> -> memref<1280x32xf32, #tpu.memory_space<vmem>>
    tpu.wait_dma2 semaphore(%dma_wait3A_1778 : memref<!tpu.dma_semaphore, #tpu.memory_space<semaphore_mem>>) src(%dma_wait3A_1784 : memref<1280x32xf32, #tpu.memory_space<vmem>>) dst(%dma_wait3A_1780 : memref<1280x32xf32, #tpu.memory_space<hbm>>)
    %dma_wait3A_1785 = arith.constant 1 : i32
    %dma_wait3A_1786 = arith.constant 1 : i32
    %dma_wait3A_1787 = arith.constant 0 : i32
    %dma_wait3A_1788 = arith.constant 0 : i32
    %dma_wait3A_1789 = tpu.memref_slice %arg6[%dma_wait3A_1785, %dma_wait3A_1787, %dma_wait3A_1788] : memref<2x1280x32xf32, #tpu.memory_space<vmem>> -> memref<1x1280x32xf32, #tpu.memory_space<vmem>>
    %dma_wait3A_1790 = tpu.memref_squeeze %dma_wait3A_1789 : memref<1x1280x32xf32, #tpu.memory_space<vmem>> -> memref<1280x32xf32, #tpu.memory_space<vmem>>
    %dma_wait3A_1791 = arith.constant 0 : i32
    %dma_wait3A_1792 = tpu.memref_slice %arg4[%add3A_1752, %dma_wait3A_1791] : memref<819200x32xf32, #tpu.memory_space<hbm>> -> memref<1280x32xf32, #tpu.memory_space<hbm>>
    %dma_wait3A_1793 = tpu.memref_slice %arg9[%dma_wait3A_1786] : memref<2x!tpu.dma_semaphore, #tpu.memory_space<semaphore_mem>> -> memref<1x!tpu.dma_semaphore, #tpu.memory_space<semaphore_mem>>
    %dma_wait3A_1794 = tpu.memref_squeeze %dma_wait3A_1793 : memref<1x!tpu.dma_semaphore, #tpu.memory_space<semaphore_mem>> -> memref<!tpu.dma_semaphore, #tpu.memory_space<semaphore_mem>>
    %dma_wait3A_1795 = arith.constant 0 : i32
    %dma_wait3A_1796 = tpu.memref_slice %arg4[%add3A_1752, %dma_wait3A_1795] : memref<819200x32xf32, #tpu.memory_space<hbm>> -> memref<1280x32xf32, #tpu.memory_space<hbm>>
    %dma_wait3A_1797 = arith.constant 0 : i32
    %dma_wait3A_1798 = arith.constant 0 : i32
    %dma_wait3A_1799 = tpu.memref_slice %arg6[%dma_wait3A_1785, %dma_wait3A_1797, %dma_wait3A_1798] : memref<2x1280x32xf32, #tpu.memory_space<vmem>> -> memref<1x1280x32xf32, #tpu.memory_space<vmem>>
    %dma_wait3A_1800 = tpu.memref_squeeze %dma_wait3A_1799 : memref<1x1280x32xf32, #tpu.memory_space<vmem>> -> memref<1280x32xf32, #tpu.memory_space<vmem>>
    tpu.wait_dma2 semaphore(%dma_wait3A_1794 : memref<!tpu.dma_semaphore, #tpu.memory_space<semaphore_mem>>) src(%dma_wait3A_1800 : memref<1280x32xf32, #tpu.memory_space<vmem>>) dst(%dma_wait3A_1796 : memref<1280x32xf32, #tpu.memory_space<hbm>>)
    return
  }
}

</mosaic_0001>

<sc_bundles>
// kernel: _embedding_gather.3.cloned.1.call-start
scs
__scs_entry_jumppad:
0x0: {  	(pc) =	sbr.rel $0x88, $3  }
0x1: {  	(tag) =	ssettag $0x0;
	lr =	simm.s32 $0x1  }
0x2: {  	[smem:$0x3F9F] =	sst lr;
	_ =	strace $0xD0000000  }
0x3: {  	_ = 	snop  }
0x4: {  	_ = 	snop  }
0x5: {  	_ = 	snop  }
0x6: {  	_ = 	snop  }
0x7: {  	_ = 	snop  }
__scs_overlays_trampoline_lowered:
0x8: {  	[smem:$0x3FAE] =	sst s0  }
0x9: {  	[smem:$0x3FAF] =	sst s1  }
0xa: {  	[smem:$0x3FB0] =	sst s2  }
0xb: {  	[smem:$0x3FB1] =	sst s3  }
0xc: {  	[smem:$0x3FB2] =	sst s4  }
0xd: {  	[smem:$0x3FB3] =	sst s5  }
0xe: {  	[smem:$0x3FB4] =	sst s6  }
0xf: {  	[smem:$0x3FB5] =	sst s7  }
0x10: {  	[smem:$0x3FB6] =	sst s8  }
0x11: {  	[smem:$0x3FB7] =	sst s9;
	s0 =	simm.s32 @!p0 $0x0  }
0x12: {  	s1 =	sld [smem:$0x3F9D];
	s0 =	simm.s32 @p0 $0x1  }
0x13: {  	[smem:$0x3FB8] =	sst s0;
	s0 =	simm.s32 @!p1 $0x0  }
0x14: {  	s2 =	sld [smem:$0x3F9C];
	s0 =	simm.s32 @p1 $0x1  }
0x15: {  	[smem:$0x3FB9] =	sst s0;
	s0 =	simm.s32 @!p2 $0x0  }
0x16: {  	s3 =	sld [smem:$0x3FDB];
	s0 =	simm.s32 @p2 $0x1  }
0x17: {  	s4 =	simm.s32 $0x1BF5;
	[smem:$0x3FBB] =	sst s0  }
0x18: {  	s0 =	sld [smem:$0x3F9E];
	_ =	swait.ge [sflag:s4], $0x0  }
0x19: {  	s7 =	sld [smem:$0x3F9F]  }
0x1a: {  	s8 =	sadd.s32 $0xFFFFE003, lr  }
0x1b: {  	s9 =	sadd.s32 $0xFFFFFEF7, lr;
	s5 =	simm.s32 $0xFFFFFFFF;
	p2 =	slt.u32 s8, $0xFFFFF086  }
0x1c: {  	p1 =	slt.u32 s9, $0xF7A;
	s5 =	simm.s32 @!p2 $0x0  }
0x1d: {  	s5 =	simm.s32 @p1 $0x1;
	p0 =	seq.s32 s7, s2  }
0x1e: {  	s7 =	smul.u32 @!p0 $0xF7A, s2;
	p2 =	seq.s32 @!p0 s5, $0x0  }
0x1f: {  	s9 =	smul.u32 $0xF7A, s1;
	s8 =	simm.s32 @!p0 $0x1BF5;
	p2 =	por !p2, p0  }
0x20: {  	[sflag:s8] =	ssyncset.s32 @!p0 $0xFFFFF086;
	s6 =	sadd.s32 @!p0 s3, s7;
	s7 =	simm.s32 @!p0 $0x108  }
0x21: {  	s3 =	sadd.s32 s3, s9;
	s6 =	sadd.s32 @!p0 $0x88, s6;
	s7 =	simm.s32 @p2 $0x1082  }
0x22: {  	[simem:s7], [sflag:s8] =	dma.local @!p0 [hbm:s6], $0xF7A  }
0x23: {  	s9 =	sor.u32 $0xD0000000, s2;
	s6 =	simm.s32 $0x108;
	_ =	swait.ge @!p0 [sflag:s8], $0x0  }
0x24: {  	s3 =	sadd.s32 $0x88, s3;
	s6 =	simm.s32 @!p1 $0x1082;
	[sflag:s4] =	ssyncset.s32 $0xFFFFF086  }
0x25: {  	[simem:s6], [sflag:s4] =	dma.local [hbm:s3], $0xF7A  }
0x26: {  	[smem:$0x3F9F] =	sst s1;
	(tag) =	ssettag s2;
	_ =	strace s9  }
0x27: {  	s1 =	sld [smem:$0x3FAF]  }
0x28: {  	s2 =	sld [smem:$0x3FB0]  }
0x29: {  	s4 =	sld [smem:$0x3FB2]  }
0x2a: {  	p0 =	seq.s32 s5, $0x0;
	s5 =	sld [smem:$0x3FB3]  }
0x2b: {  	s6 =	sld [smem:$0x3FB4]  }
0x2c: {  	s7 =	sld [smem:$0x3FB5]  }
0x2d: {  	s3 =	simm.s32 $0x108;
	s8 =	sld [smem:$0x3FB6]  }
0x2e: {  	s3 =	simm.s32 @!p0 $0x1082;
	s9 =	sld [smem:$0x3FB7]  }
0x2f: {  	lr =	sadd.s32 s0, s3;
	s0 =	sld [smem:$0x3FAE]  }
0x30: {  	s3 =	sld [smem:$0x3FB1]  }
0x31: {  	[smem:$0x3FBA] =	sst s10  }
0x32: {  	s10 =	sld [smem:$0x3FB8];
	_ =	sdelay $0x3  }
0x33: {  	p0 =	seq.s32 s10, $0x1;
	s10 =	sld [smem:$0x3FBA];
	_ =	sdelay $0x3  }
0x34: {  	[smem:$0x3FBA] =	sst s10  }
0x35: {  	s10 =	sld [smem:$0x3FB9];
	_ =	sdelay $0x3  }
0x36: {  	p1 =	seq.s32 s10, $0x1;
	s10 =	sld [smem:$0x3FBA];
	_ =	sdelay $0x3  }
0x37: {  	[smem:$0x3FBA] =	sst s10  }
0x38: {  	s10 =	sld [smem:$0x3FBB]  }
0x39: {  	_ = 	snop;
	(pc) =	sbr.ind lr, $3  }
0x3a: {  	_ = 	snop  }
0x3b: {  	_ = 	snop  }
0x3c: {  	p2 =	seq.s32 s10, $0x1;
	s10 =	sld [smem:$0x3FBA]  }
0x3d: {  	_ =	shalt  }
0x3e: {  	_ =	shalt  }
0x3f: {  	_ =	shalt  }
0x40: {  	_ =	shalt  }
0x41: {  	_ =	shalt  }
0x42: {  	_ =	shalt  }
0x43: {  	_ =	shalt  }
0x44: {  	_ =	shalt  }
0x45: {  	_ =	shalt  }
0x46: {  	_ =	shalt  }
0x47: {  	_ =	shalt  }
0x48: {  	_ =	shalt  }
0x49: {  	_ =	shalt  }
0x4a: {  	_ =	shalt  }
0x4b: {  	_ =	shalt  }
0x4c: {  	_ =	shalt  }
0x4d: {  	_ =	shalt  }
0x4e: {  	_ =	shalt  }
0x4f: {  	_ =	shalt  }
0x50: {  	_ =	shalt  }
0x51: {  	_ =	shalt  }
0x52: {  	_ =	shalt  }
0x53: {  	_ =	shalt  }
0x54: {  	_ =	shalt  }
0x55: {  	_ =	shalt  }
0x56: {  	_ =	shalt  }
0x57: {  	_ =	shalt  }
0x58: {  	_ =	shalt  }
0x59: {  	_ =	shalt  }
0x5a: {  	_ =	shalt  }
0x5b: {  	_ =	shalt  }
0x5c: {  	_ =	shalt  }
0x5d: {  	_ =	shalt  }
0x5e: {  	_ =	shalt  }
0x5f: {  	_ =	shalt  }
0x60: {  	_ =	shalt  }
0x61: {  	_ =	shalt  }
0x62: {  	_ =	shalt  }
0x63: {  	_ =	shalt  }
0x64: {  	_ =	shalt  }
0x65: {  	_ =	shalt  }
0x66: {  	_ =	shalt  }
0x67: {  	_ =	shalt  }
0x68: {  	_ =	shalt  }
0x69: {  	_ =	shalt  }
0x6a: {  	_ =	shalt  }
0x6b: {  	_ =	shalt  }
0x6c: {  	_ =	shalt  }
0x6d: {  	_ =	shalt  }
0x6e: {  	_ =	shalt  }
0x6f: {  	_ =	shalt  }
0x70: {  	_ =	shalt  }
0x71: {  	_ =	shalt  }
0x72: {  	_ =	shalt  }
0x73: {  	_ =	shalt  }
0x74: {  	_ =	shalt  }
0x75: {  	_ =	shalt  }
0x76: {  	_ =	shalt  }
0x77: {  	_ =	shalt  }
0x78: {  	_ =	shalt  }
0x79: {  	_ =	shalt  }
0x7a: {  	_ =	shalt  }
0x7b: {  	_ =	shalt  }
0x7c: {  	_ =	shalt  }
0x7d: {  	_ =	shalt  }
0x7e: {  	_ =	shalt  }
0x7f: {  	_ =	shalt  }
0x80: {  	_ =	shalt  }
0x81: {  	_ =	shalt  }
0x82: {  	_ =	shalt  }
0x83: {  	_ =	shalt  }
0x84: {  	_ =	shalt  }
0x85: {  	_ =	shalt  }
0x86: {  	_ =	shalt  }
0x87: {  	_ =	shalt  }
.Lfunc_end0:
.L_simem_size_0:
called_computation.1_lowered:
.L_overlay_start_0:
0x88: {  	s2 =	sld [smem:$0x3FD9]  }
0x89: {  	s3 =	sld [smem:$0x3FFE];
	_ =	sdelay $0x1  }
0x8a: {  	s1 =	srdreg.scid  }
0x8b: {  	s0 =	sand.u32 $0x1, s1  }
0x8c: {  	s17 =	sshll.u32 s0, $0xA;
	s2 =	sadd.s32 s3, s2  }
0x8d: {  	s2 =	sadd.s32 s2, s17  }
0x8e: {  	[smem:$0x3FC6] =	sst s2  }
0x8f: {  	_ = 	snop  }
0x90: {  	s2 =	sld [smem:$0x3FC9]  }
0x91: {  	s18 =	sld [smem:$0x3FD0];
	(tm) =	ssettm $0x1  }
0x92: {  	s4 =	sld [smem:$0x3FFB];
	_ =	sdelay $0x3  }
0x93: {  	_ =	strace s4  }
0x94: {  	s4 =	sld [smem:$0x3FFC];
	_ =	sdelay $0x3  }
0x95: {  	_ =	strace s4  }
0x96: {  	s4 =	sld [smem:$0x3FFD];
	_ =	sdelay $0x3  }
0x97: {  	_ =	strace s4  }
0x98: {  	_ =	strace $0x8FFFFFFF  }
0x99: {  	s19 =	sld [smem:$0x3FDB];
	_ =	sdelay $0x1  }
0x9a: {  	s5 =	simm.s32 $_scs_section_size  }
0x9b: {  	s6 =	simm.s32 $_size__tile_overlayer_lowered;
	s7 =	simm.s32 $_tile_overlayer_lowered  }
0x9c: {  	s22 =	simm.s32 $0x1BFF;
	s21 =	sshll.u32 s7, $0x1;
	s4 =	sadd.s32 s5, s19  }
0x9d: {  	s8 =	simm.s32 $0x0;
	s20 =	sshll.u32 s6, $0x1;
	s6 =	sadd.s32 s21, s4  }
0x9e: {  	[timem:s8], [sflag:s22] =	dma.local [hbm:s6], s20  }
0x9f: {  	_ =	swait.ge [sflag:s22], s20  }
0xa0: {  	s5 =	ssub.s32 $0x0, s20;
	[sflag:s22] =	ssyncset.done $0x0  }
0xa1: {  	[sflag:s22] =	ssyncadd.s32 s5;
	_ =	sdelay $0x1  }
0xa2: {  	s23 =	simm.s32 $0x1B8B  }
0xa3: {  	_ =	swait.ge [sflag:s23], $0x1  }
0xa4: {  	[sflag:s23] =	ssyncset.done $0x0  }
0xa5: {  	s25 =	simm.s32 $0x1B8E;
	s24 =	sld [smem:$0x3FFE];
	[sflag:s23] =	ssyncadd.s32 $0xFFFFFFFF  }
0xa6: {  	s26 =	simm.s32 $execute0_lowered;
	[smem:$0x3FD2] =	sst s25  }
0xa7: {  	s6 =	sshll.u32 s26, $0x1;
	_ =	strace $0x80000046;
	[dreg:$0x1] =	wrdreg $0xFFFFFFFF  }
0xa8: {  	s28 =	simm.s32 $_size_execute0_lowered;
	s4 =	sadd.s32 s4, s6;
	[dreg:$0x0] =	wrdreg $0x0  }
0xa9: {  	s6 =	sshll.u32 s28, $0x1;
	[dreg:$0x2] =	wrdreg s4  }
0xaa: {  	[dreg:$0x3] =	wrdreg s6  }
0xab: {  	[dreg:$0x4] =	wrdreg $0xC0  }
0xac: {  	_ =	task [dreg:s8], $0x5FFFF  }
0xad: {  	[dreg:$0x1] =	wrdreg $0xFFFFFFFF  }
0xae: {  	[dreg:$0x0] =	wrdreg $0x60  }
0xaf: {  	[dreg:$0x2] =	wrdreg s2  }
0xb0: {  	[dreg:$0x3] =	wrdreg s24  }
0xb1: {  	[dreg:$0x4] =	wrdreg s18  }
0xb2: {  	[dreg:$0x5] =	wrdreg $0x9  }
0xb3: {  	_ =	task.clear_ibuf [dreg:s8], $0x6FFFF;
	_ =	strace $0x90000046  }
0xb4: {  	s29 =	simm.s32 $0x9;
	_ =	strace $0x80000048  }
0xb5: {  	_ =	swait.ge [sflag:s29], $0x1  }
0xb6: {  	[sflag:s29] =	ssyncadd.s32 $0xFFFFFFFF  }
0xb7: {  	_ =	strace $0x90000048  }
0xb8: {  	_ =	sfence  }
0xb9: {  	s30 =	sld [smem:$0x0];
	_ =	sdelay $0x2  }
0xba: {  	s31 =	sshll.u32 s1, $0xD;
	s1 =	sshrl.u32 s1, $0x2  }
0xbb: {  	s3 =	sand.u32 $0x4000, s31;
	s1 =	sadd.s32 s1, s30  }
0xbc: {  	s0 =	sor.u32 s3, s0;
	s1 =	sshll.u32 s1, $0x11  }
0xbd: {  	s0 =	sor.u32 s1, s0  }
0xbe: {  	s0 =	sadd.s32 $0x8F2B, s0  }
0xbf: {  	[sflag:s0] =	ssyncadd.remote.s32 $0x1  }
0xc0: {  	_ =	sfence.sel $0xFFFF  }
0xc1: {  	[dreg:$0x0] =	wrdreg $0xFFFFFFFF;
	(pc) =	sbr.abs _section_cstart, $3  }
0xc2: {  	[dreg:$0x1] =	wrdreg $0xFFFFFFFF  }
0xc3: {  	_ =	task.clear_ibuf [dreg:s8], $0x2FFFF;
	_ =	strace $0x9FFFFFFF  }
0xc4: {  	(tm) =	ssettm $0x7FFFFFFF  }
0xc5: {  	_ =	shalt  }
tec
execute0_lowered:
.L_overlay_start_1:
0x0: {  	(tag) =	ssettag $0x1  }
0x1: {  	s1 =	rddreg [dreg:$0x0]  }
0x2: {  	s0 =	srdreg.scid;
	s2 =	stileid.u32  }
0x3: {  	s3 =	rddreg [dreg:$0x1];
	s0 =	sand.u32 $0x1, s0;
	s2 =	sshll.u32 s2, $0x1  }
0x4: {  	s4 =	rddreg [dreg:$0x2];
	s6 =	sor.u32 s0, s2  }
0x5: {  	p0 =	por $0x0, $0x0;
	s2 =	simm.s32 $0x0;
	s5 =	smul.u32 $0x6400, s6  }
0x6: {  	s3 =	sadd.s32 $0xF42C00, s3;
	[smem:$0x7FF] =	sst s2;
	s6 =	smul.u32 $0x19000, s6  }
0x7: {  	s0 =	ssub.s32 $0x2, s0;
	_ =	strace $0x80000047;
	s7 =	sshrl.u32 s5, $0x3  }
0x8: {  	s8 =	sadd.s32 $0x500, s5;
	s23 =	sadd.s32 $0xA00, s5;
	s6 =	sadd.s32 s4, s6  }
0x9: {  	s10 =	sadd.s32 $0xF00, s5;
	s13 =	sadd.s32 $0x1400, s5;
	s18 =	sadd.s32 $0x1900, s5  }
0xa: {  	s21 =	sadd.s32 $0x1E00, s5;
	s7 =	sadd.s32 s1, s7;
	s9 =	sshrl.u32 s8, $0x3  }
0xb: {  	s24 =	sshrl.u32 s23, $0x3;
	[dreg:$0x6] =	wrdreg s6;
	s26 =	sshll.u32 s8, $0x2  }
0xc: {  	s11 =	sshrl.u32 s10, $0x3;
	s12 =	sshll.u32 s23, $0x2;
	s15 =	sshrl.u32 s13, $0x3  }
0xd: {  	s19 =	sshrl.u32 s18, $0x3;
	s20 =	sshll.u32 s13, $0x2;
	s23 =	sshrl.u32 s21, $0x3  }
0xe: {  	[dreg:$0x4] =	wrdreg s7;
	s22 =	sadd.s32 s1, s9;
	s25 =	sadd.s32 s1, s24  }
0xf: {  	s8 =	sadd.s32 s4, s26;
	s6 =	sadd.s32 s1, s11;
	[dreg:$0x5] =	wrdreg s22  }
0x10: {  	s14 =	sadd.s32 s4, s12;
	s16 =	sadd.s32 s1, s15;
	[dreg:$0x7] =	wrdreg s25  }
0x11: {  	s7 =	sshll.u32 s10, $0x2;
	s24 =	sadd.s32 s1, s23;
	[dreg:$0x8] =	wrdreg s8  }
0x12: {  	s26 =	sadd.s32 $0x2300, s5;
	s10 =	sshll.u32 s21, $0x2;
	[dreg:$0x9] =	wrdreg s6  }
0x13: {  	s11 =	sadd.s32 $0x2800, s5;
	s23 =	sadd.s32 $0x3700, s5;
	[dreg:$0xa] =	wrdreg s14  }
0x14: {  	[dreg:$0xb] =	wrdreg s16;
	s17 =	sadd.s32 s4, s7;
	s6 =	sadd.s32 s1, s19  }
0x15: {  	s22 =	sadd.s32 s4, s20;
	s7 =	sshll.u32 s18, $0x2;
	[dreg:$0xf] =	wrdreg s24  }
0x16: {  	s8 =	sshrl.u32 s26, $0x3;
	s12 =	sadd.s32 s4, s10;
	s13 =	sshrl.u32 s11, $0x3  }
0x17: {  	s16 =	sadd.s32 $0x2D00, s5;
	s9 =	sshll.u32 s11, $0x2;
	[dreg:$0xc] =	wrdreg s17  }
0x18: {  	s10 =	sadd.s32 $0x3200, s5;
	s24 =	sshrl.u32 s23, $0x3;
	[dreg:$0xd] =	wrdreg s6  }
0x19: {  	s11 =	sadd.s32 $0x4100, s5;
	[dreg:$0xe] =	wrdreg s22;
	s25 =	sadd.s32 s4, s7  }
0x1a: {  	s6 =	sadd.s32 s1, s8;
	[dreg:$0x12] =	wrdreg s12;
	s14 =	sadd.s32 s1, s13  }
0x1b: {  	s7 =	sshll.u32 s26, $0x2;
	s17 =	sshrl.u32 s0, $0x1;
	s18 =	sshrl.u32 s16, $0x3  }
0x1c: {  	s19 =	sadd.s32 s4, s9;
	s20 =	sshrl.u32 s10, $0x3;
	[dreg:$0x10] =	wrdreg s25  }
0x1d: {  	s26 =	sadd.s32 $0x3C00, s5;
	s12 =	sshrl.u32 s11, $0x3;
	[dreg:$0x11] =	wrdreg s6  }
0x1e: {  	s9 =	sadd.s32 $0x5500, s5;
	[dreg:$0x13] =	wrdreg s14;
	s15 =	sadd.s32 s4, s7  }
0x1f: {  	s6 =	sadd.s32 s1, s18;
	[dreg:$0x16] =	wrdreg s19;
	s21 =	sadd.s32 s1, s20  }
0x20: {  	s7 =	sshll.u32 s16, $0x2;
	s0 =	ssub.s32 s0, s17;
	s25 =	sshll.u32 s10, $0x2  }
0x21: {  	s8 =	sshrl.u32 s26, $0x3;
	s10 =	sshll.u32 s23, $0x2;
	s13 =	sshll.u32 s26, $0x2  }
0x22: {  	s29 =	sadd.s32 s1, s12;
	s14 =	sadd.s32 $0x4600, s5;
	[dreg:$0x14] =	wrdreg s15  }
0x23: {  	s16 =	sadd.s32 $0x4B00, s5;
	s18 =	sadd.s32 $0x5000, s5;
	[dreg:$0x15] =	wrdreg s6  }
0x24: {  	[dreg:$0x17] =	wrdreg s21;
	s22 =	sadd.s32 s4, s7;
	s6 =	sadd.s32 s1, s24  }
0x25: {  	s30 =	sadd.s32 s4, s25;
	s31 =	sadd.s32 s1, s8;
	s28 =	sadd.s32 s4, s10  }
0x26: {  	s25 =	sadd.s32 s4, s13;
	s15 =	sshrl.u32 s14, $0x3;
	s7 =	sshll.u32 s11, $0x2  }
0x27: {  	s17 =	sshrl.u32 s16, $0x3;
	s19 =	sshrl.u32 s18, $0x3;
	s20 =	sshll.u32 s16, $0x2  }
0x28: {  	s10 =	sshrl.u32 s9, $0x3;
	s11 =	sadd.s32 $0x5A00, s5;
	s5 =	sadd.s32 $0x5F00, s5  }
0x29: {  	s0 =	smax.u32 s0, $0x1;
	s8 =	simm.s32 $0x5;
	[dreg:$0x18] =	wrdreg s22  }
0x2a: {  	[dreg:$0x19] =	wrdreg s6;
	s26 =	sadd.s32 s1, s15;
	s23 =	sadd.s32 s4, s7  }
0x2b: {  	s24 =	sadd.s32 s1, s17;
	s6 =	sshll.u32 s14, $0x2;
	s22 =	sadd.s32 s1, s19  }
0x2c: {  	s19 =	sadd.s32 s4, s20;
	s7 =	sshll.u32 s18, $0x2;
	s20 =	sadd.s32 s1, s10  }
0x2d: {  	s13 =	sshrl.u32 s11, $0x3;
	s14 =	sshrl.u32 s5, $0x3;
	s15 =	sshll.u32 s11, $0x2  }
0x2e: {  	s16 =	sshll.u32 s5, $0x2;
	s5 =	simm.s32 $0x500;
	s11 =	simm.s32 $0xA00  }
0x2f: {  	p1 =	sne.s32 s0, $0x1;
	s10 =	simm.s32 $0x4;
	s21 =	sadd.s32 s4, s6  }
.Ltmp0:
0x30: {  	s17 =	sadd.s32 s4, s7;
	s18 =	sadd.s32 s1, s13;
	(pc) =	sbr.rel @!p1 .LBB2_3-.Ltmp0, $4  }
0x31: {  	s6 =	sshll.u32 s9, $0x2;
	s14 =	sadd.s32 s1, s14;
	s7 =	sadd.s32 s4, s15  }
0x32: {  	s1 =	sadd.s32 $0xFFFFFFFF, s0;
	s15 =	simm.s32 $0x3;
	s13 =	simm.s32 $0x2  }
0x33: {  	s9 =	simm.s32 $0xAA00;
	s0 =	rddreg [dreg:$0x4];
	s12 =	sadd.s32 s4, s6  }
0x34: {  	s4 =	sadd.s32 s4, s16;
	s16 =	simm.s32 $0x1;
	s6 =	simm.s32 $0x6  }
0x35: {  	[dreg:$0x1b] =	wrdreg s1  }
0x36: {  	[tilespmem:s2], [sflag:$0x1] =	stream.linear.gather [hbm4b:s0+s2], $0x500, $0x38;
	[tilespmem:$0x14A00] =	vst v63  }
0x37: {  	s1 =	rddreg [dreg:$0x5]  }
0x38: {  	[tilespmem:s5], [sflag:$0x2] =	stream.linear.gather [hbm4b:s1+s2], $0x500, $0x38;
	[tilespmem:$0x14A00] =	vst v63  }
0x39: {  	_ =	swait.ge [sflag:s16], $0x500  }
0x3a: {  	[sflag:s16] =	ssyncset.done $0x0  }
0x3b: {  	[sflag:s16] =	ssyncadd.s32 $0xFFFFFB00  }
0x3c: {  	[tilespmem:s11], [sflag:$0x3] =	stream.indirect.gather [hbm4b:s3+s5], $0x20, s2, s5, $0xb8;
	[tilespmem:$0x14A00] =	vst v63  }
0x3d: {  	_ =	swait.ge [sflag:s15], $0xA000  }
0x3e: {  	[sflag:s15] =	ssyncset.done $0x0  }
0x3f: {  	s0 =	rddreg [dreg:$0x6];
	[sflag:s15] =	ssyncadd.s32 $0xFFFF6000  }
0x40: {  	[hbm4b:s0+s2] =	stream.linear.scatter [tilespmem:s11], [sflag:$0x5], $0xA000, $0x38;
	[tilespmem:$0x14A00] =	vst v63  }
0x41: {  	s1 =	rddreg [dreg:$0x7]  }
0x42: {  	[tilespmem:s2], [sflag:$0x1] =	stream.linear.gather [hbm4b:s1+s2], $0x500, $0x38;
	[tilespmem:$0x14A00] =	vst v63  }
0x43: {  	_ =	swait.ge [sflag:s13], $0x500  }
0x44: {  	[sflag:s13] =	ssyncset.done $0x0  }
0x45: {  	[sflag:s13] =	ssyncadd.s32 $0xFFFFFB00  }
0x46: {  	[tilespmem:s9], [sflag:$0x4] =	stream.indirect.gather [hbm4b:s3+s5], $0x20, s5, s5, $0xb8;
	[tilespmem:$0x14A00] =	vst v63  }
0x47: {  	_ =	swait.ge [sflag:s10], $0xA000  }
0x48: {  	[sflag:s10] =	ssyncset.done $0x0  }
0x49: {  	s0 =	rddreg [dreg:$0x8];
	[sflag:s10] =	ssyncadd.s32 $0xFFFF6000  }
0x4a: {  	[hbm4b:s0+s2] =	stream.linear.scatter [tilespmem:s9], [sflag:$0x6], $0xA000, $0x38;
	[tilespmem:$0x14A00] =	vst v63  }
0x4b: {  	s1 =	rddreg [dreg:$0x9]  }
0x4c: {  	[tilespmem:s5], [sflag:$0x2] =	stream.linear.gather [hbm4b:s1+s2], $0x500, $0x38;
	[tilespmem:$0x14A00] =	vst v63  }
0x4d: {  	_ =	swait.ge [sflag:s16], $0x500  }
0x4e: {  	[sflag:s16] =	ssyncset.done $0x0  }
0x4f: {  	[sflag:s16] =	ssyncadd.s32 $0xFFFFFB00  }
0x50: {  	_ =	swait.ge [sflag:s8], $0xA000  }
0x51: {  	[sflag:s8] =	ssyncset.done $0x0  }
0x52: {  	[sflag:s8] =	ssyncadd.s32 $0xFFFF6000  }
0x53: {  	[tilespmem:s11], [sflag:$0x3] =	stream.indirect.gather [hbm4b:s3+s5], $0x20, s2, s5, $0xb8;
	[tilespmem:$0x14A00] =	vst v63  }
0x54: {  	_ =	swait.ge [sflag:s15], $0xA000  }
0x55: {  	[sflag:s15] =	ssyncset.done $0x0  }
0x56: {  	s0 =	rddreg [dreg:$0xa];
	[sflag:s15] =	ssyncadd.s32 $0xFFFF6000  }
0x57: {  	[hbm4b:s0+s2] =	stream.linear.scatter [tilespmem:s11], [sflag:$0x5], $0xA000, $0x38;
	[tilespmem:$0x14A00] =	vst v63  }
0x58: {  	s1 =	rddreg [dreg:$0xb]  }
0x59: {  	[tilespmem:s2], [sflag:$0x1] =	stream.linear.gather [hbm4b:s1+s2], $0x500, $0x38;
	[tilespmem:$0x14A00] =	vst v63  }
0x5a: {  	_ =	swait.ge [sflag:s13], $0x500  }
0x5b: {  	[sflag:s13] =	ssyncset.done $0x0  }
0x5c: {  	[sflag:s13] =	ssyncadd.s32 $0xFFFFFB00  }
0x5d: {  	_ =	swait.ge [sflag:s6], $0xA000  }
0x5e: {  	[sflag:s6] =	ssyncset.done $0x0  }
0x5f: {  	[sflag:s6] =	ssyncadd.s32 $0xFFFF6000  }
0x60: {  	[tilespmem:s9], [sflag:$0x4] =	stream.indirect.gather [hbm4b:s3+s5], $0x20, s5, s5, $0xb8;
	[tilespmem:$0x14A00] =	vst v63  }
0x61: {  	_ =	swait.ge [sflag:s10], $0xA000  }
0x62: {  	[sflag:s10] =	ssyncset.done $0x0  }
0x63: {  	s0 =	rddreg [dreg:$0xc];
	[sflag:s10] =	ssyncadd.s32 $0xFFFF6000  }
0x64: {  	[hbm4b:s0+s2] =	stream.linear.scatter [tilespmem:s9], [sflag:$0x6], $0xA000, $0x38;
	[tilespmem:$0x14A00] =	vst v63  }
0x65: {  	s1 =	rddreg [dreg:$0xd]  }
0x66: {  	[tilespmem:s5], [sflag:$0x2] =	stream.linear.gather [hbm4b:s1+s2], $0x500, $0x38;
	[tilespmem:$0x14A00] =	vst v63  }
0x67: {  	_ =	swait.ge [sflag:s16], $0x500  }
0x68: {  	[sflag:s16] =	ssyncset.done $0x0  }
0x69: {  	[sflag:s16] =	ssyncadd.s32 $0xFFFFFB00  }
0x6a: {  	_ =	swait.ge [sflag:s8], $0xA000  }
0x6b: {  	[sflag:s8] =	ssyncset.done $0x0  }
0x6c: {  	[sflag:s8] =	ssyncadd.s32 $0xFFFF6000  }
0x6d: {  	[tilespmem:s11], [sflag:$0x3] =	stream.indirect.gather [hbm4b:s3+s5], $0x20, s2, s5, $0xb8;
	[tilespmem:$0x14A00] =	vst v63  }
0x6e: {  	_ =	swait.ge [sflag:s15], $0xA000  }
0x6f: {  	[sflag:s15] =	ssyncset.done $0x0  }
0x70: {  	s0 =	rddreg [dreg:$0xe];
	[sflag:s15] =	ssyncadd.s32 $0xFFFF6000  }
0x71: {  	[hbm4b:s0+s2] =	stream.linear.scatter [tilespmem:s11], [sflag:$0x5], $0xA000, $0x38;
	[tilespmem:$0x14A00] =	vst v63  }
0x72: {  	s1 =	rddreg [dreg:$0xf]  }
0x73: {  	[tilespmem:s2], [sflag:$0x1] =	stream.linear.gather [hbm4b:s1+s2], $0x500, $0x38;
	[tilespmem:$0x14A00] =	vst v63  }
0x74: {  	_ =	swait.ge [sflag:s13], $0x500  }
0x75: {  	[sflag:s13] =	ssyncset.done $0x0  }
0x76: {  	[sflag:s13] =	ssyncadd.s32 $0xFFFFFB00  }
0x77: {  	_ =	swait.ge [sflag:s6], $0xA000  }
0x78: {  	[sflag:s6] =	ssyncset.done $0x0  }
0x79: {  	[sflag:s6] =	ssyncadd.s32 $0xFFFF6000  }
0x7a: {  	[tilespmem:s9], [sflag:$0x4] =	stream.indirect.gather [hbm4b:s3+s5], $0x20, s5, s5, $0xb8;
	[tilespmem:$0x14A00] =	vst v63  }
0x7b: {  	_ =	swait.ge [sflag:s10], $0xA000  }
0x7c: {  	[sflag:s10] =	ssyncset.done $0x0  }
0x7d: {  	s0 =	rddreg [dreg:$0x10];
	[sflag:s10] =	ssyncadd.s32 $0xFFFF6000  }
0x7e: {  	[hbm4b:s0+s2] =	stream.linear.scatter [tilespmem:s9], [sflag:$0x6], $0xA000, $0x38;
	[tilespmem:$0x14A00] =	vst v63  }
0x7f: {  	s1 =	rddreg [dreg:$0x11]  }
0x80: {  	[tilespmem:s5], [sflag:$0x2] =	stream.linear.gather [hbm4b:s1+s2], $0x500, $0x38;
	[tilespmem:$0x14A00] =	vst v63  }
0x81: {  	_ =	swait.ge [sflag:s16], $0x500  }
0x82: {  	[sflag:s16] =	ssyncset.done $0x0  }
0x83: {  	[sflag:s16] =	ssyncadd.s32 $0xFFFFFB00  }
0x84: {  	_ =	swait.ge [sflag:s8], $0xA000  }
0x85: {  	[sflag:s8] =	ssyncset.done $0x0  }
0x86: {  	[sflag:s8] =	ssyncadd.s32 $0xFFFF6000  }
0x87: {  	[tilespmem:s11], [sflag:$0x3] =	stream.indirect.gather [hbm4b:s3+s5], $0x20, s2, s5, $0xb8;
	[tilespmem:$0x14A00] =	vst v63  }
0x88: {  	_ =	swait.ge [sflag:s15], $0xA000  }
0x89: {  	[sflag:s15] =	ssyncset.done $0x0  }
0x8a: {  	s0 =	rddreg [dreg:$0x12];
	[sflag:s15] =	ssyncadd.s32 $0xFFFF6000  }
0x8b: {  	[hbm4b:s0+s2] =	stream.linear.scatter [tilespmem:s11], [sflag:$0x5], $0xA000, $0x38;
	[tilespmem:$0x14A00] =	vst v63  }
0x8c: {  	s1 =	rddreg [dreg:$0x13]  }
0x8d: {  	[tilespmem:s2], [sflag:$0x1] =	stream.linear.gather [hbm4b:s1+s2], $0x500, $0x38;
	[tilespmem:$0x14A00] =	vst v63  }
0x8e: {  	_ =	swait.ge [sflag:s13], $0x500  }
0x8f: {  	[sflag:s13] =	ssyncset.done $0x0  }
0x90: {  	[sflag:s13] =	ssyncadd.s32 $0xFFFFFB00  }
0x91: {  	_ =	swait.ge [sflag:s6], $0xA000  }
0x92: {  	[sflag:s6] =	ssyncset.done $0x0  }
0x93: {  	[sflag:s6] =	ssyncadd.s32 $0xFFFF6000  }
0x94: {  	[tilespmem:s9], [sflag:$0x4] =	stream.indirect.gather [hbm4b:s3+s5], $0x20, s5, s5, $0xb8;
	[tilespmem:$0x14A00] =	vst v63  }
0x95: {  	_ =	swait.ge [sflag:s10], $0xA000  }
0x96: {  	[sflag:s10] =	ssyncset.done $0x0  }
0x97: {  	s0 =	rddreg [dreg:$0x14];
	[sflag:s10] =	ssyncadd.s32 $0xFFFF6000  }
0x98: {  	[hbm4b:s0+s2] =	stream.linear.scatter [tilespmem:s9], [sflag:$0x6], $0xA000, $0x38;
	[tilespmem:$0x14A00] =	vst v63  }
0x99: {  	s1 =	rddreg [dreg:$0x15]  }
0x9a: {  	[tilespmem:s5], [sflag:$0x2] =	stream.linear.gather [hbm4b:s1+s2], $0x500, $0x38;
	[tilespmem:$0x14A00] =	vst v63  }
0x9b: {  	_ =	swait.ge [sflag:s16], $0x500  }
0x9c: {  	[sflag:s16] =	ssyncset.done $0x0  }
0x9d: {  	[sflag:s16] =	ssyncadd.s32 $0xFFFFFB00  }
0x9e: {  	_ =	swait.ge [sflag:s8], $0xA000  }
0x9f: {  	[sflag:s8] =	ssyncset.done $0x0  }
0xa0: {  	[sflag:s8] =	ssyncadd.s32 $0xFFFF6000  }
0xa1: {  	[tilespmem:s11], [sflag:$0x3] =	stream.indirect.gather [hbm4b:s3+s5], $0x20, s2, s5, $0xb8;
	[tilespmem:$0x14A00] =	vst v63  }
0xa2: {  	_ =	swait.ge [sflag:s15], $0xA000  }
0xa3: {  	[sflag:s15] =	ssyncset.done $0x0  }
0xa4: {  	s0 =	rddreg [dreg:$0x16];
	[sflag:s15] =	ssyncadd.s32 $0xFFFF6000  }
0xa5: {  	[hbm4b:s0+s2] =	stream.linear.scatter [tilespmem:s11], [sflag:$0x5], $0xA000, $0x38;
	[tilespmem:$0x14A00] =	vst v63  }
0xa6: {  	s1 =	rddreg [dreg:$0x17]  }
0xa7: {  	[tilespmem:s2], [sflag:$0x1] =	stream.linear.gather [hbm4b:s1+s2], $0x500, $0x38;
	[tilespmem:$0x14A00] =	vst v63  }
0xa8: {  	_ =	swait.ge [sflag:s13], $0x500  }
0xa9: {  	[sflag:s13] =	ssyncset.done $0x0  }
0xaa: {  	[sflag:s13] =	ssyncadd.s32 $0xFFFFFB00  }
0xab: {  	_ =	swait.ge [sflag:s6], $0xA000  }
0xac: {  	[sflag:s6] =	ssyncset.done $0x0  }
0xad: {  	[sflag:s6] =	ssyncadd.s32 $0xFFFF6000  }
0xae: {  	[tilespmem:s9], [sflag:$0x4] =	stream.indirect.gather [hbm4b:s3+s5], $0x20, s5, s5, $0xb8;
	[tilespmem:$0x14A00] =	vst v63  }
0xaf: {  	_ =	swait.ge [sflag:s10], $0xA000  }
0xb0: {  	[sflag:s10] =	ssyncset.done $0x0  }
0xb1: {  	s0 =	rddreg [dreg:$0x18];
	[sflag:s10] =	ssyncadd.s32 $0xFFFF6000  }
0xb2: {  	[hbm4b:s0+s2] =	stream.linear.scatter [tilespmem:s9], [sflag:$0x6], $0xA000, $0x38;
	[tilespmem:$0x14A00] =	vst v63  }
0xb3: {  	s1 =	rddreg [dreg:$0x19]  }
0xb4: {  	[tilespmem:s5], [sflag:$0x2] =	stream.linear.gather [hbm4b:s1+s2], $0x500, $0x38;
	[tilespmem:$0x14A00] =	vst v63  }
0xb5: {  	_ =	swait.ge [sflag:s16], $0x500  }
0xb6: {  	[sflag:s16] =	ssyncset.done $0x0  }
0xb7: {  	[sflag:s16] =	ssyncadd.s32 $0xFFFFFB00  }
0xb8: {  	_ =	swait.ge [sflag:s8], $0xA000  }
0xb9: {  	[sflag:s8] =	ssyncset.done $0x0  }
0xba: {  	[sflag:s8] =	ssyncadd.s32 $0xFFFF6000  }
0xbb: {  	[tilespmem:s11], [sflag:$0x3] =	stream.indirect.gather [hbm4b:s3+s5], $0x20, s2, s5, $0xb8;
	[tilespmem:$0x14A00] =	vst v63  }
0xbc: {  	_ =	swait.ge [sflag:s15], $0xA000  }
0xbd: {  	[sflag:s15] =	ssyncset.done $0x0  }
0xbe: {  	[sflag:s15] =	ssyncadd.s32 $0xFFFF6000  }
0xbf: {  	[hbm4b:s30+s2] =	stream.linear.scatter [tilespmem:s11], [sflag:$0x5], $0xA000, $0x38;
	[tilespmem:$0x14A00] =	vst v63  }
0xc0: {  	_ = 	snop  }
0xc1: {  	[tilespmem:s2], [sflag:$0x1] =	stream.linear.gather [hbm4b:s31+s2], $0x500, $0x38;
	[tilespmem:$0x14A00] =	vst v63  }
0xc2: {  	_ =	swait.ge [sflag:s13], $0x500  }
0xc3: {  	[sflag:s13] =	ssyncset.done $0x0  }
0xc4: {  	[sflag:s13] =	ssyncadd.s32 $0xFFFFFB00  }
0xc5: {  	_ =	swait.ge [sflag:s6], $0xA000  }
0xc6: {  	[sflag:s6] =	ssyncset.done $0x0  }
0xc7: {  	[sflag:s6] =	ssyncadd.s32 $0xFFFF6000  }
0xc8: {  	[tilespmem:s9], [sflag:$0x4] =	stream.indirect.gather [hbm4b:s3+s5], $0x20, s5, s5, $0xb8;
	[tilespmem:$0x14A00] =	vst v63  }
0xc9: {  	_ =	swait.ge [sflag:s10], $0xA000  }
0xca: {  	[sflag:s10] =	ssyncset.done $0x0  }
0xcb: {  	[sflag:s10] =	ssyncadd.s32 $0xFFFF6000  }
0xcc: {  	[hbm4b:s28+s2] =	stream.linear.scatter [tilespmem:s9], [sflag:$0x6], $0xA000, $0x38;
	[tilespmem:$0x14A00] =	vst v63  }
0xcd: {  	_ = 	snop  }
0xce: {  	[tilespmem:s5], [sflag:$0x2] =	stream.linear.gather [hbm4b:s29+s2], $0x500, $0x38;
	[tilespmem:$0x14A00] =	vst v63  }
0xcf: {  	_ =	swait.ge [sflag:s16], $0x500  }
0xd0: {  	[sflag:s16] =	ssyncset.done $0x0  }
0xd1: {  	[sflag:s16] =	ssyncadd.s32 $0xFFFFFB00  }
0xd2: {  	_ =	swait.ge [sflag:s8], $0xA000  }
0xd3: {  	[sflag:s8] =	ssyncset.done $0x0  }
0xd4: {  	[sflag:s8] =	ssyncadd.s32 $0xFFFF6000  }
0xd5: {  	[tilespmem:s11], [sflag:$0x3] =	stream.indirect.gather [hbm4b:s3+s5], $0x20, s2, s5, $0xb8;
	[tilespmem:$0x14A00] =	vst v63  }
0xd6: {  	_ =	swait.ge [sflag:s15], $0xA000  }
0xd7: {  	[sflag:s15] =	ssyncset.done $0x0  }
0xd8: {  	[sflag:s15] =	ssyncadd.s32 $0xFFFF6000  }
0xd9: {  	[hbm4b:s25+s2] =	stream.linear.scatter [tilespmem:s11], [sflag:$0x5], $0xA000, $0x38;
	[tilespmem:$0x14A00] =	vst v63  }
0xda: {  	_ = 	snop  }
0xdb: {  	[tilespmem:s2], [sflag:$0x1] =	stream.linear.gather [hbm4b:s26+s2], $0x500, $0x38;
	[tilespmem:$0x14A00] =	vst v63  }
0xdc: {  	_ =	swait.ge [sflag:s13], $0x500  }
0xdd: {  	[sflag:s13] =	ssyncset.done $0x0  }
0xde: {  	[sflag:s13] =	ssyncadd.s32 $0xFFFFFB00  }
0xdf: {  	_ =	swait.ge [sflag:s6], $0xA000  }
0xe0: {  	[sflag:s6] =	ssyncset.done $0x0  }
0xe1: {  	[sflag:s6] =	ssyncadd.s32 $0xFFFF6000  }
0xe2: {  	[tilespmem:s9], [sflag:$0x4] =	stream.indirect.gather [hbm4b:s3+s5], $0x20, s5, s5, $0xb8;
	[tilespmem:$0x14A00] =	vst v63  }
0xe3: {  	_ =	swait.ge [sflag:s10], $0xA000  }
0xe4: {  	[sflag:s10] =	ssyncset.done $0x0  }
0xe5: {  	[sflag:s10] =	ssyncadd.s32 $0xFFFF6000  }
0xe6: {  	[hbm4b:s23+s2] =	stream.linear.scatter [tilespmem:s9], [sflag:$0x6], $0xA000, $0x38;
	[tilespmem:$0x14A00] =	vst v63  }
0xe7: {  	_ = 	snop  }
0xe8: {  	[tilespmem:s5], [sflag:$0x2] =	stream.linear.gather [hbm4b:s24+s2], $0x500, $0x38;
	[tilespmem:$0x14A00] =	vst v63  }
0xe9: {  	_ =	swait.ge [sflag:s16], $0x500  }
0xea: {  	[sflag:s16] =	ssyncset.done $0x0  }
0xeb: {  	[sflag:s16] =	ssyncadd.s32 $0xFFFFFB00  }
0xec: {  	_ =	swait.ge [sflag:s8], $0xA000  }
0xed: {  	[sflag:s8] =	ssyncset.done $0x0  }
0xee: {  	[sflag:s8] =	ssyncadd.s32 $0xFFFF6000  }
0xef: {  	[tilespmem:s11], [sflag:$0x3] =	stream.indirect.gather [hbm4b:s3+s5], $0x20, s2, s5, $0xb8;
	[tilespmem:$0x14A00] =	vst v63  }
0xf0: {  	_ =	swait.ge [sflag:s15], $0xA000  }
0xf1: {  	[sflag:s15] =	ssyncset.done $0x0  }
0xf2: {  	[sflag:s15] =	ssyncadd.s32 $0xFFFF6000  }
0xf3: {  	[hbm4b:s21+s2] =	stream.linear.scatter [tilespmem:s11], [sflag:$0x5], $0xA000, $0x38;
	[tilespmem:$0x14A00] =	vst v63  }
0xf4: {  	_ = 	snop  }
0xf5: {  	[tilespmem:s2], [sflag:$0x1] =	stream.linear.gather [hbm4b:s22+s2], $0x500, $0x38;
	[tilespmem:$0x14A00] =	vst v63  }
0xf6: {  	_ =	swait.ge [sflag:s13], $0x500  }
0xf7: {  	[sflag:s13] =	ssyncset.done $0x0  }
0xf8: {  	[sflag:s13] =	ssyncadd.s32 $0xFFFFFB00  }
0xf9: {  	_ =	swait.ge [sflag:s6], $0xA000  }
0xfa: {  	[sflag:s6] =	ssyncset.done $0x0  }
0xfb: {  	[sflag:s6] =	ssyncadd.s32 $0xFFFF6000  }
0xfc: {  	[tilespmem:s9], [sflag:$0x4] =	stream.indirect.gather [hbm4b:s3+s5], $0x20, s5, s5, $0xb8;
	[tilespmem:$0x14A00] =	vst v63  }
0xfd: {  	_ =	swait.ge [sflag:s10], $0xA000  }
0xfe: {  	[sflag:s10] =	ssyncset.done $0x0  }
0xff: {  	[sflag:s10] =	ssyncadd.s32 $0xFFFF6000  }
0x100: {  	[hbm4b:s19+s2] =	stream.linear.scatter [tilespmem:s9], [sflag:$0x6], $0xA000, $0x38;
	[tilespmem:$0x14A00] =	vst v63  }
0x101: {  	_ = 	snop  }
0x102: {  	[tilespmem:s5], [sflag:$0x2] =	stream.linear.gather [hbm4b:s20+s2], $0x500, $0x38;
	[tilespmem:$0x14A00] =	vst v63  }
0x103: {  	_ =	swait.ge [sflag:s16], $0x500  }
0x104: {  	[sflag:s16] =	ssyncset.done $0x0  }
0x105: {  	[sflag:s16] =	ssyncadd.s32 $0xFFFFFB00  }
0x106: {  	_ =	swait.ge [sflag:s8], $0xA000  }
0x107: {  	[sflag:s8] =	ssyncset.done $0x0  }
0x108: {  	[sflag:s8] =	ssyncadd.s32 $0xFFFF6000  }
0x109: {  	[tilespmem:s11], [sflag:$0x3] =	stream.indirect.gather [hbm4b:s3+s5], $0x20, s2, s5, $0xb8;
	[tilespmem:$0x14A00] =	vst v63  }
0x10a: {  	_ =	swait.ge [sflag:s15], $0xA000  }
0x10b: {  	[sflag:s15] =	ssyncset.done $0x0  }
0x10c: {  	[sflag:s15] =	ssyncadd.s32 $0xFFFF6000  }
0x10d: {  	[hbm4b:s17+s2] =	stream.linear.scatter [tilespmem:s11], [sflag:$0x5], $0xA000, $0x38;
	[tilespmem:$0x14A00] =	vst v63  }
0x10e: {  	_ = 	snop  }
0x10f: {  	[tilespmem:s2], [sflag:$0x1] =	stream.linear.gather [hbm4b:s18+s2], $0x500, $0x38;
	[tilespmem:$0x14A00] =	vst v63  }
0x110: {  	_ =	swait.ge [sflag:s13], $0x500  }
0x111: {  	[sflag:s13] =	ssyncset.done $0x0  }
0x112: {  	[sflag:s13] =	ssyncadd.s32 $0xFFFFFB00  }
0x113: {  	_ =	swait.ge [sflag:s6], $0xA000  }
0x114: {  	[sflag:s6] =	ssyncset.done $0x0  }
0x115: {  	[sflag:s6] =	ssyncadd.s32 $0xFFFF6000  }
0x116: {  	[tilespmem:s9], [sflag:$0x4] =	stream.indirect.gather [hbm4b:s3+s5], $0x20, s5, s5, $0xb8;
	[tilespmem:$0x14A00] =	vst v63  }
0x117: {  	_ =	swait.ge [sflag:s10], $0xA000  }
0x118: {  	[sflag:s10] =	ssyncset.done $0x0  }
0x119: {  	[sflag:s10] =	ssyncadd.s32 $0xFFFF6000  }
0x11a: {  	[hbm4b:s12+s2] =	stream.linear.scatter [tilespmem:s9], [sflag:$0x6], $0xA000, $0x38;
	[tilespmem:$0x14A00] =	vst v63  }
0x11b: {  	_ = 	snop  }
0x11c: {  	[tilespmem:s5], [sflag:$0x2] =	stream.linear.gather [hbm4b:s14+s2], $0x500, $0x38;
	[tilespmem:$0x14A00] =	vst v63  }
0x11d: {  	_ =	swait.ge [sflag:s16], $0x500  }
0x11e: {  	[sflag:s16] =	ssyncset.done $0x0  }
0x11f: {  	[sflag:s16] =	ssyncadd.s32 $0xFFFFFB00  }
0x120: {  	_ =	swait.ge [sflag:s8], $0xA000  }
0x121: {  	[sflag:s8] =	ssyncset.done $0x0  }
0x122: {  	[sflag:s8] =	ssyncadd.s32 $0xFFFF6000  }
0x123: {  	[tilespmem:s11], [sflag:$0x3] =	stream.indirect.gather [hbm4b:s3+s5], $0x20, s2, s5, $0xb8;
	[tilespmem:$0x14A00] =	vst v63  }
0x124: {  	_ =	swait.ge [sflag:s15], $0xA000  }
0x125: {  	[sflag:s15] =	ssyncset.done $0x0  }
0x126: {  	[sflag:s15] =	ssyncadd.s32 $0xFFFF6000  }
0x127: {  	[hbm4b:s7+s2] =	stream.linear.scatter [tilespmem:s11], [sflag:$0x5], $0xA000, $0x38;
	[tilespmem:$0x14A00] =	vst v63  }
0x128: {  	_ =	swait.ge [sflag:s13], $0x500  }
0x129: {  	[sflag:s13] =	ssyncset.done $0x0  }
0x12a: {  	[sflag:s13] =	ssyncadd.s32 $0xFFFFFB00  }
0x12b: {  	_ =	swait.ge [sflag:s6], $0xA000  }
0x12c: {  	[sflag:s6] =	ssyncset.done $0x0  }
0x12d: {  	[sflag:s6] =	ssyncadd.s32 $0xFFFF6000  }
0x12e: {  	[tilespmem:s9], [sflag:$0x4] =	stream.indirect.gather [hbm4b:s3+s5], $0x20, s5, s5, $0xb8;
	[tilespmem:$0x14A00] =	vst v63  }
0x12f: {  	_ =	swait.ge [sflag:s10], $0xA000  }
0x130: {  	[sflag:s10] =	ssyncset.done $0x0  }
0x131: {  	[sflag:s10] =	ssyncadd.s32 $0xFFFF6000  }
0x132: {  	[hbm4b:s4+s2] =	stream.linear.scatter [tilespmem:s9], [sflag:$0x6], $0xA000, $0x38;
	[tilespmem:$0x14A00] =	vst v63  }
0x133: {  	_ =	swait.ge [sflag:s8], $0xA000  }
0x134: {  	s1 =	rddreg [dreg:$0x1b]  }
0x135: {  	p1 =	sne.s32 s1, $0x1  }
.Ltmp1:
0x136: {  	_ = 	snop;
	(pc) =	sbr.rel @!p1 .LBB2_3-.Ltmp1, $4  }
0x137: {  	[sflag:s8] =	ssyncset.done $0x0  }
0x138: {  	[sflag:s8] =	ssyncadd.s32 $0xFFFF6000  }
0x139: {  	p0 =	por $0x1, $0x1;
	_ =	swait.ge [sflag:s6], $0xA000;
	[dreg:$0x1a] =	wrdreg s31  }
0x13a: {  	s1 =	sadd.s32 $0xFFFFFFFF, s1;
	s0 =	rddreg [dreg:$0x4];
	[sflag:s6] =	ssyncset.done $0x0  }
.LBB2_2:
0x13b: {  	[sflag:s6] =	ssyncadd.s32 $0xFFFF6000  }
0x13c: {  	s31 =	smov.u32 s30;
	s30 =	smov.u32 s29;
	s29 =	smov.u32 s28  }
0x13d: {  	s28 =	smov.u32 s26;
	s26 =	smov.u32 s25;
	s25 =	smov.u32 s24  }
0x13e: {  	s24 =	smov.u32 s23;
	s23 =	smov.u32 s22;
	s22 =	smov.u32 s21  }
0x13f: {  	s21 =	smov.u32 s20;
	s20 =	smov.u32 s19;
	s19 =	smov.u32 s18  }
0x140: {  	s18 =	smov.u32 s17;
	s17 =	smov.u32 s14;
	s14 =	smov.u32 s12  }
0x141: {  	[tilespmem:s2], [sflag:$0x1] =	stream.linear.gather [hbm4b:s0+s2], $0x500, $0x38;
	[tilespmem:$0x14A00] =	vst v63  }
0x142: {  	s12 =	smov.u32 s7;
	s7 =	smov.u32 s4;
	s4 =	rddreg [dreg:$0x5]  }
0x143: {  	[tilespmem:s5], [sflag:$0x2] =	stream.linear.gather [hbm4b:s4+s2], $0x500, $0x38;
	[tilespmem:$0x14A00] =	vst v63  }
0x144: {  	_ =	swait.ge [sflag:s16], $0x500  }
0x145: {  	[sflag:s16] =	ssyncset.done $0x0  }
0x146: {  	[sflag:s16] =	ssyncadd.s32 $0xFFFFFB00  }
0x147: {  	[tilespmem:s11], [sflag:$0x3] =	stream.indirect.gather [hbm4b:s3+s5], $0x20, s2, s5, $0xb8;
	[tilespmem:$0x14A00] =	vst v63  }
0x148: {  	_ =	swait.ge [sflag:s15], $0xA000  }
0x149: {  	[sflag:s15] =	ssyncset.done $0x0  }
0x14a: {  	s0 =	rddreg [dreg:$0x6];
	[sflag:s15] =	ssyncadd.s32 $0xFFFF6000  }
0x14b: {  	[hbm4b:s0+s2] =	stream.linear.scatter [tilespmem:s11], [sflag:$0x5], $0xA000, $0x38;
	[tilespmem:$0x14A00] =	vst v63  }
0x14c: {  	s4 =	rddreg [dreg:$0x7]  }
0x14d: {  	[tilespmem:s2], [sflag:$0x1] =	stream.linear.gather [hbm4b:s4+s2], $0x500, $0x38;
	[tilespmem:$0x14A00] =	vst v63  }
0x14e: {  	_ =	swait.ge [sflag:s13], $0x500  }
0x14f: {  	[sflag:s13] =	ssyncset.done $0x0  }
0x150: {  	[sflag:s13] =	ssyncadd.s32 $0xFFFFFB00  }
0x151: {  	[tilespmem:s9], [sflag:$0x4] =	stream.indirect.gather [hbm4b:s3+s5], $0x20, s5, s5, $0xb8;
	[tilespmem:$0x14A00] =	vst v63  }
0x152: {  	_ =	swait.ge [sflag:s10], $0xA000  }
0x153: {  	[sflag:s10] =	ssyncset.done $0x0  }
0x154: {  	s0 =	rddreg [dreg:$0x8];
	[sflag:s10] =	ssyncadd.s32 $0xFFFF6000  }
0x155: {  	[hbm4b:s0+s2] =	stream.linear.scatter [tilespmem:s9], [sflag:$0x6], $0xA000, $0x38;
	[tilespmem:$0x14A00] =	vst v63  }
0x156: {  	s4 =	rddreg [dreg:$0x9]  }
0x157: {  	[tilespmem:s5], [sflag:$0x2] =	stream.linear.gather [hbm4b:s4+s2], $0x500, $0x38;
	[tilespmem:$0x14A00] =	vst v63  }
0x158: {  	_ =	swait.ge [sflag:s16], $0x500  }
0x159: {  	[sflag:s16] =	ssyncset.done $0x0  }
0x15a: {  	[sflag:s16] =	ssyncadd.s32 $0xFFFFFB00  }
0x15b: {  	_ =	swait.ge [sflag:s8], $0xA000  }
0x15c: {  	[sflag:s8] =	ssyncset.done $0x0  }
0x15d: {  	[sflag:s8] =	ssyncadd.s32 $0xFFFF6000  }
0x15e: {  	[tilespmem:s11], [sflag:$0x3] =	stream.indirect.gather [hbm4b:s3+s5], $0x20, s2, s5, $0xb8;
	[tilespmem:$0x14A00] =	vst v63  }
0x15f: {  	_ =	swait.ge [sflag:s15], $0xA000  }
0x160: {  	[sflag:s15] =	ssyncset.done $0x0  }
0x161: {  	s0 =	rddreg [dreg:$0xa];
	[sflag:s15] =	ssyncadd.s32 $0xFFFF6000  }
0x162: {  	[hbm4b:s0+s2] =	stream.linear.scatter [tilespmem:s11], [sflag:$0x5], $0xA000, $0x38;
	[tilespmem:$0x14A00] =	vst v63  }
0x163: {  	s4 =	rddreg [dreg:$0xb]  }
0x164: {  	[tilespmem:s2], [sflag:$0x1] =	stream.linear.gather [hbm4b:s4+s2], $0x500, $0x38;
	[tilespmem:$0x14A00] =	vst v63  }
0x165: {  	_ =	swait.ge [sflag:s13], $0x500  }
0x166: {  	[sflag:s13] =	ssyncset.done $0x0  }
0x167: {  	[sflag:s13] =	ssyncadd.s32 $0xFFFFFB00  }
0x168: {  	_ =	swait.ge [sflag:s6], $0xA000  }
0x169: {  	[sflag:s6] =	ssyncset.done $0x0  }
0x16a: {  	[sflag:s6] =	ssyncadd.s32 $0xFFFF6000  }
0x16b: {  	[tilespmem:s9], [sflag:$0x4] =	stream.indirect.gather [hbm4b:s3+s5], $0x20, s5, s5, $0xb8;
	[tilespmem:$0x14A00] =	vst v63  }
0x16c: {  	_ =	swait.ge [sflag:s10], $0xA000  }
0x16d: {  	[sflag:s10] =	ssyncset.done $0x0  }
0x16e: {  	s0 =	rddreg [dreg:$0xc];
	[sflag:s10] =	ssyncadd.s32 $0xFFFF6000  }
0x16f: {  	[hbm4b:s0+s2] =	stream.linear.scatter [tilespmem:s9], [sflag:$0x6], $0xA000, $0x38;
	[tilespmem:$0x14A00] =	vst v63  }
0x170: {  	s4 =	rddreg [dreg:$0xd]  }
0x171: {  	[tilespmem:s5], [sflag:$0x2] =	stream.linear.gather [hbm4b:s4+s2], $0x500, $0x38;
	[tilespmem:$0x14A00] =	vst v63  }
0x172: {  	_ =	swait.ge [sflag:s16], $0x500  }
0x173: {  	[sflag:s16] =	ssyncset.done $0x0  }
0x174: {  	[sflag:s16] =	ssyncadd.s32 $0xFFFFFB00  }
0x175: {  	_ =	swait.ge [sflag:s8], $0xA000  }
0x176: {  	[sflag:s8] =	ssyncset.done $0x0  }
0x177: {  	[sflag:s8] =	ssyncadd.s32 $0xFFFF6000  }
0x178: {  	[tilespmem:s11], [sflag:$0x3] =	stream.indirect.gather [hbm4b:s3+s5], $0x20, s2, s5, $0xb8;
	[tilespmem:$0x14A00] =	vst v63  }
0x179: {  	_ =	swait.ge [sflag:s15], $0xA000  }
0x17a: {  	[sflag:s15] =	ssyncset.done $0x0  }
0x17b: {  	s0 =	rddreg [dreg:$0xe];
	[sflag:s15] =	ssyncadd.s32 $0xFFFF6000  }
0x17c: {  	[hbm4b:s0+s2] =	stream.linear.scatter [tilespmem:s11], [sflag:$0x5], $0xA000, $0x38;
	[tilespmem:$0x14A00] =	vst v63  }
0x17d: {  	s4 =	rddreg [dreg:$0xf]  }
0x17e: {  	[tilespmem:s2], [sflag:$0x1] =	stream.linear.gather [hbm4b:s4+s2], $0x500, $0x38;
	[tilespmem:$0x14A00] =	vst v63  }
0x17f: {  	_ =	swait.ge [sflag:s13], $0x500  }
0x180: {  	[sflag:s13] =	ssyncset.done $0x0  }
0x181: {  	[sflag:s13] =	ssyncadd.s32 $0xFFFFFB00  }
0x182: {  	_ =	swait.ge [sflag:s6], $0xA000  }
0x183: {  	[sflag:s6] =	ssyncset.done $0x0  }
0x184: {  	[sflag:s6] =	ssyncadd.s32 $0xFFFF6000  }
0x185: {  	[tilespmem:s9], [sflag:$0x4] =	stream.indirect.gather [hbm4b:s3+s5], $0x20, s5, s5, $0xb8;
	[tilespmem:$0x14A00] =	vst v63  }
0x186: {  	_ =	swait.ge [sflag:s10], $0xA000  }
0x187: {  	[sflag:s10] =	ssyncset.done $0x0  }
0x188: {  	s0 =	rddreg [dreg:$0x10];
	[sflag:s10] =	ssyncadd.s32 $0xFFFF6000  }
0x189: {  	[hbm4b:s0+s2] =	stream.linear.scatter [tilespmem:s9], [sflag:$0x6], $0xA000, $0x38;
	[tilespmem:$0x14A00] =	vst v63  }
0x18a: {  	s4 =	rddreg [dreg:$0x11]  }
0x18b: {  	[tilespmem:s5], [sflag:$0x2] =	stream.linear.gather [hbm4b:s4+s2], $0x500, $0x38;
	[tilespmem:$0x14A00] =	vst v63  }
0x18c: {  	_ =	swait.ge [sflag:s16], $0x500  }
0x18d: {  	[sflag:s16] =	ssyncset.done $0x0  }
0x18e: {  	[sflag:s16] =	ssyncadd.s32 $0xFFFFFB00  }
0x18f: {  	_ =	swait.ge [sflag:s8], $0xA000  }
0x190: {  	[sflag:s8] =	ssyncset.done $0x0  }
0x191: {  	[sflag:s8] =	ssyncadd.s32 $0xFFFF6000  }
0x192: {  	[tilespmem:s11], [sflag:$0x3] =	stream.indirect.gather [hbm4b:s3+s5], $0x20, s2, s5, $0xb8;
	[tilespmem:$0x14A00] =	vst v63  }
0x193: {  	_ =	swait.ge [sflag:s15], $0xA000  }
0x194: {  	[sflag:s15] =	ssyncset.done $0x0  }
0x195: {  	s0 =	rddreg [dreg:$0x12];
	[sflag:s15] =	ssyncadd.s32 $0xFFFF6000  }
0x196: {  	[hbm4b:s0+s2] =	stream.linear.scatter [tilespmem:s11], [sflag:$0x5], $0xA000, $0x38;
	[tilespmem:$0x14A00] =	vst v63  }
0x197: {  	s4 =	rddreg [dreg:$0x13]  }
0x198: {  	[tilespmem:s2], [sflag:$0x1] =	stream.linear.gather [hbm4b:s4+s2], $0x500, $0x38;
	[tilespmem:$0x14A00] =	vst v63  }
0x199: {  	_ =	swait.ge [sflag:s13], $0x500  }
0x19a: {  	[sflag:s13] =	ssyncset.done $0x0  }
0x19b: {  	[sflag:s13] =	ssyncadd.s32 $0xFFFFFB00  }
0x19c: {  	_ =	swait.ge [sflag:s6], $0xA000  }
0x19d: {  	[sflag:s6] =	ssyncset.done $0x0  }
0x19e: {  	[sflag:s6] =	ssyncadd.s32 $0xFFFF6000  }
0x19f: {  	[tilespmem:s9], [sflag:$0x4] =	stream.indirect.gather [hbm4b:s3+s5], $0x20, s5, s5, $0xb8;
	[tilespmem:$0x14A00] =	vst v63  }
0x1a0: {  	_ =	swait.ge [sflag:s10], $0xA000  }
0x1a1: {  	[sflag:s10] =	ssyncset.done $0x0  }
0x1a2: {  	s0 =	rddreg [dreg:$0x14];
	[sflag:s10] =	ssyncadd.s32 $0xFFFF6000  }
0x1a3: {  	[hbm4b:s0+s2] =	stream.linear.scatter [tilespmem:s9], [sflag:$0x6], $0xA000, $0x38;
	[tilespmem:$0x14A00] =	vst v63  }
0x1a4: {  	s4 =	rddreg [dreg:$0x15]  }
0x1a5: {  	[tilespmem:s5], [sflag:$0x2] =	stream.linear.gather [hbm4b:s4+s2], $0x500, $0x38;
	[tilespmem:$0x14A00] =	vst v63  }
0x1a6: {  	_ =	swait.ge [sflag:s16], $0x500  }
0x1a7: {  	[sflag:s16] =	ssyncset.done $0x0  }
0x1a8: {  	[sflag:s16] =	ssyncadd.s32 $0xFFFFFB00  }
0x1a9: {  	_ =	swait.ge [sflag:s8], $0xA000  }
0x1aa: {  	[sflag:s8] =	ssyncset.done $0x0  }
0x1ab: {  	[sflag:s8] =	ssyncadd.s32 $0xFFFF6000  }
0x1ac: {  	[tilespmem:s11], [sflag:$0x3] =	stream.indirect.gather [hbm4b:s3+s5], $0x20, s2, s5, $0xb8;
	[tilespmem:$0x14A00] =	vst v63  }
0x1ad: {  	_ =	swait.ge [sflag:s15], $0xA000  }
0x1ae: {  	[sflag:s15] =	ssyncset.done $0x0  }
0x1af: {  	s0 =	rddreg [dreg:$0x16];
	[sflag:s15] =	ssyncadd.s32 $0xFFFF6000  }
0x1b0: {  	[hbm4b:s0+s2] =	stream.linear.scatter [tilespmem:s11], [sflag:$0x5], $0xA000, $0x38;
	[tilespmem:$0x14A00] =	vst v63  }
0x1b1: {  	s4 =	rddreg [dreg:$0x17]  }
0x1b2: {  	[tilespmem:s2], [sflag:$0x1] =	stream.linear.gather [hbm4b:s4+s2], $0x500, $0x38;
	[tilespmem:$0x14A00] =	vst v63  }
0x1b3: {  	_ =	swait.ge [sflag:s13], $0x500  }
0x1b4: {  	[sflag:s13] =	ssyncset.done $0x0  }
0x1b5: {  	[sflag:s13] =	ssyncadd.s32 $0xFFFFFB00  }
0x1b6: {  	_ =	swait.ge [sflag:s6], $0xA000  }
0x1b7: {  	[sflag:s6] =	ssyncset.done $0x0  }
0x1b8: {  	[sflag:s6] =	ssyncadd.s32 $0xFFFF6000  }
0x1b9: {  	[tilespmem:s9], [sflag:$0x4] =	stream.indirect.gather [hbm4b:s3+s5], $0x20, s5, s5, $0xb8;
	[tilespmem:$0x14A00] =	vst v63  }
0x1ba: {  	_ =	swait.ge [sflag:s10], $0xA000  }
0x1bb: {  	[sflag:s10] =	ssyncset.done $0x0  }
0x1bc: {  	s0 =	rddreg [dreg:$0x18];
	[sflag:s10] =	ssyncadd.s32 $0xFFFF6000  }
0x1bd: {  	[hbm4b:s0+s2] =	stream.linear.scatter [tilespmem:s9], [sflag:$0x6], $0xA000, $0x38;
	[tilespmem:$0x14A00] =	vst v63  }
0x1be: {  	s4 =	rddreg [dreg:$0x19]  }
0x1bf: {  	[tilespmem:s5], [sflag:$0x2] =	stream.linear.gather [hbm4b:s4+s2], $0x500, $0x38;
	[tilespmem:$0x14A00] =	vst v63  }
0x1c0: {  	s4 =	smov.u32 s7  }
0x1c1: {  	s7 =	smov.u32 s12;
	s12 =	smov.u32 s14;
	s14 =	smov.u32 s17  }
0x1c2: {  	s17 =	smov.u32 s18;
	s18 =	smov.u32 s19;
	s19 =	smov.u32 s20  }
0x1c3: {  	s20 =	smov.u32 s21;
	s21 =	smov.u32 s22;
	s22 =	smov.u32 s23  }
0x1c4: {  	s23 =	smov.u32 s24;
	s24 =	smov.u32 s25;
	s25 =	smov.u32 s26  }
0x1c5: {  	s26 =	smov.u32 s28;
	s28 =	smov.u32 s29;
	s29 =	smov.u32 s30  }
0x1c6: {  	s30 =	smov.u32 s31;
	s31 =	rddreg [dreg:$0x1a];
	_ =	swait.ge [sflag:s16], $0x500  }
0x1c7: {  	[sflag:s16] =	ssyncset.done $0x0  }
0x1c8: {  	[sflag:s16] =	ssyncadd.s32 $0xFFFFFB00  }
0x1c9: {  	_ =	swait.ge [sflag:s8], $0xA000  }
0x1ca: {  	[sflag:s8] =	ssyncset.done $0x0  }
0x1cb: {  	[sflag:s8] =	ssyncadd.s32 $0xFFFF6000  }
0x1cc: {  	[tilespmem:s11], [sflag:$0x3] =	stream.indirect.gather [hbm4b:s3+s5], $0x20, s2, s5, $0xb8;
	[tilespmem:$0x14A00] =	vst v63  }
0x1cd: {  	_ =	swait.ge [sflag:s15], $0xA000  }
0x1ce: {  	[sflag:s15] =	ssyncset.done $0x0  }
0x1cf: {  	[sflag:s15] =	ssyncadd.s32 $0xFFFF6000  }
0x1d0: {  	[hbm4b:s30+s2] =	stream.linear.scatter [tilespmem:s11], [sflag:$0x5], $0xA000, $0x38;
	[tilespmem:$0x14A00] =	vst v63  }
0x1d1: {  	_ = 	snop  }
0x1d2: {  	[tilespmem:s2], [sflag:$0x1] =	stream.linear.gather [hbm4b:s31+s2], $0x500, $0x38;
	[tilespmem:$0x14A00] =	vst v63  }
0x1d3: {  	_ =	swait.ge [sflag:s13], $0x500  }
0x1d4: {  	[sflag:s13] =	ssyncset.done $0x0  }
0x1d5: {  	[sflag:s13] =	ssyncadd.s32 $0xFFFFFB00  }
0x1d6: {  	_ =	swait.ge [sflag:s6], $0xA000  }
0x1d7: {  	[sflag:s6] =	ssyncset.done $0x0  }
0x1d8: {  	[sflag:s6] =	ssyncadd.s32 $0xFFFF6000  }
0x1d9: {  	[tilespmem:s9], [sflag:$0x4] =	stream.indirect.gather [hbm4b:s3+s5], $0x20, s5, s5, $0xb8;
	[tilespmem:$0x14A00] =	vst v63  }
0x1da: {  	_ =	swait.ge [sflag:s10], $0xA000  }
0x1db: {  	[sflag:s10] =	ssyncset.done $0x0  }
0x1dc: {  	[sflag:s10] =	ssyncadd.s32 $0xFFFF6000  }
0x1dd: {  	[hbm4b:s28+s2] =	stream.linear.scatter [tilespmem:s9], [sflag:$0x6], $0xA000, $0x38;
	[tilespmem:$0x14A00] =	vst v63  }
0x1de: {  	_ = 	snop  }
0x1df: {  	[tilespmem:s5], [sflag:$0x2] =	stream.linear.gather [hbm4b:s29+s2], $0x500, $0x38;
	[tilespmem:$0x14A00] =	vst v63  }
0x1e0: {  	_ =	swait.ge [sflag:s16], $0x500  }
0x1e1: {  	[sflag:s16] =	ssyncset.done $0x0  }
0x1e2: {  	[sflag:s16] =	ssyncadd.s32 $0xFFFFFB00  }
0x1e3: {  	_ =	swait.ge [sflag:s8], $0xA000  }
0x1e4: {  	[sflag:s8] =	ssyncset.done $0x0  }
0x1e5: {  	[sflag:s8] =	ssyncadd.s32 $0xFFFF6000  }
0x1e6: {  	[tilespmem:s11], [sflag:$0x3] =	stream.indirect.gather [hbm4b:s3+s5], $0x20, s2, s5, $0xb8;
	[tilespmem:$0x14A00] =	vst v63  }
0x1e7: {  	_ =	swait.ge [sflag:s15], $0xA000  }
0x1e8: {  	[sflag:s15] =	ssyncset.done $0x0  }
0x1e9: {  	[sflag:s15] =	ssyncadd.s32 $0xFFFF6000  }
0x1ea: {  	[hbm4b:s25+s2] =	stream.linear.scatter [tilespmem:s11], [sflag:$0x5], $0xA000, $0x38;
	[tilespmem:$0x14A00] =	vst v63  }
0x1eb: {  	_ = 	snop  }
0x1ec: {  	[tilespmem:s2], [sflag:$0x1] =	stream.linear.gather [hbm4b:s26+s2], $0x500, $0x38;
	[tilespmem:$0x14A00] =	vst v63  }
0x1ed: {  	_ =	swait.ge [sflag:s13], $0x500  }
0x1ee: {  	[sflag:s13] =	ssyncset.done $0x0  }
0x1ef: {  	[sflag:s13] =	ssyncadd.s32 $0xFFFFFB00  }
0x1f0: {  	_ =	swait.ge [sflag:s6], $0xA000  }
0x1f1: {  	[sflag:s6] =	ssyncset.done $0x0  }
0x1f2: {  	[sflag:s6] =	ssyncadd.s32 $0xFFFF6000  }
0x1f3: {  	[tilespmem:s9], [sflag:$0x4] =	stream.indirect.gather [hbm4b:s3+s5], $0x20, s5, s5, $0xb8;
	[tilespmem:$0x14A00] =	vst v63  }
0x1f4: {  	_ =	swait.ge [sflag:s10], $0xA000  }
0x1f5: {  	[sflag:s10] =	ssyncset.done $0x0  }
0x1f6: {  	[sflag:s10] =	ssyncadd.s32 $0xFFFF6000  }
0x1f7: {  	[hbm4b:s23+s2] =	stream.linear.scatter [tilespmem:s9], [sflag:$0x6], $0xA000, $0x38;
	[tilespmem:$0x14A00] =	vst v63  }
0x1f8: {  	_ = 	snop  }
0x1f9: {  	[tilespmem:s5], [sflag:$0x2] =	stream.linear.gather [hbm4b:s24+s2], $0x500, $0x38;
	[tilespmem:$0x14A00] =	vst v63  }
0x1fa: {  	_ =	swait.ge [sflag:s16], $0x500  }
0x1fb: {  	[sflag:s16] =	ssyncset.done $0x0  }
0x1fc: {  	[sflag:s16] =	ssyncadd.s32 $0xFFFFFB00  }
0x1fd: {  	_ =	swait.ge [sflag:s8], $0xA000  }
0x1fe: {  	[sflag:s8] =	ssyncset.done $0x0  }
0x1ff: {  	[sflag:s8] =	ssyncadd.s32 $0xFFFF6000  }
0x200: {  	[tilespmem:s11], [sflag:$0x3] =	stream.indirect.gather [hbm4b:s3+s5], $0x20, s2, s5, $0xb8;
	[tilespmem:$0x14A00] =	vst v63  }
0x201: {  	_ =	swait.ge [sflag:s15], $0xA000  }
0x202: {  	[sflag:s15] =	ssyncset.done $0x0  }
0x203: {  	[sflag:s15] =	ssyncadd.s32 $0xFFFF6000  }
0x204: {  	[hbm4b:s21+s2] =	stream.linear.scatter [tilespmem:s11], [sflag:$0x5], $0xA000, $0x38;
	[tilespmem:$0x14A00] =	vst v63  }
0x205: {  	_ = 	snop  }
0x206: {  	[tilespmem:s2], [sflag:$0x1] =	stream.linear.gather [hbm4b:s22+s2], $0x500, $0x38;
	[tilespmem:$0x14A00] =	vst v63  }
0x207: {  	_ =	swait.ge [sflag:s13], $0x500  }
0x208: {  	[sflag:s13] =	ssyncset.done $0x0  }
0x209: {  	[sflag:s13] =	ssyncadd.s32 $0xFFFFFB00  }
0x20a: {  	_ =	swait.ge [sflag:s6], $0xA000  }
0x20b: {  	[sflag:s6] =	ssyncset.done $0x0  }
0x20c: {  	[sflag:s6] =	ssyncadd.s32 $0xFFFF6000  }
0x20d: {  	[tilespmem:s9], [sflag:$0x4] =	stream.indirect.gather [hbm4b:s3+s5], $0x20, s5, s5, $0xb8;
	[tilespmem:$0x14A00] =	vst v63  }
0x20e: {  	_ =	swait.ge [sflag:s10], $0xA000  }
0x20f: {  	[sflag:s10] =	ssyncset.done $0x0  }
0x210: {  	[sflag:s10] =	ssyncadd.s32 $0xFFFF6000  }
0x211: {  	[hbm4b:s19+s2] =	stream.linear.scatter [tilespmem:s9], [sflag:$0x6], $0xA000, $0x38;
	[tilespmem:$0x14A00] =	vst v63  }
0x212: {  	_ = 	snop  }
0x213: {  	[tilespmem:s5], [sflag:$0x2] =	stream.linear.gather [hbm4b:s20+s2], $0x500, $0x38;
	[tilespmem:$0x14A00] =	vst v63  }
0x214: {  	_ =	swait.ge [sflag:s16], $0x500  }
0x215: {  	[sflag:s16] =	ssyncset.done $0x0  }
0x216: {  	[sflag:s16] =	ssyncadd.s32 $0xFFFFFB00  }
0x217: {  	_ =	swait.ge [sflag:s8], $0xA000  }
0x218: {  	[sflag:s8] =	ssyncset.done $0x0  }
0x219: {  	[sflag:s8] =	ssyncadd.s32 $0xFFFF6000  }
0x21a: {  	[tilespmem:s11], [sflag:$0x3] =	stream.indirect.gather [hbm4b:s3+s5], $0x20, s2, s5, $0xb8;
	[tilespmem:$0x14A00] =	vst v63  }
0x21b: {  	_ =	swait.ge [sflag:s15], $0xA000  }
0x21c: {  	[sflag:s15] =	ssyncset.done $0x0  }
0x21d: {  	[sflag:s15] =	ssyncadd.s32 $0xFFFF6000  }
0x21e: {  	[hbm4b:s17+s2] =	stream.linear.scatter [tilespmem:s11], [sflag:$0x5], $0xA000, $0x38;
	[tilespmem:$0x14A00] =	vst v63  }
0x21f: {  	_ = 	snop  }
0x220: {  	[tilespmem:s2], [sflag:$0x1] =	stream.linear.gather [hbm4b:s18+s2], $0x500, $0x38;
	[tilespmem:$0x14A00] =	vst v63  }
0x221: {  	_ =	swait.ge [sflag:s13], $0x500  }
0x222: {  	[sflag:s13] =	ssyncset.done $0x0  }
0x223: {  	[sflag:s13] =	ssyncadd.s32 $0xFFFFFB00  }
0x224: {  	_ =	swait.ge [sflag:s6], $0xA000  }
0x225: {  	[sflag:s6] =	ssyncset.done $0x0  }
0x226: {  	[sflag:s6] =	ssyncadd.s32 $0xFFFF6000  }
0x227: {  	[tilespmem:s9], [sflag:$0x4] =	stream.indirect.gather [hbm4b:s3+s5], $0x20, s5, s5, $0xb8;
	[tilespmem:$0x14A00] =	vst v63  }
0x228: {  	_ =	swait.ge [sflag:s10], $0xA000  }
0x229: {  	[sflag:s10] =	ssyncset.done $0x0  }
0x22a: {  	[sflag:s10] =	ssyncadd.s32 $0xFFFF6000  }
0x22b: {  	[hbm4b:s12+s2] =	stream.linear.scatter [tilespmem:s9], [sflag:$0x6], $0xA000, $0x38;
	[tilespmem:$0x14A00] =	vst v63  }
0x22c: {  	_ = 	snop  }
0x22d: {  	[tilespmem:s5], [sflag:$0x2] =	stream.linear.gather [hbm4b:s14+s2], $0x500, $0x38;
	[tilespmem:$0x14A00] =	vst v63  }
0x22e: {  	_ =	swait.ge [sflag:s16], $0x500  }
0x22f: {  	[sflag:s16] =	ssyncset.done $0x0  }
0x230: {  	[sflag:s16] =	ssyncadd.s32 $0xFFFFFB00  }
0x231: {  	_ =	swait.ge [sflag:s8], $0xA000  }
0x232: {  	[sflag:s8] =	ssyncset.done $0x0  }
0x233: {  	[sflag:s8] =	ssyncadd.s32 $0xFFFF6000  }
0x234: {  	[tilespmem:s11], [sflag:$0x3] =	stream.indirect.gather [hbm4b:s3+s5], $0x20, s2, s5, $0xb8;
	[tilespmem:$0x14A00] =	vst v63  }
0x235: {  	_ =	swait.ge [sflag:s15], $0xA000  }
0x236: {  	[sflag:s15] =	ssyncset.done $0x0  }
0x237: {  	[sflag:s15] =	ssyncadd.s32 $0xFFFF6000  }
0x238: {  	[hbm4b:s7+s2] =	stream.linear.scatter [tilespmem:s11], [sflag:$0x5], $0xA000, $0x38;
	[tilespmem:$0x14A00] =	vst v63  }
0x239: {  	_ =	swait.ge [sflag:s13], $0x500  }
0x23a: {  	[sflag:s13] =	ssyncset.done $0x0  }
0x23b: {  	[sflag:s13] =	ssyncadd.s32 $0xFFFFFB00  }
0x23c: {  	_ =	swait.ge [sflag:s6], $0xA000  }
0x23d: {  	[sflag:s6] =	ssyncset.done $0x0  }
0x23e: {  	[sflag:s6] =	ssyncadd.s32 $0xFFFF6000  }
0x23f: {  	[tilespmem:s9], [sflag:$0x4] =	stream.indirect.gather [hbm4b:s3+s5], $0x20, s5, s5, $0xb8;
	[tilespmem:$0x14A00] =	vst v63  }
0x240: {  	_ =	swait.ge [sflag:s10], $0xA000  }
0x241: {  	[sflag:s10] =	ssyncset.done $0x0  }
0x242: {  	p1 =	sne.s32 s1, $0x1;
	[sflag:s10] =	ssyncadd.s32 $0xFFFF6000  }
0x243: {  	[hbm4b:s4+s2] =	stream.linear.scatter [tilespmem:s9], [sflag:$0x6], $0xA000, $0x38;
	[tilespmem:$0x14A00] =	vst v63  }
.Ltmp2:
0x244: {  	_ =	swait.ge [sflag:s8], $0xA000;
	(pc) =	sbr.rel @p1 .LBB2_2-.Ltmp2, $4  }
0x245: {  	[sflag:s8] =	ssyncset.done $0x0  }
0x246: {  	[sflag:s8] =	ssyncadd.s32 $0xFFFF6000  }
0x247: {  	_ =	swait.ge [sflag:s6], $0xA000  }
0x248: {  	s1 =	sadd.s32 $0xFFFFFFFF, s1;
	s0 =	rddreg [dreg:$0x4];
	[sflag:s6] =	ssyncset.done $0x0  }
.LBB2_3:
0x249: {  	[sflag:s6] =	ssyncadd.s32 @p0 $0xFFFF6000  }
0x24a: {  	[tilespmem:s2], [sflag:$0x1] =	stream.linear.gather [hbm4b:s0+s2], $0x500, $0x38;
	[tilespmem:$0x14A00] =	vst v63  }
0x24b: {  	s1 =	rddreg [dreg:$0x5]  }
0x24c: {  	[tilespmem:s5], [sflag:$0x2] =	stream.linear.gather [hbm4b:s1+s2], $0x500, $0x38;
	[tilespmem:$0x14A00] =	vst v63  }
0x24d: {  	_ =	swait.ge [sflag:s16], $0x500  }
0x24e: {  	[sflag:s16] =	ssyncset.done $0x0  }
0x24f: {  	[sflag:s16] =	ssyncadd.s32 $0xFFFFFB00  }
0x250: {  	[tilespmem:s11], [sflag:$0x3] =	stream.indirect.gather [hbm4b:s3+s5], $0x20, s2, s5, $0xb8;
	[tilespmem:$0x14A00] =	vst v63  }
0x251: {  	_ =	swait.ge [sflag:s15], $0xA000  }
0x252: {  	[sflag:s15] =	ssyncset.done $0x0  }
0x253: {  	s0 =	rddreg [dreg:$0x6];
	[sflag:s15] =	ssyncadd.s32 $0xFFFF6000  }
0x254: {  	[hbm4b:s0+s2] =	stream.linear.scatter [tilespmem:s11], [sflag:$0x5], $0xA000, $0x38;
	[tilespmem:$0x14A00] =	vst v63  }
0x255: {  	s1 =	rddreg [dreg:$0x7]  }
0x256: {  	[tilespmem:s2], [sflag:$0x1] =	stream.linear.gather [hbm4b:s1+s2], $0x500, $0x38;
	[tilespmem:$0x14A00] =	vst v63  }
0x257: {  	_ =	swait.ge [sflag:s13], $0x500  }
0x258: {  	[sflag:s13] =	ssyncset.done $0x0  }
0x259: {  	[sflag:s13] =	ssyncadd.s32 $0xFFFFFB00  }
0x25a: {  	[tilespmem:s9], [sflag:$0x4] =	stream.indirect.gather [hbm4b:s3+s5], $0x20, s5, s5, $0xb8;
	[tilespmem:$0x14A00] =	vst v63  }
0x25b: {  	_ =	swait.ge [sflag:s10], $0xA000  }
0x25c: {  	[sflag:s10] =	ssyncset.done $0x0  }
0x25d: {  	s0 =	rddreg [dreg:$0x8];
	[sflag:s10] =	ssyncadd.s32 $0xFFFF6000  }
0x25e: {  	[hbm4b:s0+s2] =	stream.linear.scatter [tilespmem:s9], [sflag:$0x6], $0xA000, $0x38;
	[tilespmem:$0x14A00] =	vst v63  }
0x25f: {  	s1 =	rddreg [dreg:$0x9]  }
0x260: {  	[tilespmem:s5], [sflag:$0x2] =	stream.linear.gather [hbm4b:s1+s2], $0x500, $0x38;
	[tilespmem:$0x14A00] =	vst v63  }
0x261: {  	_ =	swait.ge [sflag:s16], $0x500  }
0x262: {  	[sflag:s16] =	ssyncset.done $0x0  }
0x263: {  	[sflag:s16] =	ssyncadd.s32 $0xFFFFFB00  }
0x264: {  	_ =	swait.ge [sflag:s8], $0xA000  }
0x265: {  	[sflag:s8] =	ssyncset.done $0x0  }
0x266: {  	[sflag:s8] =	ssyncadd.s32 $0xFFFF6000  }
0x267: {  	[tilespmem:s11], [sflag:$0x3] =	stream.indirect.gather [hbm4b:s3+s5], $0x20, s2, s5, $0xb8;
	[tilespmem:$0x14A00] =	vst v63  }
0x268: {  	_ =	swait.ge [sflag:s15], $0xA000  }
0x269: {  	[sflag:s15] =	ssyncset.done $0x0  }
0x26a: {  	s0 =	rddreg [dreg:$0xa];
	[sflag:s15] =	ssyncadd.s32 $0xFFFF6000  }
0x26b: {  	[hbm4b:s0+s2] =	stream.linear.scatter [tilespmem:s11], [sflag:$0x5], $0xA000, $0x38;
	[tilespmem:$0x14A00] =	vst v63  }
0x26c: {  	s1 =	rddreg [dreg:$0xb]  }
0x26d: {  	[tilespmem:s2], [sflag:$0x1] =	stream.linear.gather [hbm4b:s1+s2], $0x500, $0x38;
	[tilespmem:$0x14A00] =	vst v63  }
0x26e: {  	_ =	swait.ge [sflag:s13], $0x500  }
0x26f: {  	[sflag:s13] =	ssyncset.done $0x0  }
0x270: {  	[sflag:s13] =	ssyncadd.s32 $0xFFFFFB00  }
0x271: {  	_ =	swait.ge [sflag:s6], $0xA000  }
0x272: {  	[sflag:s6] =	ssyncset.done $0x0  }
0x273: {  	[sflag:s6] =	ssyncadd.s32 $0xFFFF6000  }
0x274: {  	[tilespmem:s9], [sflag:$0x4] =	stream.indirect.gather [hbm4b:s3+s5], $0x20, s5, s5, $0xb8;
	[tilespmem:$0x14A00] =	vst v63  }
0x275: {  	_ =	swait.ge [sflag:s10], $0xA000  }
0x276: {  	[sflag:s10] =	ssyncset.done $0x0  }
0x277: {  	s0 =	rddreg [dreg:$0xc];
	[sflag:s10] =	ssyncadd.s32 $0xFFFF6000  }
0x278: {  	[hbm4b:s0+s2] =	stream.linear.scatter [tilespmem:s9], [sflag:$0x6], $0xA000, $0x38;
	[tilespmem:$0x14A00] =	vst v63  }
0x279: {  	s1 =	rddreg [dreg:$0xd]  }
0x27a: {  	[tilespmem:s5], [sflag:$0x2] =	stream.linear.gather [hbm4b:s1+s2], $0x500, $0x38;
	[tilespmem:$0x14A00] =	vst v63  }
0x27b: {  	_ =	swait.ge [sflag:s16], $0x500  }
0x27c: {  	[sflag:s16] =	ssyncset.done $0x0  }
0x27d: {  	[sflag:s16] =	ssyncadd.s32 $0xFFFFFB00  }
0x27e: {  	_ =	swait.ge [sflag:s8], $0xA000  }
0x27f: {  	[sflag:s8] =	ssyncset.done $0x0  }
0x280: {  	[sflag:s8] =	ssyncadd.s32 $0xFFFF6000  }
0x281: {  	[tilespmem:s11], [sflag:$0x3] =	stream.indirect.gather [hbm4b:s3+s5], $0x20, s2, s5, $0xb8;
	[tilespmem:$0x14A00] =	vst v63  }
0x282: {  	_ =	swait.ge [sflag:s15], $0xA000  }
0x283: {  	[sflag:s15] =	ssyncset.done $0x0  }
0x284: {  	s0 =	rddreg [dreg:$0xe];
	[sflag:s15] =	ssyncadd.s32 $0xFFFF6000  }
0x285: {  	[hbm4b:s0+s2] =	stream.linear.scatter [tilespmem:s11], [sflag:$0x5], $0xA000, $0x38;
	[tilespmem:$0x14A00] =	vst v63  }
0x286: {  	s1 =	rddreg [dreg:$0xf]  }
0x287: {  	[tilespmem:s2], [sflag:$0x1] =	stream.linear.gather [hbm4b:s1+s2], $0x500, $0x38;
	[tilespmem:$0x14A00] =	vst v63  }
0x288: {  	_ =	swait.ge [sflag:s13], $0x500  }
0x289: {  	[sflag:s13] =	ssyncset.done $0x0  }
0x28a: {  	[sflag:s13] =	ssyncadd.s32 $0xFFFFFB00  }
0x28b: {  	_ =	swait.ge [sflag:s6], $0xA000  }
0x28c: {  	[sflag:s6] =	ssyncset.done $0x0  }
0x28d: {  	[sflag:s6] =	ssyncadd.s32 $0xFFFF6000  }
0x28e: {  	[tilespmem:s9], [sflag:$0x4] =	stream.indirect.gather [hbm4b:s3+s5], $0x20, s5, s5, $0xb8;
	[tilespmem:$0x14A00] =	vst v63  }
0x28f: {  	_ =	swait.ge [sflag:s10], $0xA000  }
0x290: {  	[sflag:s10] =	ssyncset.done $0x0  }
0x291: {  	s0 =	rddreg [dreg:$0x10];
	[sflag:s10] =	ssyncadd.s32 $0xFFFF6000  }
0x292: {  	[hbm4b:s0+s2] =	stream.linear.scatter [tilespmem:s9], [sflag:$0x6], $0xA000, $0x38;
	[tilespmem:$0x14A00] =	vst v63  }
0x293: {  	s1 =	rddreg [dreg:$0x11]  }
0x294: {  	[tilespmem:s5], [sflag:$0x2] =	stream.linear.gather [hbm4b:s1+s2], $0x500, $0x38;
	[tilespmem:$0x14A00] =	vst v63  }
0x295: {  	_ =	swait.ge [sflag:s16], $0x500  }
0x296: {  	[sflag:s16] =	ssyncset.done $0x0  }
0x297: {  	[sflag:s16] =	ssyncadd.s32 $0xFFFFFB00  }
0x298: {  	_ =	swait.ge [sflag:s8], $0xA000  }
0x299: {  	[sflag:s8] =	ssyncset.done $0x0  }
0x29a: {  	[sflag:s8] =	ssyncadd.s32 $0xFFFF6000  }
0x29b: {  	[tilespmem:s11], [sflag:$0x3] =	stream.indirect.gather [hbm4b:s3+s5], $0x20, s2, s5, $0xb8;
	[tilespmem:$0x14A00] =	vst v63  }
0x29c: {  	_ =	swait.ge [sflag:s15], $0xA000  }
0x29d: {  	[sflag:s15] =	ssyncset.done $0x0  }
0x29e: {  	s0 =	rddreg [dreg:$0x12];
	[sflag:s15] =	ssyncadd.s32 $0xFFFF6000  }
0x29f: {  	[hbm4b:s0+s2] =	stream.linear.scatter [tilespmem:s11], [sflag:$0x5], $0xA000, $0x38;
	[tilespmem:$0x14A00] =	vst v63  }
0x2a0: {  	s1 =	rddreg [dreg:$0x13]  }
0x2a1: {  	[tilespmem:s2], [sflag:$0x1] =	stream.linear.gather [hbm4b:s1+s2], $0x500, $0x38;
	[tilespmem:$0x14A00] =	vst v63  }
0x2a2: {  	_ =	swait.ge [sflag:s13], $0x500  }
0x2a3: {  	[sflag:s13] =	ssyncset.done $0x0  }
0x2a4: {  	[sflag:s13] =	ssyncadd.s32 $0xFFFFFB00  }
0x2a5: {  	_ =	swait.ge [sflag:s6], $0xA000  }
0x2a6: {  	[sflag:s6] =	ssyncset.done $0x0  }
0x2a7: {  	[sflag:s6] =	ssyncadd.s32 $0xFFFF6000  }
0x2a8: {  	[tilespmem:s9], [sflag:$0x4] =	stream.indirect.gather [hbm4b:s3+s5], $0x20, s5, s5, $0xb8;
	[tilespmem:$0x14A00] =	vst v63  }
0x2a9: {  	_ =	swait.ge [sflag:s10], $0xA000  }
0x2aa: {  	[sflag:s10] =	ssyncset.done $0x0  }
0x2ab: {  	s0 =	rddreg [dreg:$0x14];
	[sflag:s10] =	ssyncadd.s32 $0xFFFF6000  }
0x2ac: {  	[hbm4b:s0+s2] =	stream.linear.scatter [tilespmem:s9], [sflag:$0x6], $0xA000, $0x38;
	[tilespmem:$0x14A00] =	vst v63  }
0x2ad: {  	s1 =	rddreg [dreg:$0x15]  }
0x2ae: {  	[tilespmem:s5], [sflag:$0x2] =	stream.linear.gather [hbm4b:s1+s2], $0x500, $0x38;
	[tilespmem:$0x14A00] =	vst v63  }
0x2af: {  	_ =	swait.ge [sflag:s16], $0x500  }
0x2b0: {  	[sflag:s16] =	ssyncset.done $0x0  }
0x2b1: {  	[sflag:s16] =	ssyncadd.s32 $0xFFFFFB00  }
0x2b2: {  	_ =	swait.ge [sflag:s8], $0xA000  }
0x2b3: {  	[sflag:s8] =	ssyncset.done $0x0  }
0x2b4: {  	[sflag:s8] =	ssyncadd.s32 $0xFFFF6000  }
0x2b5: {  	[tilespmem:s11], [sflag:$0x3] =	stream.indirect.gather [hbm4b:s3+s5], $0x20, s2, s5, $0xb8;
	[tilespmem:$0x14A00] =	vst v63  }
0x2b6: {  	_ =	swait.ge [sflag:s15], $0xA000  }
0x2b7: {  	[sflag:s15] =	ssyncset.done $0x0  }
0x2b8: {  	s0 =	rddreg [dreg:$0x16];
	[sflag:s15] =	ssyncadd.s32 $0xFFFF6000  }
0x2b9: {  	[hbm4b:s0+s2] =	stream.linear.scatter [tilespmem:s11], [sflag:$0x5], $0xA000, $0x38;
	[tilespmem:$0x14A00] =	vst v63  }
0x2ba: {  	s1 =	rddreg [dreg:$0x17]  }
0x2bb: {  	[tilespmem:s2], [sflag:$0x1] =	stream.linear.gather [hbm4b:s1+s2], $0x500, $0x38;
	[tilespmem:$0x14A00] =	vst v63  }
0x2bc: {  	_ =	swait.ge [sflag:s13], $0x500  }
0x2bd: {  	[sflag:s13] =	ssyncset.done $0x0  }
0x2be: {  	[sflag:s13] =	ssyncadd.s32 $0xFFFFFB00  }
0x2bf: {  	_ =	swait.ge [sflag:s6], $0xA000  }
0x2c0: {  	[sflag:s6] =	ssyncset.done $0x0  }
0x2c1: {  	[sflag:s6] =	ssyncadd.s32 $0xFFFF6000  }
0x2c2: {  	[tilespmem:s9], [sflag:$0x4] =	stream.indirect.gather [hbm4b:s3+s5], $0x20, s5, s5, $0xb8;
	[tilespmem:$0x14A00] =	vst v63  }
0x2c3: {  	_ =	swait.ge [sflag:s10], $0xA000  }
0x2c4: {  	[sflag:s10] =	ssyncset.done $0x0  }
0x2c5: {  	s0 =	rddreg [dreg:$0x18];
	[sflag:s10] =	ssyncadd.s32 $0xFFFF6000  }
0x2c6: {  	[hbm4b:s0+s2] =	stream.linear.scatter [tilespmem:s9], [sflag:$0x6], $0xA000, $0x38;
	[tilespmem:$0x14A00] =	vst v63  }
0x2c7: {  	s1 =	rddreg [dreg:$0x19]  }
0x2c8: {  	[tilespmem:s5], [sflag:$0x2] =	stream.linear.gather [hbm4b:s1+s2], $0x500, $0x38;
	[tilespmem:$0x14A00] =	vst v63  }
0x2c9: {  	_ =	swait.ge [sflag:s16], $0x500  }
0x2ca: {  	[sflag:s16] =	ssyncset.done $0x0  }
0x2cb: {  	[sflag:s16] =	ssyncadd.s32 $0xFFFFFB00  }
0x2cc: {  	_ =	swait.ge [sflag:s8], $0xA000  }
0x2cd: {  	[sflag:s8] =	ssyncset.done $0x0  }
0x2ce: {  	[sflag:s8] =	ssyncadd.s32 $0xFFFF6000  }
0x2cf: {  	[tilespmem:s11], [sflag:$0x3] =	stream.indirect.gather [hbm4b:s3+s5], $0x20, s2, s5, $0xb8;
	[tilespmem:$0x14A00] =	vst v63  }
0x2d0: {  	_ =	swait.ge [sflag:s15], $0xA000  }
0x2d1: {  	[sflag:s15] =	ssyncset.done $0x0  }
0x2d2: {  	[sflag:s15] =	ssyncadd.s32 $0xFFFF6000  }
0x2d3: {  	[hbm4b:s30+s2] =	stream.linear.scatter [tilespmem:s11], [sflag:$0x5], $0xA000, $0x38;
	[tilespmem:$0x14A00] =	vst v63  }
0x2d4: {  	_ = 	snop  }
0x2d5: {  	[tilespmem:s2], [sflag:$0x1] =	stream.linear.gather [hbm4b:s31+s2], $0x500, $0x38;
	[tilespmem:$0x14A00] =	vst v63  }
0x2d6: {  	_ =	swait.ge [sflag:s13], $0x500  }
0x2d7: {  	[sflag:s13] =	ssyncset.done $0x0  }
0x2d8: {  	[sflag:s13] =	ssyncadd.s32 $0xFFFFFB00  }
0x2d9: {  	_ =	swait.ge [sflag:s6], $0xA000  }
0x2da: {  	[sflag:s6] =	ssyncset.done $0x0  }
0x2db: {  	[sflag:s6] =	ssyncadd.s32 $0xFFFF6000  }
0x2dc: {  	[tilespmem:s9], [sflag:$0x4] =	stream.indirect.gather [hbm4b:s3+s5], $0x20, s5, s5, $0xb8;
	[tilespmem:$0x14A00] =	vst v63  }
0x2dd: {  	_ =	swait.ge [sflag:s10], $0xA000  }
0x2de: {  	[sflag:s10] =	ssyncset.done $0x0  }
0x2df: {  	[sflag:s10] =	ssyncadd.s32 $0xFFFF6000  }
0x2e0: {  	[hbm4b:s28+s2] =	stream.linear.scatter [tilespmem:s9], [sflag:$0x6], $0xA000, $0x38;
	[tilespmem:$0x14A00] =	vst v63  }
0x2e1: {  	_ = 	snop  }
0x2e2: {  	[tilespmem:s5], [sflag:$0x2] =	stream.linear.gather [hbm4b:s29+s2], $0x500, $0x38;
	[tilespmem:$0x14A00] =	vst v63  }
0x2e3: {  	_ =	swait.ge [sflag:s16], $0x500  }
0x2e4: {  	[sflag:s16] =	ssyncset.done $0x0  }
0x2e5: {  	[sflag:s16] =	ssyncadd.s32 $0xFFFFFB00  }
0x2e6: {  	_ =	swait.ge [sflag:s8], $0xA000  }
0x2e7: {  	[sflag:s8] =	ssyncset.done $0x0  }
0x2e8: {  	[sflag:s8] =	ssyncadd.s32 $0xFFFF6000  }
0x2e9: {  	[tilespmem:s11], [sflag:$0x3] =	stream.indirect.gather [hbm4b:s3+s5], $0x20, s2, s5, $0xb8;
	[tilespmem:$0x14A00] =	vst v63  }
0x2ea: {  	_ =	swait.ge [sflag:s15], $0xA000  }
0x2eb: {  	[sflag:s15] =	ssyncset.done $0x0  }
0x2ec: {  	[sflag:s15] =	ssyncadd.s32 $0xFFFF6000  }
0x2ed: {  	[hbm4b:s25+s2] =	stream.linear.scatter [tilespmem:s11], [sflag:$0x5], $0xA000, $0x38;
	[tilespmem:$0x14A00] =	vst v63  }
0x2ee: {  	_ = 	snop  }
0x2ef: {  	[tilespmem:s2], [sflag:$0x1] =	stream.linear.gather [hbm4b:s26+s2], $0x500, $0x38;
	[tilespmem:$0x14A00] =	vst v63  }
0x2f0: {  	_ =	swait.ge [sflag:s13], $0x500  }
0x2f1: {  	[sflag:s13] =	ssyncset.done $0x0  }
0x2f2: {  	[sflag:s13] =	ssyncadd.s32 $0xFFFFFB00  }
0x2f3: {  	_ =	swait.ge [sflag:s6], $0xA000  }
0x2f4: {  	[sflag:s6] =	ssyncset.done $0x0  }
0x2f5: {  	[sflag:s6] =	ssyncadd.s32 $0xFFFF6000  }
0x2f6: {  	[tilespmem:s9], [sflag:$0x4] =	stream.indirect.gather [hbm4b:s3+s5], $0x20, s5, s5, $0xb8;
	[tilespmem:$0x14A00] =	vst v63  }
0x2f7: {  	_ =	swait.ge [sflag:s10], $0xA000  }
0x2f8: {  	[sflag:s10] =	ssyncset.done $0x0  }
0x2f9: {  	[sflag:s10] =	ssyncadd.s32 $0xFFFF6000  }
0x2fa: {  	[hbm4b:s23+s2] =	stream.linear.scatter [tilespmem:s9], [sflag:$0x6], $0xA000, $0x38;
	[tilespmem:$0x14A00] =	vst v63  }
0x2fb: {  	_ = 	snop  }
0x2fc: {  	[tilespmem:s5], [sflag:$0x2] =	stream.linear.gather [hbm4b:s24+s2], $0x500, $0x38;
	[tilespmem:$0x14A00] =	vst v63  }
0x2fd: {  	_ =	swait.ge [sflag:s16], $0x500  }
0x2fe: {  	[sflag:s16] =	ssyncset.done $0x0  }
0x2ff: {  	[sflag:s16] =	ssyncadd.s32 $0xFFFFFB00  }
0x300: {  	_ =	swait.ge [sflag:s8], $0xA000  }
0x301: {  	[sflag:s8] =	ssyncset.done $0x0  }
0x302: {  	[sflag:s8] =	ssyncadd.s32 $0xFFFF6000  }
0x303: {  	[tilespmem:s11], [sflag:$0x3] =	stream.indirect.gather [hbm4b:s3+s5], $0x20, s2, s5, $0xb8;
	[tilespmem:$0x14A00] =	vst v63  }
0x304: {  	_ =	swait.ge [sflag:s15], $0xA000  }
0x305: {  	[sflag:s15] =	ssyncset.done $0x0  }
0x306: {  	[sflag:s15] =	ssyncadd.s32 $0xFFFF6000  }
0x307: {  	[hbm4b:s21+s2] =	stream.linear.scatter [tilespmem:s11], [sflag:$0x5], $0xA000, $0x38;
	[tilespmem:$0x14A00] =	vst v63  }
0x308: {  	_ = 	snop  }
0x309: {  	[tilespmem:s2], [sflag:$0x1] =	stream.linear.gather [hbm4b:s22+s2], $0x500, $0x38;
	[tilespmem:$0x14A00] =	vst v63  }
0x30a: {  	_ =	swait.ge [sflag:s13], $0x500  }
0x30b: {  	[sflag:s13] =	ssyncset.done $0x0  }
0x30c: {  	[sflag:s13] =	ssyncadd.s32 $0xFFFFFB00  }
0x30d: {  	_ =	swait.ge [sflag:s6], $0xA000  }
0x30e: {  	[sflag:s6] =	ssyncset.done $0x0  }
0x30f: {  	[sflag:s6] =	ssyncadd.s32 $0xFFFF6000  }
0x310: {  	[tilespmem:s9], [sflag:$0x4] =	stream.indirect.gather [hbm4b:s3+s5], $0x20, s5, s5, $0xb8;
	[tilespmem:$0x14A00] =	vst v63  }
0x311: {  	_ =	swait.ge [sflag:s10], $0xA000  }
0x312: {  	[sflag:s10] =	ssyncset.done $0x0  }
0x313: {  	[sflag:s10] =	ssyncadd.s32 $0xFFFF6000  }
0x314: {  	[hbm4b:s19+s2] =	stream.linear.scatter [tilespmem:s9], [sflag:$0x6], $0xA000, $0x38;
	[tilespmem:$0x14A00] =	vst v63  }
0x315: {  	_ = 	snop  }
0x316: {  	[tilespmem:s5], [sflag:$0x2] =	stream.linear.gather [hbm4b:s20+s2], $0x500, $0x38;
	[tilespmem:$0x14A00] =	vst v63  }
0x317: {  	_ =	swait.ge [sflag:s16], $0x500  }
0x318: {  	[sflag:s16] =	ssyncset.done $0x0  }
0x319: {  	[sflag:s16] =	ssyncadd.s32 $0xFFFFFB00  }
0x31a: {  	_ =	swait.ge [sflag:s8], $0xA000  }
0x31b: {  	[sflag:s8] =	ssyncset.done $0x0  }
0x31c: {  	[sflag:s8] =	ssyncadd.s32 $0xFFFF6000  }
0x31d: {  	[tilespmem:s11], [sflag:$0x3] =	stream.indirect.gather [hbm4b:s3+s5], $0x20, s2, s5, $0xb8;
	[tilespmem:$0x14A00] =	vst v63  }
0x31e: {  	_ =	swait.ge [sflag:s15], $0xA000  }
0x31f: {  	[sflag:s15] =	ssyncset.done $0x0  }
0x320: {  	[sflag:s15] =	ssyncadd.s32 $0xFFFF6000  }
0x321: {  	[hbm4b:s17+s2] =	stream.linear.scatter [tilespmem:s11], [sflag:$0x5], $0xA000, $0x38;
	[tilespmem:$0x14A00] =	vst v63  }
0x322: {  	_ = 	snop  }
0x323: {  	[tilespmem:s2], [sflag:$0x1] =	stream.linear.gather [hbm4b:s18+s2], $0x500, $0x38;
	[tilespmem:$0x14A00] =	vst v63  }
0x324: {  	_ =	swait.ge [sflag:s13], $0x500  }
0x325: {  	[sflag:s13] =	ssyncset.done $0x0  }
0x326: {  	[sflag:s13] =	ssyncadd.s32 $0xFFFFFB00  }
0x327: {  	_ =	swait.ge [sflag:s6], $0xA000  }
0x328: {  	[sflag:s6] =	ssyncset.done $0x0  }
0x329: {  	[sflag:s6] =	ssyncadd.s32 $0xFFFF6000  }
0x32a: {  	[tilespmem:s9], [sflag:$0x4] =	stream.indirect.gather [hbm4b:s3+s5], $0x20, s5, s5, $0xb8;
	[tilespmem:$0x14A00] =	vst v63  }
0x32b: {  	_ =	swait.ge [sflag:s10], $0xA000  }
0x32c: {  	[sflag:s10] =	ssyncset.done $0x0  }
0x32d: {  	[sflag:s10] =	ssyncadd.s32 $0xFFFF6000  }
0x32e: {  	[hbm4b:s12+s2] =	stream.linear.scatter [tilespmem:s9], [sflag:$0x6], $0xA000, $0x38;
	[tilespmem:$0x14A00] =	vst v63  }
0x32f: {  	_ = 	snop  }
0x330: {  	[tilespmem:s5], [sflag:$0x2] =	stream.linear.gather [hbm4b:s14+s2], $0x500, $0x38;
	[tilespmem:$0x14A00] =	vst v63  }
0x331: {  	_ =	swait.ge [sflag:s16], $0x500  }
0x332: {  	[sflag:s16] =	ssyncset.done $0x0  }
0x333: {  	[sflag:s16] =	ssyncadd.s32 $0xFFFFFB00  }
0x334: {  	_ =	swait.ge [sflag:s8], $0xA000  }
0x335: {  	[sflag:s8] =	ssyncset.done $0x0  }
0x336: {  	[sflag:s8] =	ssyncadd.s32 $0xFFFF6000  }
0x337: {  	[tilespmem:s11], [sflag:$0x3] =	stream.indirect.gather [hbm4b:s3+s5], $0x20, s2, s5, $0xb8;
	[tilespmem:$0x14A00] =	vst v63  }
0x338: {  	_ =	swait.ge [sflag:s15], $0xA000  }
0x339: {  	[sflag:s15] =	ssyncset.done $0x0  }
0x33a: {  	[sflag:s15] =	ssyncadd.s32 $0xFFFF6000  }
0x33b: {  	[hbm4b:s7+s2] =	stream.linear.scatter [tilespmem:s11], [sflag:$0x5], $0xA000, $0x38;
	[tilespmem:$0x14A00] =	vst v63  }
0x33c: {  	_ =	swait.ge [sflag:s13], $0x500  }
0x33d: {  	[sflag:s13] =	ssyncset.done $0x0  }
0x33e: {  	[sflag:s13] =	ssyncadd.s32 $0xFFFFFB00  }
0x33f: {  	_ =	swait.ge [sflag:s6], $0xA000  }
0x340: {  	[sflag:s6] =	ssyncset.done $0x0  }
0x341: {  	[sflag:s6] =	ssyncadd.s32 $0xFFFF6000  }
0x342: {  	[tilespmem:s9], [sflag:$0x4] =	stream.indirect.gather [hbm4b:s3+s5], $0x20, s5, s5, $0xb8;
	[tilespmem:$0x14A00] =	vst v63  }
0x343: {  	_ =	swait.ge [sflag:s10], $0xA000  }
0x344: {  	[sflag:s10] =	ssyncset.done $0x0  }
0x345: {  	[sflag:s10] =	ssyncadd.s32 $0xFFFF6000  }
0x346: {  	[hbm4b:s4+s2] =	stream.linear.scatter [tilespmem:s9], [sflag:$0x6], $0xA000, $0x38;
	[tilespmem:$0x14A00] =	vst v63  }
0x347: {  	_ =	swait.ge [sflag:s8], $0xA000  }
0x348: {  	[sflag:s8] =	ssyncset.done $0x0  }
0x349: {  	[sflag:s8] =	ssyncadd.s32 $0xFFFF6000  }
0x34a: {  	_ =	swait.ge [sflag:s6], $0xA000  }
0x34b: {  	[sflag:s6] =	ssyncset.done $0x0  }
0x34c: {  	[sflag:s6] =	ssyncadd.s32 $0xFFFF6000  }
0x34d: {  	_ =	sfence.sel $0x180000  }
0x34e: {  	[bflag:$0x0] =	sbarrier.arrive $0xFFFF  }
0x34f: {  	_ =	strace $0x90000047  }
0x350: {  	s31 =	stileid.u32;
	[bflag:$0x2] =	sbarrier.arrive $0xFFFF  }
0x351: {  	p0 =	sne.s32 s31, $0x0;
	s0 =	rddreg [dreg:$0x3]  }
0x352: {  	s0 =	sadd.s32 @!p0 $0x100000, s0  }
0x353: {  	[sflag:s0] =	ssyncadd.tile.s32 @!p0 $0x1;
	_ =	shalt  }
.Lfunc_end2:
_tile_overlayer_lowered:
.L_overlay_start_2:
0x354: {  	(tag) =	ssettag $0x2  }
0x355: {  	s0 =	rddreg [dreg:$0x0];
	s2 =	stileid.u32  }
0x356: {  	s1 =	rddreg [dreg:$0x1];
	p0 =	sne.s32 s2, $0x0  }
0x357: {  	s3 =	rddreg [dreg:$0x2];
	[bflag:$0x3] =	sbarrier.arrive $0xFFFF;
	s2 =	simm.s32 @!p0 $0x1C07  }
0x358: {  	[timem:s3], [sflag:s2] =	dma.local @!p0 [hbm:s0], s1  }
0x359: {  	s0 =	simm.s32 @!p0 $0x7  }
0x35a: {  	_ =	swait.ge @!p0 [sflag:s0], s1  }
0x35b: {  	s1 =	ssub.s32 @!p0 $0x0, s1;
	[sflag:s0] =	ssyncset.done @!p0 $0x0  }
0x35c: {  	[sflag:s0] =	ssyncadd.s32 @!p0 s1  }
0x35d: {  	[bflag:$0x3] =	sbarrier.arrive $0xFFFF  }
0x35e: {  	_ =	shalt  }

// kernel: sparse-core-data-format-call.cloned.1.call-start
scs
called_computation_lowered:
.L_overlay_start_0:
0x0: {  	s2 =	sld [smem:$0x3FD9]  }
0x1: {  	s3 =	sld [smem:$0x3FFE];
	_ =	sdelay $0x1  }
0x2: {  	s1 =	srdreg.scid  }
0x3: {  	s0 =	sand.u32 $0x1, s1  }
0x4: {  	s18 =	sshll.u32 s0, $0xA;
	s2 =	sadd.s32 s3, s2  }
0x5: {  	s2 =	sadd.s32 s2, s18  }
0x6: {  	[smem:$0x3FC6] =	sst s2  }
0x7: {  	_ = 	snop  }
0x8: {  	s2 =	sld [smem:$0x3FD0];
	(tm) =	ssettm $0x1  }
0x9: {  	s19 =	sld [smem:$0x3FFB];
	_ =	sdelay $0x3  }
0xa: {  	_ =	strace s19  }
0xb: {  	s3 =	sld [smem:$0x3FFC];
	_ =	sdelay $0x3  }
0xc: {  	_ =	strace s3  }
0xd: {  	s3 =	sld [smem:$0x3FFD];
	_ =	sdelay $0x3  }
0xe: {  	_ =	strace s3  }
0xf: {  	_ =	strace $0x8FFFFFFF  }
0x10: {  	s20 =	sld [smem:$0x3FDB];
	_ =	sdelay $0x1  }
0x11: {  	s4 =	simm.s32 $_scs_section_size  }
0x12: {  	s5 =	simm.s32 $_size__tile_overlayer_lowered;
	s6 =	simm.s32 $_tile_overlayer_lowered  }
0x13: {  	s23 =	simm.s32 $0x1BFF;
	s22 =	sshll.u32 s6, $0x1;
	s3 =	sadd.s32 s4, s20  }
0x14: {  	s7 =	simm.s32 $0x0;
	s21 =	sshll.u32 s5, $0x1;
	s5 =	sadd.s32 s22, s3  }
0x15: {  	[timem:s7], [sflag:s23] =	dma.local [hbm:s5], s21  }
0x16: {  	_ =	swait.ge [sflag:s23], s21  }
0x17: {  	s4 =	ssub.s32 $0x0, s21;
	[sflag:s23] =	ssyncset.done $0x0  }
0x18: {  	[sflag:s23] =	ssyncadd.s32 s4;
	_ =	sdelay $0x1  }
0x19: {  	s24 =	simm.s32 $0x1B8B  }
0x1a: {  	_ =	swait.ge [sflag:s24], $0x1  }
0x1b: {  	[sflag:s24] =	ssyncset.done $0x0  }
0x1c: {  	s26 =	simm.s32 $0x1B8E;
	s25 =	sld [smem:$0x3FFE];
	[sflag:s24] =	ssyncadd.s32 $0xFFFFFFFF  }
0x1d: {  	s27 =	simm.s32 $execute0_lowered;
	[smem:$0x3FD2] =	sst s26  }
0x1e: {  	s5 =	sshll.u32 s27, $0x1;
	_ =	strace $0x80000049;
	[dreg:$0x1] =	wrdreg $0xFFFFFFFF  }
0x1f: {  	s28 =	simm.s32 $_size_execute0_lowered;
	s3 =	sadd.s32 s3, s5;
	[dreg:$0x0] =	wrdreg $0x0  }
0x20: {  	s5 =	sshll.u32 s28, $0x1;
	[dreg:$0x2] =	wrdreg s3  }
0x21: {  	[dreg:$0x3] =	wrdreg s5  }
0x22: {  	[dreg:$0x4] =	wrdreg $0xC0  }
0x23: {  	_ =	task [dreg:s7], $0x5FFFF  }
0x24: {  	[dreg:$0x1] =	wrdreg $0xFFFFFFFF  }
0x25: {  	[dreg:$0x0] =	wrdreg $0x60  }
0x26: {  	[dreg:$0x2] =	wrdreg s25  }
0x27: {  	[dreg:$0x3] =	wrdreg s2  }
0x28: {  	[dreg:$0x4] =	wrdreg $0x9  }
0x29: {  	_ =	task.clear_ibuf [dreg:s7], $0x5FFFF;
	_ =	strace $0x90000049  }
0x2a: {  	s29 =	simm.s32 $0x9;
	_ =	strace $0x8000004B  }
0x2b: {  	_ =	swait.ge [sflag:s29], $0x1  }
0x2c: {  	[sflag:s29] =	ssyncadd.s32 $0xFFFFFFFF  }
0x2d: {  	_ =	strace $0x9000004B  }
0x2e: {  	_ =	sfence  }
0x2f: {  	s30 =	sld [smem:$0x0];
	_ =	sdelay $0x2  }
0x30: {  	s31 =	sshll.u32 s1, $0xD;
	s1 =	sshrl.u32 s1, $0x2  }
0x31: {  	s3 =	sand.u32 $0x4000, s31;
	s1 =	sadd.s32 s1, s30  }
0x32: {  	s0 =	sor.u32 s3, s0;
	s1 =	sshll.u32 s1, $0x11  }
0x33: {  	s0 =	sor.u32 s1, s0  }
0x34: {  	s0 =	sadd.s32 $0x8F2B, s0  }
0x35: {  	[sflag:s0] =	ssyncadd.remote.s32 $0x1  }
0x36: {  	_ =	sfence.sel $0xFFFF  }
0x37: {  	[dreg:$0x0] =	wrdreg $0xFFFFFFFF;
	(pc) =	sbr.abs _section_cstart, $3  }
0x38: {  	[dreg:$0x1] =	wrdreg $0xFFFFFFFF  }
0x39: {  	_ =	task.clear_ibuf [dreg:s7], $0x2FFFF;
	_ =	strace $0x9FFFFFFF  }
0x3a: {  	(tm) =	ssettm $0x7FFFFFFF  }
0x3b: {  	_ =	shalt  }
tec
execute0_lowered:
.L_overlay_start_1:
0x0: {  	(tag) =	ssettag $0x1  }
0x1: {  	s0 =	srdreg.scid  }
0x2: {  	s1 =	sshll.u32 s0, $0x4  }
0x3: {  	s4 =	rddreg [dreg:$0x0];
	s0 =	stileid.u32;
	s1 =	sand.u32 $0x10, s1  }
0x4: {  	s2 =	rddreg [dreg:$0x1];
	s7 =	simm.s32 $0x1;
	s1 =	sor.u32 s0, s1  }
0x5: {  	s8 =	simm.s32 $0x2;
	s11 =	simm.s32 $0x0;
	s3 =	sshll.u32 s1, $0x7  }
0x6: {  	s10 =	simm.s32 $0x0;
	s4 =	sadd.s32 $0x800, s4;
	s6 =	ssub.s32 $0xC8000, s3  }
.Ltmp0:
0x7: {  	s1 =	rddreg [dreg:$0x2];
	s5 =	sand.u32 $0xF80, s6;
	(pc) =	sbr.rel .LBB1_1-.Ltmp0, $4  }
0x8: {  	_ =	strace $0x8000004A;
	s9 =	smov.u32 s3;
	p0 =	sne.s32 s5, $0x0  }
0x9: {  	s6 =	sshrl.u32 s6, $0xC;
	s5 =	simm.s32 $0x1;
	s7 =	simm.s32 @!p0 $0x0  }
0xa: {  	[sflag:s5] =	ssyncpa.u1 $0x0;
	p0 =	por $0x0, $0x0;
	s6 =	sadd.s32 s7, s6  }
0xb: {  	[sflag:s8] =	ssyncpa.u1 $0x0;
	s8 =	simm.s32 $0x640000;
	s7 =	sadd.s32 $0x1, s6  }
.LBB1_4:
0xc: {  	s14 =	sshll.u32 s11, $0x3  }
0xd: {  	s30 =	sand.u32 $0x7F, s11;
	s15 =	sand.u32 $0xFFFFFC00, s14  }
0xe: {  	s11 =	sor.u32 s30, s15  }
0xf: {  	s15 =	smulhi.u32 $0x51EB851F, s11  }
0x10: {  	s14 =	smulhi.u32 $0x51EB851F, s14  }
0x11: {  	s15 =	sshrl.u32 s15, $0x12  }
0x12: {  	s14 =	sshrl.u32 s14, $0x12;
	s15 =	smul.u32 $0xC8000, s15  }
0x13: {  	s14 =	sand.u32 $0x1F, s14  }
0x14: {  	s14 =	smul.u32 $0x19000, s14;
	s11 =	ssub.s32 s11, s15  }
0x15: {  	s15 =	sand.u32 $0x7, s11  }
0x16: {  	s14 =	sadd.s32 s2, s14;
	s11 =	sshrl.u32 s11, $0x3;
	s15 =	sshll.u32 s15, $0x12  }
0x17: {  	[tilespmem:s13+$0x0 ss:$0x81] =	vst.msk $0xffff, v0;
	s11 =	sadd.s32 s11, s14;
	s31 =	sor.u32 $0x400, s15  }
0x18: {  	[hbm4b:s11+s31] =	stream.strided.scatter [tilespmem:s12], [sflag:$0x2], $0x1000, s8, s31, $0x20;
	[tilespmem:$0x4040] =	vst v63  }
.LBB1_5:
0x19: {  	s13 =	sadd.s32 $0x1000, s9  }
0x1a: {  	p2 =	sgt.s32 s13, $0xC7FFF  }
0x1b: {  	s13 =	smov.u32 @p2 s3;
	p2 =	sne.s32 s10, s7  }
.Ltmp1:
0x1c: {  	p1 =	slt.u32 s10, $0x2;
	(pc) =	sbr.rel @!p2 .LBB1_6-.Ltmp1, $4  }
0x1d: {  	s12 =	simm.s32 @!p1 $0x2  }
0x1e: {  	s14 =	sadd.s32 $0x1, s10;
	_ =	swait.ge @!p1 [sflag:s12], $0x1000  }
0x1f: {  	s11 =	smov.u32 s9;
	p0 =	por !p0, !p0;
	[sflag:s12] =	ssyncset.done @!p1 $0x0  }
0x20: {  	s10 =	smov.u32 s14;
	s9 =	smov.u32 s13;
	[sflag:s12] =	ssyncadd.s32 @!p1 $0xFFFFF000  }
.LBB1_1:
0x21: {  	p1 =	sge.u32 s10, s6  }
0x22: {  	s12 =	sand.u32 @!p1 $0x1FFFFFF, s9  }
0x23: {  	s13 =	smulhi.u32 @!p1 $0x147AE15, s12;
	_ =	sdelay $0x1  }
0x24: {  	s13 =	sshrl.u32 @!p1 s13, $0xC  }
0x25: {  	s13 =	smul.u32 @!p1 $0xC8000, s13;
	_ =	sdelay $0x1  }
0x26: {  	s31 =	sadd.s32 $0xFFFFFFFF, s10;
	s14 =	sxor.u32 @!p1 $0xFFFFFFFF, s10;
	s12 =	ssub.s32 @!p1 s12, s13  }
0x27: {  	s15 =	simm.s32 @!p1 $0x80;
	s14 =	sshll.u32 @!p1 s14, $0xC;
	s12 =	sshll.u32 @!p1 s12, $0x4  }
0x28: {  	s13 =	sand.u32 @!p1 $0x1000, s14;
	s14 =	simm.s32 @!p1 $0x20;
	s12 =	sadd.s32 @!p1 s4, s12  }
0x29: {  	[tilespmem:s13], [sflag:$0x1] =	stream.strided.gather @!p1 [hbm4b:s12+s14], $0x1000, s15, s14, $0x38;
	[tilespmem:$0x4040] =	vst v63  }
0x2a: {  	p1 =	sge.u32 s31, s6  }
.Ltmp2:
0x2b: {  	_ = 	snop;
	(pc) =	sbr.rel @p1 .LBB1_5-.Ltmp2, $1  }
0x2c: {  	_ =	sdelay $0x3  }
0x2d: {  	s12 =	simm.s32 $0x1  }
0x2e: {  	_ =	swait.ge [sflag:s5], $0x1000;
	s12 =	simm.s32 @!p0 $0x0  }
0x2f: {  	[sflag:s5] =	ssyncset.done $0x0;
	s13 =	sshll.u32 s12, $0xC  }
0x30: {  	[sflag:s5] =	ssyncadd.s32 $0xFFFFF000;
	s16 =	sor.u32 $0x10, s13  }
0x31: {  	s12 =	smul.u32 $0x4080, s12;
	v1 =	vld [tilespmem:s16+$0x0]  }
0x32: {  	s30 =	sand.u32 $0x1, s10;
	v0 =	vld [tilespmem:s16+$0xFFFFFFF0]  }
0x33: {  	s13 =	smul.u32 $0x4080, s30;
	s12 =	sshrl.u32 s12, $0x2  }
0x34: {  	s14 =	sor.u32 $0x2000, s12  }
0x35: {  	s31 =	sshrl.u32 s13, $0x2;
	s13 =	sadd.s32 $0x0, s14  }
0x36: {  	s15 =	simm.s32 $0x4;
	s16 =	sadd.s32 $0x20, s16;
	s12 =	sor.u32 $0x2000, s31;
	[tilespmem:s13+$0x810 ss:$0x81] =	vst.msk $0xffff, v1  }
.LBB1_3:
0x37: {  	v1 =	vld [tilespmem:s16+$0x0];
	p1 =	sne.s32 s15, $0x1FC;
	[tilespmem:s13+$0x0 ss:$0x81] =	vst.msk $0xffff, v0;
	s13 =	smov.u32 s15;
	s15 =	sadd.s32 $0x4, s15  }
.Ltmp3:
0x38: {  	v0 =	vld [tilespmem:s16+$0xFFFFFFF0];
	(pc) =	sbr.rel @p1 .LBB1_3-.Ltmp3, $4  }
0x39: {  	_ = 	snop  }
0x3a: {  	s13 =	sshra.s32 s13, $0x2  }
0x3b: {  	s13 =	sadd.s32 s13, s14  }
0x3c: {  	s16 =	sadd.s32 $0x20, s16;
	[tilespmem:s13+$0x810 ss:$0x81] =	vst.msk $0xffff, v1  }
.Ltmp4:
0x3d: {  	_ = 	snop;
	(pc) =	sbr.rel .LBB1_4-.Ltmp4, $1  }
0x3e: {  	_ =	sdelay $0x3  }
.LBB1_6:
0x3f: {  	_ =	sfence.sel $0x180000  }
0x40: {  	s2 =	simm.s32 $0x1;
	[bflag:$0x0] =	sbarrier.arrive $0xFFFF  }
0x41: {  	s31 =	simm.s32 $0x2;
	[sflag:s2] =	ssyncpa.u1 $0x1  }
0x42: {  	[sflag:s31] =	ssyncpa.u1 $0x1  }
0x43: {  	p0 =	sne.s32 s0, $0x0;
	_ =	strace $0x9000004A  }
0x44: {  	s0 =	sadd.s32 @!p0 $0x100000, s1;
	[bflag:$0x2] =	sbarrier.arrive $0xFFFF  }
0x45: {  	[sflag:s0] =	ssyncadd.tile.s32 @!p0 $0x1;
	_ =	shalt  }
.Lfunc_end1:
_tile_overlayer_lowered:
.L_overlay_start_2:
0x46: {  	(tag) =	ssettag $0x2  }
0x47: {  	s0 =	rddreg [dreg:$0x0];
	s2 =	stileid.u32  }
0x48: {  	s1 =	rddreg [dreg:$0x1];
	p0 =	sne.s32 s2, $0x0  }
0x49: {  	s3 =	rddreg [dreg:$0x2];
	[bflag:$0x3] =	sbarrier.arrive $0xFFFF;
	s2 =	simm.s32 @!p0 $0x1C01  }
0x4a: {  	[timem:s3], [sflag:s2] =	dma.local @!p0 [hbm:s0], s1  }
0x4b: {  	s0 =	simm.s32 @!p0 $0x1  }
0x4c: {  	_ =	swait.ge @!p0 [sflag:s0], s1  }
0x4d: {  	s1 =	ssub.s32 @!p0 $0x0, s1;
	[sflag:s0] =	ssyncset.done @!p0 $0x0  }
0x4e: {  	[sflag:s0] =	ssyncadd.s32 @!p0 s1  }
0x4f: {  	[bflag:$0x3] =	sbarrier.arrive $0xFFFF  }
0x50: {  	_ =	shalt  }

</sc_bundles>
